<compile_context>
chip_gen: v7x
topology: tpu7x:2x2x1
jax: 0.10.2.dev20260603
libtpu: 0.0.44.dev20260713+nightly
codegen_flags: <defaults>
</compile_context>

<pallas_src>
import functools
import math

import jax
import jax.numpy as jnp
from jax import lax
from jax.experimental import pallas as pl
from jax.experimental.pallas import tpu as pltpu
from jax.experimental.pallas import tpu_sc as plsc

_T = 5
_GAMMA = 0.015
_EPS = 0.0001

_B = 16
_NA = 2048
_NCJ = 1024
_PER = _NA + _NCJ
_NATOT = _B * _NA
_NCTOT = _B * _NCJ

_NCORES = 2
_NSUB = 16
_NW = _NCORES * _NSUB



def _mesh():
    return plsc.VectorSubcoreMesh(core_axis_name="c", subcore_axis_name="s")


def _zero_vmem(ref, n):
    @plsc.parallel_loop(0, n // 16, unroll=8)
    def _(i):
        ref[pl.ds(i * 16, 16)] = jnp.zeros((16,), jnp.float32)


def _bat16(n):
    return lax.shift_right_logical(lax.shift_right_logical(n, 10) * 21846, 16)


def _pass_a2c_first(la, eflat):
    e = eflat.shape[1] // 2
    ept = e // _NW

    @functools.partial(
        pl.kernel,
        out_type=[jax.ShapeDtypeStruct((_NW, _NCTOT), jnp.float32),
                  jax.ShapeDtypeStruct((e,), jnp.int32)],
        mesh=_mesh(),
        compiler_params=pltpu.CompilerParams(needs_layout_passes=False),
        scratch_types=[
            pltpu.VMEM((_NATOT,), jnp.float32),
            pltpu.VMEM((_NCTOT,), jnp.float32),
            pltpu.VMEM((ept,), jnp.int32),
            pltpu.VMEM((ept,), jnp.int32),
            pltpu.SemaphoreType.DMA,
            pltpu.SemaphoreType.DMA,
            pltpu.SemaphoreType.DMA,
        ],
    )
    def k(la_h, ef_h, out_h, pk_h, tbl, acc, sbuf, dbuf, sem, sem2, sem3):
        wid = lax.axis_index("s") * _NCORES + lax.axis_index("c")
        base = wid * ept
        d1 = pltpu.async_copy(la_h, tbl, sem)
        d2 = pltpu.async_copy(ef_h.at[0, pl.ds(base, ept)], sbuf, sem2)
        d3 = pltpu.async_copy(ef_h.at[1, pl.ds(base, ept)], dbuf, sem3)
        _zero_vmem(acc, _NCTOT)
        d2.wait()
        d3.wait()

        @plsc.parallel_loop(0, ept // 16, unroll=8)
        def _(j):
            srca = sbuf[pl.ds(j * 16, 16)]
            dstc = dbuf[pl.ds(j * 16, 16)]
            sa = srca - _bat16(srca) * _NCJ
            dc = dstc - _bat16(dstc) * _NA - _NA
            sbuf[pl.ds(j * 16, 16)] = sa | lax.shift_left(dc, 15)

        dout = pltpu.async_copy(sbuf, pk_h.at[pl.ds(base, ept)], sem2)
        d1.wait()

        @plsc.parallel_loop(0, ept // 16, unroll=16)
        def _(j):
            p = sbuf[pl.ds(j * 16, 16)]
            si = p & 0x7FFF
            di = lax.shift_right_logical(p, 15)
            v = plsc.load_gather(tbl, [si])
            plsc.addupdate_scatter(acc, [di], v)

        pltpu.sync_copy(acc, out_h.at[wid])
        dout.wait()

    return k(la, eflat)


def _pass_c2a_first(xc, eflat, eci, wtbl):
    e = eflat.shape[1] // 2
    ept = e // _NW
    ncl = wtbl.shape[0]

    @functools.partial(
        pl.kernel,
        out_type=[jax.ShapeDtypeStruct((_NW, _NATOT), jnp.float32),
                  jax.ShapeDtypeStruct((e,), jnp.int32),
                  jax.ShapeDtypeStruct((e,), jnp.int32)],
        mesh=_mesh(),
        compiler_params=pltpu.CompilerParams(needs_layout_passes=False),
        scratch_types=[
            pltpu.VMEM((_NCTOT,), jnp.float32),
            pltpu.VMEM((ncl,), jnp.float32),
            pltpu.VMEM((_NATOT,), jnp.float32),
            pltpu.VMEM((ept,), jnp.int32),
            pltpu.VMEM((ept,), jnp.int32),
            pltpu.VMEM((ept,), jnp.int32),
            pltpu.SemaphoreType.DMA,
            pltpu.SemaphoreType.DMA,
            pltpu.SemaphoreType.DMA,
            pltpu.SemaphoreType.DMA,
            pltpu.SemaphoreType.DMA,
        ],
    )
    def k(xc_h, ef_h, eci_h, w_h, out_h, pk_h, da_h,
          tbl, wv, acc, sbuf, dbuf, ebuf, sem, sem2, sem3, sem4, sem5):
        wid = lax.axis_index("s") * _NCORES + lax.axis_index("c")
        base = wid * ept
        d1 = pltpu.async_copy(xc_h, tbl, sem)
        d2 = pltpu.async_copy(w_h, wv, sem2)
        d3 = pltpu.async_copy(ef_h.at[0, pl.ds(e + base, ept)], sbuf, sem3)
        d4 = pltpu.async_copy(ef_h.at[1, pl.ds(e + base, ept)], dbuf, sem4)
        d5 = pltpu.async_copy(eci_h.at[pl.ds(e + base, ept)], ebuf, sem5)
        _zero_vmem(acc, _NATOT)
        d3.wait()
        d4.wait()
        d5.wait()

        @plsc.parallel_loop(0, ept // 16, unroll=8)
        def _(j):
            srcc = sbuf[pl.ds(j * 16, 16)]
            dsta = dbuf[pl.ds(j * 16, 16)]
            ec = ebuf[pl.ds(j * 16, 16)]
            sc = srcc - _bat16(srcc) * _NA - _NA
            sbuf[pl.ds(j * 16, 16)] = sc | lax.shift_left(ec, 14)
            dbuf[pl.ds(j * 16, 16)] = dsta - _bat16(dsta) * _NCJ

        do1 = pltpu.async_copy(sbuf, pk_h.at[pl.ds(base, ept)], sem3)
        do2 = pltpu.async_copy(dbuf, da_h.at[pl.ds(base, ept)], sem4)
        d1.wait()
        d2.wait()

        @plsc.parallel_loop(0, ept // 16, unroll=16)
        def _(j):
            p = sbuf[pl.ds(j * 16, 16)]
            di = dbuf[pl.ds(j * 16, 16)]
            si = p & 0x3FFF
            ki = lax.shift_right_logical(p, 14)
            v = plsc.load_gather(tbl, [si])
            w = plsc.load_gather(wv, [ki])
            plsc.addupdate_scatter(acc, [di], jnp.exp(v * w))

        pltpu.sync_copy(acc, out_h.at[wid])
        do1.wait()
        do2.wait()

    return k(xc, eflat, eci, wtbl)


def _pass_a2c(la, pk):
    e = pk.shape[0]
    ept = e // _NW

    @functools.partial(
        pl.kernel,
        out_type=jax.ShapeDtypeStruct((_NW, _NCTOT), jnp.float32),
        mesh=_mesh(),
        compiler_params=pltpu.CompilerParams(needs_layout_passes=False),
        scratch_types=[
            pltpu.VMEM((_NATOT,), jnp.float32),
            pltpu.VMEM((_NCTOT,), jnp.float32),
            pltpu.VMEM((ept,), jnp.int32),
            pltpu.SemaphoreType.DMA,
        ],
    )
    def k(la_h, pk_h, out_h, tbl, acc, pbuf, sem):
        wid = lax.axis_index("s") * _NCORES + lax.axis_index("c")
        base = wid * ept
        d1 = pltpu.async_copy(la_h, tbl, sem)
        d2 = pltpu.async_copy(pk_h.at[pl.ds(base, ept)], pbuf, sem)
        _zero_vmem(acc, _NCTOT)
        d1.wait()
        d2.wait()

        @plsc.parallel_loop(0, ept // 16, unroll=16)
        def _(j):
            p = pbuf[pl.ds(j * 16, 16)]
            si = p & 0x7FFF
            di = lax.shift_right_logical(p, 15)
            v = plsc.load_gather(tbl, [si])
            plsc.addupdate_scatter(acc, [di], v)

        pltpu.sync_copy(acc, out_h.at[wid])

    return k(la, pk)


def _pass_c2a(xc, pk, dst, wtbl):
    e = pk.shape[0]
    ept = e // _NW
    ncl = wtbl.shape[0]

    @functools.partial(
        pl.kernel,
        out_type=jax.ShapeDtypeStruct((_NW, _NATOT), jnp.float32),
        mesh=_mesh(),
        compiler_params=pltpu.CompilerParams(needs_layout_passes=False),
        scratch_types=[
            pltpu.VMEM((_NCTOT,), jnp.float32),
            pltpu.VMEM((ncl,), jnp.float32),
            pltpu.VMEM((_NATOT,), jnp.float32),
            pltpu.VMEM((ept,), jnp.int32),
            pltpu.VMEM((ept,), jnp.int32),
            pltpu.SemaphoreType.DMA,
        ],
    )
    def k(xc_h, pk_h, dst_h, w_h, out_h, tbl, wv, acc, pbuf, dbuf, sem):
        wid = lax.axis_index("s") * _NCORES + lax.axis_index("c")
        base = wid * ept
        d1 = pltpu.async_copy(xc_h, tbl, sem)
        d2 = pltpu.async_copy(w_h, wv, sem)
        d3 = pltpu.async_copy(pk_h.at[pl.ds(base, ept)], pbuf, sem)
        d4 = pltpu.async_copy(dst_h.at[pl.ds(base, ept)], dbuf, sem)
        _zero_vmem(acc, _NATOT)
        d1.wait()
        d2.wait()
        d3.wait()
        d4.wait()

        @plsc.parallel_loop(0, ept // 16, unroll=16)
        def _(j):
            p = pbuf[pl.ds(j * 16, 16)]
            di = dbuf[pl.ds(j * 16, 16)]
            si = p & 0x3FFF
            ki = lax.shift_right_logical(p, 14)
            v = plsc.load_gather(tbl, [si])
            w = plsc.load_gather(wv, [ki])
            plsc.addupdate_scatter(acc, [di], jnp.exp(v * w))

        pltpu.sync_copy(acc, out_h.at[wid])

    return k(xc, pk, dst, wtbl)


def _tc_combine_a(partials2, xc1):
    def body(pr, xr, outr):
        s = jnp.sum(pr[...], axis=0)
        agg = jnp.exp(s)
        outr[...] = 1.0 - (1.0 - xr[...]) * (1.0 - agg)
    return pl.pallas_call(
        body, out_shape=jax.ShapeDtypeStruct(xc1.shape, jnp.float32))(
            partials2, xc1)


def _tc_log(x1):
    def body(xr, outr):
        outr[...] = jnp.log(xr[...])
    return pl.pallas_call(
        body, out_shape=jax.ShapeDtypeStruct(x1.shape, jnp.float32))(x1)


def _tc_combine_b(partials2, xa1):
    c0 = float(_GAMMA) * math.log(_EPS)

    def body(pr, xr, outr, lgr):
        summed = jnp.sum(pr[...], axis=0)
        lse = _GAMMA * jnp.log(summed + _EPS)
        m = jnp.maximum(jnp.max(lse), c0)
        lse = jnp.where(m > 1.0, lse / m, lse)
        xn = 1.0 - (1.0 - xr[...]) * (1.0 - lse)
        outr[...] = xn
        lgr[...] = jnp.log(xn)

    return pl.pallas_call(
        body,
        out_shape=[jax.ShapeDtypeStruct(xa1.shape, jnp.float32),
                   jax.ShapeDtypeStruct(xa1.shape, jnp.float32)])(
            partials2, xa1)


def kernel(x, edge_index, clause_weights, edge_clause_index, edge_type,
           atom_node_idxs, conj_node_idxs, batch_size):
    eflat = edge_index.astype(jnp.int32)
    eci32 = edge_clause_index.astype(jnp.int32)
    wtbl = (clause_weights * (1.0 / _GAMMA)).astype(jnp.float32)

    x3 = x.reshape(_B, _PER)
    xa1 = x3[:, :_NA].reshape(-1).astype(jnp.float32)
    xc1 = x3[:, _NA:].reshape(-1).astype(jnp.float32)

    la1 = _tc_log(xa1)
    pa, pk_a = _pass_a2c_first(la1, eflat)
    xc1 = _tc_combine_a(pa, xc1)
    pb, pk_b, da = _pass_c2a_first(xc1, eflat, eci32, wtbl)
    xa1, la1 = _tc_combine_b(pb, xa1)
    for _ in range(_T - 1):
        pa = _pass_a2c(la1, pk_a)
        xc1 = _tc_combine_a(pa, xc1)
        pb = _pass_c2a(xc1, pk_b, da, wtbl)
        xa1, la1 = _tc_combine_b(pb, xa1)

    return xa1.reshape(_B, _NA)

# --- scband reference (transcript-rebuilt; emitter-appended) ---
"""Pipeline reference for scband-message-passing-module-18322330485077 (READ-ONLY COPY).

The authoritative reference and input builder live on the scoring server;
editing this copy changes nothing except your own understanding.
"""

import jax, jax.numpy as jnp
import numpy as np

T = 5
GAMMA = 0.015
EPS = 0.0001


def soft_or(stacked):
    # probabilistic-sum soft OR over the leading (stack) axis
    return 1.0 - jnp.prod(1.0 - stacked, axis=0)


def setup_inputs(seed: int = 0):
    key = jax.random.key(seed)
    B = 16
    n_atom = 2048
    n_conj = 1024
    per = n_atom + n_conj
    N = B * per
    E_a2c = 524288
    E_c2a = 524288
    n_clauses = 4096
    k1, k2, k3, k4, k5, k6, k7 = jax.random.split(key, 7)
    x = jax.random.uniform(k1, (N, 1), dtype=jnp.float32)
    base_a = (jnp.arange(E_a2c) % B) * per
    src_a = base_a + jax.random.randint(k2, (E_a2c,), 0, n_atom)
    dst_c = base_a + n_atom + jax.random.randint(k3, (E_a2c,), 0, n_conj)
    base_c = (jnp.arange(E_c2a) % B) * per
    src_c = base_c + n_atom + jax.random.randint(k4, (E_c2a,), 0, n_conj)
    dst_a = base_c + jax.random.randint(k5, (E_c2a,), 0, n_atom)
    edge_index = jnp.concatenate([jnp.stack([src_a, dst_c]), jnp.stack([src_c, dst_a])], axis=1)
    edge_type = jnp.concatenate([jnp.zeros((E_a2c,), jnp.int32), jnp.ones((E_c2a,), jnp.int32)])
    edge_clause_index = jax.random.randint(k6, (E_a2c + E_c2a,), 0, n_clauses)
    clause_weights = jax.random.uniform(k7, (n_clauses,), dtype=jnp.float32)
    atom_node_idxs = (jnp.arange(B)[:, None] * per + jnp.arange(n_atom)[None, :]).reshape(-1)
    conj_node_idxs = (jnp.arange(B)[:, None] * per + n_atom + jnp.arange(n_conj)[None, :]).reshape(-1)
    return {"x": x, "edge_index": edge_index, "clause_weights": clause_weights,
            "edge_clause_index": edge_clause_index, "edge_type": edge_type,
            "atom_node_idxs": atom_node_idxs, "conj_node_idxs": conj_node_idxs,
            "batch_size": B}


def _atom2conj(x, edge_index, conj_node_idxs, batch_size, n_nodes):
    src, dst = edge_index[0], edge_index[1]
    msgs = x[src]                                   # message: x_j
    agg = jnp.ones((n_nodes, x.shape[1]), x.dtype).at[dst].multiply(msgs)  # scatter_mul
    out = soft_or(jnp.stack([x[conj_node_idxs], agg[conj_node_idxs]]))     # update
    return out.reshape(batch_size, -1)


def _conj2atom(x, edge_index, edge_weight, atom_node_idxs, n_nodes, batch_size):
    src, dst = edge_index[0], edge_index[1]
    msgs = edge_weight[:, None] * x[src]            # message: w_e * x_j
    summed = jnp.zeros((n_nodes, x.shape[1]), x.dtype).at[dst].add(jnp.exp(msgs * (1.0 / GAMMA)))
    lse = GAMMA * jnp.log(summed + EPS)             # gamma * logsumexp
    m = lse.max()
    lse = jnp.where(m > 1.0, lse / m, lse)
    out = soft_or(jnp.stack([x[atom_node_idxs], lse[atom_node_idxs]]))
    return out.reshape(batch_size, -1)


def _cat_atom_conj(x_atom, x_conj):
    # nodes are ordered [atoms_i, conjs_i] per batch instance
    return jnp.concatenate([x_atom, x_conj], axis=1).reshape(-1, 1)


def reference(x, edge_index, clause_weights, edge_clause_index, edge_type, atom_node_idxs, conj_node_idxs, batch_size):
    n_nodes = x.shape[0]
    B = 16
    x = jnp.where(batch_size == B, x, x)
    E_a2c = edge_index.shape[1] // 2
    a2c_ei = edge_index[:, :E_a2c]
    c2a_ei = edge_index[:, E_a2c:]
    c2a_eci = edge_clause_index[E_a2c:]
    edge_weight = clause_weights[c2a_eci] * edge_type[E_a2c:].astype(clause_weights.dtype)
    xc = x
    x_atom_new = None
    for t in range(T):
        x_conj_new = _atom2conj(xc, a2c_ei, conj_node_idxs, B, n_nodes)
        xc = _cat_atom_conj(xc[atom_node_idxs].reshape(B, -1), x_conj_new)
        x_atom_new = _conj2atom(xc, c2a_ei, edge_weight, atom_node_idxs, n_nodes, B)
        xc = _cat_atom_conj(x_atom_new, x_conj_new)
    return x_atom_new

if __name__ == "__main__":
    import jax
    _d = setup_inputs()
    print(jax.jit(kernel)(*tuple(_d.values())))

</pallas_src>

<mosaic_0001>
#map = affine_map<(d0, d1) -> (0)>
#map1 = affine_map<(d0, d1) -> (0, 0)>
module attributes {stable_mosaic.version = 14 : i64} {
  func.func @k(%arg0: i32, %arg1: i32, %arg2: memref<32768xf32, #tpu.memory_space<hbm>>, %arg3: memref<524288xi32, #tpu.memory_space<hbm>>, %arg4: memref<32x16384xf32, #tpu.memory_space<hbm>>, %arg5: memref<32768xf32, #tpu.memory_space<vmem>>, %arg6: memref<16384xf32, #tpu.memory_space<vmem>>, %arg7: memref<16384xi32, #tpu.memory_space<vmem>>, %arg8: memref<!tpu.dma_semaphore, #tpu.memory_space<semaphore_mem>>) attributes {dimension_semantics = [#tpu.dimension_semantics<core_parallel>, #tpu.dimension_semantics<subcore_parallel>], iteration_bounds = array<i64: 2, 16>, scalar_prefetch = 0 : i64, scratch_operands = 4 : i64, tpu.core_type = #tpu.core_type<sc_vector_subcore>, window_params = [{transform_indices = #map}, {transform_indices = #map}, {transform_indices = #map1}]} {
    %mul3A = arith.constant 2 : i32
    %mul3A_0 = arith.muli %arg1, %mul3A : i32
    %add3A = arith.addi %mul3A_0, %arg0 : i32
    %mul3A_1 = arith.constant 16384 : i32
    %mul3A_2 = arith.muli %add3A, %mul3A_1 : i32
    tpu.enqueue_dma source(%arg2 : memref<32768xf32, #tpu.memory_space<hbm>>) target(%arg5 : memref<32768xf32, #tpu.memory_space<vmem>>) target_semaphore(%arg8 : memref<!tpu.dma_semaphore, #tpu.memory_space<semaphore_mem>>)
    %dma_start3A = tpu.memref_slice %arg3[%mul3A_2] : memref<524288xi32, #tpu.memory_space<hbm>> -> memref<16384xi32, #tpu.memory_space<hbm>>
    %dma_start3A_3 = tpu.memref_slice %arg3[%mul3A_2] : memref<524288xi32, #tpu.memory_space<hbm>> -> memref<16384xi32, #tpu.memory_space<hbm>>
    tpu.enqueue_dma source(%dma_start3A_3 : memref<16384xi32, #tpu.memory_space<hbm>>) target(%arg7 : memref<16384xi32, #tpu.memory_space<vmem>>) target_semaphore(%arg8 : memref<!tpu.dma_semaphore, #tpu.memory_space<semaphore_mem>>)
    %parallel_loop3A = arith.constant 0 : i32
    %parallel_loop3A_4 = arith.constant 1024 : i32
    %parallel_loop3A_5 = arith.constant 1 : i32
    scf.for %parallel_loop3A_10 = %parallel_loop3A to %parallel_loop3A_4 step %parallel_loop3A_5  : i32 {
      %parallel_loop3A_11 = arith.constant 0.000000e+00 : f32
      %parallel_loop3A_12 = vector.broadcast %parallel_loop3A_11 : f32 to vector<16xf32>
      %parallel_loop3A_13 = arith.constant 16 : i32
      %parallel_loop3A_14 = arith.muli %parallel_loop3A_10, %parallel_loop3A_13 : i32
      %parallel_loop3A_15 = arith.index_cast %parallel_loop3A_14 : i32 to index
      %parallel_loop3A_16 = tpu.vector_load %arg6[%parallel_loop3A_15] {strides = array<i32>} : memref<16384xf32, #tpu.memory_space<vmem>>, vector<16xf32>,
      tpu.vector_store %arg6[%parallel_loop3A_15], %parallel_loop3A_12 {strides = array<i32>} : memref<16384xf32, #tpu.memory_space<vmem>>, vector<16xf32>,
    } {sc.loop_unroll_factor = 8 : i64, sc.parallel_access}
    tpu.wait_dma2 semaphore(%arg8 : memref<!tpu.dma_semaphore, #tpu.memory_space<semaphore_mem>>) src(%arg2 : memref<32768xf32, #tpu.memory_space<hbm>>) dst(%arg5 : memref<32768xf32, #tpu.memory_space<vmem>>)
    %dma_wait3A = tpu.memref_slice %arg3[%mul3A_2] : memref<524288xi32, #tpu.memory_space<hbm>> -> memref<16384xi32, #tpu.memory_space<hbm>>
    %dma_wait3A_6 = tpu.memref_slice %arg3[%mul3A_2] : memref<524288xi32, #tpu.memory_space<hbm>> -> memref<16384xi32, #tpu.memory_space<hbm>>
    tpu.wait_dma2 semaphore(%arg8 : memref<!tpu.dma_semaphore, #tpu.memory_space<semaphore_mem>>) src(%dma_wait3A_6 : memref<16384xi32, #tpu.memory_space<hbm>>) dst(%arg7 : memref<16384xi32, #tpu.memory_space<vmem>>)
    %parallel_loop3A_7 = arith.constant 0 : i32
    %parallel_loop3A_8 = arith.constant 1024 : i32
    %parallel_loop3A_9 = arith.constant 1 : i32
    scf.for %parallel_loop3A_10 = %parallel_loop3A_7 to %parallel_loop3A_8 step %parallel_loop3A_9  : i32 {
      %parallel_loop3A_11 = arith.constant 16 : i32
      %parallel_loop3A_12 = arith.muli %parallel_loop3A_10, %parallel_loop3A_11 : i32
      %parallel_loop3A_13 = arith.index_cast %parallel_loop3A_12 : i32 to index
      %parallel_loop3A_14 = tpu.vector_load %arg7[%parallel_loop3A_13] {strides = array<i32>} : memref<16384xi32, #tpu.memory_space<vmem>>, vector<16xi32>,
      %parallel_loop3A_15 = arith.constant 32767 : i32
      %parallel_loop3A_16 = vector.broadcast %parallel_loop3A_15 : i32 to vector<16xi32>
      %parallel_loop3A_17 = arith.andi %parallel_loop3A_14, %parallel_loop3A_16 : vector<16xi32>
      %parallel_loop3A_18 = arith.constant 15 : i32
      %parallel_loop3A_19 = vector.broadcast %parallel_loop3A_18 : i32 to vector<16xi32>
      %parallel_loop3A_20 = arith.shrui %parallel_loop3A_14, %parallel_loop3A_19 : vector<16xi32>
      %parallel_loop3A_21 = tpu.vector_load_idx %arg5[%parallel_loop3A_17] : memref<32768xf32, #tpu.memory_space<vmem>>[vector<16xi32>], vector<16xf32>,
      tpu.vector_store_idx %arg6[%parallel_loop3A_20], %parallel_loop3A_21 {add = true} : memref<16384xf32, #tpu.memory_space<vmem>>[vector<16xi32>], vector<16xf32>,
    } {sc.loop_unroll_factor = 16 : i64, sc.parallel_access}
    "tpu.region"() ({
      %run_scoped3A = tpu.sem_alloc : memref<!tpu.dma_semaphore, #tpu.memory_space<semaphore_mem>>
      %dma_start3A_10 = arith.constant 0 : i32
      %dma_start3A_11 = tpu.memref_slice %arg4[%add3A, %dma_start3A_10] : memref<32x16384xf32, #tpu.memory_space<hbm>> -> memref<1x16384xf32, #tpu.memory_space<hbm>>
      %dma_start3A_12 = tpu.memref_squeeze %dma_start3A_11 : memref<1x16384xf32, #tpu.memory_space<hbm>> -> memref<16384xf32, #tpu.memory_space<hbm>>
      %dma_start3A_13 = arith.constant 0 : i32
      %dma_start3A_14 = tpu.memref_slice %arg4[%add3A, %dma_start3A_13] : memref<32x16384xf32, #tpu.memory_space<hbm>> -> memref<1x16384xf32, #tpu.memory_space<hbm>>
      %dma_start3A_15 = tpu.memref_squeeze %dma_start3A_14 : memref<1x16384xf32, #tpu.memory_space<hbm>> -> memref<16384xf32, #tpu.memory_space<hbm>>
      tpu.enqueue_dma source(%arg6 : memref<16384xf32, #tpu.memory_space<vmem>>) target(%dma_start3A_15 : memref<16384xf32, #tpu.memory_space<hbm>>) target_semaphore(%run_scoped3A : memref<!tpu.dma_semaphore, #tpu.memory_space<semaphore_mem>>)
      %dma_wait3A_16 = arith.constant 0 : i32
      %dma_wait3A_17 = tpu.memref_slice %arg4[%add3A, %dma_wait3A_16] : memref<32x16384xf32, #tpu.memory_space<hbm>> -> memref<1x16384xf32, #tpu.memory_space<hbm>>
      %dma_wait3A_18 = tpu.memref_squeeze %dma_wait3A_17 : memref<1x16384xf32, #tpu.memory_space<hbm>> -> memref<16384xf32, #tpu.memory_space<hbm>>
      %dma_wait3A_19 = arith.constant 0 : i32
      %dma_wait3A_20 = tpu.memref_slice %arg4[%add3A, %dma_wait3A_19] : memref<32x16384xf32, #tpu.memory_space<hbm>> -> memref<1x16384xf32, #tpu.memory_space<hbm>>
      %dma_wait3A_21 = tpu.memref_squeeze %dma_wait3A_20 : memref<1x16384xf32, #tpu.memory_space<hbm>> -> memref<16384xf32, #tpu.memory_space<hbm>>
      tpu.wait_dma2 semaphore(%run_scoped3A : memref<!tpu.dma_semaphore, #tpu.memory_space<semaphore_mem>>) src(%arg6 : memref<16384xf32, #tpu.memory_space<vmem>>) dst(%dma_wait3A_21 : memref<16384xf32, #tpu.memory_space<hbm>>)
      tpu.yield
    }) : () -> ()
    return
  }
}

#map = affine_map<(d0, d1) -> (0)>
#map1 = affine_map<(d0, d1) -> (0, 0)>
module attributes {stable_mosaic.version = 14 : i64} {
  func.func @k(%arg0: i32, %arg1: i32, %arg2: memref<32768xf32, #tpu.memory_space<hbm>>, %arg3: memref<2x1048576xi32, #tpu.memory_space<hbm>>, %arg4: memref<32x16384xf32, #tpu.memory_space<hbm>>, %arg5: memref<524288xi32, #tpu.memory_space<hbm>>, %arg6: memref<32768xf32, #tpu.memory_space<vmem>>, %arg7: memref<16384xf32, #tpu.memory_space<vmem>>, %arg8: memref<16384xi32, #tpu.memory_space<vmem>>, %arg9: memref<16384xi32, #tpu.memory_space<vmem>>, %arg10: memref<!tpu.dma_semaphore, #tpu.memory_space<semaphore_mem>>, %arg11: memref<!tpu.dma_semaphore, #tpu.memory_space<semaphore_mem>>, %arg12: memref<!tpu.dma_semaphore, #tpu.memory_space<semaphore_mem>>) attributes {dimension_semantics = [#tpu.dimension_semantics<core_parallel>, #tpu.dimension_semantics<subcore_parallel>], iteration_bounds = array<i64: 2, 16>, scalar_prefetch = 0 : i64, scratch_operands = 7 : i64, tpu.core_type = #tpu.core_type<sc_vector_subcore>, window_params = [{transform_indices = #map}, {transform_indices = #map1}, {transform_indices = #map1}, {transform_indices = #map}]} {
    %mul3A = arith.constant 2 : i32
    %mul3A_0 = arith.muli %arg1, %mul3A : i32
    %add3A = arith.addi %mul3A_0, %arg0 : i32
    %mul3A_1 = arith.constant 16384 : i32
    %mul3A_2 = arith.muli %add3A, %mul3A_1 : i32
    tpu.enqueue_dma source(%arg2 : memref<32768xf32, #tpu.memory_space<hbm>>) target(%arg6 : memref<32768xf32, #tpu.memory_space<vmem>>) target_semaphore(%arg10 : memref<!tpu.dma_semaphore, #tpu.memory_space<semaphore_mem>>)
    %dma_start3A = arith.constant 0 : i32
    %dma_start3A_3 = tpu.memref_slice %arg3[%dma_start3A, %mul3A_2] : memref<2x1048576xi32, #tpu.memory_space<hbm>> -> memref<1x16384xi32, #tpu.memory_space<hbm>>
    %dma_start3A_4 = tpu.memref_squeeze %dma_start3A_3 : memref<1x16384xi32, #tpu.memory_space<hbm>> -> memref<16384xi32, #tpu.memory_space<hbm>>
    %dma_start3A_5 = tpu.memref_slice %arg3[%dma_start3A, %mul3A_2] : memref<2x1048576xi32, #tpu.memory_space<hbm>> -> memref<1x16384xi32, #tpu.memory_space<hbm>>
    %dma_start3A_6 = tpu.memref_squeeze %dma_start3A_5 : memref<1x16384xi32, #tpu.memory_space<hbm>> -> memref<16384xi32, #tpu.memory_space<hbm>>
    tpu.enqueue_dma source(%dma_start3A_6 : memref<16384xi32, #tpu.memory_space<hbm>>) target(%arg8 : memref<16384xi32, #tpu.memory_space<vmem>>) target_semaphore(%arg11 : memref<!tpu.dma_semaphore, #tpu.memory_space<semaphore_mem>>)
    %dma_start3A_7 = arith.constant 1 : i32
    %dma_start3A_8 = tpu.memref_slice %arg3[%dma_start3A_7, %mul3A_2] : memref<2x1048576xi32, #tpu.memory_space<hbm>> -> memref<1x16384xi32, #tpu.memory_space<hbm>>
    %dma_start3A_9 = tpu.memref_squeeze %dma_start3A_8 : memref<1x16384xi32, #tpu.memory_space<hbm>> -> memref<16384xi32, #tpu.memory_space<hbm>>
    %dma_start3A_10 = tpu.memref_slice %arg3[%dma_start3A_7, %mul3A_2] : memref<2x1048576xi32, #tpu.memory_space<hbm>> -> memref<1x16384xi32, #tpu.memory_space<hbm>>
    %dma_start3A_11 = tpu.memref_squeeze %dma_start3A_10 : memref<1x16384xi32, #tpu.memory_space<hbm>> -> memref<16384xi32, #tpu.memory_space<hbm>>
    tpu.enqueue_dma source(%dma_start3A_11 : memref<16384xi32, #tpu.memory_space<hbm>>) target(%arg9 : memref<16384xi32, #tpu.memory_space<vmem>>) target_semaphore(%arg12 : memref<!tpu.dma_semaphore, #tpu.memory_space<semaphore_mem>>)
    %parallel_loop3A = arith.constant 0 : i32
    %parallel_loop3A_12 = arith.constant 1024 : i32
    %parallel_loop3A_13 = arith.constant 1 : i32
    scf.for %parallel_loop3A_33 = %parallel_loop3A to %parallel_loop3A_12 step %parallel_loop3A_13  : i32 {
      %parallel_loop3A_34 = arith.constant 0.000000e+00 : f32
      %parallel_loop3A_35 = vector.broadcast %parallel_loop3A_34 : f32 to vector<16xf32>
      %parallel_loop3A_36 = arith.constant 16 : i32
      %parallel_loop3A_37 = arith.muli %parallel_loop3A_33, %parallel_loop3A_36 : i32
      %parallel_loop3A_38 = arith.index_cast %parallel_loop3A_37 : i32 to index
      %parallel_loop3A_39 = tpu.vector_load %arg7[%parallel_loop3A_38] {strides = array<i32>} : memref<16384xf32, #tpu.memory_space<vmem>>, vector<16xf32>,
      tpu.vector_store %arg7[%parallel_loop3A_38], %parallel_loop3A_35 {strides = array<i32>} : memref<16384xf32, #tpu.memory_space<vmem>>, vector<16xf32>,
    } {sc.loop_unroll_factor = 8 : i64, sc.parallel_access}
    %dma_wait3A = arith.constant 0 : i32
    %dma_wait3A_14 = tpu.memref_slice %arg3[%dma_wait3A, %mul3A_2] : memref<2x1048576xi32, #tpu.memory_space<hbm>> -> memref<1x16384xi32, #tpu.memory_space<hbm>>
    %dma_wait3A_15 = tpu.memref_squeeze %dma_wait3A_14 : memref<1x16384xi32, #tpu.memory_space<hbm>> -> memref<16384xi32, #tpu.memory_space<hbm>>
    %dma_wait3A_16 = tpu.memref_slice %arg3[%dma_wait3A, %mul3A_2] : memref<2x1048576xi32, #tpu.memory_space<hbm>> -> memref<1x16384xi32, #tpu.memory_space<hbm>>
    %dma_wait3A_17 = tpu.memref_squeeze %dma_wait3A_16 : memref<1x16384xi32, #tpu.memory_space<hbm>> -> memref<16384xi32, #tpu.memory_space<hbm>>
    tpu.wait_dma2 semaphore(%arg11 : memref<!tpu.dma_semaphore, #tpu.memory_space<semaphore_mem>>) src(%dma_wait3A_17 : memref<16384xi32, #tpu.memory_space<hbm>>) dst(%arg8 : memref<16384xi32, #tpu.memory_space<vmem>>)
    %dma_wait3A_18 = arith.constant 1 : i32
    %dma_wait3A_19 = tpu.memref_slice %arg3[%dma_wait3A_18, %mul3A_2] : memref<2x1048576xi32, #tpu.memory_space<hbm>> -> memref<1x16384xi32, #tpu.memory_space<hbm>>
    %dma_wait3A_20 = tpu.memref_squeeze %dma_wait3A_19 : memref<1x16384xi32, #tpu.memory_space<hbm>> -> memref<16384xi32, #tpu.memory_space<hbm>>
    %dma_wait3A_21 = tpu.memref_slice %arg3[%dma_wait3A_18, %mul3A_2] : memref<2x1048576xi32, #tpu.memory_space<hbm>> -> memref<1x16384xi32, #tpu.memory_space<hbm>>
    %dma_wait3A_22 = tpu.memref_squeeze %dma_wait3A_21 : memref<1x16384xi32, #tpu.memory_space<hbm>> -> memref<16384xi32, #tpu.memory_space<hbm>>
    tpu.wait_dma2 semaphore(%arg12 : memref<!tpu.dma_semaphore, #tpu.memory_space<semaphore_mem>>) src(%dma_wait3A_22 : memref<16384xi32, #tpu.memory_space<hbm>>) dst(%arg9 : memref<16384xi32, #tpu.memory_space<vmem>>)
    %parallel_loop3A_23 = arith.constant 0 : i32
    %parallel_loop3A_24 = arith.constant 1024 : i32
    %parallel_loop3A_25 = arith.constant 1 : i32
    scf.for %parallel_loop3A_33 = %parallel_loop3A_23 to %parallel_loop3A_24 step %parallel_loop3A_25  : i32 {
      %parallel_loop3A_34 = arith.constant 16 : i32
      %parallel_loop3A_35 = arith.muli %parallel_loop3A_33, %parallel_loop3A_34 : i32
      %parallel_loop3A_36 = arith.index_cast %parallel_loop3A_35 : i32 to index
      %parallel_loop3A_37 = tpu.vector_load %arg8[%parallel_loop3A_36] {strides = array<i32>} : memref<16384xi32, #tpu.memory_space<vmem>>, vector<16xi32>,
      %parallel_loop3A_38 = arith.constant 16 : i32
      %parallel_loop3A_39 = arith.muli %parallel_loop3A_33, %parallel_loop3A_38 : i32
      %parallel_loop3A_40 = arith.index_cast %parallel_loop3A_39 : i32 to index
      %parallel_loop3A_41 = tpu.vector_load %arg9[%parallel_loop3A_40] {strides = array<i32>} : memref<16384xi32, #tpu.memory_space<vmem>>, vector<16xi32>,
      %parallel_loop3A_42 = arith.constant 10 : i32
      %parallel_loop3A_43 = vector.broadcast %parallel_loop3A_42 : i32 to vector<16xi32>
      %parallel_loop3A_44 = arith.shrui %parallel_loop3A_37, %parallel_loop3A_43 : vector<16xi32>
      %parallel_loop3A_45 = arith.constant 21846 : i32
      %parallel_loop3A_46 = vector.broadcast %parallel_loop3A_45 : i32 to vector<16xi32>
      %parallel_loop3A_47 = arith.muli %parallel_loop3A_44, %parallel_loop3A_46 : vector<16xi32>
      %parallel_loop3A_48 = arith.constant 16 : i32
      %parallel_loop3A_49 = vector.broadcast %parallel_loop3A_48 : i32 to vector<16xi32>
      %parallel_loop3A_50 = arith.shrui %parallel_loop3A_47, %parallel_loop3A_49 : vector<16xi32>
      %parallel_loop3A_51 = arith.constant 1024 : i32
      %parallel_loop3A_52 = vector.broadcast %parallel_loop3A_51 : i32 to vector<16xi32>
      %parallel_loop3A_53 = arith.muli %parallel_loop3A_50, %parallel_loop3A_52 : vector<16xi32>
      %parallel_loop3A_54 = arith.subi %parallel_loop3A_37, %parallel_loop3A_53 : vector<16xi32>
      %parallel_loop3A_55 = arith.constant 10 : i32
      %parallel_loop3A_56 = vector.broadcast %parallel_loop3A_55 : i32 to vector<16xi32>
      %parallel_loop3A_57 = arith.shrui %parallel_loop3A_41, %parallel_loop3A_56 : vector<16xi32>
      %parallel_loop3A_58 = arith.constant 21846 : i32
      %parallel_loop3A_59 = vector.broadcast %parallel_loop3A_58 : i32 to vector<16xi32>
      %parallel_loop3A_60 = arith.muli %parallel_loop3A_57, %parallel_loop3A_59 : vector<16xi32>
      %parallel_loop3A_61 = arith.constant 16 : i32
      %parallel_loop3A_62 = vector.broadcast %parallel_loop3A_61 : i32 to vector<16xi32>
      %parallel_loop3A_63 = arith.shrui %parallel_loop3A_60, %parallel_loop3A_62 : vector<16xi32>
      %parallel_loop3A_64 = arith.constant 2048 : i32
      %parallel_loop3A_65 = vector.broadcast %parallel_loop3A_64 : i32 to vector<16xi32>
      %parallel_loop3A_66 = arith.muli %parallel_loop3A_63, %parallel_loop3A_65 : vector<16xi32>
      %parallel_loop3A_67 = arith.subi %parallel_loop3A_41, %parallel_loop3A_66 : vector<16xi32>
      %parallel_loop3A_68 = arith.constant 2048 : i32
      %parallel_loop3A_69 = vector.broadcast %parallel_loop3A_68 : i32 to vector<16xi32>
      %parallel_loop3A_70 = arith.subi %parallel_loop3A_67, %parallel_loop3A_69 : vector<16xi32>
      %parallel_loop3A_71 = arith.constant 15 : i32
      %parallel_loop3A_72 = vector.broadcast %parallel_loop3A_71 : i32 to vector<16xi32>
      %parallel_loop3A_73 = arith.shli %parallel_loop3A_70, %parallel_loop3A_72 : vector<16xi32>
      %parallel_loop3A_74 = arith.ori %parallel_loop3A_54, %parallel_loop3A_73 : vector<16xi32>
      %parallel_loop3A_75 = arith.constant 16 : i32
      %parallel_loop3A_76 = arith.muli %parallel_loop3A_33, %parallel_loop3A_75 : i32
      %parallel_loop3A_77 = arith.index_cast %parallel_loop3A_76 : i32 to index
      %parallel_loop3A_78 = tpu.vector_load %arg8[%parallel_loop3A_77] {strides = array<i32>} : memref<16384xi32, #tpu.memory_space<vmem>>, vector<16xi32>,
      tpu.vector_store %arg8[%parallel_loop3A_77], %parallel_loop3A_74 {strides = array<i32>} : memref<16384xi32, #tpu.memory_space<vmem>>, vector<16xi32>,
    } {sc.loop_unroll_factor = 8 : i64, sc.parallel_access}
    %dma_start3A_26 = tpu.memref_slice %arg5[%mul3A_2] : memref<524288xi32, #tpu.memory_space<hbm>> -> memref<16384xi32, #tpu.memory_space<hbm>>
    %dma_start3A_27 = tpu.memref_slice %arg5[%mul3A_2] : memref<524288xi32, #tpu.memory_space<hbm>> -> memref<16384xi32, #tpu.memory_space<hbm>>
    tpu.enqueue_dma source(%arg8 : memref<16384xi32, #tpu.memory_space<vmem>>) target(%dma_start3A_27 : memref<16384xi32, #tpu.memory_space<hbm>>) target_semaphore(%arg11 : memref<!tpu.dma_semaphore, #tpu.memory_space<semaphore_mem>>)
    tpu.wait_dma2 semaphore(%arg10 : memref<!tpu.dma_semaphore, #tpu.memory_space<semaphore_mem>>) src(%arg2 : memref<32768xf32, #tpu.memory_space<hbm>>) dst(%arg6 : memref<32768xf32, #tpu.memory_space<vmem>>)
    %parallel_loop3A_28 = arith.constant 0 : i32
    %parallel_loop3A_29 = arith.constant 1024 : i32
    %parallel_loop3A_30 = arith.constant 1 : i32
    scf.for %parallel_loop3A_33 = %parallel_loop3A_28 to %parallel_loop3A_29 step %parallel_loop3A_30  : i32 {
      %parallel_loop3A_34 = arith.constant 16 : i32
      %parallel_loop3A_35 = arith.muli %parallel_loop3A_33, %parallel_loop3A_34 : i32
      %parallel_loop3A_36 = arith.index_cast %parallel_loop3A_35 : i32 to index
      %parallel_loop3A_37 = tpu.vector_load %arg8[%parallel_loop3A_36] {strides = array<i32>} : memref<16384xi32, #tpu.memory_space<vmem>>, vector<16xi32>,
      %parallel_loop3A_38 = arith.constant 32767 : i32
      %parallel_loop3A_39 = vector.broadcast %parallel_loop3A_38 : i32 to vector<16xi32>
      %parallel_loop3A_40 = arith.andi %parallel_loop3A_37, %parallel_loop3A_39 : vector<16xi32>
      %parallel_loop3A_41 = arith.constant 15 : i32
      %parallel_loop3A_42 = vector.broadcast %parallel_loop3A_41 : i32 to vector<16xi32>
      %parallel_loop3A_43 = arith.shrui %parallel_loop3A_37, %parallel_loop3A_42 : vector<16xi32>
      %parallel_loop3A_44 = tpu.vector_load_idx %arg6[%parallel_loop3A_40] : memref<32768xf32, #tpu.memory_space<vmem>>[vector<16xi32>], vector<16xf32>,
      tpu.vector_store_idx %arg7[%parallel_loop3A_43], %parallel_loop3A_44 {add = true} : memref<16384xf32, #tpu.memory_space<vmem>>[vector<16xi32>], vector<16xf32>,
    } {sc.loop_unroll_factor = 16 : i64, sc.parallel_access}
    "tpu.region"() ({
      %run_scoped3A = tpu.sem_alloc : memref<!tpu.dma_semaphore, #tpu.memory_space<semaphore_mem>>
      %dma_start3A_33 = arith.constant 0 : i32
      %dma_start3A_34 = tpu.memref_slice %arg4[%add3A, %dma_start3A_33] : memref<32x16384xf32, #tpu.memory_space<hbm>> -> memref<1x16384xf32, #tpu.memory_space<hbm>>
      %dma_start3A_35 = tpu.memref_squeeze %dma_start3A_34 : memref<1x16384xf32, #tpu.memory_space<hbm>> -> memref<16384xf32, #tpu.memory_space<hbm>>
      %dma_start3A_36 = arith.constant 0 : i32
      %dma_start3A_37 = tpu.memref_slice %arg4[%add3A, %dma_start3A_36] : memref<32x16384xf32, #tpu.memory_space<hbm>> -> memref<1x16384xf32, #tpu.memory_space<hbm>>
      %dma_start3A_38 = tpu.memref_squeeze %dma_start3A_37 : memref<1x16384xf32, #tpu.memory_space<hbm>> -> memref<16384xf32, #tpu.memory_space<hbm>>
      tpu.enqueue_dma source(%arg7 : memref<16384xf32, #tpu.memory_space<vmem>>) target(%dma_start3A_38 : memref<16384xf32, #tpu.memory_space<hbm>>) target_semaphore(%run_scoped3A : memref<!tpu.dma_semaphore, #tpu.memory_space<semaphore_mem>>)
      %dma_wait3A_39 = arith.constant 0 : i32
      %dma_wait3A_40 = tpu.memref_slice %arg4[%add3A, %dma_wait3A_39] : memref<32x16384xf32, #tpu.memory_space<hbm>> -> memref<1x16384xf32, #tpu.memory_space<hbm>>
      %dma_wait3A_41 = tpu.memref_squeeze %dma_wait3A_40 : memref<1x16384xf32, #tpu.memory_space<hbm>> -> memref<16384xf32, #tpu.memory_space<hbm>>
      %dma_wait3A_42 = arith.constant 0 : i32
      %dma_wait3A_43 = tpu.memref_slice %arg4[%add3A, %dma_wait3A_42] : memref<32x16384xf32, #tpu.memory_space<hbm>> -> memref<1x16384xf32, #tpu.memory_space<hbm>>
      %dma_wait3A_44 = tpu.memref_squeeze %dma_wait3A_43 : memref<1x16384xf32, #tpu.memory_space<hbm>> -> memref<16384xf32, #tpu.memory_space<hbm>>
      tpu.wait_dma2 semaphore(%run_scoped3A : memref<!tpu.dma_semaphore, #tpu.memory_space<semaphore_mem>>) src(%arg7 : memref<16384xf32, #tpu.memory_space<vmem>>) dst(%dma_wait3A_44 : memref<16384xf32, #tpu.memory_space<hbm>>)
      tpu.yield
    }) : () -> ()
    %dma_wait3A_31 = tpu.memref_slice %arg5[%mul3A_2] : memref<524288xi32, #tpu.memory_space<hbm>> -> memref<16384xi32, #tpu.memory_space<hbm>>
    %dma_wait3A_32 = tpu.memref_slice %arg5[%mul3A_2] : memref<524288xi32, #tpu.memory_space<hbm>> -> memref<16384xi32, #tpu.memory_space<hbm>>
    tpu.wait_dma2 semaphore(%arg11 : memref<!tpu.dma_semaphore, #tpu.memory_space<semaphore_mem>>) src(%arg8 : memref<16384xi32, #tpu.memory_space<vmem>>) dst(%dma_wait3A_32 : memref<16384xi32, #tpu.memory_space<hbm>>)
    return
  }
}

#map = affine_map<(d0, d1) -> (0)>
#map1 = affine_map<(d0, d1) -> (0, 0)>
module attributes {stable_mosaic.version = 14 : i64} {
  func.func @k(%arg0: i32, %arg1: i32, %arg2: memref<16384xf32, #tpu.memory_space<hbm>>, %arg3: memref<2x1048576xi32, #tpu.memory_space<hbm>>, %arg4: memref<1048576xi32, #tpu.memory_space<hbm>>, %arg5: memref<4096xf32, #tpu.memory_space<hbm>>, %arg6: memref<32x32768xf32, #tpu.memory_space<hbm>>, %arg7: memref<524288xi32, #tpu.memory_space<hbm>>, %arg8: memref<524288xi32, #tpu.memory_space<hbm>>, %arg9: memref<16384xf32, #tpu.memory_space<vmem>>, %arg10: memref<4096xf32, #tpu.memory_space<vmem>>, %arg11: memref<32768xf32, #tpu.memory_space<vmem>>, %arg12: memref<16384xi32, #tpu.memory_space<vmem>>, %arg13: memref<16384xi32, #tpu.memory_space<vmem>>, %arg14: memref<16384xi32, #tpu.memory_space<vmem>>, %arg15: memref<!tpu.dma_semaphore, #tpu.memory_space<semaphore_mem>>, %arg16: memref<!tpu.dma_semaphore, #tpu.memory_space<semaphore_mem>>, %arg17: memref<!tpu.dma_semaphore, #tpu.memory_space<semaphore_mem>>, %arg18: memref<!tpu.dma_semaphore, #tpu.memory_space<semaphore_mem>>, %arg19: memref<!tpu.dma_semaphore, #tpu.memory_space<semaphore_mem>>) attributes {dimension_semantics = [#tpu.dimension_semantics<core_parallel>, #tpu.dimension_semantics<subcore_parallel>], iteration_bounds = array<i64: 2, 16>, scalar_prefetch = 0 : i64, scratch_operands = 11 : i64, tpu.core_type = #tpu.core_type<sc_vector_subcore>, window_params = [{transform_indices = #map}, {transform_indices = #map1}, {transform_indices = #map}, {transform_indices = #map}, {transform_indices = #map1}, {transform_indices = #map}, {transform_indices = #map}]} {
    %mul3A = arith.constant 2 : i32
    %mul3A_0 = arith.muli %arg1, %mul3A : i32
    %add3A = arith.addi %mul3A_0, %arg0 : i32
    %mul3A_1 = arith.constant 16384 : i32
    %mul3A_2 = arith.muli %add3A, %mul3A_1 : i32
    tpu.enqueue_dma source(%arg2 : memref<16384xf32, #tpu.memory_space<hbm>>) target(%arg9 : memref<16384xf32, #tpu.memory_space<vmem>>) target_semaphore(%arg15 : memref<!tpu.dma_semaphore, #tpu.memory_space<semaphore_mem>>)
    tpu.enqueue_dma source(%arg5 : memref<4096xf32, #tpu.memory_space<hbm>>) target(%arg10 : memref<4096xf32, #tpu.memory_space<vmem>>) target_semaphore(%arg16 : memref<!tpu.dma_semaphore, #tpu.memory_space<semaphore_mem>>)
    %add3A_3 = arith.constant 524288 : i32
    %add3A_4 = arith.addi %add3A_3, %mul3A_2 : i32
    %dma_start3A = arith.constant 0 : i32
    %dma_start3A_5 = tpu.memref_slice %arg3[%dma_start3A, %add3A_4] : memref<2x1048576xi32, #tpu.memory_space<hbm>> -> memref<1x16384xi32, #tpu.memory_space<hbm>>
    %dma_start3A_6 = tpu.memref_squeeze %dma_start3A_5 : memref<1x16384xi32, #tpu.memory_space<hbm>> -> memref<16384xi32, #tpu.memory_space<hbm>>
    %dma_start3A_7 = tpu.memref_slice %arg3[%dma_start3A, %add3A_4] : memref<2x1048576xi32, #tpu.memory_space<hbm>> -> memref<1x16384xi32, #tpu.memory_space<hbm>>
    %dma_start3A_8 = tpu.memref_squeeze %dma_start3A_7 : memref<1x16384xi32, #tpu.memory_space<hbm>> -> memref<16384xi32, #tpu.memory_space<hbm>>
    tpu.enqueue_dma source(%dma_start3A_8 : memref<16384xi32, #tpu.memory_space<hbm>>) target(%arg12 : memref<16384xi32, #tpu.memory_space<vmem>>) target_semaphore(%arg17 : memref<!tpu.dma_semaphore, #tpu.memory_space<semaphore_mem>>)
    %add3A_9 = arith.constant 524288 : i32
    %add3A_10 = arith.addi %add3A_9, %mul3A_2 : i32
    %dma_start3A_11 = arith.constant 1 : i32
    %dma_start3A_12 = tpu.memref_slice %arg3[%dma_start3A_11, %add3A_10] : memref<2x1048576xi32, #tpu.memory_space<hbm>> -> memref<1x16384xi32, #tpu.memory_space<hbm>>
    %dma_start3A_13 = tpu.memref_squeeze %dma_start3A_12 : memref<1x16384xi32, #tpu.memory_space<hbm>> -> memref<16384xi32, #tpu.memory_space<hbm>>
    %dma_start3A_14 = tpu.memref_slice %arg3[%dma_start3A_11, %add3A_10] : memref<2x1048576xi32, #tpu.memory_space<hbm>> -> memref<1x16384xi32, #tpu.memory_space<hbm>>
    %dma_start3A_15 = tpu.memref_squeeze %dma_start3A_14 : memref<1x16384xi32, #tpu.memory_space<hbm>> -> memref<16384xi32, #tpu.memory_space<hbm>>
    tpu.enqueue_dma source(%dma_start3A_15 : memref<16384xi32, #tpu.memory_space<hbm>>) target(%arg13 : memref<16384xi32, #tpu.memory_space<vmem>>) target_semaphore(%arg18 : memref<!tpu.dma_semaphore, #tpu.memory_space<semaphore_mem>>)
    %add3A_16 = arith.constant 524288 : i32
    %add3A_17 = arith.addi %add3A_16, %mul3A_2 : i32
    %dma_start3A_18 = tpu.memref_slice %arg4[%add3A_17] : memref<1048576xi32, #tpu.memory_space<hbm>> -> memref<16384xi32, #tpu.memory_space<hbm>>
    %dma_start3A_19 = tpu.memref_slice %arg4[%add3A_17] : memref<1048576xi32, #tpu.memory_space<hbm>> -> memref<16384xi32, #tpu.memory_space<hbm>>
    tpu.enqueue_dma source(%dma_start3A_19 : memref<16384xi32, #tpu.memory_space<hbm>>) target(%arg14 : memref<16384xi32, #tpu.memory_space<vmem>>) target_semaphore(%arg19 : memref<!tpu.dma_semaphore, #tpu.memory_space<semaphore_mem>>)
    %parallel_loop3A = arith.constant 0 : i32
    %parallel_loop3A_20 = arith.constant 2048 : i32
    %parallel_loop3A_21 = arith.constant 1 : i32
    scf.for %parallel_loop3A_47 = %parallel_loop3A to %parallel_loop3A_20 step %parallel_loop3A_21  : i32 {
      %parallel_loop3A_48 = arith.constant 0.000000e+00 : f32
      %parallel_loop3A_49 = vector.broadcast %parallel_loop3A_48 : f32 to vector<16xf32>
      %parallel_loop3A_50 = arith.constant 16 : i32
      %parallel_loop3A_51 = arith.muli %parallel_loop3A_47, %parallel_loop3A_50 : i32
      %parallel_loop3A_52 = arith.index_cast %parallel_loop3A_51 : i32 to index
      %parallel_loop3A_53 = tpu.vector_load %arg11[%parallel_loop3A_52] {strides = array<i32>} : memref<32768xf32, #tpu.memory_space<vmem>>, vector<16xf32>,
      tpu.vector_store %arg11[%parallel_loop3A_52], %parallel_loop3A_49 {strides = array<i32>} : memref<32768xf32, #tpu.memory_space<vmem>>, vector<16xf32>,
    } {sc.loop_unroll_factor = 8 : i64, sc.parallel_access}
    %dma_wait3A = arith.constant 0 : i32
    %dma_wait3A_22 = tpu.memref_slice %arg3[%dma_wait3A, %add3A_4] : memref<2x1048576xi32, #tpu.memory_space<hbm>> -> memref<1x16384xi32, #tpu.memory_space<hbm>>
    %dma_wait3A_23 = tpu.memref_squeeze %dma_wait3A_22 : memref<1x16384xi32, #tpu.memory_space<hbm>> -> memref<16384xi32, #tpu.memory_space<hbm>>
    %dma_wait3A_24 = tpu.memref_slice %arg3[%dma_wait3A, %add3A_4] : memref<2x1048576xi32, #tpu.memory_space<hbm>> -> memref<1x16384xi32, #tpu.memory_space<hbm>>
    %dma_wait3A_25 = tpu.memref_squeeze %dma_wait3A_24 : memref<1x16384xi32, #tpu.memory_space<hbm>> -> memref<16384xi32, #tpu.memory_space<hbm>>
    tpu.wait_dma2 semaphore(%arg17 : memref<!tpu.dma_semaphore, #tpu.memory_space<semaphore_mem>>) src(%dma_wait3A_25 : memref<16384xi32, #tpu.memory_space<hbm>>) dst(%arg12 : memref<16384xi32, #tpu.memory_space<vmem>>)
    %dma_wait3A_26 = arith.constant 1 : i32
    %dma_wait3A_27 = tpu.memref_slice %arg3[%dma_wait3A_26, %add3A_10] : memref<2x1048576xi32, #tpu.memory_space<hbm>> -> memref<1x16384xi32, #tpu.memory_space<hbm>>
    %dma_wait3A_28 = tpu.memref_squeeze %dma_wait3A_27 : memref<1x16384xi32, #tpu.memory_space<hbm>> -> memref<16384xi32, #tpu.memory_space<hbm>>
    %dma_wait3A_29 = tpu.memref_slice %arg3[%dma_wait3A_26, %add3A_10] : memref<2x1048576xi32, #tpu.memory_space<hbm>> -> memref<1x16384xi32, #tpu.memory_space<hbm>>
    %dma_wait3A_30 = tpu.memref_squeeze %dma_wait3A_29 : memref<1x16384xi32, #tpu.memory_space<hbm>> -> memref<16384xi32, #tpu.memory_space<hbm>>
    tpu.wait_dma2 semaphore(%arg18 : memref<!tpu.dma_semaphore, #tpu.memory_space<semaphore_mem>>) src(%dma_wait3A_30 : memref<16384xi32, #tpu.memory_space<hbm>>) dst(%arg13 : memref<16384xi32, #tpu.memory_space<vmem>>)
    %dma_wait3A_31 = tpu.memref_slice %arg4[%add3A_17] : memref<1048576xi32, #tpu.memory_space<hbm>> -> memref<16384xi32, #tpu.memory_space<hbm>>
    %dma_wait3A_32 = tpu.memref_slice %arg4[%add3A_17] : memref<1048576xi32, #tpu.memory_space<hbm>> -> memref<16384xi32, #tpu.memory_space<hbm>>
    tpu.wait_dma2 semaphore(%arg19 : memref<!tpu.dma_semaphore, #tpu.memory_space<semaphore_mem>>) src(%dma_wait3A_32 : memref<16384xi32, #tpu.memory_space<hbm>>) dst(%arg14 : memref<16384xi32, #tpu.memory_space<vmem>>)
    %parallel_loop3A_33 = arith.constant 0 : i32
    %parallel_loop3A_34 = arith.constant 1024 : i32
    %parallel_loop3A_35 = arith.constant 1 : i32
    scf.for %parallel_loop3A_47 = %parallel_loop3A_33 to %parallel_loop3A_34 step %parallel_loop3A_35  : i32 {
      %parallel_loop3A_48 = arith.constant 16 : i32
      %parallel_loop3A_49 = arith.muli %parallel_loop3A_47, %parallel_loop3A_48 : i32
      %parallel_loop3A_50 = arith.index_cast %parallel_loop3A_49 : i32 to index
      %parallel_loop3A_51 = tpu.vector_load %arg12[%parallel_loop3A_50] {strides = array<i32>} : memref<16384xi32, #tpu.memory_space<vmem>>, vector<16xi32>,
      %parallel_loop3A_52 = arith.constant 16 : i32
      %parallel_loop3A_53 = arith.muli %parallel_loop3A_47, %parallel_loop3A_52 : i32
      %parallel_loop3A_54 = arith.index_cast %parallel_loop3A_53 : i32 to index
      %parallel_loop3A_55 = tpu.vector_load %arg13[%parallel_loop3A_54] {strides = array<i32>} : memref<16384xi32, #tpu.memory_space<vmem>>, vector<16xi32>,
      %parallel_loop3A_56 = arith.constant 16 : i32
      %parallel_loop3A_57 = arith.muli %parallel_loop3A_47, %parallel_loop3A_56 : i32
      %parallel_loop3A_58 = arith.index_cast %parallel_loop3A_57 : i32 to index
      %parallel_loop3A_59 = tpu.vector_load %arg14[%parallel_loop3A_58] {strides = array<i32>} : memref<16384xi32, #tpu.memory_space<vmem>>, vector<16xi32>,
      %parallel_loop3A_60 = arith.constant 10 : i32
      %parallel_loop3A_61 = vector.broadcast %parallel_loop3A_60 : i32 to vector<16xi32>
      %parallel_loop3A_62 = arith.shrui %parallel_loop3A_51, %parallel_loop3A_61 : vector<16xi32>
      %parallel_loop3A_63 = arith.constant 21846 : i32
      %parallel_loop3A_64 = vector.broadcast %parallel_loop3A_63 : i32 to vector<16xi32>
      %parallel_loop3A_65 = arith.muli %parallel_loop3A_62, %parallel_loop3A_64 : vector<16xi32>
      %parallel_loop3A_66 = arith.constant 16 : i32
      %parallel_loop3A_67 = vector.broadcast %parallel_loop3A_66 : i32 to vector<16xi32>
      %parallel_loop3A_68 = arith.shrui %parallel_loop3A_65, %parallel_loop3A_67 : vector<16xi32>
      %parallel_loop3A_69 = arith.constant 2048 : i32
      %parallel_loop3A_70 = vector.broadcast %parallel_loop3A_69 : i32 to vector<16xi32>
      %parallel_loop3A_71 = arith.muli %parallel_loop3A_68, %parallel_loop3A_70 : vector<16xi32>
      %parallel_loop3A_72 = arith.subi %parallel_loop3A_51, %parallel_loop3A_71 : vector<16xi32>
      %parallel_loop3A_73 = arith.constant 2048 : i32
      %parallel_loop3A_74 = vector.broadcast %parallel_loop3A_73 : i32 to vector<16xi32>
      %parallel_loop3A_75 = arith.subi %parallel_loop3A_72, %parallel_loop3A_74 : vector<16xi32>
      %parallel_loop3A_76 = arith.constant 14 : i32
      %parallel_loop3A_77 = vector.broadcast %parallel_loop3A_76 : i32 to vector<16xi32>
      %parallel_loop3A_78 = arith.shli %parallel_loop3A_59, %parallel_loop3A_77 : vector<16xi32>
      %parallel_loop3A_79 = arith.ori %parallel_loop3A_75, %parallel_loop3A_78 : vector<16xi32>
      %parallel_loop3A_80 = arith.constant 16 : i32
      %parallel_loop3A_81 = arith.muli %parallel_loop3A_47, %parallel_loop3A_80 : i32
      %parallel_loop3A_82 = arith.index_cast %parallel_loop3A_81 : i32 to index
      %parallel_loop3A_83 = tpu.vector_load %arg12[%parallel_loop3A_82] {strides = array<i32>} : memref<16384xi32, #tpu.memory_space<vmem>>, vector<16xi32>,
      tpu.vector_store %arg12[%parallel_loop3A_82], %parallel_loop3A_79 {strides = array<i32>} : memref<16384xi32, #tpu.memory_space<vmem>>, vector<16xi32>,
      %parallel_loop3A_84 = arith.constant 10 : i32
      %parallel_loop3A_85 = vector.broadcast %parallel_loop3A_84 : i32 to vector<16xi32>
      %parallel_loop3A_86 = arith.shrui %parallel_loop3A_55, %parallel_loop3A_85 : vector<16xi32>
      %parallel_loop3A_87 = arith.constant 21846 : i32
      %parallel_loop3A_88 = vector.broadcast %parallel_loop3A_87 : i32 to vector<16xi32>
      %parallel_loop3A_89 = arith.muli %parallel_loop3A_86, %parallel_loop3A_88 : vector<16xi32>
      %parallel_loop3A_90 = arith.constant 16 : i32
      %parallel_loop3A_91 = vector.broadcast %parallel_loop3A_90 : i32 to vector<16xi32>
      %parallel_loop3A_92 = arith.shrui %parallel_loop3A_89, %parallel_loop3A_91 : vector<16xi32>
      %parallel_loop3A_93 = arith.constant 1024 : i32
      %parallel_loop3A_94 = vector.broadcast %parallel_loop3A_93 : i32 to vector<16xi32>
      %parallel_loop3A_95 = arith.muli %parallel_loop3A_92, %parallel_loop3A_94 : vector<16xi32>
      %parallel_loop3A_96 = arith.subi %parallel_loop3A_55, %parallel_loop3A_95 : vector<16xi32>
      %parallel_loop3A_97 = arith.constant 16 : i32
      %parallel_loop3A_98 = arith.muli %parallel_loop3A_47, %parallel_loop3A_97 : i32
      %parallel_loop3A_99 = arith.index_cast %parallel_loop3A_98 : i32 to index
      %parallel_loop3A_100 = tpu.vector_load %arg13[%parallel_loop3A_99] {strides = array<i32>} : memref<16384xi32, #tpu.memory_space<vmem>>, vector<16xi32>,
      tpu.vector_store %arg13[%parallel_loop3A_99], %parallel_loop3A_96 {strides = array<i32>} : memref<16384xi32, #tpu.memory_space<vmem>>, vector<16xi32>,
    } {sc.loop_unroll_factor = 8 : i64, sc.parallel_access}
    %dma_start3A_36 = tpu.memref_slice %arg7[%mul3A_2] : memref<524288xi32, #tpu.memory_space<hbm>> -> memref<16384xi32, #tpu.memory_space<hbm>>
    %dma_start3A_37 = tpu.memref_slice %arg7[%mul3A_2] : memref<524288xi32, #tpu.memory_space<hbm>> -> memref<16384xi32, #tpu.memory_space<hbm>>
    tpu.enqueue_dma source(%arg12 : memref<16384xi32, #tpu.memory_space<vmem>>) target(%dma_start3A_37 : memref<16384xi32, #tpu.memory_space<hbm>>) target_semaphore(%arg17 : memref<!tpu.dma_semaphore, #tpu.memory_space<semaphore_mem>>)
    %dma_start3A_38 = tpu.memref_slice %arg8[%mul3A_2] : memref<524288xi32, #tpu.memory_space<hbm>> -> memref<16384xi32, #tpu.memory_space<hbm>>
    %dma_start3A_39 = tpu.memref_slice %arg8[%mul3A_2] : memref<524288xi32, #tpu.memory_space<hbm>> -> memref<16384xi32, #tpu.memory_space<hbm>>
    tpu.enqueue_dma source(%arg13 : memref<16384xi32, #tpu.memory_space<vmem>>) target(%dma_start3A_39 : memref<16384xi32, #tpu.memory_space<hbm>>) target_semaphore(%arg18 : memref<!tpu.dma_semaphore, #tpu.memory_space<semaphore_mem>>)
    tpu.wait_dma2 semaphore(%arg15 : memref<!tpu.dma_semaphore, #tpu.memory_space<semaphore_mem>>) src(%arg2 : memref<16384xf32, #tpu.memory_space<hbm>>) dst(%arg9 : memref<16384xf32, #tpu.memory_space<vmem>>)
    tpu.wait_dma2 semaphore(%arg16 : memref<!tpu.dma_semaphore, #tpu.memory_space<semaphore_mem>>) src(%arg5 : memref<4096xf32, #tpu.memory_space<hbm>>) dst(%arg10 : memref<4096xf32, #tpu.memory_space<vmem>>)
    %parallel_loop3A_40 = arith.constant 0 : i32
    %parallel_loop3A_41 = arith.constant 1024 : i32
    %parallel_loop3A_42 = arith.constant 1 : i32
    scf.for %parallel_loop3A_47 = %parallel_loop3A_40 to %parallel_loop3A_41 step %parallel_loop3A_42  : i32 {
      %parallel_loop3A_48 = arith.constant 16 : i32
      %parallel_loop3A_49 = arith.muli %parallel_loop3A_47, %parallel_loop3A_48 : i32
      %parallel_loop3A_50 = arith.index_cast %parallel_loop3A_49 : i32 to index
      %parallel_loop3A_51 = tpu.vector_load %arg12[%parallel_loop3A_50] {strides = array<i32>} : memref<16384xi32, #tpu.memory_space<vmem>>, vector<16xi32>,
      %parallel_loop3A_52 = arith.constant 16 : i32
      %parallel_loop3A_53 = arith.muli %parallel_loop3A_47, %parallel_loop3A_52 : i32
      %parallel_loop3A_54 = arith.index_cast %parallel_loop3A_53 : i32 to index
      %parallel_loop3A_55 = tpu.vector_load %arg13[%parallel_loop3A_54] {strides = array<i32>} : memref<16384xi32, #tpu.memory_space<vmem>>, vector<16xi32>,
      %parallel_loop3A_56 = arith.constant 16383 : i32
      %parallel_loop3A_57 = vector.broadcast %parallel_loop3A_56 : i32 to vector<16xi32>
      %parallel_loop3A_58 = arith.andi %parallel_loop3A_51, %parallel_loop3A_57 : vector<16xi32>
      %parallel_loop3A_59 = arith.constant 14 : i32
      %parallel_loop3A_60 = vector.broadcast %parallel_loop3A_59 : i32 to vector<16xi32>
      %parallel_loop3A_61 = arith.shrui %parallel_loop3A_51, %parallel_loop3A_60 : vector<16xi32>
      %parallel_loop3A_62 = tpu.vector_load_idx %arg9[%parallel_loop3A_58] : memref<16384xf32, #tpu.memory_space<vmem>>[vector<16xi32>], vector<16xf32>,
      %parallel_loop3A_63 = tpu.vector_load_idx %arg10[%parallel_loop3A_61] : memref<4096xf32, #tpu.memory_space<vmem>>[vector<16xi32>], vector<16xf32>,
      %parallel_loop3A_64 = arith.mulf %parallel_loop3A_62, %parallel_loop3A_63 : vector<16xf32>
      %parallel_loop3A_65 = math.exp %parallel_loop3A_64 : vector<16xf32>
      tpu.vector_store_idx %arg11[%parallel_loop3A_55], %parallel_loop3A_65 {add = true} : memref<32768xf32, #tpu.memory_space<vmem>>[vector<16xi32>], vector<16xf32>,
    } {sc.loop_unroll_factor = 16 : i64, sc.parallel_access}
    "tpu.region"() ({
      %run_scoped3A = tpu.sem_alloc : memref<!tpu.dma_semaphore, #tpu.memory_space<semaphore_mem>>
      %dma_start3A_47 = arith.constant 0 : i32
      %dma_start3A_48 = tpu.memref_slice %arg6[%add3A, %dma_start3A_47] : memref<32x32768xf32, #tpu.memory_space<hbm>> -> memref<1x32768xf32, #tpu.memory_space<hbm>>
      %dma_start3A_49 = tpu.memref_squeeze %dma_start3A_48 : memref<1x32768xf32, #tpu.memory_space<hbm>> -> memref<32768xf32, #tpu.memory_space<hbm>>
      %dma_start3A_50 = arith.constant 0 : i32
      %dma_start3A_51 = tpu.memref_slice %arg6[%add3A, %dma_start3A_50] : memref<32x32768xf32, #tpu.memory_space<hbm>> -> memref<1x32768xf32, #tpu.memory_space<hbm>>
      %dma_start3A_52 = tpu.memref_squeeze %dma_start3A_51 : memref<1x32768xf32, #tpu.memory_space<hbm>> -> memref<32768xf32, #tpu.memory_space<hbm>>
      tpu.enqueue_dma source(%arg11 : memref<32768xf32, #tpu.memory_space<vmem>>) target(%dma_start3A_52 : memref<32768xf32, #tpu.memory_space<hbm>>) target_semaphore(%run_scoped3A : memref<!tpu.dma_semaphore, #tpu.memory_space<semaphore_mem>>)
      %dma_wait3A_53 = arith.constant 0 : i32
      %dma_wait3A_54 = tpu.memref_slice %arg6[%add3A, %dma_wait3A_53] : memref<32x32768xf32, #tpu.memory_space<hbm>> -> memref<1x32768xf32, #tpu.memory_space<hbm>>
      %dma_wait3A_55 = tpu.memref_squeeze %dma_wait3A_54 : memref<1x32768xf32, #tpu.memory_space<hbm>> -> memref<32768xf32, #tpu.memory_space<hbm>>
      %dma_wait3A_56 = arith.constant 0 : i32
      %dma_wait3A_57 = tpu.memref_slice %arg6[%add3A, %dma_wait3A_56] : memref<32x32768xf32, #tpu.memory_space<hbm>> -> memref<1x32768xf32, #tpu.memory_space<hbm>>
      %dma_wait3A_58 = tpu.memref_squeeze %dma_wait3A_57 : memref<1x32768xf32, #tpu.memory_space<hbm>> -> memref<32768xf32, #tpu.memory_space<hbm>>
      tpu.wait_dma2 semaphore(%run_scoped3A : memref<!tpu.dma_semaphore, #tpu.memory_space<semaphore_mem>>) src(%arg11 : memref<32768xf32, #tpu.memory_space<vmem>>) dst(%dma_wait3A_58 : memref<32768xf32, #tpu.memory_space<hbm>>)
      tpu.yield
    }) : () -> ()
    %dma_wait3A_43 = tpu.memref_slice %arg7[%mul3A_2] : memref<524288xi32, #tpu.memory_space<hbm>> -> memref<16384xi32, #tpu.memory_space<hbm>>
    %dma_wait3A_44 = tpu.memref_slice %arg7[%mul3A_2] : memref<524288xi32, #tpu.memory_space<hbm>> -> memref<16384xi32, #tpu.memory_space<hbm>>
    tpu.wait_dma2 semaphore(%arg17 : memref<!tpu.dma_semaphore, #tpu.memory_space<semaphore_mem>>) src(%arg12 : memref<16384xi32, #tpu.memory_space<vmem>>) dst(%dma_wait3A_44 : memref<16384xi32, #tpu.memory_space<hbm>>)
    %dma_wait3A_45 = tpu.memref_slice %arg8[%mul3A_2] : memref<524288xi32, #tpu.memory_space<hbm>> -> memref<16384xi32, #tpu.memory_space<hbm>>
    %dma_wait3A_46 = tpu.memref_slice %arg8[%mul3A_2] : memref<524288xi32, #tpu.memory_space<hbm>> -> memref<16384xi32, #tpu.memory_space<hbm>>
    tpu.wait_dma2 semaphore(%arg18 : memref<!tpu.dma_semaphore, #tpu.memory_space<semaphore_mem>>) src(%arg13 : memref<16384xi32, #tpu.memory_space<vmem>>) dst(%dma_wait3A_46 : memref<16384xi32, #tpu.memory_space<hbm>>)
    return
  }
}

#map = affine_map<(d0, d1) -> (0)>
#map1 = affine_map<(d0, d1) -> (0, 0)>
module attributes {stable_mosaic.version = 14 : i64} {
  func.func @k(%arg0: i32, %arg1: i32, %arg2: memref<16384xf32, #tpu.memory_space<hbm>>, %arg3: memref<524288xi32, #tpu.memory_space<hbm>>, %arg4: memref<524288xi32, #tpu.memory_space<hbm>>, %arg5: memref<4096xf32, #tpu.memory_space<hbm>>, %arg6: memref<32x32768xf32, #tpu.memory_space<hbm>>, %arg7: memref<16384xf32, #tpu.memory_space<vmem>>, %arg8: memref<4096xf32, #tpu.memory_space<vmem>>, %arg9: memref<32768xf32, #tpu.memory_space<vmem>>, %arg10: memref<16384xi32, #tpu.memory_space<vmem>>, %arg11: memref<16384xi32, #tpu.memory_space<vmem>>, %arg12: memref<!tpu.dma_semaphore, #tpu.memory_space<semaphore_mem>>) attributes {dimension_semantics = [#tpu.dimension_semantics<core_parallel>, #tpu.dimension_semantics<subcore_parallel>], iteration_bounds = array<i64: 2, 16>, scalar_prefetch = 0 : i64, scratch_operands = 6 : i64, tpu.core_type = #tpu.core_type<sc_vector_subcore>, window_params = [{transform_indices = #map}, {transform_indices = #map}, {transform_indices = #map}, {transform_indices = #map}, {transform_indices = #map1}]} {
    %mul3A = arith.constant 2 : i32
    %mul3A_0 = arith.muli %arg1, %mul3A : i32
    %add3A = arith.addi %mul3A_0, %arg0 : i32
    %mul3A_1 = arith.constant 16384 : i32
    %mul3A_2 = arith.muli %add3A, %mul3A_1 : i32
    tpu.enqueue_dma source(%arg2 : memref<16384xf32, #tpu.memory_space<hbm>>) target(%arg7 : memref<16384xf32, #tpu.memory_space<vmem>>) target_semaphore(%arg12 : memref<!tpu.dma_semaphore, #tpu.memory_space<semaphore_mem>>)
    tpu.enqueue_dma source(%arg5 : memref<4096xf32, #tpu.memory_space<hbm>>) target(%arg8 : memref<4096xf32, #tpu.memory_space<vmem>>) target_semaphore(%arg12 : memref<!tpu.dma_semaphore, #tpu.memory_space<semaphore_mem>>)
    %dma_start3A = tpu.memref_slice %arg3[%mul3A_2] : memref<524288xi32, #tpu.memory_space<hbm>> -> memref<16384xi32, #tpu.memory_space<hbm>>
    %dma_start3A_3 = tpu.memref_slice %arg3[%mul3A_2] : memref<524288xi32, #tpu.memory_space<hbm>> -> memref<16384xi32, #tpu.memory_space<hbm>>
    tpu.enqueue_dma source(%dma_start3A_3 : memref<16384xi32, #tpu.memory_space<hbm>>) target(%arg10 : memref<16384xi32, #tpu.memory_space<vmem>>) target_semaphore(%arg12 : memref<!tpu.dma_semaphore, #tpu.memory_space<semaphore_mem>>)
    %dma_start3A_4 = tpu.memref_slice %arg4[%mul3A_2] : memref<524288xi32, #tpu.memory_space<hbm>> -> memref<16384xi32, #tpu.memory_space<hbm>>
    %dma_start3A_5 = tpu.memref_slice %arg4[%mul3A_2] : memref<524288xi32, #tpu.memory_space<hbm>> -> memref<16384xi32, #tpu.memory_space<hbm>>
    tpu.enqueue_dma source(%dma_start3A_5 : memref<16384xi32, #tpu.memory_space<hbm>>) target(%arg11 : memref<16384xi32, #tpu.memory_space<vmem>>) target_semaphore(%arg12 : memref<!tpu.dma_semaphore, #tpu.memory_space<semaphore_mem>>)
    %parallel_loop3A = arith.constant 0 : i32
    %parallel_loop3A_6 = arith.constant 2048 : i32
    %parallel_loop3A_7 = arith.constant 1 : i32
    scf.for %parallel_loop3A_14 = %parallel_loop3A to %parallel_loop3A_6 step %parallel_loop3A_7  : i32 {
      %parallel_loop3A_15 = arith.constant 0.000000e+00 : f32
      %parallel_loop3A_16 = vector.broadcast %parallel_loop3A_15 : f32 to vector<16xf32>
      %parallel_loop3A_17 = arith.constant 16 : i32
      %parallel_loop3A_18 = arith.muli %parallel_loop3A_14, %parallel_loop3A_17 : i32
      %parallel_loop3A_19 = arith.index_cast %parallel_loop3A_18 : i32 to index
      %parallel_loop3A_20 = tpu.vector_load %arg9[%parallel_loop3A_19] {strides = array<i32>} : memref<32768xf32, #tpu.memory_space<vmem>>, vector<16xf32>,
      tpu.vector_store %arg9[%parallel_loop3A_19], %parallel_loop3A_16 {strides = array<i32>} : memref<32768xf32, #tpu.memory_space<vmem>>, vector<16xf32>,
    } {sc.loop_unroll_factor = 8 : i64, sc.parallel_access}
    tpu.wait_dma2 semaphore(%arg12 : memref<!tpu.dma_semaphore, #tpu.memory_space<semaphore_mem>>) src(%arg2 : memref<16384xf32, #tpu.memory_space<hbm>>) dst(%arg7 : memref<16384xf32, #tpu.memory_space<vmem>>)
    tpu.wait_dma2 semaphore(%arg12 : memref<!tpu.dma_semaphore, #tpu.memory_space<semaphore_mem>>) src(%arg5 : memref<4096xf32, #tpu.memory_space<hbm>>) dst(%arg8 : memref<4096xf32, #tpu.memory_space<vmem>>)
    %dma_wait3A = tpu.memref_slice %arg3[%mul3A_2] : memref<524288xi32, #tpu.memory_space<hbm>> -> memref<16384xi32, #tpu.memory_space<hbm>>
    %dma_wait3A_8 = tpu.memref_slice %arg3[%mul3A_2] : memref<524288xi32, #tpu.memory_space<hbm>> -> memref<16384xi32, #tpu.memory_space<hbm>>
    tpu.wait_dma2 semaphore(%arg12 : memref<!tpu.dma_semaphore, #tpu.memory_space<semaphore_mem>>) src(%dma_wait3A_8 : memref<16384xi32, #tpu.memory_space<hbm>>) dst(%arg10 : memref<16384xi32, #tpu.memory_space<vmem>>)
    %dma_wait3A_9 = tpu.memref_slice %arg4[%mul3A_2] : memref<524288xi32, #tpu.memory_space<hbm>> -> memref<16384xi32, #tpu.memory_space<hbm>>
    %dma_wait3A_10 = tpu.memref_slice %arg4[%mul3A_2] : memref<524288xi32, #tpu.memory_space<hbm>> -> memref<16384xi32, #tpu.memory_space<hbm>>
    tpu.wait_dma2 semaphore(%arg12 : memref<!tpu.dma_semaphore, #tpu.memory_space<semaphore_mem>>) src(%dma_wait3A_10 : memref<16384xi32, #tpu.memory_space<hbm>>) dst(%arg11 : memref<16384xi32, #tpu.memory_space<vmem>>)
    %parallel_loop3A_11 = arith.constant 0 : i32
    %parallel_loop3A_12 = arith.constant 1024 : i32
    %parallel_loop3A_13 = arith.constant 1 : i32
    scf.for %parallel_loop3A_14 = %parallel_loop3A_11 to %parallel_loop3A_12 step %parallel_loop3A_13  : i32 {
      %parallel_loop3A_15 = arith.constant 16 : i32
      %parallel_loop3A_16 = arith.muli %parallel_loop3A_14, %parallel_loop3A_15 : i32
      %parallel_loop3A_17 = arith.index_cast %parallel_loop3A_16 : i32 to index
      %parallel_loop3A_18 = tpu.vector_load %arg10[%parallel_loop3A_17] {strides = array<i32>} : memref<16384xi32, #tpu.memory_space<vmem>>, vector<16xi32>,
      %parallel_loop3A_19 = arith.constant 16 : i32
      %parallel_loop3A_20 = arith.muli %parallel_loop3A_14, %parallel_loop3A_19 : i32
      %parallel_loop3A_21 = arith.index_cast %parallel_loop3A_20 : i32 to index
      %parallel_loop3A_22 = tpu.vector_load %arg11[%parallel_loop3A_21] {strides = array<i32>} : memref<16384xi32, #tpu.memory_space<vmem>>, vector<16xi32>,
      %parallel_loop3A_23 = arith.constant 16383 : i32
      %parallel_loop3A_24 = vector.broadcast %parallel_loop3A_23 : i32 to vector<16xi32>
      %parallel_loop3A_25 = arith.andi %parallel_loop3A_18, %parallel_loop3A_24 : vector<16xi32>
      %parallel_loop3A_26 = arith.constant 14 : i32
      %parallel_loop3A_27 = vector.broadcast %parallel_loop3A_26 : i32 to vector<16xi32>
      %parallel_loop3A_28 = arith.shrui %parallel_loop3A_18, %parallel_loop3A_27 : vector<16xi32>
      %parallel_loop3A_29 = tpu.vector_load_idx %arg7[%parallel_loop3A_25] : memref<16384xf32, #tpu.memory_space<vmem>>[vector<16xi32>], vector<16xf32>,
      %parallel_loop3A_30 = tpu.vector_load_idx %arg8[%parallel_loop3A_28] : memref<4096xf32, #tpu.memory_space<vmem>>[vector<16xi32>], vector<16xf32>,
      %parallel_loop3A_31 = arith.mulf %parallel_loop3A_29, %parallel_loop3A_30 : vector<16xf32>
      %parallel_loop3A_32 = math.exp %parallel_loop3A_31 : vector<16xf32>
      tpu.vector_store_idx %arg9[%parallel_loop3A_22], %parallel_loop3A_32 {add = true} : memref<32768xf32, #tpu.memory_space<vmem>>[vector<16xi32>], vector<16xf32>,
    } {sc.loop_unroll_factor = 16 : i64, sc.parallel_access}
    "tpu.region"() ({
      %run_scoped3A = tpu.sem_alloc : memref<!tpu.dma_semaphore, #tpu.memory_space<semaphore_mem>>
      %dma_start3A_14 = arith.constant 0 : i32
      %dma_start3A_15 = tpu.memref_slice %arg6[%add3A, %dma_start3A_14] : memref<32x32768xf32, #tpu.memory_space<hbm>> -> memref<1x32768xf32, #tpu.memory_space<hbm>>
      %dma_start3A_16 = tpu.memref_squeeze %dma_start3A_15 : memref<1x32768xf32, #tpu.memory_space<hbm>> -> memref<32768xf32, #tpu.memory_space<hbm>>
      %dma_start3A_17 = arith.constant 0 : i32
      %dma_start3A_18 = tpu.memref_slice %arg6[%add3A, %dma_start3A_17] : memref<32x32768xf32, #tpu.memory_space<hbm>> -> memref<1x32768xf32, #tpu.memory_space<hbm>>
      %dma_start3A_19 = tpu.memref_squeeze %dma_start3A_18 : memref<1x32768xf32, #tpu.memory_space<hbm>> -> memref<32768xf32, #tpu.memory_space<hbm>>
      tpu.enqueue_dma source(%arg9 : memref<32768xf32, #tpu.memory_space<vmem>>) target(%dma_start3A_19 : memref<32768xf32, #tpu.memory_space<hbm>>) target_semaphore(%run_scoped3A : memref<!tpu.dma_semaphore, #tpu.memory_space<semaphore_mem>>)
      %dma_wait3A_20 = arith.constant 0 : i32
      %dma_wait3A_21 = tpu.memref_slice %arg6[%add3A, %dma_wait3A_20] : memref<32x32768xf32, #tpu.memory_space<hbm>> -> memref<1x32768xf32, #tpu.memory_space<hbm>>
      %dma_wait3A_22 = tpu.memref_squeeze %dma_wait3A_21 : memref<1x32768xf32, #tpu.memory_space<hbm>> -> memref<32768xf32, #tpu.memory_space<hbm>>
      %dma_wait3A_23 = arith.constant 0 : i32
      %dma_wait3A_24 = tpu.memref_slice %arg6[%add3A, %dma_wait3A_23] : memref<32x32768xf32, #tpu.memory_space<hbm>> -> memref<1x32768xf32, #tpu.memory_space<hbm>>
      %dma_wait3A_25 = tpu.memref_squeeze %dma_wait3A_24 : memref<1x32768xf32, #tpu.memory_space<hbm>> -> memref<32768xf32, #tpu.memory_space<hbm>>
      tpu.wait_dma2 semaphore(%run_scoped3A : memref<!tpu.dma_semaphore, #tpu.memory_space<semaphore_mem>>) src(%arg9 : memref<32768xf32, #tpu.memory_space<vmem>>) dst(%dma_wait3A_25 : memref<32768xf32, #tpu.memory_space<hbm>>)
      tpu.yield
    }) : () -> ()
    return
  }
}

#map = affine_map<(d0, d1) -> (0)>
#map1 = affine_map<(d0, d1) -> (0, 0)>
module attributes {stable_mosaic.version = 14 : i64} {
  func.func @k(%arg0: i32, %arg1: i32, %arg2: memref<32768xf32, #tpu.memory_space<hbm>>, %arg3: memref<524288xi32, #tpu.memory_space<hbm>>, %arg4: memref<32x16384xf32, #tpu.memory_space<hbm>>, %arg5: memref<32768xf32, #tpu.memory_space<vmem>>, %arg6: memref<16384xf32, #tpu.memory_space<vmem>>, %arg7: memref<16384xi32, #tpu.memory_space<vmem>>, %arg8: memref<!tpu.dma_semaphore, #tpu.memory_space<semaphore_mem>>) attributes {dimension_semantics = [#tpu.dimension_semantics<core_parallel>, #tpu.dimension_semantics<subcore_parallel>], iteration_bounds = array<i64: 2, 16>, scalar_prefetch = 0 : i64, scratch_operands = 4 : i64, tpu.core_type = #tpu.core_type<sc_vector_subcore>, window_params = [{transform_indices = #map}, {transform_indices = #map}, {transform_indices = #map1}]} {
    %mul3A = arith.constant 2 : i32
    %mul3A_0 = arith.muli %arg1, %mul3A : i32
    %add3A = arith.addi %mul3A_0, %arg0 : i32
    %mul3A_1 = arith.constant 16384 : i32
    %mul3A_2 = arith.muli %add3A, %mul3A_1 : i32
    tpu.enqueue_dma source(%arg2 : memref<32768xf32, #tpu.memory_space<hbm>>) target(%arg5 : memref<32768xf32, #tpu.memory_space<vmem>>) target_semaphore(%arg8 : memref<!tpu.dma_semaphore, #tpu.memory_space<semaphore_mem>>)
    %dma_start3A = tpu.memref_slice %arg3[%mul3A_2] : memref<524288xi32, #tpu.memory_space<hbm>> -> memref<16384xi32, #tpu.memory_space<hbm>>
    %dma_start3A_3 = tpu.memref_slice %arg3[%mul3A_2] : memref<524288xi32, #tpu.memory_space<hbm>> -> memref<16384xi32, #tpu.memory_space<hbm>>
    tpu.enqueue_dma source(%dma_start3A_3 : memref<16384xi32, #tpu.memory_space<hbm>>) target(%arg7 : memref<16384xi32, #tpu.memory_space<vmem>>) target_semaphore(%arg8 : memref<!tpu.dma_semaphore, #tpu.memory_space<semaphore_mem>>)
    %parallel_loop3A = arith.constant 0 : i32
    %parallel_loop3A_4 = arith.constant 1024 : i32
    %parallel_loop3A_5 = arith.constant 1 : i32
    scf.for %parallel_loop3A_10 = %parallel_loop3A to %parallel_loop3A_4 step %parallel_loop3A_5  : i32 {
      %parallel_loop3A_11 = arith.constant 0.000000e+00 : f32
      %parallel_loop3A_12 = vector.broadcast %parallel_loop3A_11 : f32 to vector<16xf32>
      %parallel_loop3A_13 = arith.constant 16 : i32
      %parallel_loop3A_14 = arith.muli %parallel_loop3A_10, %parallel_loop3A_13 : i32
      %parallel_loop3A_15 = arith.index_cast %parallel_loop3A_14 : i32 to index
      %parallel_loop3A_16 = tpu.vector_load %arg6[%parallel_loop3A_15] {strides = array<i32>} : memref<16384xf32, #tpu.memory_space<vmem>>, vector<16xf32>,
      tpu.vector_store %arg6[%parallel_loop3A_15], %parallel_loop3A_12 {strides = array<i32>} : memref<16384xf32, #tpu.memory_space<vmem>>, vector<16xf32>,
    } {sc.loop_unroll_factor = 8 : i64, sc.parallel_access}
    tpu.wait_dma2 semaphore(%arg8 : memref<!tpu.dma_semaphore, #tpu.memory_space<semaphore_mem>>) src(%arg2 : memref<32768xf32, #tpu.memory_space<hbm>>) dst(%arg5 : memref<32768xf32, #tpu.memory_space<vmem>>)
    %dma_wait3A = tpu.memref_slice %arg3[%mul3A_2] : memref<524288xi32, #tpu.memory_space<hbm>> -> memref<16384xi32, #tpu.memory_space<hbm>>
    %dma_wait3A_6 = tpu.memref_slice %arg3[%mul3A_2] : memref<524288xi32, #tpu.memory_space<hbm>> -> memref<16384xi32, #tpu.memory_space<hbm>>
    tpu.wait_dma2 semaphore(%arg8 : memref<!tpu.dma_semaphore, #tpu.memory_space<semaphore_mem>>) src(%dma_wait3A_6 : memref<16384xi32, #tpu.memory_space<hbm>>) dst(%arg7 : memref<16384xi32, #tpu.memory_space<vmem>>)
    %parallel_loop3A_7 = arith.constant 0 : i32
    %parallel_loop3A_8 = arith.constant 1024 : i32
    %parallel_loop3A_9 = arith.constant 1 : i32
    scf.for %parallel_loop3A_10 = %parallel_loop3A_7 to %parallel_loop3A_8 step %parallel_loop3A_9  : i32 {
      %parallel_loop3A_11 = arith.constant 16 : i32
      %parallel_loop3A_12 = arith.muli %parallel_loop3A_10, %parallel_loop3A_11 : i32
      %parallel_loop3A_13 = arith.index_cast %parallel_loop3A_12 : i32 to index
      %parallel_loop3A_14 = tpu.vector_load %arg7[%parallel_loop3A_13] {strides = array<i32>} : memref<16384xi32, #tpu.memory_space<vmem>>, vector<16xi32>,
      %parallel_loop3A_15 = arith.constant 32767 : i32
      %parallel_loop3A_16 = vector.broadcast %parallel_loop3A_15 : i32 to vector<16xi32>
      %parallel_loop3A_17 = arith.andi %parallel_loop3A_14, %parallel_loop3A_16 : vector<16xi32>
      %parallel_loop3A_18 = arith.constant 15 : i32
      %parallel_loop3A_19 = vector.broadcast %parallel_loop3A_18 : i32 to vector<16xi32>
      %parallel_loop3A_20 = arith.shrui %parallel_loop3A_14, %parallel_loop3A_19 : vector<16xi32>
      %parallel_loop3A_21 = tpu.vector_load_idx %arg5[%parallel_loop3A_17] : memref<32768xf32, #tpu.memory_space<vmem>>[vector<16xi32>], vector<16xf32>,
      tpu.vector_store_idx %arg6[%parallel_loop3A_20], %parallel_loop3A_21 {add = true} : memref<16384xf32, #tpu.memory_space<vmem>>[vector<16xi32>], vector<16xf32>,
    } {sc.loop_unroll_factor = 16 : i64, sc.parallel_access}
    "tpu.region"() ({
      %run_scoped3A = tpu.sem_alloc : memref<!tpu.dma_semaphore, #tpu.memory_space<semaphore_mem>>
      %dma_start3A_10 = arith.constant 0 : i32
      %dma_start3A_11 = tpu.memref_slice %arg4[%add3A, %dma_start3A_10] : memref<32x16384xf32, #tpu.memory_space<hbm>> -> memref<1x16384xf32, #tpu.memory_space<hbm>>
      %dma_start3A_12 = tpu.memref_squeeze %dma_start3A_11 : memref<1x16384xf32, #tpu.memory_space<hbm>> -> memref<16384xf32, #tpu.memory_space<hbm>>
      %dma_start3A_13 = arith.constant 0 : i32
      %dma_start3A_14 = tpu.memref_slice %arg4[%add3A, %dma_start3A_13] : memref<32x16384xf32, #tpu.memory_space<hbm>> -> memref<1x16384xf32, #tpu.memory_space<hbm>>
      %dma_start3A_15 = tpu.memref_squeeze %dma_start3A_14 : memref<1x16384xf32, #tpu.memory_space<hbm>> -> memref<16384xf32, #tpu.memory_space<hbm>>
      tpu.enqueue_dma source(%arg6 : memref<16384xf32, #tpu.memory_space<vmem>>) target(%dma_start3A_15 : memref<16384xf32, #tpu.memory_space<hbm>>) target_semaphore(%run_scoped3A : memref<!tpu.dma_semaphore, #tpu.memory_space<semaphore_mem>>)
      %dma_wait3A_16 = arith.constant 0 : i32
      %dma_wait3A_17 = tpu.memref_slice %arg4[%add3A, %dma_wait3A_16] : memref<32x16384xf32, #tpu.memory_space<hbm>> -> memref<1x16384xf32, #tpu.memory_space<hbm>>
      %dma_wait3A_18 = tpu.memref_squeeze %dma_wait3A_17 : memref<1x16384xf32, #tpu.memory_space<hbm>> -> memref<16384xf32, #tpu.memory_space<hbm>>
      %dma_wait3A_19 = arith.constant 0 : i32
      %dma_wait3A_20 = tpu.memref_slice %arg4[%add3A, %dma_wait3A_19] : memref<32x16384xf32, #tpu.memory_space<hbm>> -> memref<1x16384xf32, #tpu.memory_space<hbm>>
      %dma_wait3A_21 = tpu.memref_squeeze %dma_wait3A_20 : memref<1x16384xf32, #tpu.memory_space<hbm>> -> memref<16384xf32, #tpu.memory_space<hbm>>
      tpu.wait_dma2 semaphore(%run_scoped3A : memref<!tpu.dma_semaphore, #tpu.memory_space<semaphore_mem>>) src(%arg6 : memref<16384xf32, #tpu.memory_space<vmem>>) dst(%dma_wait3A_21 : memref<16384xf32, #tpu.memory_space<hbm>>)
      tpu.yield
    }) : () -> ()
    return
  }
}

#map = affine_map<(d0, d1) -> (0)>
#map1 = affine_map<(d0, d1) -> (0, 0)>
module attributes {stable_mosaic.version = 14 : i64} {
  func.func @k(%arg0: i32, %arg1: i32, %arg2: memref<16384xf32, #tpu.memory_space<hbm>>, %arg3: memref<524288xi32, #tpu.memory_space<hbm>>, %arg4: memref<524288xi32, #tpu.memory_space<hbm>>, %arg5: memref<4096xf32, #tpu.memory_space<hbm>>, %arg6: memref<32x32768xf32, #tpu.memory_space<hbm>>, %arg7: memref<16384xf32, #tpu.memory_space<vmem>>, %arg8: memref<4096xf32, #tpu.memory_space<vmem>>, %arg9: memref<32768xf32, #tpu.memory_space<vmem>>, %arg10: memref<16384xi32, #tpu.memory_space<vmem>>, %arg11: memref<16384xi32, #tpu.memory_space<vmem>>, %arg12: memref<!tpu.dma_semaphore, #tpu.memory_space<semaphore_mem>>) attributes {dimension_semantics = [#tpu.dimension_semantics<core_parallel>, #tpu.dimension_semantics<subcore_parallel>], iteration_bounds = array<i64: 2, 16>, scalar_prefetch = 0 : i64, scratch_operands = 6 : i64, tpu.core_type = #tpu.core_type<sc_vector_subcore>, window_params = [{transform_indices = #map}, {transform_indices = #map}, {transform_indices = #map}, {transform_indices = #map}, {transform_indices = #map1}]} {
    %mul3A = arith.constant 2 : i32
    %mul3A_0 = arith.muli %arg1, %mul3A : i32
    %add3A = arith.addi %mul3A_0, %arg0 : i32
    %mul3A_1 = arith.constant 16384 : i32
    %mul3A_2 = arith.muli %add3A, %mul3A_1 : i32
    tpu.enqueue_dma source(%arg2 : memref<16384xf32, #tpu.memory_space<hbm>>) target(%arg7 : memref<16384xf32, #tpu.memory_space<vmem>>) target_semaphore(%arg12 : memref<!tpu.dma_semaphore, #tpu.memory_space<semaphore_mem>>)
    tpu.enqueue_dma source(%arg5 : memref<4096xf32, #tpu.memory_space<hbm>>) target(%arg8 : memref<4096xf32, #tpu.memory_space<vmem>>) target_semaphore(%arg12 : memref<!tpu.dma_semaphore, #tpu.memory_space<semaphore_mem>>)
    %dma_start3A = tpu.memref_slice %arg3[%mul3A_2] : memref<524288xi32, #tpu.memory_space<hbm>> -> memref<16384xi32, #tpu.memory_space<hbm>>
    %dma_start3A_3 = tpu.memref_slice %arg3[%mul3A_2] : memref<524288xi32, #tpu.memory_space<hbm>> -> memref<16384xi32, #tpu.memory_space<hbm>>
    tpu.enqueue_dma source(%dma_start3A_3 : memref<16384xi32, #tpu.memory_space<hbm>>) target(%arg10 : memref<16384xi32, #tpu.memory_space<vmem>>) target_semaphore(%arg12 : memref<!tpu.dma_semaphore, #tpu.memory_space<semaphore_mem>>)
    %dma_start3A_4 = tpu.memref_slice %arg4[%mul3A_2] : memref<524288xi32, #tpu.memory_space<hbm>> -> memref<16384xi32, #tpu.memory_space<hbm>>
    %dma_start3A_5 = tpu.memref_slice %arg4[%mul3A_2] : memref<524288xi32, #tpu.memory_space<hbm>> -> memref<16384xi32, #tpu.memory_space<hbm>>
    tpu.enqueue_dma source(%dma_start3A_5 : memref<16384xi32, #tpu.memory_space<hbm>>) target(%arg11 : memref<16384xi32, #tpu.memory_space<vmem>>) target_semaphore(%arg12 : memref<!tpu.dma_semaphore, #tpu.memory_space<semaphore_mem>>)
    %parallel_loop3A = arith.constant 0 : i32
    %parallel_loop3A_6 = arith.constant 2048 : i32
    %parallel_loop3A_7 = arith.constant 1 : i32
    scf.for %parallel_loop3A_14 = %parallel_loop3A to %parallel_loop3A_6 step %parallel_loop3A_7  : i32 {
      %parallel_loop3A_15 = arith.constant 0.000000e+00 : f32
      %parallel_loop3A_16 = vector.broadcast %parallel_loop3A_15 : f32 to vector<16xf32>
      %parallel_loop3A_17 = arith.constant 16 : i32
      %parallel_loop3A_18 = arith.muli %parallel_loop3A_14, %parallel_loop3A_17 : i32
      %parallel_loop3A_19 = arith.index_cast %parallel_loop3A_18 : i32 to index
      %parallel_loop3A_20 = tpu.vector_load %arg9[%parallel_loop3A_19] {strides = array<i32>} : memref<32768xf32, #tpu.memory_space<vmem>>, vector<16xf32>,
      tpu.vector_store %arg9[%parallel_loop3A_19], %parallel_loop3A_16 {strides = array<i32>} : memref<32768xf32, #tpu.memory_space<vmem>>, vector<16xf32>,
    } {sc.loop_unroll_factor = 8 : i64, sc.parallel_access}
    tpu.wait_dma2 semaphore(%arg12 : memref<!tpu.dma_semaphore, #tpu.memory_space<semaphore_mem>>) src(%arg2 : memref<16384xf32, #tpu.memory_space<hbm>>) dst(%arg7 : memref<16384xf32, #tpu.memory_space<vmem>>)
    tpu.wait_dma2 semaphore(%arg12 : memref<!tpu.dma_semaphore, #tpu.memory_space<semaphore_mem>>) src(%arg5 : memref<4096xf32, #tpu.memory_space<hbm>>) dst(%arg8 : memref<4096xf32, #tpu.memory_space<vmem>>)
    %dma_wait3A = tpu.memref_slice %arg3[%mul3A_2] : memref<524288xi32, #tpu.memory_space<hbm>> -> memref<16384xi32, #tpu.memory_space<hbm>>
    %dma_wait3A_8 = tpu.memref_slice %arg3[%mul3A_2] : memref<524288xi32, #tpu.memory_space<hbm>> -> memref<16384xi32, #tpu.memory_space<hbm>>
    tpu.wait_dma2 semaphore(%arg12 : memref<!tpu.dma_semaphore, #tpu.memory_space<semaphore_mem>>) src(%dma_wait3A_8 : memref<16384xi32, #tpu.memory_space<hbm>>) dst(%arg10 : memref<16384xi32, #tpu.memory_space<vmem>>)
    %dma_wait3A_9 = tpu.memref_slice %arg4[%mul3A_2] : memref<524288xi32, #tpu.memory_space<hbm>> -> memref<16384xi32, #tpu.memory_space<hbm>>
    %dma_wait3A_10 = tpu.memref_slice %arg4[%mul3A_2] : memref<524288xi32, #tpu.memory_space<hbm>> -> memref<16384xi32, #tpu.memory_space<hbm>>
    tpu.wait_dma2 semaphore(%arg12 : memref<!tpu.dma_semaphore, #tpu.memory_space<semaphore_mem>>) src(%dma_wait3A_10 : memref<16384xi32, #tpu.memory_space<hbm>>) dst(%arg11 : memref<16384xi32, #tpu.memory_space<vmem>>)
    %parallel_loop3A_11 = arith.constant 0 : i32
    %parallel_loop3A_12 = arith.constant 1024 : i32
    %parallel_loop3A_13 = arith.constant 1 : i32
    scf.for %parallel_loop3A_14 = %parallel_loop3A_11 to %parallel_loop3A_12 step %parallel_loop3A_13  : i32 {
      %parallel_loop3A_15 = arith.constant 16 : i32
      %parallel_loop3A_16 = arith.muli %parallel_loop3A_14, %parallel_loop3A_15 : i32
      %parallel_loop3A_17 = arith.index_cast %parallel_loop3A_16 : i32 to index
      %parallel_loop3A_18 = tpu.vector_load %arg10[%parallel_loop3A_17] {strides = array<i32>} : memref<16384xi32, #tpu.memory_space<vmem>>, vector<16xi32>,
      %parallel_loop3A_19 = arith.constant 16 : i32
      %parallel_loop3A_20 = arith.muli %parallel_loop3A_14, %parallel_loop3A_19 : i32
      %parallel_loop3A_21 = arith.index_cast %parallel_loop3A_20 : i32 to index
      %parallel_loop3A_22 = tpu.vector_load %arg11[%parallel_loop3A_21] {strides = array<i32>} : memref<16384xi32, #tpu.memory_space<vmem>>, vector<16xi32>,
      %parallel_loop3A_23 = arith.constant 16383 : i32
      %parallel_loop3A_24 = vector.broadcast %parallel_loop3A_23 : i32 to vector<16xi32>
      %parallel_loop3A_25 = arith.andi %parallel_loop3A_18, %parallel_loop3A_24 : vector<16xi32>
      %parallel_loop3A_26 = arith.constant 14 : i32
      %parallel_loop3A_27 = vector.broadcast %parallel_loop3A_26 : i32 to vector<16xi32>
      %parallel_loop3A_28 = arith.shrui %parallel_loop3A_18, %parallel_loop3A_27 : vector<16xi32>
      %parallel_loop3A_29 = tpu.vector_load_idx %arg7[%parallel_loop3A_25] : memref<16384xf32, #tpu.memory_space<vmem>>[vector<16xi32>], vector<16xf32>,
      %parallel_loop3A_30 = tpu.vector_load_idx %arg8[%parallel_loop3A_28] : memref<4096xf32, #tpu.memory_space<vmem>>[vector<16xi32>], vector<16xf32>,
      %parallel_loop3A_31 = arith.mulf %parallel_loop3A_29, %parallel_loop3A_30 : vector<16xf32>
      %parallel_loop3A_32 = math.exp %parallel_loop3A_31 : vector<16xf32>
      tpu.vector_store_idx %arg9[%parallel_loop3A_22], %parallel_loop3A_32 {add = true} : memref<32768xf32, #tpu.memory_space<vmem>>[vector<16xi32>], vector<16xf32>,
    } {sc.loop_unroll_factor = 16 : i64, sc.parallel_access}
    "tpu.region"() ({
      %run_scoped3A = tpu.sem_alloc : memref<!tpu.dma_semaphore, #tpu.memory_space<semaphore_mem>>
      %dma_start3A_14 = arith.constant 0 : i32
      %dma_start3A_15 = tpu.memref_slice %arg6[%add3A, %dma_start3A_14] : memref<32x32768xf32, #tpu.memory_space<hbm>> -> memref<1x32768xf32, #tpu.memory_space<hbm>>
      %dma_start3A_16 = tpu.memref_squeeze %dma_start3A_15 : memref<1x32768xf32, #tpu.memory_space<hbm>> -> memref<32768xf32, #tpu.memory_space<hbm>>
      %dma_start3A_17 = arith.constant 0 : i32
      %dma_start3A_18 = tpu.memref_slice %arg6[%add3A, %dma_start3A_17] : memref<32x32768xf32, #tpu.memory_space<hbm>> -> memref<1x32768xf32, #tpu.memory_space<hbm>>
      %dma_start3A_19 = tpu.memref_squeeze %dma_start3A_18 : memref<1x32768xf32, #tpu.memory_space<hbm>> -> memref<32768xf32, #tpu.memory_space<hbm>>
      tpu.enqueue_dma source(%arg9 : memref<32768xf32, #tpu.memory_space<vmem>>) target(%dma_start3A_19 : memref<32768xf32, #tpu.memory_space<hbm>>) target_semaphore(%run_scoped3A : memref<!tpu.dma_semaphore, #tpu.memory_space<semaphore_mem>>)
      %dma_wait3A_20 = arith.constant 0 : i32
      %dma_wait3A_21 = tpu.memref_slice %arg6[%add3A, %dma_wait3A_20] : memref<32x32768xf32, #tpu.memory_space<hbm>> -> memref<1x32768xf32, #tpu.memory_space<hbm>>
      %dma_wait3A_22 = tpu.memref_squeeze %dma_wait3A_21 : memref<1x32768xf32, #tpu.memory_space<hbm>> -> memref<32768xf32, #tpu.memory_space<hbm>>
      %dma_wait3A_23 = arith.constant 0 : i32
      %dma_wait3A_24 = tpu.memref_slice %arg6[%add3A, %dma_wait3A_23] : memref<32x32768xf32, #tpu.memory_space<hbm>> -> memref<1x32768xf32, #tpu.memory_space<hbm>>
      %dma_wait3A_25 = tpu.memref_squeeze %dma_wait3A_24 : memref<1x32768xf32, #tpu.memory_space<hbm>> -> memref<32768xf32, #tpu.memory_space<hbm>>
      tpu.wait_dma2 semaphore(%run_scoped3A : memref<!tpu.dma_semaphore, #tpu.memory_space<semaphore_mem>>) src(%arg9 : memref<32768xf32, #tpu.memory_space<vmem>>) dst(%dma_wait3A_25 : memref<32768xf32, #tpu.memory_space<hbm>>)
      tpu.yield
    }) : () -> ()
    return
  }
}

#map = affine_map<(d0, d1) -> (0)>
#map1 = affine_map<(d0, d1) -> (0, 0)>
module attributes {stable_mosaic.version = 14 : i64} {
  func.func @k(%arg0: i32, %arg1: i32, %arg2: memref<32768xf32, #tpu.memory_space<hbm>>, %arg3: memref<524288xi32, #tpu.memory_space<hbm>>, %arg4: memref<32x16384xf32, #tpu.memory_space<hbm>>, %arg5: memref<32768xf32, #tpu.memory_space<vmem>>, %arg6: memref<16384xf32, #tpu.memory_space<vmem>>, %arg7: memref<16384xi32, #tpu.memory_space<vmem>>, %arg8: memref<!tpu.dma_semaphore, #tpu.memory_space<semaphore_mem>>) attributes {dimension_semantics = [#tpu.dimension_semantics<core_parallel>, #tpu.dimension_semantics<subcore_parallel>], iteration_bounds = array<i64: 2, 16>, scalar_prefetch = 0 : i64, scratch_operands = 4 : i64, tpu.core_type = #tpu.core_type<sc_vector_subcore>, window_params = [{transform_indices = #map}, {transform_indices = #map}, {transform_indices = #map1}]} {
    %mul3A = arith.constant 2 : i32
    %mul3A_0 = arith.muli %arg1, %mul3A : i32
    %add3A = arith.addi %mul3A_0, %arg0 : i32
    %mul3A_1 = arith.constant 16384 : i32
    %mul3A_2 = arith.muli %add3A, %mul3A_1 : i32
    tpu.enqueue_dma source(%arg2 : memref<32768xf32, #tpu.memory_space<hbm>>) target(%arg5 : memref<32768xf32, #tpu.memory_space<vmem>>) target_semaphore(%arg8 : memref<!tpu.dma_semaphore, #tpu.memory_space<semaphore_mem>>)
    %dma_start3A = tpu.memref_slice %arg3[%mul3A_2] : memref<524288xi32, #tpu.memory_space<hbm>> -> memref<16384xi32, #tpu.memory_space<hbm>>
    %dma_start3A_3 = tpu.memref_slice %arg3[%mul3A_2] : memref<524288xi32, #tpu.memory_space<hbm>> -> memref<16384xi32, #tpu.memory_space<hbm>>
    tpu.enqueue_dma source(%dma_start3A_3 : memref<16384xi32, #tpu.memory_space<hbm>>) target(%arg7 : memref<16384xi32, #tpu.memory_space<vmem>>) target_semaphore(%arg8 : memref<!tpu.dma_semaphore, #tpu.memory_space<semaphore_mem>>)
    %parallel_loop3A = arith.constant 0 : i32
    %parallel_loop3A_4 = arith.constant 1024 : i32
    %parallel_loop3A_5 = arith.constant 1 : i32
    scf.for %parallel_loop3A_10 = %parallel_loop3A to %parallel_loop3A_4 step %parallel_loop3A_5  : i32 {
      %parallel_loop3A_11 = arith.constant 0.000000e+00 : f32
      %parallel_loop3A_12 = vector.broadcast %parallel_loop3A_11 : f32 to vector<16xf32>
      %parallel_loop3A_13 = arith.constant 16 : i32
      %parallel_loop3A_14 = arith.muli %parallel_loop3A_10, %parallel_loop3A_13 : i32
      %parallel_loop3A_15 = arith.index_cast %parallel_loop3A_14 : i32 to index
      %parallel_loop3A_16 = tpu.vector_load %arg6[%parallel_loop3A_15] {strides = array<i32>} : memref<16384xf32, #tpu.memory_space<vmem>>, vector<16xf32>,
      tpu.vector_store %arg6[%parallel_loop3A_15], %parallel_loop3A_12 {strides = array<i32>} : memref<16384xf32, #tpu.memory_space<vmem>>, vector<16xf32>,
    } {sc.loop_unroll_factor = 8 : i64, sc.parallel_access}
    tpu.wait_dma2 semaphore(%arg8 : memref<!tpu.dma_semaphore, #tpu.memory_space<semaphore_mem>>) src(%arg2 : memref<32768xf32, #tpu.memory_space<hbm>>) dst(%arg5 : memref<32768xf32, #tpu.memory_space<vmem>>)
    %dma_wait3A = tpu.memref_slice %arg3[%mul3A_2] : memref<524288xi32, #tpu.memory_space<hbm>> -> memref<16384xi32, #tpu.memory_space<hbm>>
    %dma_wait3A_6 = tpu.memref_slice %arg3[%mul3A_2] : memref<524288xi32, #tpu.memory_space<hbm>> -> memref<16384xi32, #tpu.memory_space<hbm>>
    tpu.wait_dma2 semaphore(%arg8 : memref<!tpu.dma_semaphore, #tpu.memory_space<semaphore_mem>>) src(%dma_wait3A_6 : memref<16384xi32, #tpu.memory_space<hbm>>) dst(%arg7 : memref<16384xi32, #tpu.memory_space<vmem>>)
    %parallel_loop3A_7 = arith.constant 0 : i32
    %parallel_loop3A_8 = arith.constant 1024 : i32
    %parallel_loop3A_9 = arith.constant 1 : i32
    scf.for %parallel_loop3A_10 = %parallel_loop3A_7 to %parallel_loop3A_8 step %parallel_loop3A_9  : i32 {
      %parallel_loop3A_11 = arith.constant 16 : i32
      %parallel_loop3A_12 = arith.muli %parallel_loop3A_10, %parallel_loop3A_11 : i32
      %parallel_loop3A_13 = arith.index_cast %parallel_loop3A_12 : i32 to index
      %parallel_loop3A_14 = tpu.vector_load %arg7[%parallel_loop3A_13] {strides = array<i32>} : memref<16384xi32, #tpu.memory_space<vmem>>, vector<16xi32>,
      %parallel_loop3A_15 = arith.constant 32767 : i32
      %parallel_loop3A_16 = vector.broadcast %parallel_loop3A_15 : i32 to vector<16xi32>
      %parallel_loop3A_17 = arith.andi %parallel_loop3A_14, %parallel_loop3A_16 : vector<16xi32>
      %parallel_loop3A_18 = arith.constant 15 : i32
      %parallel_loop3A_19 = vector.broadcast %parallel_loop3A_18 : i32 to vector<16xi32>
      %parallel_loop3A_20 = arith.shrui %parallel_loop3A_14, %parallel_loop3A_19 : vector<16xi32>
      %parallel_loop3A_21 = tpu.vector_load_idx %arg5[%parallel_loop3A_17] : memref<32768xf32, #tpu.memory_space<vmem>>[vector<16xi32>], vector<16xf32>,
      tpu.vector_store_idx %arg6[%parallel_loop3A_20], %parallel_loop3A_21 {add = true} : memref<16384xf32, #tpu.memory_space<vmem>>[vector<16xi32>], vector<16xf32>,
    } {sc.loop_unroll_factor = 16 : i64, sc.parallel_access}
    "tpu.region"() ({
      %run_scoped3A = tpu.sem_alloc : memref<!tpu.dma_semaphore, #tpu.memory_space<semaphore_mem>>
      %dma_start3A_10 = arith.constant 0 : i32
      %dma_start3A_11 = tpu.memref_slice %arg4[%add3A, %dma_start3A_10] : memref<32x16384xf32, #tpu.memory_space<hbm>> -> memref<1x16384xf32, #tpu.memory_space<hbm>>
      %dma_start3A_12 = tpu.memref_squeeze %dma_start3A_11 : memref<1x16384xf32, #tpu.memory_space<hbm>> -> memref<16384xf32, #tpu.memory_space<hbm>>
      %dma_start3A_13 = arith.constant 0 : i32
      %dma_start3A_14 = tpu.memref_slice %arg4[%add3A, %dma_start3A_13] : memref<32x16384xf32, #tpu.memory_space<hbm>> -> memref<1x16384xf32, #tpu.memory_space<hbm>>
      %dma_start3A_15 = tpu.memref_squeeze %dma_start3A_14 : memref<1x16384xf32, #tpu.memory_space<hbm>> -> memref<16384xf32, #tpu.memory_space<hbm>>
      tpu.enqueue_dma source(%arg6 : memref<16384xf32, #tpu.memory_space<vmem>>) target(%dma_start3A_15 : memref<16384xf32, #tpu.memory_space<hbm>>) target_semaphore(%run_scoped3A : memref<!tpu.dma_semaphore, #tpu.memory_space<semaphore_mem>>)
      %dma_wait3A_16 = arith.constant 0 : i32
      %dma_wait3A_17 = tpu.memref_slice %arg4[%add3A, %dma_wait3A_16] : memref<32x16384xf32, #tpu.memory_space<hbm>> -> memref<1x16384xf32, #tpu.memory_space<hbm>>
      %dma_wait3A_18 = tpu.memref_squeeze %dma_wait3A_17 : memref<1x16384xf32, #tpu.memory_space<hbm>> -> memref<16384xf32, #tpu.memory_space<hbm>>
      %dma_wait3A_19 = arith.constant 0 : i32
      %dma_wait3A_20 = tpu.memref_slice %arg4[%add3A, %dma_wait3A_19] : memref<32x16384xf32, #tpu.memory_space<hbm>> -> memref<1x16384xf32, #tpu.memory_space<hbm>>
      %dma_wait3A_21 = tpu.memref_squeeze %dma_wait3A_20 : memref<1x16384xf32, #tpu.memory_space<hbm>> -> memref<16384xf32, #tpu.memory_space<hbm>>
      tpu.wait_dma2 semaphore(%run_scoped3A : memref<!tpu.dma_semaphore, #tpu.memory_space<semaphore_mem>>) src(%arg6 : memref<16384xf32, #tpu.memory_space<vmem>>) dst(%dma_wait3A_21 : memref<16384xf32, #tpu.memory_space<hbm>>)
      tpu.yield
    }) : () -> ()
    return
  }
}

#map = affine_map<(d0, d1) -> (0)>
#map1 = affine_map<(d0, d1) -> (0, 0)>
module attributes {stable_mosaic.version = 14 : i64} {
  func.func @k(%arg0: i32, %arg1: i32, %arg2: memref<16384xf32, #tpu.memory_space<hbm>>, %arg3: memref<524288xi32, #tpu.memory_space<hbm>>, %arg4: memref<524288xi32, #tpu.memory_space<hbm>>, %arg5: memref<4096xf32, #tpu.memory_space<hbm>>, %arg6: memref<32x32768xf32, #tpu.memory_space<hbm>>, %arg7: memref<16384xf32, #tpu.memory_space<vmem>>, %arg8: memref<4096xf32, #tpu.memory_space<vmem>>, %arg9: memref<32768xf32, #tpu.memory_space<vmem>>, %arg10: memref<16384xi32, #tpu.memory_space<vmem>>, %arg11: memref<16384xi32, #tpu.memory_space<vmem>>, %arg12: memref<!tpu.dma_semaphore, #tpu.memory_space<semaphore_mem>>) attributes {dimension_semantics = [#tpu.dimension_semantics<core_parallel>, #tpu.dimension_semantics<subcore_parallel>], iteration_bounds = array<i64: 2, 16>, scalar_prefetch = 0 : i64, scratch_operands = 6 : i64, tpu.core_type = #tpu.core_type<sc_vector_subcore>, window_params = [{transform_indices = #map}, {transform_indices = #map}, {transform_indices = #map}, {transform_indices = #map}, {transform_indices = #map1}]} {
    %mul3A = arith.constant 2 : i32
    %mul3A_0 = arith.muli %arg1, %mul3A : i32
    %add3A = arith.addi %mul3A_0, %arg0 : i32
    %mul3A_1 = arith.constant 16384 : i32
    %mul3A_2 = arith.muli %add3A, %mul3A_1 : i32
    tpu.enqueue_dma source(%arg2 : memref<16384xf32, #tpu.memory_space<hbm>>) target(%arg7 : memref<16384xf32, #tpu.memory_space<vmem>>) target_semaphore(%arg12 : memref<!tpu.dma_semaphore, #tpu.memory_space<semaphore_mem>>)
    tpu.enqueue_dma source(%arg5 : memref<4096xf32, #tpu.memory_space<hbm>>) target(%arg8 : memref<4096xf32, #tpu.memory_space<vmem>>) target_semaphore(%arg12 : memref<!tpu.dma_semaphore, #tpu.memory_space<semaphore_mem>>)
    %dma_start3A = tpu.memref_slice %arg3[%mul3A_2] : memref<524288xi32, #tpu.memory_space<hbm>> -> memref<16384xi32, #tpu.memory_space<hbm>>
    %dma_start3A_3 = tpu.memref_slice %arg3[%mul3A_2] : memref<524288xi32, #tpu.memory_space<hbm>> -> memref<16384xi32, #tpu.memory_space<hbm>>
    tpu.enqueue_dma source(%dma_start3A_3 : memref<16384xi32, #tpu.memory_space<hbm>>) target(%arg10 : memref<16384xi32, #tpu.memory_space<vmem>>) target_semaphore(%arg12 : memref<!tpu.dma_semaphore, #tpu.memory_space<semaphore_mem>>)
    %dma_start3A_4 = tpu.memref_slice %arg4[%mul3A_2] : memref<524288xi32, #tpu.memory_space<hbm>> -> memref<16384xi32, #tpu.memory_space<hbm>>
    %dma_start3A_5 = tpu.memref_slice %arg4[%mul3A_2] : memref<524288xi32, #tpu.memory_space<hbm>> -> memref<16384xi32, #tpu.memory_space<hbm>>
    tpu.enqueue_dma source(%dma_start3A_5 : memref<16384xi32, #tpu.memory_space<hbm>>) target(%arg11 : memref<16384xi32, #tpu.memory_space<vmem>>) target_semaphore(%arg12 : memref<!tpu.dma_semaphore, #tpu.memory_space<semaphore_mem>>)
    %parallel_loop3A = arith.constant 0 : i32
    %parallel_loop3A_6 = arith.constant 2048 : i32
    %parallel_loop3A_7 = arith.constant 1 : i32
    scf.for %parallel_loop3A_14 = %parallel_loop3A to %parallel_loop3A_6 step %parallel_loop3A_7  : i32 {
      %parallel_loop3A_15 = arith.constant 0.000000e+00 : f32
      %parallel_loop3A_16 = vector.broadcast %parallel_loop3A_15 : f32 to vector<16xf32>
      %parallel_loop3A_17 = arith.constant 16 : i32
      %parallel_loop3A_18 = arith.muli %parallel_loop3A_14, %parallel_loop3A_17 : i32
      %parallel_loop3A_19 = arith.index_cast %parallel_loop3A_18 : i32 to index
      %parallel_loop3A_20 = tpu.vector_load %arg9[%parallel_loop3A_19] {strides = array<i32>} : memref<32768xf32, #tpu.memory_space<vmem>>, vector<16xf32>,
      tpu.vector_store %arg9[%parallel_loop3A_19], %parallel_loop3A_16 {strides = array<i32>} : memref<32768xf32, #tpu.memory_space<vmem>>, vector<16xf32>,
    } {sc.loop_unroll_factor = 8 : i64, sc.parallel_access}
    tpu.wait_dma2 semaphore(%arg12 : memref<!tpu.dma_semaphore, #tpu.memory_space<semaphore_mem>>) src(%arg2 : memref<16384xf32, #tpu.memory_space<hbm>>) dst(%arg7 : memref<16384xf32, #tpu.memory_space<vmem>>)
    tpu.wait_dma2 semaphore(%arg12 : memref<!tpu.dma_semaphore, #tpu.memory_space<semaphore_mem>>) src(%arg5 : memref<4096xf32, #tpu.memory_space<hbm>>) dst(%arg8 : memref<4096xf32, #tpu.memory_space<vmem>>)
    %dma_wait3A = tpu.memref_slice %arg3[%mul3A_2] : memref<524288xi32, #tpu.memory_space<hbm>> -> memref<16384xi32, #tpu.memory_space<hbm>>
    %dma_wait3A_8 = tpu.memref_slice %arg3[%mul3A_2] : memref<524288xi32, #tpu.memory_space<hbm>> -> memref<16384xi32, #tpu.memory_space<hbm>>
    tpu.wait_dma2 semaphore(%arg12 : memref<!tpu.dma_semaphore, #tpu.memory_space<semaphore_mem>>) src(%dma_wait3A_8 : memref<16384xi32, #tpu.memory_space<hbm>>) dst(%arg10 : memref<16384xi32, #tpu.memory_space<vmem>>)
    %dma_wait3A_9 = tpu.memref_slice %arg4[%mul3A_2] : memref<524288xi32, #tpu.memory_space<hbm>> -> memref<16384xi32, #tpu.memory_space<hbm>>
    %dma_wait3A_10 = tpu.memref_slice %arg4[%mul3A_2] : memref<524288xi32, #tpu.memory_space<hbm>> -> memref<16384xi32, #tpu.memory_space<hbm>>
    tpu.wait_dma2 semaphore(%arg12 : memref<!tpu.dma_semaphore, #tpu.memory_space<semaphore_mem>>) src(%dma_wait3A_10 : memref<16384xi32, #tpu.memory_space<hbm>>) dst(%arg11 : memref<16384xi32, #tpu.memory_space<vmem>>)
    %parallel_loop3A_11 = arith.constant 0 : i32
    %parallel_loop3A_12 = arith.constant 1024 : i32
    %parallel_loop3A_13 = arith.constant 1 : i32
    scf.for %parallel_loop3A_14 = %parallel_loop3A_11 to %parallel_loop3A_12 step %parallel_loop3A_13  : i32 {
      %parallel_loop3A_15 = arith.constant 16 : i32
      %parallel_loop3A_16 = arith.muli %parallel_loop3A_14, %parallel_loop3A_15 : i32
      %parallel_loop3A_17 = arith.index_cast %parallel_loop3A_16 : i32 to index
      %parallel_loop3A_18 = tpu.vector_load %arg10[%parallel_loop3A_17] {strides = array<i32>} : memref<16384xi32, #tpu.memory_space<vmem>>, vector<16xi32>,
      %parallel_loop3A_19 = arith.constant 16 : i32
      %parallel_loop3A_20 = arith.muli %parallel_loop3A_14, %parallel_loop3A_19 : i32
      %parallel_loop3A_21 = arith.index_cast %parallel_loop3A_20 : i32 to index
      %parallel_loop3A_22 = tpu.vector_load %arg11[%parallel_loop3A_21] {strides = array<i32>} : memref<16384xi32, #tpu.memory_space<vmem>>, vector<16xi32>,
      %parallel_loop3A_23 = arith.constant 16383 : i32
      %parallel_loop3A_24 = vector.broadcast %parallel_loop3A_23 : i32 to vector<16xi32>
      %parallel_loop3A_25 = arith.andi %parallel_loop3A_18, %parallel_loop3A_24 : vector<16xi32>
      %parallel_loop3A_26 = arith.constant 14 : i32
      %parallel_loop3A_27 = vector.broadcast %parallel_loop3A_26 : i32 to vector<16xi32>
      %parallel_loop3A_28 = arith.shrui %parallel_loop3A_18, %parallel_loop3A_27 : vector<16xi32>
      %parallel_loop3A_29 = tpu.vector_load_idx %arg7[%parallel_loop3A_25] : memref<16384xf32, #tpu.memory_space<vmem>>[vector<16xi32>], vector<16xf32>,
      %parallel_loop3A_30 = tpu.vector_load_idx %arg8[%parallel_loop3A_28] : memref<4096xf32, #tpu.memory_space<vmem>>[vector<16xi32>], vector<16xf32>,
      %parallel_loop3A_31 = arith.mulf %parallel_loop3A_29, %parallel_loop3A_30 : vector<16xf32>
      %parallel_loop3A_32 = math.exp %parallel_loop3A_31 : vector<16xf32>
      tpu.vector_store_idx %arg9[%parallel_loop3A_22], %parallel_loop3A_32 {add = true} : memref<32768xf32, #tpu.memory_space<vmem>>[vector<16xi32>], vector<16xf32>,
    } {sc.loop_unroll_factor = 16 : i64, sc.parallel_access}
    "tpu.region"() ({
      %run_scoped3A = tpu.sem_alloc : memref<!tpu.dma_semaphore, #tpu.memory_space<semaphore_mem>>
      %dma_start3A_14 = arith.constant 0 : i32
      %dma_start3A_15 = tpu.memref_slice %arg6[%add3A, %dma_start3A_14] : memref<32x32768xf32, #tpu.memory_space<hbm>> -> memref<1x32768xf32, #tpu.memory_space<hbm>>
      %dma_start3A_16 = tpu.memref_squeeze %dma_start3A_15 : memref<1x32768xf32, #tpu.memory_space<hbm>> -> memref<32768xf32, #tpu.memory_space<hbm>>
      %dma_start3A_17 = arith.constant 0 : i32
      %dma_start3A_18 = tpu.memref_slice %arg6[%add3A, %dma_start3A_17] : memref<32x32768xf32, #tpu.memory_space<hbm>> -> memref<1x32768xf32, #tpu.memory_space<hbm>>
      %dma_start3A_19 = tpu.memref_squeeze %dma_start3A_18 : memref<1x32768xf32, #tpu.memory_space<hbm>> -> memref<32768xf32, #tpu.memory_space<hbm>>
      tpu.enqueue_dma source(%arg9 : memref<32768xf32, #tpu.memory_space<vmem>>) target(%dma_start3A_19 : memref<32768xf32, #tpu.memory_space<hbm>>) target_semaphore(%run_scoped3A : memref<!tpu.dma_semaphore, #tpu.memory_space<semaphore_mem>>)
      %dma_wait3A_20 = arith.constant 0 : i32
      %dma_wait3A_21 = tpu.memref_slice %arg6[%add3A, %dma_wait3A_20] : memref<32x32768xf32, #tpu.memory_space<hbm>> -> memref<1x32768xf32, #tpu.memory_space<hbm>>
      %dma_wait3A_22 = tpu.memref_squeeze %dma_wait3A_21 : memref<1x32768xf32, #tpu.memory_space<hbm>> -> memref<32768xf32, #tpu.memory_space<hbm>>
      %dma_wait3A_23 = arith.constant 0 : i32
      %dma_wait3A_24 = tpu.memref_slice %arg6[%add3A, %dma_wait3A_23] : memref<32x32768xf32, #tpu.memory_space<hbm>> -> memref<1x32768xf32, #tpu.memory_space<hbm>>
      %dma_wait3A_25 = tpu.memref_squeeze %dma_wait3A_24 : memref<1x32768xf32, #tpu.memory_space<hbm>> -> memref<32768xf32, #tpu.memory_space<hbm>>
      tpu.wait_dma2 semaphore(%run_scoped3A : memref<!tpu.dma_semaphore, #tpu.memory_space<semaphore_mem>>) src(%arg9 : memref<32768xf32, #tpu.memory_space<vmem>>) dst(%dma_wait3A_25 : memref<32768xf32, #tpu.memory_space<hbm>>)
      tpu.yield
    }) : () -> ()
    return
  }
}

#map = affine_map<(d0, d1) -> (0)>
#map1 = affine_map<(d0, d1) -> (0, 0)>
module attributes {stable_mosaic.version = 14 : i64} {
  func.func @k(%arg0: i32, %arg1: i32, %arg2: memref<32768xf32, #tpu.memory_space<hbm>>, %arg3: memref<524288xi32, #tpu.memory_space<hbm>>, %arg4: memref<32x16384xf32, #tpu.memory_space<hbm>>, %arg5: memref<32768xf32, #tpu.memory_space<vmem>>, %arg6: memref<16384xf32, #tpu.memory_space<vmem>>, %arg7: memref<16384xi32, #tpu.memory_space<vmem>>, %arg8: memref<!tpu.dma_semaphore, #tpu.memory_space<semaphore_mem>>) attributes {dimension_semantics = [#tpu.dimension_semantics<core_parallel>, #tpu.dimension_semantics<subcore_parallel>], iteration_bounds = array<i64: 2, 16>, scalar_prefetch = 0 : i64, scratch_operands = 4 : i64, tpu.core_type = #tpu.core_type<sc_vector_subcore>, window_params = [{transform_indices = #map}, {transform_indices = #map}, {transform_indices = #map1}]} {
    %mul3A = arith.constant 2 : i32
    %mul3A_0 = arith.muli %arg1, %mul3A : i32
    %add3A = arith.addi %mul3A_0, %arg0 : i32
    %mul3A_1 = arith.constant 16384 : i32
    %mul3A_2 = arith.muli %add3A, %mul3A_1 : i32
    tpu.enqueue_dma source(%arg2 : memref<32768xf32, #tpu.memory_space<hbm>>) target(%arg5 : memref<32768xf32, #tpu.memory_space<vmem>>) target_semaphore(%arg8 : memref<!tpu.dma_semaphore, #tpu.memory_space<semaphore_mem>>)
    %dma_start3A = tpu.memref_slice %arg3[%mul3A_2] : memref<524288xi32, #tpu.memory_space<hbm>> -> memref<16384xi32, #tpu.memory_space<hbm>>
    %dma_start3A_3 = tpu.memref_slice %arg3[%mul3A_2] : memref<524288xi32, #tpu.memory_space<hbm>> -> memref<16384xi32, #tpu.memory_space<hbm>>
    tpu.enqueue_dma source(%dma_start3A_3 : memref<16384xi32, #tpu.memory_space<hbm>>) target(%arg7 : memref<16384xi32, #tpu.memory_space<vmem>>) target_semaphore(%arg8 : memref<!tpu.dma_semaphore, #tpu.memory_space<semaphore_mem>>)
    %parallel_loop3A = arith.constant 0 : i32
    %parallel_loop3A_4 = arith.constant 1024 : i32
    %parallel_loop3A_5 = arith.constant 1 : i32
    scf.for %parallel_loop3A_10 = %parallel_loop3A to %parallel_loop3A_4 step %parallel_loop3A_5  : i32 {
      %parallel_loop3A_11 = arith.constant 0.000000e+00 : f32
      %parallel_loop3A_12 = vector.broadcast %parallel_loop3A_11 : f32 to vector<16xf32>
      %parallel_loop3A_13 = arith.constant 16 : i32
      %parallel_loop3A_14 = arith.muli %parallel_loop3A_10, %parallel_loop3A_13 : i32
      %parallel_loop3A_15 = arith.index_cast %parallel_loop3A_14 : i32 to index
      %parallel_loop3A_16 = tpu.vector_load %arg6[%parallel_loop3A_15] {strides = array<i32>} : memref<16384xf32, #tpu.memory_space<vmem>>, vector<16xf32>,
      tpu.vector_store %arg6[%parallel_loop3A_15], %parallel_loop3A_12 {strides = array<i32>} : memref<16384xf32, #tpu.memory_space<vmem>>, vector<16xf32>,
    } {sc.loop_unroll_factor = 8 : i64, sc.parallel_access}
    tpu.wait_dma2 semaphore(%arg8 : memref<!tpu.dma_semaphore, #tpu.memory_space<semaphore_mem>>) src(%arg2 : memref<32768xf32, #tpu.memory_space<hbm>>) dst(%arg5 : memref<32768xf32, #tpu.memory_space<vmem>>)
    %dma_wait3A = tpu.memref_slice %arg3[%mul3A_2] : memref<524288xi32, #tpu.memory_space<hbm>> -> memref<16384xi32, #tpu.memory_space<hbm>>
    %dma_wait3A_6 = tpu.memref_slice %arg3[%mul3A_2] : memref<524288xi32, #tpu.memory_space<hbm>> -> memref<16384xi32, #tpu.memory_space<hbm>>
    tpu.wait_dma2 semaphore(%arg8 : memref<!tpu.dma_semaphore, #tpu.memory_space<semaphore_mem>>) src(%dma_wait3A_6 : memref<16384xi32, #tpu.memory_space<hbm>>) dst(%arg7 : memref<16384xi32, #tpu.memory_space<vmem>>)
    %parallel_loop3A_7 = arith.constant 0 : i32
    %parallel_loop3A_8 = arith.constant 1024 : i32
    %parallel_loop3A_9 = arith.constant 1 : i32
    scf.for %parallel_loop3A_10 = %parallel_loop3A_7 to %parallel_loop3A_8 step %parallel_loop3A_9  : i32 {
      %parallel_loop3A_11 = arith.constant 16 : i32
      %parallel_loop3A_12 = arith.muli %parallel_loop3A_10, %parallel_loop3A_11 : i32
      %parallel_loop3A_13 = arith.index_cast %parallel_loop3A_12 : i32 to index
      %parallel_loop3A_14 = tpu.vector_load %arg7[%parallel_loop3A_13] {strides = array<i32>} : memref<16384xi32, #tpu.memory_space<vmem>>, vector<16xi32>,
      %parallel_loop3A_15 = arith.constant 32767 : i32
      %parallel_loop3A_16 = vector.broadcast %parallel_loop3A_15 : i32 to vector<16xi32>
      %parallel_loop3A_17 = arith.andi %parallel_loop3A_14, %parallel_loop3A_16 : vector<16xi32>
      %parallel_loop3A_18 = arith.constant 15 : i32
      %parallel_loop3A_19 = vector.broadcast %parallel_loop3A_18 : i32 to vector<16xi32>
      %parallel_loop3A_20 = arith.shrui %parallel_loop3A_14, %parallel_loop3A_19 : vector<16xi32>
      %parallel_loop3A_21 = tpu.vector_load_idx %arg5[%parallel_loop3A_17] : memref<32768xf32, #tpu.memory_space<vmem>>[vector<16xi32>], vector<16xf32>,
      tpu.vector_store_idx %arg6[%parallel_loop3A_20], %parallel_loop3A_21 {add = true} : memref<16384xf32, #tpu.memory_space<vmem>>[vector<16xi32>], vector<16xf32>,
    } {sc.loop_unroll_factor = 16 : i64, sc.parallel_access}
    "tpu.region"() ({
      %run_scoped3A = tpu.sem_alloc : memref<!tpu.dma_semaphore, #tpu.memory_space<semaphore_mem>>
      %dma_start3A_10 = arith.constant 0 : i32
      %dma_start3A_11 = tpu.memref_slice %arg4[%add3A, %dma_start3A_10] : memref<32x16384xf32, #tpu.memory_space<hbm>> -> memref<1x16384xf32, #tpu.memory_space<hbm>>
      %dma_start3A_12 = tpu.memref_squeeze %dma_start3A_11 : memref<1x16384xf32, #tpu.memory_space<hbm>> -> memref<16384xf32, #tpu.memory_space<hbm>>
      %dma_start3A_13 = arith.constant 0 : i32
      %dma_start3A_14 = tpu.memref_slice %arg4[%add3A, %dma_start3A_13] : memref<32x16384xf32, #tpu.memory_space<hbm>> -> memref<1x16384xf32, #tpu.memory_space<hbm>>
      %dma_start3A_15 = tpu.memref_squeeze %dma_start3A_14 : memref<1x16384xf32, #tpu.memory_space<hbm>> -> memref<16384xf32, #tpu.memory_space<hbm>>
      tpu.enqueue_dma source(%arg6 : memref<16384xf32, #tpu.memory_space<vmem>>) target(%dma_start3A_15 : memref<16384xf32, #tpu.memory_space<hbm>>) target_semaphore(%run_scoped3A : memref<!tpu.dma_semaphore, #tpu.memory_space<semaphore_mem>>)
      %dma_wait3A_16 = arith.constant 0 : i32
      %dma_wait3A_17 = tpu.memref_slice %arg4[%add3A, %dma_wait3A_16] : memref<32x16384xf32, #tpu.memory_space<hbm>> -> memref<1x16384xf32, #tpu.memory_space<hbm>>
      %dma_wait3A_18 = tpu.memref_squeeze %dma_wait3A_17 : memref<1x16384xf32, #tpu.memory_space<hbm>> -> memref<16384xf32, #tpu.memory_space<hbm>>
      %dma_wait3A_19 = arith.constant 0 : i32
      %dma_wait3A_20 = tpu.memref_slice %arg4[%add3A, %dma_wait3A_19] : memref<32x16384xf32, #tpu.memory_space<hbm>> -> memref<1x16384xf32, #tpu.memory_space<hbm>>
      %dma_wait3A_21 = tpu.memref_squeeze %dma_wait3A_20 : memref<1x16384xf32, #tpu.memory_space<hbm>> -> memref<16384xf32, #tpu.memory_space<hbm>>
      tpu.wait_dma2 semaphore(%run_scoped3A : memref<!tpu.dma_semaphore, #tpu.memory_space<semaphore_mem>>) src(%arg6 : memref<16384xf32, #tpu.memory_space<vmem>>) dst(%dma_wait3A_21 : memref<16384xf32, #tpu.memory_space<hbm>>)
      tpu.yield
    }) : () -> ()
    return
  }
}

#map = affine_map<(d0, d1) -> (0)>
#map1 = affine_map<(d0, d1) -> (0, 0)>
module attributes {stable_mosaic.version = 14 : i64} {
  func.func @k(%arg0: i32, %arg1: i32, %arg2: memref<16384xf32, #tpu.memory_space<hbm>>, %arg3: memref<524288xi32, #tpu.memory_space<hbm>>, %arg4: memref<524288xi32, #tpu.memory_space<hbm>>, %arg5: memref<4096xf32, #tpu.memory_space<hbm>>, %arg6: memref<32x32768xf32, #tpu.memory_space<hbm>>, %arg7: memref<16384xf32, #tpu.memory_space<vmem>>, %arg8: memref<4096xf32, #tpu.memory_space<vmem>>, %arg9: memref<32768xf32, #tpu.memory_space<vmem>>, %arg10: memref<16384xi32, #tpu.memory_space<vmem>>, %arg11: memref<16384xi32, #tpu.memory_space<vmem>>, %arg12: memref<!tpu.dma_semaphore, #tpu.memory_space<semaphore_mem>>) attributes {dimension_semantics = [#tpu.dimension_semantics<core_parallel>, #tpu.dimension_semantics<subcore_parallel>], iteration_bounds = array<i64: 2, 16>, scalar_prefetch = 0 : i64, scratch_operands = 6 : i64, tpu.core_type = #tpu.core_type<sc_vector_subcore>, window_params = [{transform_indices = #map}, {transform_indices = #map}, {transform_indices = #map}, {transform_indices = #map}, {transform_indices = #map1}]} {
    %mul3A = arith.constant 2 : i32
    %mul3A_0 = arith.muli %arg1, %mul3A : i32
    %add3A = arith.addi %mul3A_0, %arg0 : i32
    %mul3A_1 = arith.constant 16384 : i32
    %mul3A_2 = arith.muli %add3A, %mul3A_1 : i32
    tpu.enqueue_dma source(%arg2 : memref<16384xf32, #tpu.memory_space<hbm>>) target(%arg7 : memref<16384xf32, #tpu.memory_space<vmem>>) target_semaphore(%arg12 : memref<!tpu.dma_semaphore, #tpu.memory_space<semaphore_mem>>)
    tpu.enqueue_dma source(%arg5 : memref<4096xf32, #tpu.memory_space<hbm>>) target(%arg8 : memref<4096xf32, #tpu.memory_space<vmem>>) target_semaphore(%arg12 : memref<!tpu.dma_semaphore, #tpu.memory_space<semaphore_mem>>)
    %dma_start3A = tpu.memref_slice %arg3[%mul3A_2] : memref<524288xi32, #tpu.memory_space<hbm>> -> memref<16384xi32, #tpu.memory_space<hbm>>
    %dma_start3A_3 = tpu.memref_slice %arg3[%mul3A_2] : memref<524288xi32, #tpu.memory_space<hbm>> -> memref<16384xi32, #tpu.memory_space<hbm>>
    tpu.enqueue_dma source(%dma_start3A_3 : memref<16384xi32, #tpu.memory_space<hbm>>) target(%arg10 : memref<16384xi32, #tpu.memory_space<vmem>>) target_semaphore(%arg12 : memref<!tpu.dma_semaphore, #tpu.memory_space<semaphore_mem>>)
    %dma_start3A_4 = tpu.memref_slice %arg4[%mul3A_2] : memref<524288xi32, #tpu.memory_space<hbm>> -> memref<16384xi32, #tpu.memory_space<hbm>>
    %dma_start3A_5 = tpu.memref_slice %arg4[%mul3A_2] : memref<524288xi32, #tpu.memory_space<hbm>> -> memref<16384xi32, #tpu.memory_space<hbm>>
    tpu.enqueue_dma source(%dma_start3A_5 : memref<16384xi32, #tpu.memory_space<hbm>>) target(%arg11 : memref<16384xi32, #tpu.memory_space<vmem>>) target_semaphore(%arg12 : memref<!tpu.dma_semaphore, #tpu.memory_space<semaphore_mem>>)
    %parallel_loop3A = arith.constant 0 : i32
    %parallel_loop3A_6 = arith.constant 2048 : i32
    %parallel_loop3A_7 = arith.constant 1 : i32
    scf.for %parallel_loop3A_14 = %parallel_loop3A to %parallel_loop3A_6 step %parallel_loop3A_7  : i32 {
      %parallel_loop3A_15 = arith.constant 0.000000e+00 : f32
      %parallel_loop3A_16 = vector.broadcast %parallel_loop3A_15 : f32 to vector<16xf32>
      %parallel_loop3A_17 = arith.constant 16 : i32
      %parallel_loop3A_18 = arith.muli %parallel_loop3A_14, %parallel_loop3A_17 : i32
      %parallel_loop3A_19 = arith.index_cast %parallel_loop3A_18 : i32 to index
      %parallel_loop3A_20 = tpu.vector_load %arg9[%parallel_loop3A_19] {strides = array<i32>} : memref<32768xf32, #tpu.memory_space<vmem>>, vector<16xf32>,
      tpu.vector_store %arg9[%parallel_loop3A_19], %parallel_loop3A_16 {strides = array<i32>} : memref<32768xf32, #tpu.memory_space<vmem>>, vector<16xf32>,
    } {sc.loop_unroll_factor = 8 : i64, sc.parallel_access}
    tpu.wait_dma2 semaphore(%arg12 : memref<!tpu.dma_semaphore, #tpu.memory_space<semaphore_mem>>) src(%arg2 : memref<16384xf32, #tpu.memory_space<hbm>>) dst(%arg7 : memref<16384xf32, #tpu.memory_space<vmem>>)
    tpu.wait_dma2 semaphore(%arg12 : memref<!tpu.dma_semaphore, #tpu.memory_space<semaphore_mem>>) src(%arg5 : memref<4096xf32, #tpu.memory_space<hbm>>) dst(%arg8 : memref<4096xf32, #tpu.memory_space<vmem>>)
    %dma_wait3A = tpu.memref_slice %arg3[%mul3A_2] : memref<524288xi32, #tpu.memory_space<hbm>> -> memref<16384xi32, #tpu.memory_space<hbm>>
    %dma_wait3A_8 = tpu.memref_slice %arg3[%mul3A_2] : memref<524288xi32, #tpu.memory_space<hbm>> -> memref<16384xi32, #tpu.memory_space<hbm>>
    tpu.wait_dma2 semaphore(%arg12 : memref<!tpu.dma_semaphore, #tpu.memory_space<semaphore_mem>>) src(%dma_wait3A_8 : memref<16384xi32, #tpu.memory_space<hbm>>) dst(%arg10 : memref<16384xi32, #tpu.memory_space<vmem>>)
    %dma_wait3A_9 = tpu.memref_slice %arg4[%mul3A_2] : memref<524288xi32, #tpu.memory_space<hbm>> -> memref<16384xi32, #tpu.memory_space<hbm>>
    %dma_wait3A_10 = tpu.memref_slice %arg4[%mul3A_2] : memref<524288xi32, #tpu.memory_space<hbm>> -> memref<16384xi32, #tpu.memory_space<hbm>>
    tpu.wait_dma2 semaphore(%arg12 : memref<!tpu.dma_semaphore, #tpu.memory_space<semaphore_mem>>) src(%dma_wait3A_10 : memref<16384xi32, #tpu.memory_space<hbm>>) dst(%arg11 : memref<16384xi32, #tpu.memory_space<vmem>>)
    %parallel_loop3A_11 = arith.constant 0 : i32
    %parallel_loop3A_12 = arith.constant 1024 : i32
    %parallel_loop3A_13 = arith.constant 1 : i32
    scf.for %parallel_loop3A_14 = %parallel_loop3A_11 to %parallel_loop3A_12 step %parallel_loop3A_13  : i32 {
      %parallel_loop3A_15 = arith.constant 16 : i32
      %parallel_loop3A_16 = arith.muli %parallel_loop3A_14, %parallel_loop3A_15 : i32
      %parallel_loop3A_17 = arith.index_cast %parallel_loop3A_16 : i32 to index
      %parallel_loop3A_18 = tpu.vector_load %arg10[%parallel_loop3A_17] {strides = array<i32>} : memref<16384xi32, #tpu.memory_space<vmem>>, vector<16xi32>,
      %parallel_loop3A_19 = arith.constant 16 : i32
      %parallel_loop3A_20 = arith.muli %parallel_loop3A_14, %parallel_loop3A_19 : i32
      %parallel_loop3A_21 = arith.index_cast %parallel_loop3A_20 : i32 to index
      %parallel_loop3A_22 = tpu.vector_load %arg11[%parallel_loop3A_21] {strides = array<i32>} : memref<16384xi32, #tpu.memory_space<vmem>>, vector<16xi32>,
      %parallel_loop3A_23 = arith.constant 16383 : i32
      %parallel_loop3A_24 = vector.broadcast %parallel_loop3A_23 : i32 to vector<16xi32>
      %parallel_loop3A_25 = arith.andi %parallel_loop3A_18, %parallel_loop3A_24 : vector<16xi32>
      %parallel_loop3A_26 = arith.constant 14 : i32
      %parallel_loop3A_27 = vector.broadcast %parallel_loop3A_26 : i32 to vector<16xi32>
      %parallel_loop3A_28 = arith.shrui %parallel_loop3A_18, %parallel_loop3A_27 : vector<16xi32>
      %parallel_loop3A_29 = tpu.vector_load_idx %arg7[%parallel_loop3A_25] : memref<16384xf32, #tpu.memory_space<vmem>>[vector<16xi32>], vector<16xf32>,
      %parallel_loop3A_30 = tpu.vector_load_idx %arg8[%parallel_loop3A_28] : memref<4096xf32, #tpu.memory_space<vmem>>[vector<16xi32>], vector<16xf32>,
      %parallel_loop3A_31 = arith.mulf %parallel_loop3A_29, %parallel_loop3A_30 : vector<16xf32>
      %parallel_loop3A_32 = math.exp %parallel_loop3A_31 : vector<16xf32>
      tpu.vector_store_idx %arg9[%parallel_loop3A_22], %parallel_loop3A_32 {add = true} : memref<32768xf32, #tpu.memory_space<vmem>>[vector<16xi32>], vector<16xf32>,
    } {sc.loop_unroll_factor = 16 : i64, sc.parallel_access}
    "tpu.region"() ({
      %run_scoped3A = tpu.sem_alloc : memref<!tpu.dma_semaphore, #tpu.memory_space<semaphore_mem>>
      %dma_start3A_14 = arith.constant 0 : i32
      %dma_start3A_15 = tpu.memref_slice %arg6[%add3A, %dma_start3A_14] : memref<32x32768xf32, #tpu.memory_space<hbm>> -> memref<1x32768xf32, #tpu.memory_space<hbm>>
      %dma_start3A_16 = tpu.memref_squeeze %dma_start3A_15 : memref<1x32768xf32, #tpu.memory_space<hbm>> -> memref<32768xf32, #tpu.memory_space<hbm>>
      %dma_start3A_17 = arith.constant 0 : i32
      %dma_start3A_18 = tpu.memref_slice %arg6[%add3A, %dma_start3A_17] : memref<32x32768xf32, #tpu.memory_space<hbm>> -> memref<1x32768xf32, #tpu.memory_space<hbm>>
      %dma_start3A_19 = tpu.memref_squeeze %dma_start3A_18 : memref<1x32768xf32, #tpu.memory_space<hbm>> -> memref<32768xf32, #tpu.memory_space<hbm>>
      tpu.enqueue_dma source(%arg9 : memref<32768xf32, #tpu.memory_space<vmem>>) target(%dma_start3A_19 : memref<32768xf32, #tpu.memory_space<hbm>>) target_semaphore(%run_scoped3A : memref<!tpu.dma_semaphore, #tpu.memory_space<semaphore_mem>>)
      %dma_wait3A_20 = arith.constant 0 : i32
      %dma_wait3A_21 = tpu.memref_slice %arg6[%add3A, %dma_wait3A_20] : memref<32x32768xf32, #tpu.memory_space<hbm>> -> memref<1x32768xf32, #tpu.memory_space<hbm>>
      %dma_wait3A_22 = tpu.memref_squeeze %dma_wait3A_21 : memref<1x32768xf32, #tpu.memory_space<hbm>> -> memref<32768xf32, #tpu.memory_space<hbm>>
      %dma_wait3A_23 = arith.constant 0 : i32
      %dma_wait3A_24 = tpu.memref_slice %arg6[%add3A, %dma_wait3A_23] : memref<32x32768xf32, #tpu.memory_space<hbm>> -> memref<1x32768xf32, #tpu.memory_space<hbm>>
      %dma_wait3A_25 = tpu.memref_squeeze %dma_wait3A_24 : memref<1x32768xf32, #tpu.memory_space<hbm>> -> memref<32768xf32, #tpu.memory_space<hbm>>
      tpu.wait_dma2 semaphore(%run_scoped3A : memref<!tpu.dma_semaphore, #tpu.memory_space<semaphore_mem>>) src(%arg9 : memref<32768xf32, #tpu.memory_space<vmem>>) dst(%dma_wait3A_25 : memref<32768xf32, #tpu.memory_space<hbm>>)
      tpu.yield
    }) : () -> ()
    return
  }
}

module attributes {stable_mosaic.version = 14 : i64} {
  func.func @body(%arg0: memref<32x16384xf32, #tpu.memory_space<vmem>>, %arg1: memref<16384xf32, #tpu.memory_space<vmem>>, %arg2: memref<16384xf32, #tpu.memory_space<vmem>>) attributes {dimension_semantics = [], scalar_prefetch = 0 : i64, scratch_operands = 0 : i64, tpu.core_type = #tpu.core_type<tc>} {
    %get3A = arith.constant 0 : index
    %get3A_0 = arith.constant 0 : index
    %get3A_1 = vector.load %arg0[%get3A, %get3A_0] : memref<32x16384xf32, #tpu.memory_space<vmem>>, vector<32x16384xf32>
    %reduce_sum3A = arith.constant dense<0.000000e+00> : vector<16384xf32>
    %reduce_sum3A_2 = vector.multi_reduction <add>, %get3A_1, %reduce_sum3A [0] : vector<32x16384xf32> to vector<16384xf32>
    %exp3A = math.exp %reduce_sum3A_2 : vector<16384xf32>
    %get3A_3 = arith.constant 0 : index
    %get3A_4 = vector.load %arg1[%get3A_3] : memref<16384xf32, #tpu.memory_space<vmem>>, vector<16384xf32>
    %sub3A = arith.constant 1.000000e+00 : f32
    %sub3A_5 = vector.broadcast %sub3A : f32 to vector<16384xf32>
    %sub3A_6 = arith.subf %sub3A_5, %get3A_4 : vector<16384xf32>
    %sub3A_7 = arith.constant 1.000000e+00 : f32
    %sub3A_8 = vector.broadcast %sub3A_7 : f32 to vector<16384xf32>
    %sub3A_9 = arith.subf %sub3A_8, %exp3A : vector<16384xf32>
    %mul3A = arith.mulf %sub3A_6, %sub3A_9 : vector<16384xf32>
    %sub3A_10 = arith.constant 1.000000e+00 : f32
    %sub3A_11 = vector.broadcast %sub3A_10 : f32 to vector<16384xf32>
    %sub3A_12 = arith.subf %sub3A_11, %mul3A : vector<16384xf32>
    %swap3A = arith.constant 0 : index
    %swap3A_13 = vector.load %arg2[%swap3A] : memref<16384xf32, #tpu.memory_space<vmem>>, vector<16384xf32>
    tpu.vector_store %arg2[%swap3A], %sub3A_12 {strides = array<i32>} : memref<16384xf32, #tpu.memory_space<vmem>>, vector<16384xf32>,
    return
  }
}

module attributes {stable_mosaic.version = 14 : i64} {
  func.func @body(%arg0: memref<32768xf32, #tpu.memory_space<vmem>>, %arg1: memref<32768xf32, #tpu.memory_space<vmem>>) attributes {dimension_semantics = [], scalar_prefetch = 0 : i64, scratch_operands = 0 : i64, tpu.core_type = #tpu.core_type<tc>} {
    %get3A = arith.constant 0 : index
    %get3A_0 = vector.load %arg0[%get3A] : memref<32768xf32, #tpu.memory_space<vmem>>, vector<32768xf32>
    %log3A = math.log %get3A_0 : vector<32768xf32>
    %swap3A = arith.constant 0 : index
    %swap3A_1 = vector.load %arg1[%swap3A] : memref<32768xf32, #tpu.memory_space<vmem>>, vector<32768xf32>
    tpu.vector_store %arg1[%swap3A], %log3A {strides = array<i32>} : memref<32768xf32, #tpu.memory_space<vmem>>, vector<32768xf32>,
    return
  }
}

module attributes {stable_mosaic.version = 14 : i64} {
  func.func @body(%arg0: memref<32x32768xf32, #tpu.memory_space<vmem>>, %arg1: memref<32768xf32, #tpu.memory_space<vmem>>, %arg2: memref<32768xf32, #tpu.memory_space<vmem>>, %arg3: memref<32768xf32, #tpu.memory_space<vmem>>) attributes {dimension_semantics = [], scalar_prefetch = 0 : i64, scratch_operands = 0 : i64, tpu.core_type = #tpu.core_type<tc>} {
    %get3A = arith.constant 0 : index
    %get3A_0 = arith.constant 0 : index
    %get3A_1 = vector.load %arg0[%get3A, %get3A_0] : memref<32x32768xf32, #tpu.memory_space<vmem>>, vector<32x32768xf32>
    %reduce_sum3A = arith.constant dense<0.000000e+00> : vector<32768xf32>
    %reduce_sum3A_2 = vector.multi_reduction <add>, %get3A_1, %reduce_sum3A [0] : vector<32x32768xf32> to vector<32768xf32>
    %add3A = arith.constant 9.99999974E-5 : f32
    %add3A_3 = vector.broadcast %add3A : f32 to vector<32768xf32>
    %add3A_4 = arith.addf %reduce_sum3A_2, %add3A_3 : vector<32768xf32>
    %log3A = math.log %add3A_4 : vector<32768xf32>
    %mul3A = arith.constant 1.500000e-02 : f32
    %mul3A_5 = vector.broadcast %mul3A : f32 to vector<32768xf32>
    %mul3A_6 = arith.mulf %mul3A_5, %log3A : vector<32768xf32>
    %reduce_max3A = vector.shape_cast %mul3A_6 : vector<32768xf32> to vector<1x32768xf32>
    %reduce_max3A_7 = arith.constant dense<0xFF800000> : vector<1xf32>
    %reduce_max3A_8 = vector.multi_reduction <maximumf>, %reduce_max3A, %reduce_max3A_7 [1] : vector<1x32768xf32> to vector<1xf32>
    %reduce_max3A_9 = vector.shape_cast %reduce_max3A_8 : vector<1xf32> to vector<1x1xf32>
    %reduce_max3A_10 = vector.extract %reduce_max3A_9[0, 0] : f32 from vector<1x1xf32>
    %max3A = arith.constant -0.138155103 : f32
    %max3A_11 = arith.maximumf %reduce_max3A_10, %max3A : f32
    %gt3A = arith.constant 1.000000e+00 : f32
    %gt3A_12 = arith.cmpf ogt, %max3A_11, %gt3A : f32
    %div3A = vector.broadcast %max3A_11 : f32 to vector<32768xf32>
    %div3A_13 = arith.divf %mul3A_6, %div3A : vector<32768xf32>
    %select_n3A = arith.select %gt3A_12, %div3A_13, %mul3A_6 : vector<32768xf32>
    %get3A_14 = arith.constant 0 : index
    %get3A_15 = vector.load %arg1[%get3A_14] : memref<32768xf32, #tpu.memory_space<vmem>>, vector<32768xf32>
    %sub3A = arith.constant 1.000000e+00 : f32
    %sub3A_16 = vector.broadcast %sub3A : f32 to vector<32768xf32>
    %sub3A_17 = arith.subf %sub3A_16, %get3A_15 : vector<32768xf32>
    %sub3A_18 = arith.constant 1.000000e+00 : f32
    %sub3A_19 = vector.broadcast %sub3A_18 : f32 to vector<32768xf32>
    %sub3A_20 = arith.subf %sub3A_19, %select_n3A : vector<32768xf32>
    %mul3A_21 = arith.mulf %sub3A_17, %sub3A_20 : vector<32768xf32>
    %sub3A_22 = arith.constant 1.000000e+00 : f32
    %sub3A_23 = vector.broadcast %sub3A_22 : f32 to vector<32768xf32>
    %sub3A_24 = arith.subf %sub3A_23, %mul3A_21 : vector<32768xf32>
    %swap3A = arith.constant 0 : index
    %swap3A_25 = vector.load %arg2[%swap3A] : memref<32768xf32, #tpu.memory_space<vmem>>, vector<32768xf32>
    tpu.vector_store %arg2[%swap3A], %sub3A_24 {strides = array<i32>} : memref<32768xf32, #tpu.memory_space<vmem>>, vector<32768xf32>,
    %log3A_26 = math.log %sub3A_24 : vector<32768xf32>
    %swap3A_27 = arith.constant 0 : index
    %swap3A_28 = vector.load %arg3[%swap3A_27] : memref<32768xf32, #tpu.memory_space<vmem>>, vector<32768xf32>
    tpu.vector_store %arg3[%swap3A_27], %log3A_26 {strides = array<i32>} : memref<32768xf32, #tpu.memory_space<vmem>>, vector<32768xf32>,
    return
  }
}

module attributes {stable_mosaic.version = 14 : i64} {
  func.func @body(%arg0: memref<32x32768xf32, #tpu.memory_space<vmem>>, %arg1: memref<32768xf32, #tpu.memory_space<vmem>>, %arg2: memref<32768xf32, #tpu.memory_space<vmem>>, %arg3: memref<32768xf32, #tpu.memory_space<vmem>>) attributes {dimension_semantics = [], scalar_prefetch = 0 : i64, scratch_operands = 0 : i64, tpu.core_type = #tpu.core_type<tc>} {
    %get3A = arith.constant 0 : index
    %get3A_0 = arith.constant 0 : index
    %get3A_1 = vector.load %arg0[%get3A, %get3A_0] : memref<32x32768xf32, #tpu.memory_space<vmem>>, vector<32x32768xf32>
    %reduce_sum3A = arith.constant dense<0.000000e+00> : vector<32768xf32>
    %reduce_sum3A_2 = vector.multi_reduction <add>, %get3A_1, %reduce_sum3A [0] : vector<32x32768xf32> to vector<32768xf32>
    %add3A = arith.constant 9.99999974E-5 : f32
    %add3A_3 = vector.broadcast %add3A : f32 to vector<32768xf32>
    %add3A_4 = arith.addf %reduce_sum3A_2, %add3A_3 : vector<32768xf32>
    %log3A = math.log %add3A_4 : vector<32768xf32>
    %mul3A = arith.constant 1.500000e-02 : f32
    %mul3A_5 = vector.broadcast %mul3A : f32 to vector<32768xf32>
    %mul3A_6 = arith.mulf %mul3A_5, %log3A : vector<32768xf32>
    %reduce_max3A = vector.shape_cast %mul3A_6 : vector<32768xf32> to vector<1x32768xf32>
    %reduce_max3A_7 = arith.constant dense<0xFF800000> : vector<1xf32>
    %reduce_max3A_8 = vector.multi_reduction <maximumf>, %reduce_max3A, %reduce_max3A_7 [1] : vector<1x32768xf32> to vector<1xf32>
    %reduce_max3A_9 = vector.shape_cast %reduce_max3A_8 : vector<1xf32> to vector<1x1xf32>
    %reduce_max3A_10 = vector.extract %reduce_max3A_9[0, 0] : f32 from vector<1x1xf32>
    %max3A = arith.constant -0.138155103 : f32
    %max3A_11 = arith.maximumf %reduce_max3A_10, %max3A : f32
    %gt3A = arith.constant 1.000000e+00 : f32
    %gt3A_12 = arith.cmpf ogt, %max3A_11, %gt3A : f32
    %div3A = vector.broadcast %max3A_11 : f32 to vector<32768xf32>
    %div3A_13 = arith.divf %mul3A_6, %div3A : vector<32768xf32>
    %select_n3A = arith.select %gt3A_12, %div3A_13, %mul3A_6 : vector<32768xf32>
    %get3A_14 = arith.constant 0 : index
    %get3A_15 = vector.load %arg1[%get3A_14] : memref<32768xf32, #tpu.memory_space<vmem>>, vector<32768xf32>
    %sub3A = arith.constant 1.000000e+00 : f32
    %sub3A_16 = vector.broadcast %sub3A : f32 to vector<32768xf32>
    %sub3A_17 = arith.subf %sub3A_16, %get3A_15 : vector<32768xf32>
    %sub3A_18 = arith.constant 1.000000e+00 : f32
    %sub3A_19 = vector.broadcast %sub3A_18 : f32 to vector<32768xf32>
    %sub3A_20 = arith.subf %sub3A_19, %select_n3A : vector<32768xf32>
    %mul3A_21 = arith.mulf %sub3A_17, %sub3A_20 : vector<32768xf32>
    %sub3A_22 = arith.constant 1.000000e+00 : f32
    %sub3A_23 = vector.broadcast %sub3A_22 : f32 to vector<32768xf32>
    %sub3A_24 = arith.subf %sub3A_23, %mul3A_21 : vector<32768xf32>
    %swap3A = arith.constant 0 : index
    %swap3A_25 = vector.load %arg2[%swap3A] : memref<32768xf32, #tpu.memory_space<vmem>>, vector<32768xf32>
    tpu.vector_store %arg2[%swap3A], %sub3A_24 {strides = array<i32>} : memref<32768xf32, #tpu.memory_space<vmem>>, vector<32768xf32>,
    %log3A_26 = math.log %sub3A_24 : vector<32768xf32>
    %swap3A_27 = arith.constant 0 : index
    %swap3A_28 = vector.load %arg3[%swap3A_27] : memref<32768xf32, #tpu.memory_space<vmem>>, vector<32768xf32>
    tpu.vector_store %arg3[%swap3A_27], %log3A_26 {strides = array<i32>} : memref<32768xf32, #tpu.memory_space<vmem>>, vector<32768xf32>,
    return
  }
}

</mosaic_0001>

<sc_bundles>
// kernel: kernel.23.cloned.1.call-start
scs
__scs_entry_jumppad:
0x0: {  	(pc) =	sbr.rel $0x88, $3  }
0x1: {  	(tag) =	ssettag $0x0;
	lr =	simm.s32 $0x1  }
0x2: {  	[smem:$0x3F9D] =	sst lr;
	_ =	strace $0xD0000000  }
0x3: {  	_ = 	snop  }
0x4: {  	_ = 	snop  }
0x5: {  	_ = 	snop  }
0x6: {  	_ = 	snop  }
0x7: {  	_ = 	snop  }
__scs_overlays_trampoline_lowered:
0x8: {  	[smem:$0x3FAC] =	sst s0  }
0x9: {  	[smem:$0x3FAD] =	sst s1  }
0xa: {  	[smem:$0x3FAE] =	sst s2  }
0xb: {  	[smem:$0x3FAF] =	sst s3  }
0xc: {  	[smem:$0x3FB0] =	sst s4  }
0xd: {  	[smem:$0x3FB1] =	sst s5  }
0xe: {  	[smem:$0x3FB2] =	sst s6  }
0xf: {  	[smem:$0x3FB3] =	sst s7  }
0x10: {  	[smem:$0x3FB4] =	sst s8  }
0x11: {  	[smem:$0x3FB5] =	sst s9;
	s0 =	simm.s32 @!p0 $0x0  }
0x12: {  	s1 =	sld [smem:$0x3F9B];
	s0 =	simm.s32 @p0 $0x1  }
0x13: {  	[smem:$0x3FB6] =	sst s0;
	s0 =	simm.s32 @!p1 $0x0  }
0x14: {  	s2 =	sld [smem:$0x3F9A];
	s0 =	simm.s32 @p1 $0x1  }
0x15: {  	[smem:$0x3FB7] =	sst s0;
	s0 =	simm.s32 @!p2 $0x0  }
0x16: {  	s3 =	sld [smem:$0x3FDB];
	s0 =	simm.s32 @p2 $0x1  }
0x17: {  	s4 =	simm.s32 $0x1BF5;
	[smem:$0x3FB9] =	sst s0  }
0x18: {  	s0 =	sld [smem:$0x3F9C];
	_ =	swait.ge [sflag:s4], $0x0  }
0x19: {  	s7 =	sld [smem:$0x3F9D]  }
0x1a: {  	s8 =	sadd.s32 $0xFFFFE003, lr  }
0x1b: {  	s9 =	sadd.s32 $0xFFFFFEF7, lr;
	s5 =	simm.s32 $0xFFFFFFFF;
	p2 =	slt.u32 s8, $0xFFFFF086  }
0x1c: {  	p1 =	slt.u32 s9, $0xF7A;
	s5 =	simm.s32 @!p2 $0x0  }
0x1d: {  	s5 =	simm.s32 @p1 $0x1;
	p0 =	seq.s32 s7, s2  }
0x1e: {  	s7 =	smul.u32 @!p0 $0xF7A, s2;
	p2 =	seq.s32 @!p0 s5, $0x0  }
0x1f: {  	s9 =	smul.u32 $0xF7A, s1;
	s8 =	simm.s32 @!p0 $0x1BF5;
	p2 =	por !p2, p0  }
0x20: {  	[sflag:s8] =	ssyncset.s32 @!p0 $0xFFFFF086;
	s6 =	sadd.s32 @!p0 s3, s7;
	s7 =	simm.s32 @!p0 $0x108  }
0x21: {  	s3 =	sadd.s32 s3, s9;
	s6 =	sadd.s32 @!p0 $0x88, s6;
	s7 =	simm.s32 @p2 $0x1082  }
0x22: {  	[simem:s7], [sflag:s8] =	dma.local @!p0 [hbm:s6], $0xF7A  }
0x23: {  	s9 =	sor.u32 $0xD0000000, s2;
	s6 =	simm.s32 $0x108;
	_ =	swait.ge @!p0 [sflag:s8], $0x0  }
0x24: {  	s3 =	sadd.s32 $0x88, s3;
	s6 =	simm.s32 @!p1 $0x1082;
	[sflag:s4] =	ssyncset.s32 $0xFFFFF086  }
0x25: {  	[simem:s6], [sflag:s4] =	dma.local [hbm:s3], $0xF7A  }
0x26: {  	[smem:$0x3F9D] =	sst s1;
	(tag) =	ssettag s2;
	_ =	strace s9  }
0x27: {  	s1 =	sld [smem:$0x3FAD]  }
0x28: {  	s2 =	sld [smem:$0x3FAE]  }
0x29: {  	s4 =	sld [smem:$0x3FB0]  }
0x2a: {  	p0 =	seq.s32 s5, $0x0;
	s5 =	sld [smem:$0x3FB1]  }
0x2b: {  	s6 =	sld [smem:$0x3FB2]  }
0x2c: {  	s7 =	sld [smem:$0x3FB3]  }
0x2d: {  	s3 =	simm.s32 $0x108;
	s8 =	sld [smem:$0x3FB4]  }
0x2e: {  	s3 =	simm.s32 @!p0 $0x1082;
	s9 =	sld [smem:$0x3FB5]  }
0x2f: {  	lr =	sadd.s32 s0, s3;
	s0 =	sld [smem:$0x3FAC]  }
0x30: {  	s3 =	sld [smem:$0x3FAF]  }
0x31: {  	[smem:$0x3FB8] =	sst s10  }
0x32: {  	s10 =	sld [smem:$0x3FB6];
	_ =	sdelay $0x3  }
0x33: {  	p0 =	seq.s32 s10, $0x1;
	s10 =	sld [smem:$0x3FB8];
	_ =	sdelay $0x3  }
0x34: {  	[smem:$0x3FB8] =	sst s10  }
0x35: {  	s10 =	sld [smem:$0x3FB7];
	_ =	sdelay $0x3  }
0x36: {  	p1 =	seq.s32 s10, $0x1;
	s10 =	sld [smem:$0x3FB8];
	_ =	sdelay $0x3  }
0x37: {  	[smem:$0x3FB8] =	sst s10  }
0x38: {  	s10 =	sld [smem:$0x3FB9]  }
0x39: {  	_ = 	snop;
	(pc) =	sbr.ind lr, $3  }
0x3a: {  	_ = 	snop  }
0x3b: {  	_ = 	snop  }
0x3c: {  	p2 =	seq.s32 s10, $0x1;
	s10 =	sld [smem:$0x3FB8]  }
0x3d: {  	_ =	shalt  }
0x3e: {  	_ =	shalt  }
0x3f: {  	_ =	shalt  }
0x40: {  	_ =	shalt  }
0x41: {  	_ =	shalt  }
0x42: {  	_ =	shalt  }
0x43: {  	_ =	shalt  }
0x44: {  	_ =	shalt  }
0x45: {  	_ =	shalt  }
0x46: {  	_ =	shalt  }
0x47: {  	_ =	shalt  }
0x48: {  	_ =	shalt  }
0x49: {  	_ =	shalt  }
0x4a: {  	_ =	shalt  }
0x4b: {  	_ =	shalt  }
0x4c: {  	_ =	shalt  }
0x4d: {  	_ =	shalt  }
0x4e: {  	_ =	shalt  }
0x4f: {  	_ =	shalt  }
0x50: {  	_ =	shalt  }
0x51: {  	_ =	shalt  }
0x52: {  	_ =	shalt  }
0x53: {  	_ =	shalt  }
0x54: {  	_ =	shalt  }
0x55: {  	_ =	shalt  }
0x56: {  	_ =	shalt  }
0x57: {  	_ =	shalt  }
0x58: {  	_ =	shalt  }
0x59: {  	_ =	shalt  }
0x5a: {  	_ =	shalt  }
0x5b: {  	_ =	shalt  }
0x5c: {  	_ =	shalt  }
0x5d: {  	_ =	shalt  }
0x5e: {  	_ =	shalt  }
0x5f: {  	_ =	shalt  }
0x60: {  	_ =	shalt  }
0x61: {  	_ =	shalt  }
0x62: {  	_ =	shalt  }
0x63: {  	_ =	shalt  }
0x64: {  	_ =	shalt  }
0x65: {  	_ =	shalt  }
0x66: {  	_ =	shalt  }
0x67: {  	_ =	shalt  }
0x68: {  	_ =	shalt  }
0x69: {  	_ =	shalt  }
0x6a: {  	_ =	shalt  }
0x6b: {  	_ =	shalt  }
0x6c: {  	_ =	shalt  }
0x6d: {  	_ =	shalt  }
0x6e: {  	_ =	shalt  }
0x6f: {  	_ =	shalt  }
0x70: {  	_ =	shalt  }
0x71: {  	_ =	shalt  }
0x72: {  	_ =	shalt  }
0x73: {  	_ =	shalt  }
0x74: {  	_ =	shalt  }
0x75: {  	_ =	shalt  }
0x76: {  	_ =	shalt  }
0x77: {  	_ =	shalt  }
0x78: {  	_ =	shalt  }
0x79: {  	_ =	shalt  }
0x7a: {  	_ =	shalt  }
0x7b: {  	_ =	shalt  }
0x7c: {  	_ =	shalt  }
0x7d: {  	_ =	shalt  }
0x7e: {  	_ =	shalt  }
0x7f: {  	_ =	shalt  }
0x80: {  	_ =	shalt  }
0x81: {  	_ =	shalt  }
0x82: {  	_ =	shalt  }
0x83: {  	_ =	shalt  }
0x84: {  	_ =	shalt  }
0x85: {  	_ =	shalt  }
0x86: {  	_ =	shalt  }
0x87: {  	_ =	shalt  }
.Lfunc_end0:
.L_simem_size_0:
called_computation_lowered:
.L_overlay_start_0:
0x88: {  	s2 =	sld [smem:$0x3FD9]  }
0x89: {  	s3 =	sld [smem:$0x3FFE];
	_ =	sdelay $0x1  }
0x8a: {  	s1 =	srdreg.scid  }
0x8b: {  	s0 =	sand.u32 $0x1, s1  }
0x8c: {  	s17 =	sshll.u32 s0, $0xA;
	s2 =	sadd.s32 s3, s2  }
0x8d: {  	s2 =	sadd.s32 s2, s17  }
0x8e: {  	[smem:$0x3FC4] =	sst s2  }
0x8f: {  	_ = 	snop  }
0x90: {  	s2 =	sld [smem:$0x3FC8]  }
0x91: {  	s18 =	sld [smem:$0x3FD0];
	(tm) =	ssettm $0x1  }
0x92: {  	s4 =	sld [smem:$0x3FFB];
	_ =	sdelay $0x3  }
0x93: {  	_ =	strace s4  }
0x94: {  	s4 =	sld [smem:$0x3FFC];
	_ =	sdelay $0x3  }
0x95: {  	_ =	strace s4  }
0x96: {  	s4 =	sld [smem:$0x3FFD];
	_ =	sdelay $0x3  }
0x97: {  	_ =	strace s4  }
0x98: {  	_ =	strace $0x8FFFFFFF  }
0x99: {  	s19 =	sld [smem:$0x3FDB];
	_ =	sdelay $0x1  }
0x9a: {  	s5 =	simm.s32 $_scs_section_size  }
0x9b: {  	s6 =	simm.s32 $_size__tile_overlayer_lowered;
	s7 =	simm.s32 $_tile_overlayer_lowered  }
0x9c: {  	s22 =	simm.s32 $0x1BFF;
	s21 =	sshll.u32 s7, $0x1;
	s4 =	sadd.s32 s5, s19  }
0x9d: {  	s8 =	simm.s32 $0x0;
	s20 =	sshll.u32 s6, $0x1;
	s6 =	sadd.s32 s21, s4  }
0x9e: {  	[timem:s8], [sflag:s22] =	dma.local [hbm:s6], s20  }
0x9f: {  	_ =	swait.ge [sflag:s22], s20  }
0xa0: {  	s5 =	ssub.s32 $0x0, s20;
	[sflag:s22] =	ssyncset.done $0x0  }
0xa1: {  	[sflag:s22] =	ssyncadd.s32 s5;
	_ =	sdelay $0x1  }
0xa2: {  	s23 =	simm.s32 $0x1B8B  }
0xa3: {  	_ =	swait.ge [sflag:s23], $0x1  }
0xa4: {  	[sflag:s23] =	ssyncset.done $0x0  }
0xa5: {  	s25 =	simm.s32 $0x1B8E;
	s24 =	sld [smem:$0x3FFE];
	[sflag:s23] =	ssyncadd.s32 $0xFFFFFFFF  }
0xa6: {  	s26 =	simm.s32 $execute0_lowered;
	[smem:$0x3FD2] =	sst s25  }
0xa7: {  	s6 =	sshll.u32 s26, $0x1;
	_ =	strace $0x80000046;
	[dreg:$0x1] =	wrdreg $0xFFFFFFFF  }
0xa8: {  	s28 =	simm.s32 $_size_execute0_lowered;
	s4 =	sadd.s32 s4, s6;
	[dreg:$0x0] =	wrdreg $0x0  }
0xa9: {  	s6 =	sshll.u32 s28, $0x1;
	[dreg:$0x2] =	wrdreg s4  }
0xaa: {  	[dreg:$0x3] =	wrdreg s6  }
0xab: {  	[dreg:$0x4] =	wrdreg $0xC0  }
0xac: {  	_ =	task [dreg:s8], $0x5FFFF  }
0xad: {  	[dreg:$0x1] =	wrdreg $0xFFFFFFFF  }
0xae: {  	[dreg:$0x0] =	wrdreg $0x60  }
0xaf: {  	[dreg:$0x2] =	wrdreg s18  }
0xb0: {  	[dreg:$0x3] =	wrdreg s2  }
0xb1: {  	[dreg:$0x4] =	wrdreg s24  }
0xb2: {  	[dreg:$0x5] =	wrdreg $0x9  }
0xb3: {  	_ =	task.clear_ibuf [dreg:s8], $0x6FFFF;
	_ =	strace $0x90000046  }
0xb4: {  	s29 =	simm.s32 $0x9;
	_ =	strace $0x80000048  }
0xb5: {  	_ =	swait.ge [sflag:s29], $0x1  }
0xb6: {  	[sflag:s29] =	ssyncadd.s32 $0xFFFFFFFF  }
0xb7: {  	_ =	strace $0x90000048  }
0xb8: {  	_ =	sfence  }
0xb9: {  	s30 =	sld [smem:$0x0];
	_ =	sdelay $0x2  }
0xba: {  	s31 =	sshll.u32 s1, $0xD;
	s1 =	sshrl.u32 s1, $0x2  }
0xbb: {  	s3 =	sand.u32 $0x4000, s31;
	s1 =	sadd.s32 s1, s30  }
0xbc: {  	s0 =	sor.u32 s3, s0;
	s1 =	sshll.u32 s1, $0x11  }
0xbd: {  	s0 =	sor.u32 s1, s0  }
0xbe: {  	s0 =	sadd.s32 $0x8F2B, s0  }
0xbf: {  	[sflag:s0] =	ssyncadd.remote.s32 $0x1  }
0xc0: {  	_ =	sfence.sel $0xFFFF  }
0xc1: {  	[dreg:$0x0] =	wrdreg $0xFFFFFFFF;
	(pc) =	sbr.abs _section_cstart, $3  }
0xc2: {  	[dreg:$0x1] =	wrdreg $0xFFFFFFFF  }
0xc3: {  	_ =	task.clear_ibuf [dreg:s8], $0x2FFFF;
	_ =	strace $0x9FFFFFFF  }
0xc4: {  	(tm) =	ssettm $0x7FFFFFFF  }
0xc5: {  	_ =	shalt  }
tec
execute0_lowered:
.L_overlay_start_1:
0x0: {  	(tag) =	ssettag $0x1  }
0x1: {  	s1 =	rddreg [dreg:$0x0]  }
0x2: {  	s4 =	rddreg [dreg:$0x1]  }
0x3: {  	s5 =	rddreg [dreg:$0x2]  }
0x4: {  	s0 =	rddreg [dreg:$0x3]  }
0x5: {  	s3 =	simm.s32 $0x0;
	s2 =	stileid.u32;
	s6 =	srdreg.scid  }
0x6: {  	s11 =	simm.s32 $0xC000;
	s12 =	simm.s32 $0x10000;
	s13 =	simm.s32 $0x2  }
0x7: {  	s14 =	simm.s32 $0x3;
	s15 =	simm.s32 $0x1;
	s16 =	simm.s32 $0x8000  }
0x8: {  	s17 =	simm.s32 $0x400;
	s18 =	simm.s32 $0x4;
	s19 =	simm.s32 $0x0  }
0x9: {  	s7 =	sshll.u32 s2, $0xC;
	s6 =	sand.u32 $0x1, s6;
	s8 =	sshll.u32 s2, $0x1  }
0xa: {  	[smem:$0x7FF] =	sst s3;
	s7 =	sand.u32 $0xC000, s7;
	s8 =	sor.u32 s6, s8  }
0xb: {  	_ =	strace $0x80000047;
	s30 =	ssub.s32 $0x2, s6;
	s7 =	sadd.s32 s7, s5  }
0xc: {  	s9 =	sshll.u32 s8, $0xB;
	s31 =	sshll.u32 s8, $0x4;
	s10 =	sshrl.u32 s30, $0x1  }
0xd: {  	s8 =	sshll.u32 s8, $0xC;
	s9 =	sadd.s32 s9, s5;
	s6 =	sand.u32 $0x70, s31  }
0xe: {  	s10 =	ssub.s32 s30, s10;
	s4 =	sadd.s32 s4, s8;
	s7 =	sadd.s32 s6, s7  }
0xf: {  	s5 =	sadd.s32 $0x10, s4;
	s6 =	sadd.s32 $0x16800, s9;
	s8 =	smax.u32 s10, $0x1  }
0x10: {  	v0 =	vimm.f32 $0.0e+00;
	s9 =	simm.s32 $0x80;
	s10 =	simm.s32 $0x100;
	s7 =	sadd.s32 $0x6800, s7  }
.LBB2_1:
0x11: {  	[tilespmem:s3], [sflag:$0x1] =	stream.linear.gather [hbm4b:s1+s3], $0x8000, $0x38;
	[tilespmem:$0x14000] =	vst v63  }
0x12: {  	_ = 	snop  }
0x13: {  	[tilespmem:s11], [sflag:$0x2] =	stream.strided.gather [hbm4b:s4+s9], $0x4000, s10, s9, $0x38;
	[tilespmem:$0x14000] =	vst v63  }
0x14: {  	s20 =	simm.s32 $0x8040  }
0x15: {  	[tilespmem:s12], [sflag:$0x3] =	stream.strided.gather [hbm4b:s5+s9], $0x4000, s10, s9, $0x38;
	[tilespmem:$0x14000] =	vst v63  }
0x16: {  	[tilespmem:s20+$0xFFFFFFC0] =	vst v0  }
0x17: {  	[tilespmem:s20+$0x30] =	vst v0  }
0x18: {  	[tilespmem:s20+$0x20] =	vst v0  }
0x19: {  	[tilespmem:s20+$0x10] =	vst v0  }
0x1a: {  	[tilespmem:s20+$0x0] =	vst v0  }
0x1b: {  	[tilespmem:s20+$0xFFFFFFF0] =	vst v0  }
0x1c: {  	s21 =	simm.s32 $0x0;
	[tilespmem:s20+$0xFFFFFFE0] =	vst v0  }
.LBB2_2:
0x1d: {  	s21 =	sadd.s32 $0x8, s21;
	[tilespmem:s20+$0xFFFFFFD0] =	vst v0;
	s20 =	sadd.s32 $0x80, s20  }
0x1e: {  	[tilespmem:s20+$0xFFFFFFC0] =	vst v0;
	p0 =	slt.u32 s21, $0x3F8  }
0x1f: {  	[tilespmem:s20+$0x30] =	vst v0  }
.Ltmp0:
0x20: {  	[tilespmem:s20+$0x20] =	vst v0;
	(pc) =	sbr.rel @p0 .LBB2_2-.Ltmp0, $4  }
0x21: {  	[tilespmem:s20+$0x10] =	vst v0  }
0x22: {  	[tilespmem:s20+$0x0] =	vst v0  }
0x23: {  	[tilespmem:s20+$0xFFFFFFF0] =	vst v0  }
0x24: {  	[tilespmem:s20+$0xFFFFFFE0] =	vst v0  }
0x25: {  	[tilespmem:s20+$0xFFFFFFD0] =	vst v0  }
0x26: {  	_ =	swait.ge [sflag:s13], $0x4000  }
0x27: {  	[sflag:s13] =	ssyncset.done $0x0  }
0x28: {  	[sflag:s13] =	ssyncadd.s32 $0xFFFFC000  }
0x29: {  	_ =	swait.ge [sflag:s14], $0x4000  }
0x2a: {  	[sflag:s14] =	ssyncset.done $0x0  }
0x2b: {  	s21 =	simm.s32 $0x10040;
	[sflag:s14] =	ssyncadd.s32 $0xFFFFC000  }
0x2c: {  	v3 =	vld [tilespmem:s21+$0x30]  }
0x2d: {  	v8 =	vld [tilespmem:s21+$0xFFFFFFC0]  }
0x2e: {  	v9 =	vld [tilespmem:s21+$0xFFFFFFD0]  }
0x2f: {  	v10 =	vld [tilespmem:s21+$0xFFFFFFE0]  }
0x30: {  	v11 =	vld [tilespmem:s21+$0xFFFFFFF0]  }
0x31: {  	v12 =	vld [tilespmem:s21+$0x0]  }
0x32: {  	v14 =	vld [tilespmem:s21+$0x10]  }
0x33: {  	s20 =	simm.s32 $0xC040;
	v15 =	vld [tilespmem:s21+$0x20]  }
0x34: {  	v5 =	vld [tilespmem:s20+$0x30];
	_ =	sdelay $0x1  }
0x35: {  	v1 =	vshrl.u32 v3, $0xA;
	v2 =	vshrl.u32 v8, $0xA  }
0x36: {  	v4 =	vshrl.u32 v9, $0xA;
	v7 =	vshrl.u32 v10, $0xA;
	v17 =	vshrl.u32 v11, $0xA  }
0x37: {  	v18 =	vshrl.u32 v12, $0xA;
	v20 =	vshrl.u32 v14, $0xA;
	v22 =	vshrl.u32 v15, $0xA  }
0x38: {  	v1 =	vmul.u32 $0x5556, v1;
	v13 =	vmul.u32 $0x5556, v2;
	v2 =	vshrl.u32 v5, $0xA  }
0x39: {  	v16 =	vmul.u32 $0x5556, v4;
	v21 =	vmul.u32 $0x5556, v7;
	v17 =	vmul.u32 $0x5556, v17  }
0x3a: {  	v18 =	vmul.u32 $0x5556, v18;
	v20 =	vmul.u32 $0x5556, v20;
	v22 =	vmul.u32 $0x5556, v22  }
0x3b: {  	v6 =	vmul.u32 $0x5556, v2;
	v2 =	vshrl.u32 v1, $0x5;
	v13 =	vshrl.u32 v13, $0x5  }
0x3c: {  	v16 =	vshrl.u32 v16, $0x5;
	v21 =	vshrl.u32 v21, $0x5;
	v17 =	vshrl.u32 v17, $0x5  }
0x3d: {  	v18 =	vshrl.u32 v18, $0x5;
	v20 =	vshrl.u32 v20, $0x5;
	v22 =	vshrl.u32 v22, $0x5  }
0x3e: {  	v4 =	vand.u32 $0x1F800, v2;
	v6 =	vshrl.u32 v6, $0x6;
	v13 =	vand.u32 $0x1F800, v13  }
0x3f: {  	v7 =	vld [tilespmem:s20+$0xFFFFFFC0];
	v16 =	vand.u32 $0x1F800, v16;
	v21 =	vand.u32 $0x1F800, v21;
	v17 =	vand.u32 $0x1F800, v17  }
0x40: {  	v18 =	vand.u32 $0x1F800, v18;
	v20 =	vand.u32 $0x1F800, v20;
	v22 =	vand.u32 $0x1F800, v22  }
0x41: {  	v1 =	vld [tilespmem:s20+$0xFFFFFFD0];
	v4 =	vsub.s32 v3, v4;
	v6 =	vand.u32 $0x3FFFC00, v6;
	v8 =	vsub.s32 v8, v13  }
0x42: {  	v2 =	vld [tilespmem:s20+$0xFFFFFFE0];
	v9 =	vsub.s32 v9, v16;
	v10 =	vsub.s32 v10, v21;
	v11 =	vsub.s32 v11, v17  }
0x43: {  	v12 =	vsub.s32 v12, v18;
	v14 =	vsub.s32 v14, v20;
	v15 =	vsub.s32 v15, v22  }
0x44: {  	v3 =	vld [tilespmem:s20+$0xFFFFFFF0];
	v19 =	vshll.u32 v4, $0xF;
	v6 =	vsub.s32 v5, v6;
	v13 =	vshrl.u32 v7, $0xA  }
0x45: {  	v4 =	vld [tilespmem:s20+$0x0];
	v61 =	vshll.u32 v8, $0xF;
	v62 =	vshll.u32 v9, $0xF;
	v63 =	vshll.u32 v10, $0xF  }
0x46: {  	v5 =	vld [tilespmem:s20+$0x10];
	v8 =	vshll.u32 v15, $0xF;
	v19 =	vadd.s32 $0xFC000000, v19;
	v13 =	vmul.u32 $0x5556, v13  }
0x47: {  	v19 =	vor.u32 v6, v19;
	v23 =	vshrl.u32 v1, $0xA;
	v24 =	vshrl.u32 v2, $0xA  }
0x48: {  	v6 =	vld [tilespmem:s20+$0x20];
	v23 =	vmul.u32 $0x5556, v23;
	v16 =	vshrl.u32 v13, $0x6;
	v13 =	vshll.u32 v11, $0xF  }
0x49: {  	v11 =	vshll.u32 v12, $0xF;
	v12 =	vshll.u32 v14, $0xF;
	[tilespmem:s20+$0x30] =	vst v19;
	v19 =	vadd.s32 $0xFC000000, v62  }
0x4a: {  	v25 =	vshrl.u32 v3, $0xA;
	v24 =	vmul.u32 $0x5556, v24;
	v16 =	vand.u32 $0x3FFFC00, v16  }
0x4b: {  	v26 =	vshrl.u32 v4, $0xA;
	v27 =	vshrl.u32 v5, $0xA;
	v25 =	vmul.u32 $0x5556, v25  }
0x4c: {  	v17 =	vshrl.u32 v23, $0x6;
	v26 =	vmul.u32 $0x5556, v26;
	v27 =	vmul.u32 $0x5556, v27  }
0x4d: {  	v18 =	vshrl.u32 v24, $0x6;
	v20 =	vand.u32 $0x3FFFC00, v17;
	v28 =	vshrl.u32 v6, $0xA  }
0x4e: {  	v21 =	vshrl.u32 v25, $0x6;
	v17 =	vand.u32 $0x3FFFC00, v18;
	v28 =	vmul.u32 $0x5556, v28  }
0x4f: {  	v18 =	vadd.s32 $0xFC000000, v63;
	v22 =	vshrl.u32 v26, $0x6;
	v23 =	vshrl.u32 v27, $0x6  }
0x50: {  	v15 =	vand.u32 $0x3FFFC00, v21;
	v21 =	vadd.s32 $0xFC000000, v61;
	v9 =	vshrl.u32 v28, $0x6  }
0x51: {  	s22 =	simm.s32 $0x0;
	s23 =	simm.s32 $0x100C0;
	s21 =	simm.s32 $0xC040;
	v14 =	vand.u32 $0x3FFFC00, v22;
	v10 =	vand.u32 $0x3FFFC00, v23;
	v9 =	vand.u32 $0x3FFFC00, v9  }
.LBB2_4:
0x52: {  	v22 =	vld [tilespmem:s23+$0x30];
	s22 =	sadd.s32 $0x8, s22;
	v13 =	vadd.s32 $0xFC000000, v13;
	v11 =	vadd.s32 $0xFC000000, v11;
	v12 =	vadd.s32 $0xFC000000, v12  }
0x53: {  	v7 =	vsub.s32 v7, v16;
	v1 =	vsub.s32 v1, v20;
	v8 =	vadd.s32 $0xFC000000, v8;
	s20 =	sadd.s32 $0x80, s20;
	v23 =	vld [tilespmem:s23+$0xFFFFFFC0];
	p0 =	slt.u32 s22, $0x3F8  }
0x54: {  	v2 =	vsub.s32 v2, v17;
	v3 =	vsub.s32 v3, v15;
	v4 =	vsub.s32 v4, v14;
	v16 =	vld [tilespmem:s20+$0x30]  }
0x55: {  	v5 =	vsub.s32 v5, v10;
	v6 =	vsub.s32 v6, v9;
	v7 =	vor.u32 v7, v21;
	v14 =	vld [tilespmem:s23+$0xFFFFFFD0]  }
0x56: {  	v1 =	vor.u32 v1, v19;
	v2 =	vor.u32 v2, v18;
	v3 =	vor.u32 v3, v13;
	v9 =	vld [tilespmem:s23+$0xFFFFFFE0];
	[tilespmem:s21+$0xFFFFFFC0] =	vst v7  }
0x57: {  	v10 =	vld [tilespmem:s23+$0xFFFFFFF0];
	v7 =	vshrl.u32 v22, $0xA;
	[tilespmem:s21+$0xFFFFFFD0] =	vst v1;
	v1 =	vor.u32 v4, v11;
	v4 =	vor.u32 v5, v12  }
0x58: {  	v6 =	vor.u32 v6, v8;
	v5 =	vshrl.u32 v23, $0xA;
	v11 =	vld [tilespmem:s23+$0x0];
	v7 =	vmul.u32 $0x5556, v7;
	[tilespmem:s21+$0xFFFFFFE0] =	vst v2  }
0x59: {  	v8 =	vmul.u32 $0x5556, v5;
	v12 =	vld [tilespmem:s23+$0x10];
	v2 =	vshrl.u32 v16, $0xA;
	[tilespmem:s21+$0xFFFFFFF0] =	vst v3  }
0x5a: {  	v3 =	vshrl.u32 v14, $0xA;
	v13 =	vld [tilespmem:s23+$0x20];
	v5 =	vmul.u32 $0x5556, v2;
	v2 =	vshrl.u32 v7, $0x5;
	[tilespmem:s21+$0x0] =	vst v1  }
0x5b: {  	v1 =	vld [tilespmem:s20+$0xFFFFFFD0];
	v15 =	vmul.u32 $0x5556, v3;
	v7 =	vshrl.u32 v9, $0xA;
	v3 =	vand.u32 $0x1F800, v2;
	[tilespmem:s21+$0x10] =	vst v4  }
0x5c: {  	v2 =	vld [tilespmem:s20+$0xFFFFFFE0];
	v17 =	vshrl.u32 v10, $0xA;
	v4 =	vshrl.u32 v5, $0x6;
	v5 =	vsub.s32 v22, v3;
	[tilespmem:s21+$0x20] =	vst v6;
	s21 =	smov.u32 s20  }
0x5d: {  	v3 =	vld [tilespmem:s20+$0xFFFFFFF0];
	v6 =	vshrl.u32 v11, $0xA;
	v18 =	vand.u32 $0x3FFFC00, v4;
	v5 =	vshll.u32 v5, $0xF  }
0x5e: {  	v4 =	vld [tilespmem:s20+$0x0];
	v19 =	vshrl.u32 v12, $0xA;
	v16 =	vsub.s32 v16, v18;
	v18 =	vadd.s32 $0xFC000000, v5  }
0x5f: {  	v20 =	vmul.u32 $0x5556, v7;
	v5 =	vld [tilespmem:s20+$0x10];
	v21 =	vshrl.u32 v13, $0xA;
	v7 =	vor.u32 v16, v18  }
0x60: {  	v16 =	vmul.u32 $0x5556, v17;
	v17 =	vmul.u32 $0x5556, v6;
	v18 =	vmul.u32 $0x5556, v19;
	v6 =	vld [tilespmem:s20+$0x20];
	[tilespmem:s20+$0x30] =	vst v7  }
0x61: {  	v19 =	vshrl.u32 v1, $0xA;
	v21 =	vmul.u32 $0x5556, v21;
	v7 =	vld [tilespmem:s20+$0xFFFFFFC0];
	v22 =	vshrl.u32 v2, $0xA  }
0x62: {  	v8 =	vshrl.u32 v8, $0x5;
	v15 =	vshrl.u32 v15, $0x5;
	v24 =	vshrl.u32 v3, $0xA  }
0x63: {  	v20 =	vshrl.u32 v20, $0x5;
	v16 =	vshrl.u32 v16, $0x5;
	v25 =	vshrl.u32 v4, $0xA  }
0x64: {  	v17 =	vshrl.u32 v17, $0x5;
	v18 =	vshrl.u32 v18, $0x5;
	v26 =	vshrl.u32 v5, $0xA  }
0x65: {  	v19 =	vmul.u32 $0x5556, v19;
	v21 =	vshrl.u32 v21, $0x5;
	v27 =	vshrl.u32 v6, $0xA  }
0x66: {  	v22 =	vmul.u32 $0x5556, v22;
	v24 =	vmul.u32 $0x5556, v24;
	v28 =	vshrl.u32 v7, $0xA  }
0x67: {  	v25 =	vmul.u32 $0x5556, v25;
	v26 =	vmul.u32 $0x5556, v26;
	v28 =	vmul.u32 $0x5556, v28  }
0x68: {  	v8 =	vand.u32 $0x1F800, v8;
	v15 =	vand.u32 $0x1F800, v15;
	v27 =	vmul.u32 $0x5556, v27  }
0x69: {  	v20 =	vand.u32 $0x1F800, v20;
	v16 =	vand.u32 $0x1F800, v16;
	v17 =	vand.u32 $0x1F800, v17  }
0x6a: {  	v8 =	vsub.s32 v23, v8;
	v18 =	vand.u32 $0x1F800, v18;
	v21 =	vand.u32 $0x1F800, v21  }
0x6b: {  	v14 =	vsub.s32 v14, v15;
	v9 =	vsub.s32 v9, v20;
	v10 =	vsub.s32 v10, v16  }
0x6c: {  	v11 =	vsub.s32 v11, v17;
	v12 =	vsub.s32 v12, v18;
	v15 =	vsub.s32 v13, v21  }
0x6d: {  	v17 =	vshrl.u32 v19, $0x6;
	v18 =	vshrl.u32 v22, $0x6;
	v16 =	vshrl.u32 v28, $0x6  }
0x6e: {  	v19 =	vshrl.u32 v24, $0x6;
	v21 =	vshrl.u32 v25, $0x6;
	v22 =	vshrl.u32 v26, $0x6  }
0x6f: {  	v23 =	vshll.u32 v8, $0xF;
	v24 =	vshll.u32 v14, $0xF;
	v25 =	vshrl.u32 v27, $0x6  }
.Ltmp1:
0x70: {  	v13 =	vshll.u32 v10, $0xF;
	v11 =	vshll.u32 v11, $0xF;
	v26 =	vshll.u32 v9, $0xF;
	(pc) =	sbr.rel @p0 .LBB2_4-.Ltmp1, $4  }
0x71: {  	v12 =	vshll.u32 v12, $0xF;
	v8 =	vshll.u32 v15, $0xF;
	v16 =	vand.u32 $0x3FFFC00, v16  }
0x72: {  	v20 =	vand.u32 $0x3FFFC00, v17;
	v17 =	vand.u32 $0x3FFFC00, v18;
	v15 =	vand.u32 $0x3FFFC00, v19  }
0x73: {  	v14 =	vand.u32 $0x3FFFC00, v21;
	v10 =	vand.u32 $0x3FFFC00, v22;
	v9 =	vand.u32 $0x3FFFC00, v25  }
0x74: {  	s23 =	sadd.s32 $0x80, s23;
	v19 =	vadd.s32 $0xFC000000, v24;
	v21 =	vadd.s32 $0xFC000000, v23;
	v18 =	vadd.s32 $0xFC000000, v26  }
0x75: {  	v7 =	vsub.s32 v7, v16  }
0x76: {  	v1 =	vsub.s32 v1, v20;
	v7 =	vor.u32 v7, v21  }
0x77: {  	v2 =	vsub.s32 v2, v17;
	v1 =	vor.u32 v1, v19;
	[tilespmem:s21+$0xFFFFFFC0] =	vst v7  }
0x78: {  	v3 =	vsub.s32 v3, v15;
	v2 =	vor.u32 v2, v18;
	v7 =	vadd.s32 $0xFC000000, v13;
	[tilespmem:s21+$0xFFFFFFD0] =	vst v1  }
0x79: {  	v4 =	vsub.s32 v4, v14;
	v1 =	vadd.s32 $0xFC000000, v11;
	[tilespmem:s21+$0xFFFFFFE0] =	vst v2;
	v3 =	vor.u32 v3, v7  }
0x7a: {  	v5 =	vsub.s32 v5, v10;
	v2 =	vadd.s32 $0xFC000000, v12;
	v1 =	vor.u32 v4, v1;
	[tilespmem:s21+$0xFFFFFFF0] =	vst v3  }
0x7b: {  	v4 =	vsub.s32 v6, v9;
	v2 =	vor.u32 v5, v2;
	v3 =	vadd.s32 $0xFC000000, v8;
	[tilespmem:s21+$0x0] =	vst v1  }
0x7c: {  	[tilespmem:s21+$0x10] =	vst v2;
	v1 =	vor.u32 v4, v3  }
0x7d: {  	[tilespmem:s21+$0x20] =	vst v1  }
0x7e: {  	[hbm4b:s6+s3] =	stream.linear.scatter [tilespmem:s11], [sflag:$0x2], $0x4000, $0x38;
	[tilespmem:$0x14000] =	vst v63  }
0x7f: {  	_ =	swait.ge [sflag:s15], $0x8000  }
0x80: {  	[sflag:s15] =	ssyncset.done $0x0  }
0x81: {  	s20 =	simm.s32 $0xC080;
	[sflag:s15] =	ssyncadd.s32 $0xFFFF8000  }
0x82: {  	v12 =	vld [tilespmem:s20+$0xFFFFFF90]  }
0x83: {  	v4 =	vld [tilespmem:s20+$0xFFFFFFC0]  }
0x84: {  	v3 =	vld [tilespmem:s20+$0xFFFFFFD0]  }
0x85: {  	v2 =	vld [tilespmem:s20+$0xFFFFFFE0]  }
0x86: {  	v14 =	vld [tilespmem:s20+$0xFFFFFFF0]  }
0x87: {  	v5 =	vld [tilespmem:s20+$0xFFFFFF80]  }
0x88: {  	v6 =	vld [tilespmem:s20+$0x70]  }
0x89: {  	v7 =	vld [tilespmem:s20+$0x60]  }
0x8a: {  	v8 =	vld [tilespmem:s20+$0x50]  }
0x8b: {  	v1 =	vld [tilespmem:s20+$0xFFFFFFA0]  }
0x8c: {  	v10 =	vld [tilespmem:s20+$0x40]  }
0x8d: {  	v11 =	vld [tilespmem:s20+$0x30];
	v9 =	vand.u32 $0x7FFF, v5  }
0x8e: {  	v15 =	vld [tilespmem:s20+$0x20];
	v13 =	vand.u32 $0x7FFF, v6  }
0x8f: {  	v17 =	vld [tilespmem:s20+$0x10];
	v16 =	vand.u32 $0x7FFF, v7  }
0x90: {  	v19 =	vld [tilespmem:s20+$0x0];
	v18 =	vand.u32 $0x7FFF, v8  }
0x91: {  	v22 =	vld [tilespmem:s20+$0xFFFFFFB0];
	v20 =	vand.u32 $0x7FFF, v10  }
0x92: {  	v5 =	vshrl.u32 v5, $0xF;
	v9 =	vld.idx.msk [tilespmem:v9+s3+$0x0], $0xffff  }
0x93: {  	v61 =	vand.u32 $0x7FFF, v15;
	v13 =	vld.idx.msk [tilespmem:v13+s3+$0x0], $0xffff  }
0x94: {  	v6 =	vshrl.u32 v6, $0xF;
	v16 =	vld.idx.msk [tilespmem:v16+s3+$0x0], $0xffff  }
0x95: {  	v7 =	vshrl.u32 v7, $0xF;
	v18 =	vld.idx.msk [tilespmem:v18+s3+$0x0], $0xffff  }
0x96: {  	v23 =	vand.u32 $0x7FFF, v11;
	v20 =	vld.idx.msk [tilespmem:v20+s3+$0x0], $0xffff  }
0x97: {  	v8 =	vshrl.u32 v8, $0xF;
	[tilespmem:v5+s16+$0x0] =	vst.idx.add.f32.msk $0xffff, v9  }
0x98: {  	v5 =	vand.u32 $0x7FFF, v19;
	v9 =	vld.idx.msk [tilespmem:v61+s3+$0x0], $0xffff  }
0x99: {  	v62 =	vand.u32 $0x7FFF, v14;
	[tilespmem:v6+s16+$0x0] =	vst.idx.add.f32.msk $0xffff, v13  }
0x9a: {  	v10 =	vshrl.u32 v10, $0xF;
	[tilespmem:v7+s16+$0x0] =	vst.idx.add.f32.msk $0xffff, v16  }
0x9b: {  	v6 =	vand.u32 $0x7FFF, v17;
	v16 =	vld.idx.msk [tilespmem:v23+s3+$0x0], $0xffff  }
0x9c: {  	v63 =	vand.u32 $0x7FFF, v3;
	[tilespmem:v8+s16+$0x0] =	vst.idx.add.f32.msk $0xffff, v18  }
0x9d: {  	v7 =	vld.idx.msk [tilespmem:v5+s3+$0x0], $0xffff;
	v5 =	vshrl.u32 v15, $0xF;
	v15 =	vshrl.u32 v11, $0xF  }
0x9e: {  	v8 =	vand.u32 $0x7FFF, v4;
	v13 =	vld.idx.msk [tilespmem:v62+s3+$0x0], $0xffff  }
0x9f: {  	[tilespmem:v10+s16+$0x0] =	vst.idx.add.f32.msk $0xffff, v20  }
0xa0: {  	v18 =	vand.u32 $0x7FFF, v2;
	v11 =	vld.idx.msk [tilespmem:v6+s3+$0x0], $0xffff  }
0xa1: {  	v20 =	vand.u32 $0x7FFF, v22;
	v6 =	vld.idx.msk [tilespmem:v63+s3+$0x0], $0xffff  }
0xa2: {  	[tilespmem:v15+s16+$0x0] =	vst.idx.add.f32.msk $0xffff, v16;
	v15 =	vshrl.u32 v14, $0xF  }
0xa3: {  	v8 =	vld.idx.msk [tilespmem:v8+s3+$0x0], $0xffff;
	v16 =	vshrl.u32 v19, $0xF  }
0xa4: {  	v3 =	vshrl.u32 v3, $0xF;
	v17 =	vshrl.u32 v17, $0xF;
	[tilespmem:v5+s16+$0x0] =	vst.idx.add.f32.msk $0xffff, v9  }
0xa5: {  	v2 =	vshrl.u32 v2, $0xF;
	v4 =	vshrl.u32 v4, $0xF;
	v9 =	vand.u32 $0x7FFF, v1;
	v14 =	vld.idx.msk [tilespmem:v18+s3+$0x0], $0xffff  }
0xa6: {  	s21 =	simm.s32 $0x0;
	v10 =	vand.u32 $0x7FFF, v12;
	v12 =	vshrl.u32 v12, $0xF;
	v5 =	vshrl.u32 v22, $0xF;
	v18 =	vld.idx.msk [tilespmem:v20+s3+$0x0], $0xffff  }
.LBB2_6:
0xa7: {  	s21 =	sadd.s32 $0x10, s21;
	[tilespmem:v15+s16+$0x0] =	vst.idx.add.f32.msk $0xffff, v13;
	s20 =	sadd.s32 $0x100, s20  }
0xa8: {  	p0 =	slt.u32 s21, $0x3F0;
	[tilespmem:v16+s16+$0x0] =	vst.idx.add.f32.msk $0xffff, v7  }
0xa9: {  	[tilespmem:v17+s16+$0x0] =	vst.idx.add.f32.msk $0xffff, v11  }
0xaa: {  	v7 =	vld.idx.msk [tilespmem:v9+s3+$0x0], $0xffff  }
0xab: {  	v1 =	vshrl.u32 v1, $0xF;
	v9 =	vld.idx.msk [tilespmem:v10+s3+$0x0], $0xffff  }
0xac: {  	[tilespmem:v5+s16+$0x0] =	vst.idx.add.f32.msk $0xffff, v18  }
0xad: {  	[tilespmem:v2+s16+$0x0] =	vst.idx.add.f32.msk $0xffff, v14  }
0xae: {  	[tilespmem:v3+s16+$0x0] =	vst.idx.add.f32.msk $0xffff, v6  }
0xaf: {  	[tilespmem:v4+s16+$0x0] =	vst.idx.add.f32.msk $0xffff, v8  }
0xb0: {  	[tilespmem:v1+s16+$0x0] =	vst.idx.add.f32.msk $0xffff, v7  }
0xb1: {  	[tilespmem:v12+s16+$0x0] =	vst.idx.add.f32.msk $0xffff, v9  }
0xb2: {  	v8 =	vld [tilespmem:s20+$0xFFFFFF90]  }
0xb3: {  	v5 =	vld [tilespmem:s20+$0xFFFFFFC0]  }
0xb4: {  	v4 =	vld [tilespmem:s20+$0xFFFFFFD0]  }
0xb5: {  	v3 =	vld [tilespmem:s20+$0xFFFFFFE0]  }
0xb6: {  	v6 =	vld [tilespmem:s20+$0xFFFFFFF0]  }
0xb7: {  	v2 =	vld [tilespmem:s20+$0xFFFFFF80]  }
0xb8: {  	v7 =	vld [tilespmem:s20+$0x70]  }
0xb9: {  	v9 =	vld [tilespmem:s20+$0x60]  }
0xba: {  	v10 =	vld [tilespmem:s20+$0x50]  }
0xbb: {  	v1 =	vld [tilespmem:s20+$0xFFFFFFA0]  }
0xbc: {  	v11 =	vand.u32 $0x7FFF, v2;
	v12 =	vld [tilespmem:s20+$0x40]  }
0xbd: {  	v13 =	vld [tilespmem:s20+$0x30];
	v14 =	vand.u32 $0x7FFF, v7  }
0xbe: {  	v15 =	vld [tilespmem:s20+$0x20];
	v16 =	vand.u32 $0x7FFF, v9  }
0xbf: {  	v17 =	vld [tilespmem:s20+$0x10];
	v18 =	vand.u32 $0x7FFF, v10  }
0xc0: {  	v19 =	vld [tilespmem:s20+$0x0]  }
0xc1: {  	v11 =	vld.idx.msk [tilespmem:v11+s3+$0x0], $0xffff;
	v20 =	vand.u32 $0x7FFF, v12  }
0xc2: {  	v2 =	vshrl.u32 v2, $0xF;
	v14 =	vld.idx.msk [tilespmem:v14+s3+$0x0], $0xffff  }
0xc3: {  	v7 =	vshrl.u32 v7, $0xF;
	v21 =	vand.u32 $0x7FFF, v15;
	v16 =	vld.idx.msk [tilespmem:v16+s3+$0x0], $0xffff  }
0xc4: {  	v9 =	vshrl.u32 v9, $0xF;
	v23 =	vand.u32 $0x7FFF, v13;
	v22 =	vand.u32 $0x7FFF, v17;
	v18 =	vld.idx.msk [tilespmem:v18+s3+$0x0], $0xffff  }
0xc5: {  	v26 =	vshrl.u32 v10, $0xF;
	v24 =	vld [tilespmem:s20+$0xFFFFFFB0];
	v25 =	vand.u32 $0x7FFF, v19  }
0xc6: {  	v27 =	vand.u32 $0x7FFF, v6;
	v20 =	vld.idx.msk [tilespmem:v20+s3+$0x0], $0xffff  }
0xc7: {  	v28 =	vand.u32 $0x7FFF, v3;
	[tilespmem:v2+s16+$0x0] =	vst.idx.add.f32.msk $0xffff, v11;
	v2 =	vshrl.u32 v3, $0xF  }
0xc8: {  	v29 =	vand.u32 $0x7FFF, v4;
	v12 =	vshrl.u32 v12, $0xF;
	v3 =	vshrl.u32 v4, $0xF;
	v21 =	vld.idx.msk [tilespmem:v21+s3+$0x0], $0xffff  }
0xc9: {  	v30 =	vand.u32 $0x7FFF, v5;
	v4 =	vshrl.u32 v5, $0xF;
	[tilespmem:v7+s16+$0x0] =	vst.idx.add.f32.msk $0xffff, v14  }
0xca: {  	v14 =	vshrl.u32 v15, $0xF;
	v5 =	vshrl.u32 v24, $0xF;
	v24 =	vand.u32 $0x7FFF, v24;
	[tilespmem:v9+s16+$0x0] =	vst.idx.add.f32.msk $0xffff, v16  }
0xcb: {  	v9 =	vand.u32 $0x7FFF, v1;
	v23 =	vld.idx.msk [tilespmem:v23+s3+$0x0], $0xffff  }
0xcc: {  	v10 =	vand.u32 $0x7FFF, v8;
	v31 =	vshrl.u32 v13, $0xF;
	[tilespmem:v26+s16+$0x0] =	vst.idx.add.f32.msk $0xffff, v18  }
0xcd: {  	v7 =	vld.idx.msk [tilespmem:v25+s3+$0x0], $0xffff  }
0xce: {  	v13 =	vld.idx.msk [tilespmem:v27+s3+$0x0], $0xffff  }
0xcf: {  	v15 =	vshrl.u32 v6, $0xF;
	v11 =	vld.idx.msk [tilespmem:v22+s3+$0x0], $0xffff  }
0xd0: {  	v16 =	vshrl.u32 v19, $0xF;
	[tilespmem:v12+s16+$0x0] =	vst.idx.add.f32.msk $0xffff, v20  }
0xd1: {  	v17 =	vshrl.u32 v17, $0xF;
	v6 =	vld.idx.msk [tilespmem:v29+s3+$0x0], $0xffff  }
.Ltmp2:
0xd2: {  	v12 =	vshrl.u32 v8, $0xF;
	v8 =	vld.idx.msk [tilespmem:v30+s3+$0x0], $0xffff;
	(pc) =	sbr.rel @p0 .LBB2_6-.Ltmp2, $4  }
0xd3: {  	[tilespmem:v14+s16+$0x0] =	vst.idx.add.f32.msk $0xffff, v21  }
0xd4: {  	[tilespmem:v31+s16+$0x0] =	vst.idx.add.f32.msk $0xffff, v23  }
0xd5: {  	v14 =	vld.idx.msk [tilespmem:v28+s3+$0x0], $0xffff  }
0xd6: {  	v18 =	vld.idx.msk [tilespmem:v24+s3+$0x0], $0xffff  }
0xd7: {  	_ =	sdelay $0x3  }
0xd8: {  	[tilespmem:v15+s16+$0x0] =	vst.idx.add.f32.msk $0xffff, v13  }
0xd9: {  	[tilespmem:v16+s16+$0x0] =	vst.idx.add.f32.msk $0xffff, v7  }
0xda: {  	[tilespmem:v17+s16+$0x0] =	vst.idx.add.f32.msk $0xffff, v11  }
0xdb: {  	v62 =	vld.idx.msk [tilespmem:v9+s3+$0x0], $0xffff  }
0xdc: {  	v63 =	vld.idx.msk [tilespmem:v10+s3+$0x0], $0xffff;
	v1 =	vshrl.u32 v1, $0xF  }
0xdd: {  	[tilespmem:v3+s16+$0x0] =	vst.idx.add.f32.msk $0xffff, v6  }
0xde: {  	[tilespmem:v4+s16+$0x0] =	vst.idx.add.f32.msk $0xffff, v8  }
0xdf: {  	[tilespmem:v2+s16+$0x0] =	vst.idx.add.f32.msk $0xffff, v14  }
0xe0: {  	[tilespmem:v5+s16+$0x0] =	vst.idx.add.f32.msk $0xffff, v18  }
0xe1: {  	[tilespmem:v1+s16+$0x0] =	vst.idx.add.f32.msk $0xffff, v62  }
0xe2: {  	s19 =	sadd.s32 $0x1, s19;
	[tilespmem:v12+s16+$0x0] =	vst.idx.add.f32.msk $0xffff, v63  }
0xe3: {  	[hbm4b:s7+s9] =	stream.strided.scatter [tilespmem:s16], [sflag:$0x4], $0x4000, s17, s9, $0x38;
	[tilespmem:$0x14000] =	vst v63  }
0xe4: {  	p0 =	sne.s32 s19, s8;
	_ =	swait.ge [sflag:s18], $0x4000  }
.Ltmp3:
0xe5: {  	[sflag:s18] =	ssyncset.done $0x0;
	(pc) =	sbr.rel @p0 .LBB2_1-.Ltmp3, $4  }
0xe6: {  	[sflag:s18] =	ssyncadd.s32 $0xFFFFC000  }
0xe7: {  	_ =	swait.ge [sflag:s13], $0x4000  }
0xe8: {  	[sflag:s13] =	ssyncset.done $0x0  }
0xe9: {  	[sflag:s13] =	ssyncadd.s32 $0xFFFFC000  }
0xea: {  	_ =	sfence.sel $0x180000  }
0xeb: {  	[bflag:$0x0] =	sbarrier.arrive $0xFFFF  }
0xec: {  	p0 =	sne.s32 s2, $0x0;
	_ =	strace $0x90000047  }
0xed: {  	s0 =	sadd.s32 @!p0 $0x100000, s0;
	[bflag:$0x2] =	sbarrier.arrive $0xFFFF  }
0xee: {  	[sflag:s0] =	ssyncadd.tile.s32 @!p0 $0x1;
	_ =	shalt  }
.Lfunc_end2:
_tile_overlayer_lowered:
.L_overlay_start_2:
0xef: {  	(tag) =	ssettag $0x2  }
0xf0: {  	s0 =	rddreg [dreg:$0x0];
	s2 =	stileid.u32  }
0xf1: {  	s1 =	rddreg [dreg:$0x1];
	p0 =	sne.s32 s2, $0x0  }
0xf2: {  	s3 =	rddreg [dreg:$0x2];
	[bflag:$0x3] =	sbarrier.arrive $0xFFFF;
	s2 =	simm.s32 @!p0 $0x1C04  }
0xf3: {  	[timem:s3], [sflag:s2] =	dma.local @!p0 [hbm:s0], s1  }
0xf4: {  	s0 =	simm.s32 @!p0 $0x4  }
0xf5: {  	_ =	swait.ge @!p0 [sflag:s0], s1  }
0xf6: {  	s1 =	ssub.s32 @!p0 $0x0, s1;
	[sflag:s0] =	ssyncset.done @!p0 $0x0  }
0xf7: {  	[sflag:s0] =	ssyncadd.s32 @!p0 s1  }
0xf8: {  	[bflag:$0x3] =	sbarrier.arrive $0xFFFF  }
0xf9: {  	_ =	shalt  }

// kernel: kernel.26.cloned.1.call-start
scs
__scs_entry_jumppad:
0x0: {  	(pc) =	sbr.rel $0x88, $3  }
0x1: {  	(tag) =	ssettag $0x0;
	lr =	simm.s32 $0x1  }
0x2: {  	[smem:$0x3F9D] =	sst lr;
	_ =	strace $0xD0000000  }
0x3: {  	_ = 	snop  }
0x4: {  	_ = 	snop  }
0x5: {  	_ = 	snop  }
0x6: {  	_ = 	snop  }
0x7: {  	_ = 	snop  }
__scs_overlays_trampoline_lowered:
0x8: {  	[smem:$0x3FAC] =	sst s0  }
0x9: {  	[smem:$0x3FAD] =	sst s1  }
0xa: {  	[smem:$0x3FAE] =	sst s2  }
0xb: {  	[smem:$0x3FAF] =	sst s3  }
0xc: {  	[smem:$0x3FB0] =	sst s4  }
0xd: {  	[smem:$0x3FB1] =	sst s5  }
0xe: {  	[smem:$0x3FB2] =	sst s6  }
0xf: {  	[smem:$0x3FB3] =	sst s7  }
0x10: {  	[smem:$0x3FB4] =	sst s8  }
0x11: {  	[smem:$0x3FB5] =	sst s9;
	s0 =	simm.s32 @!p0 $0x0  }
0x12: {  	s1 =	sld [smem:$0x3F9B];
	s0 =	simm.s32 @p0 $0x1  }
0x13: {  	[smem:$0x3FB6] =	sst s0;
	s0 =	simm.s32 @!p1 $0x0  }
0x14: {  	s2 =	sld [smem:$0x3F9A];
	s0 =	simm.s32 @p1 $0x1  }
0x15: {  	[smem:$0x3FB7] =	sst s0;
	s0 =	simm.s32 @!p2 $0x0  }
0x16: {  	s3 =	sld [smem:$0x3FDB];
	s0 =	simm.s32 @p2 $0x1  }
0x17: {  	s4 =	simm.s32 $0x1BF5;
	[smem:$0x3FB9] =	sst s0  }
0x18: {  	s0 =	sld [smem:$0x3F9C];
	_ =	swait.ge [sflag:s4], $0x0  }
0x19: {  	s7 =	sld [smem:$0x3F9D]  }
0x1a: {  	s8 =	sadd.s32 $0xFFFFE003, lr  }
0x1b: {  	s9 =	sadd.s32 $0xFFFFFEF7, lr;
	s5 =	simm.s32 $0xFFFFFFFF;
	p2 =	slt.u32 s8, $0xFFFFF086  }
0x1c: {  	p1 =	slt.u32 s9, $0xF7A;
	s5 =	simm.s32 @!p2 $0x0  }
0x1d: {  	s5 =	simm.s32 @p1 $0x1;
	p0 =	seq.s32 s7, s2  }
0x1e: {  	s7 =	smul.u32 @!p0 $0xF7A, s2;
	p2 =	seq.s32 @!p0 s5, $0x0  }
0x1f: {  	s9 =	smul.u32 $0xF7A, s1;
	s8 =	simm.s32 @!p0 $0x1BF5;
	p2 =	por !p2, p0  }
0x20: {  	[sflag:s8] =	ssyncset.s32 @!p0 $0xFFFFF086;
	s6 =	sadd.s32 @!p0 s3, s7;
	s7 =	simm.s32 @!p0 $0x108  }
0x21: {  	s3 =	sadd.s32 s3, s9;
	s6 =	sadd.s32 @!p0 $0x88, s6;
	s7 =	simm.s32 @p2 $0x1082  }
0x22: {  	[simem:s7], [sflag:s8] =	dma.local @!p0 [hbm:s6], $0xF7A  }
0x23: {  	s9 =	sor.u32 $0xD0000000, s2;
	s6 =	simm.s32 $0x108;
	_ =	swait.ge @!p0 [sflag:s8], $0x0  }
0x24: {  	s3 =	sadd.s32 $0x88, s3;
	s6 =	simm.s32 @!p1 $0x1082;
	[sflag:s4] =	ssyncset.s32 $0xFFFFF086  }
0x25: {  	[simem:s6], [sflag:s4] =	dma.local [hbm:s3], $0xF7A  }
0x26: {  	[smem:$0x3F9D] =	sst s1;
	(tag) =	ssettag s2;
	_ =	strace s9  }
0x27: {  	s1 =	sld [smem:$0x3FAD]  }
0x28: {  	s2 =	sld [smem:$0x3FAE]  }
0x29: {  	s4 =	sld [smem:$0x3FB0]  }
0x2a: {  	p0 =	seq.s32 s5, $0x0;
	s5 =	sld [smem:$0x3FB1]  }
0x2b: {  	s6 =	sld [smem:$0x3FB2]  }
0x2c: {  	s7 =	sld [smem:$0x3FB3]  }
0x2d: {  	s3 =	simm.s32 $0x108;
	s8 =	sld [smem:$0x3FB4]  }
0x2e: {  	s3 =	simm.s32 @!p0 $0x1082;
	s9 =	sld [smem:$0x3FB5]  }
0x2f: {  	lr =	sadd.s32 s0, s3;
	s0 =	sld [smem:$0x3FAC]  }
0x30: {  	s3 =	sld [smem:$0x3FAF]  }
0x31: {  	[smem:$0x3FB8] =	sst s10  }
0x32: {  	s10 =	sld [smem:$0x3FB6];
	_ =	sdelay $0x3  }
0x33: {  	p0 =	seq.s32 s10, $0x1;
	s10 =	sld [smem:$0x3FB8];
	_ =	sdelay $0x3  }
0x34: {  	[smem:$0x3FB8] =	sst s10  }
0x35: {  	s10 =	sld [smem:$0x3FB7];
	_ =	sdelay $0x3  }
0x36: {  	p1 =	seq.s32 s10, $0x1;
	s10 =	sld [smem:$0x3FB8];
	_ =	sdelay $0x3  }
0x37: {  	[smem:$0x3FB8] =	sst s10  }
0x38: {  	s10 =	sld [smem:$0x3FB9]  }
0x39: {  	_ = 	snop;
	(pc) =	sbr.ind lr, $3  }
0x3a: {  	_ = 	snop  }
0x3b: {  	_ = 	snop  }
0x3c: {  	p2 =	seq.s32 s10, $0x1;
	s10 =	sld [smem:$0x3FB8]  }
0x3d: {  	_ =	shalt  }
0x3e: {  	_ =	shalt  }
0x3f: {  	_ =	shalt  }
0x40: {  	_ =	shalt  }
0x41: {  	_ =	shalt  }
0x42: {  	_ =	shalt  }
0x43: {  	_ =	shalt  }
0x44: {  	_ =	shalt  }
0x45: {  	_ =	shalt  }
0x46: {  	_ =	shalt  }
0x47: {  	_ =	shalt  }
0x48: {  	_ =	shalt  }
0x49: {  	_ =	shalt  }
0x4a: {  	_ =	shalt  }
0x4b: {  	_ =	shalt  }
0x4c: {  	_ =	shalt  }
0x4d: {  	_ =	shalt  }
0x4e: {  	_ =	shalt  }
0x4f: {  	_ =	shalt  }
0x50: {  	_ =	shalt  }
0x51: {  	_ =	shalt  }
0x52: {  	_ =	shalt  }
0x53: {  	_ =	shalt  }
0x54: {  	_ =	shalt  }
0x55: {  	_ =	shalt  }
0x56: {  	_ =	shalt  }
0x57: {  	_ =	shalt  }
0x58: {  	_ =	shalt  }
0x59: {  	_ =	shalt  }
0x5a: {  	_ =	shalt  }
0x5b: {  	_ =	shalt  }
0x5c: {  	_ =	shalt  }
0x5d: {  	_ =	shalt  }
0x5e: {  	_ =	shalt  }
0x5f: {  	_ =	shalt  }
0x60: {  	_ =	shalt  }
0x61: {  	_ =	shalt  }
0x62: {  	_ =	shalt  }
0x63: {  	_ =	shalt  }
0x64: {  	_ =	shalt  }
0x65: {  	_ =	shalt  }
0x66: {  	_ =	shalt  }
0x67: {  	_ =	shalt  }
0x68: {  	_ =	shalt  }
0x69: {  	_ =	shalt  }
0x6a: {  	_ =	shalt  }
0x6b: {  	_ =	shalt  }
0x6c: {  	_ =	shalt  }
0x6d: {  	_ =	shalt  }
0x6e: {  	_ =	shalt  }
0x6f: {  	_ =	shalt  }
0x70: {  	_ =	shalt  }
0x71: {  	_ =	shalt  }
0x72: {  	_ =	shalt  }
0x73: {  	_ =	shalt  }
0x74: {  	_ =	shalt  }
0x75: {  	_ =	shalt  }
0x76: {  	_ =	shalt  }
0x77: {  	_ =	shalt  }
0x78: {  	_ =	shalt  }
0x79: {  	_ =	shalt  }
0x7a: {  	_ =	shalt  }
0x7b: {  	_ =	shalt  }
0x7c: {  	_ =	shalt  }
0x7d: {  	_ =	shalt  }
0x7e: {  	_ =	shalt  }
0x7f: {  	_ =	shalt  }
0x80: {  	_ =	shalt  }
0x81: {  	_ =	shalt  }
0x82: {  	_ =	shalt  }
0x83: {  	_ =	shalt  }
0x84: {  	_ =	shalt  }
0x85: {  	_ =	shalt  }
0x86: {  	_ =	shalt  }
0x87: {  	_ =	shalt  }
.Lfunc_end0:
.L_simem_size_0:
called_computation.1_lowered:
.L_overlay_start_0:
0x88: {  	s2 =	sld [smem:$0x3FD9]  }
0x89: {  	s3 =	sld [smem:$0x3FFE];
	_ =	sdelay $0x1  }
0x8a: {  	s1 =	srdreg.scid  }
0x8b: {  	s0 =	sand.u32 $0x1, s1  }
0x8c: {  	s17 =	sshll.u32 s0, $0xA;
	s2 =	sadd.s32 s3, s2  }
0x8d: {  	s2 =	sadd.s32 s2, s17  }
0x8e: {  	[smem:$0x3FC4] =	sst s2  }
0x8f: {  	_ = 	snop  }
0x90: {  	s2 =	sld [smem:$0x3FC8]  }
0x91: {  	s18 =	sld [smem:$0x3FC6];
	(tm) =	ssettm $0x1  }
0x92: {  	s4 =	sld [smem:$0x3FFB];
	_ =	sdelay $0x3  }
0x93: {  	_ =	strace s4  }
0x94: {  	s4 =	sld [smem:$0x3FFC];
	_ =	sdelay $0x3  }
0x95: {  	_ =	strace s4  }
0x96: {  	s4 =	sld [smem:$0x3FFD];
	_ =	sdelay $0x3  }
0x97: {  	_ =	strace s4  }
0x98: {  	_ =	strace $0x8FFFFFFF  }
0x99: {  	s19 =	sld [smem:$0x3FDB];
	_ =	sdelay $0x1  }
0x9a: {  	s5 =	simm.s32 $_scs_section_size  }
0x9b: {  	s6 =	simm.s32 $_size__tile_overlayer_lowered;
	s7 =	simm.s32 $_tile_overlayer_lowered  }
0x9c: {  	s22 =	simm.s32 $0x1BFF;
	s21 =	sshll.u32 s7, $0x1;
	s4 =	sadd.s32 s5, s19  }
0x9d: {  	s8 =	simm.s32 $0x0;
	s20 =	sshll.u32 s6, $0x1;
	s6 =	sadd.s32 s21, s4  }
0x9e: {  	[timem:s8], [sflag:s22] =	dma.local [hbm:s6], s20  }
0x9f: {  	_ =	swait.ge [sflag:s22], s20  }
0xa0: {  	s5 =	ssub.s32 $0x0, s20;
	[sflag:s22] =	ssyncset.done $0x0  }
0xa1: {  	[sflag:s22] =	ssyncadd.s32 s5;
	_ =	sdelay $0x1  }
0xa2: {  	s23 =	simm.s32 $0x1B8B  }
0xa3: {  	_ =	swait.ge [sflag:s23], $0x1  }
0xa4: {  	[sflag:s23] =	ssyncset.done $0x0  }
0xa5: {  	s25 =	simm.s32 $0x1B8E;
	s24 =	sld [smem:$0x3FFE];
	[sflag:s23] =	ssyncadd.s32 $0xFFFFFFFF  }
0xa6: {  	s26 =	simm.s32 $execute0_lowered;
	[smem:$0x3FD2] =	sst s25  }
0xa7: {  	s6 =	sshll.u32 s26, $0x1;
	_ =	strace $0x80000049;
	[dreg:$0x1] =	wrdreg $0xFFFFFFFF  }
0xa8: {  	s28 =	simm.s32 $_size_execute0_lowered;
	s4 =	sadd.s32 s4, s6;
	[dreg:$0x0] =	wrdreg $0x0  }
0xa9: {  	s6 =	sshll.u32 s28, $0x1;
	[dreg:$0x2] =	wrdreg s4  }
0xaa: {  	[dreg:$0x3] =	wrdreg s6  }
0xab: {  	[dreg:$0x4] =	wrdreg $0xC0  }
0xac: {  	_ =	task [dreg:s8], $0x5FFFF  }
0xad: {  	[dreg:$0x1] =	wrdreg $0xFFFFFFFF  }
0xae: {  	[dreg:$0x0] =	wrdreg $0x60  }
0xaf: {  	[dreg:$0x2] =	wrdreg s24  }
0xb0: {  	[dreg:$0x3] =	wrdreg s2  }
0xb1: {  	[dreg:$0x4] =	wrdreg s18  }
0xb2: {  	[dreg:$0x5] =	wrdreg $0x9  }
0xb3: {  	_ =	task.clear_ibuf [dreg:s8], $0x6FFFF;
	_ =	strace $0x90000049  }
0xb4: {  	s29 =	simm.s32 $0x9;
	_ =	strace $0x8000004B  }
0xb5: {  	_ =	swait.ge [sflag:s29], $0x1  }
0xb6: {  	[sflag:s29] =	ssyncadd.s32 $0xFFFFFFFF  }
0xb7: {  	_ =	strace $0x9000004B  }
0xb8: {  	_ =	sfence  }
0xb9: {  	s30 =	sld [smem:$0x0];
	_ =	sdelay $0x2  }
0xba: {  	s31 =	sshll.u32 s1, $0xD;
	s1 =	sshrl.u32 s1, $0x2  }
0xbb: {  	s3 =	sand.u32 $0x4000, s31;
	s1 =	sadd.s32 s1, s30  }
0xbc: {  	s0 =	sor.u32 s3, s0;
	s1 =	sshll.u32 s1, $0x11  }
0xbd: {  	s0 =	sor.u32 s1, s0  }
0xbe: {  	s0 =	sadd.s32 $0x8F2B, s0  }
0xbf: {  	[sflag:s0] =	ssyncadd.remote.s32 $0x1  }
0xc0: {  	_ =	sfence.sel $0xFFFF  }
0xc1: {  	[dreg:$0x0] =	wrdreg $0xFFFFFFFF;
	(pc) =	sbr.abs _section_cstart, $3  }
0xc2: {  	[dreg:$0x1] =	wrdreg $0xFFFFFFFF  }
0xc3: {  	_ =	task.clear_ibuf [dreg:s8], $0x2FFFF;
	_ =	strace $0x9FFFFFFF  }
0xc4: {  	(tm) =	ssettm $0x7FFFFFFF  }
0xc5: {  	_ =	shalt  }
tec
execute0_lowered:
.L_overlay_start_1:
0x0: {  	(tag) =	ssettag $0x1  }
0x1: {  	s0 =	rddreg [dreg:$0x0]  }
0x2: {  	s1 =	rddreg [dreg:$0x1]  }
0x3: {  	s7 =	rddreg [dreg:$0x2];
	s2 =	simm.s32 $0x0;
	s6 =	stileid.u32  }
0x4: {  	s3 =	srdreg.scid;
	s13 =	simm.s32 $0x80;
	s14 =	simm.s32 $0x100  }
0x5: {  	s15 =	simm.s32 $0xD000;
	s16 =	simm.s32 $0x11000;
	s17 =	simm.s32 $0x15000  }
0x6: {  	s18 =	simm.s32 $0x3;
	s19 =	simm.s32 $0x4;
	s20 =	simm.s32 $0x5  }
0x7: {  	s21 =	simm.s32 $0x1;
	s22 =	simm.s32 $0x2;
	s23 =	simm.s32 $0x5000  }
0x8: {  	s24 =	simm.s32 $0x400;
	s25 =	simm.s32 $0x6;
	s26 =	simm.s32 $0x0  }
0x9: {  	[smem:$0x7FF] =	sst s2;
	s4 =	sshll.u32 s6, $0xD;
	s5 =	sand.u32 $0x1, s3  }
0xa: {  	s6 =	sshll.u32 s6, $0x1;
	s3 =	sadd.s32 $0x6800, s0;
	_ =	strace $0x8000004A  }
0xb: {  	s8 =	sand.u32 $0x18000, s4;
	s6 =	sor.u32 s5, s6;
	s4 =	sadd.s32 $0x26800, s0  }
0xc: {  	s5 =	ssub.s32 $0x2, s5;
	s9 =	sadd.s32 s8, s0;
	s29 =	sshll.u32 s6, $0xE  }
0xd: {  	s10 =	sshll.u32 s6, $0xB;
	s30 =	sshrl.u32 s5, $0x1;
	s8 =	sor.u32 $0x80000, s29  }
0xe: {  	s31 =	sshll.u32 s6, $0x4;
	s0 =	sadd.s32 s10, s0;
	s11 =	sshrl.u32 s8, $0x2  }
0xf: {  	s12 =	ssub.s32 s5, s30;
	s8 =	sshrl.u32 s8, $0x3;
	s5 =	sadd.s32 s1, s11  }
0x10: {  	s1 =	sand.u32 $0x70, s31;
	s7 =	sadd.s32 s7, s8;
	s8 =	sadd.s32 $0x46A00, s0  }
0x11: {  	s11 =	smax.u32 s12, $0x1;
	s12 =	simm.s32 $0x4000;
	s1 =	sadd.s32 s1, s9  }
0x12: {  	v0 =	vimm.f32 $0.0e+00;
	s6 =	sadd.s32 $0x10, s5;
	s9 =	sadd.s32 $0x56A00, s0;
	s10 =	sadd.s32 $0x26A00, s1  }
.LBB2_1:
0x13: {  	[tilespmem:s2], [sflag:$0x1] =	stream.linear.gather [hbm4b:s3+s2], $0x4000, $0x38;
	[tilespmem:$0x19000] =	vst v63  }
0x14: {  	_ = 	snop  }
0x15: {  	[tilespmem:s12], [sflag:$0x2] =	stream.linear.gather [hbm4b:s4+s2], $0x1000, $0x38;
	[tilespmem:$0x19000] =	vst v63  }
0x16: {  	_ = 	snop  }
0x17: {  	[tilespmem:s15], [sflag:$0x3] =	stream.strided.gather [hbm4b:s5+s13], $0x4000, s14, s13, $0x38;
	[tilespmem:$0x19000] =	vst v63  }
0x18: {  	_ = 	snop  }
0x19: {  	[tilespmem:s16], [sflag:$0x4] =	stream.strided.gather [hbm4b:s6+s13], $0x4000, s14, s13, $0x38;
	[tilespmem:$0x19000] =	vst v63  }
0x1a: {  	s0 =	simm.s32 $0x5040  }
0x1b: {  	[tilespmem:s17], [sflag:$0x5] =	stream.linear.gather [hbm4b:s7+s2], $0x4000, $0x38;
	[tilespmem:$0x19000] =	vst v63  }
0x1c: {  	[tilespmem:s0+$0xFFFFFFC0] =	vst v0  }
0x1d: {  	[tilespmem:s0+$0x30] =	vst v0  }
0x1e: {  	[tilespmem:s0+$0x20] =	vst v0  }
0x1f: {  	[tilespmem:s0+$0x10] =	vst v0  }
0x20: {  	[tilespmem:s0+$0x0] =	vst v0  }
0x21: {  	[tilespmem:s0+$0xFFFFFFF0] =	vst v0  }
0x22: {  	s1 =	simm.s32 $0x0;
	[tilespmem:s0+$0xFFFFFFE0] =	vst v0  }
.LBB2_2:
0x23: {  	s1 =	sadd.s32 $0x8, s1;
	[tilespmem:s0+$0xFFFFFFD0] =	vst v0;
	s0 =	sadd.s32 $0x80, s0  }
0x24: {  	[tilespmem:s0+$0xFFFFFFC0] =	vst v0;
	p0 =	slt.u32 s1, $0x7F8  }
0x25: {  	[tilespmem:s0+$0x30] =	vst v0  }
.Ltmp0:
0x26: {  	[tilespmem:s0+$0x20] =	vst v0;
	(pc) =	sbr.rel @p0 .LBB2_2-.Ltmp0, $4  }
0x27: {  	[tilespmem:s0+$0x10] =	vst v0  }
0x28: {  	[tilespmem:s0+$0x0] =	vst v0  }
0x29: {  	[tilespmem:s0+$0xFFFFFFF0] =	vst v0  }
0x2a: {  	[tilespmem:s0+$0xFFFFFFE0] =	vst v0  }
0x2b: {  	[tilespmem:s0+$0xFFFFFFD0] =	vst v0  }
0x2c: {  	_ =	swait.ge [sflag:s18], $0x4000  }
0x2d: {  	[sflag:s18] =	ssyncset.done $0x0  }
0x2e: {  	[sflag:s18] =	ssyncadd.s32 $0xFFFFC000  }
0x2f: {  	_ =	swait.ge [sflag:s19], $0x4000  }
0x30: {  	[sflag:s19] =	ssyncset.done $0x0  }
0x31: {  	[sflag:s19] =	ssyncadd.s32 $0xFFFFC000  }
0x32: {  	_ =	swait.ge [sflag:s20], $0x4000  }
0x33: {  	[sflag:s20] =	ssyncset.done $0x0  }
0x34: {  	s28 =	simm.s32 $0xD040;
	[sflag:s20] =	ssyncadd.s32 $0xFFFFC000  }
0x35: {  	v2 =	vld [tilespmem:s28+$0x30]  }
0x36: {  	v8 =	vld [tilespmem:s28+$0xFFFFFFD0]  }
0x37: {  	s30 =	simm.s32 $0x15040;
	v10 =	vld [tilespmem:s28+$0xFFFFFFF0]  }
0x38: {  	v4 =	vld [tilespmem:s30+$0x30]  }
0x39: {  	v12 =	vld [tilespmem:s28+$0x10]  }
0x3a: {  	v9 =	vld [tilespmem:s28+$0xFFFFFFE0]  }
0x3b: {  	s29 =	simm.s32 $0x11040;
	v11 =	vld [tilespmem:s28+$0x0]  }
0x3c: {  	v5 =	vld [tilespmem:s29+$0x30]  }
0x3d: {  	v1 =	vshrl.u32 v2, $0xA;
	v3 =	vshrl.u32 v8, $0xA  }
0x3e: {  	v7 =	vshrl.u32 v10, $0xA;
	v4 =	vshll.u32 v4, $0xE;
	v19 =	vshrl.u32 v12, $0xA  }
0x3f: {  	v1 =	vmul.u32 $0x5556, v1;
	v6 =	vmul.u32 $0x5556, v3;
	v3 =	vshrl.u32 v9, $0xA  }
0x40: {  	v14 =	vld [tilespmem:s28+$0x20];
	v17 =	vmul.u32 $0x5556, v7;
	v7 =	vshrl.u32 v11, $0xA;
	v19 =	vmul.u32 $0x5556, v19  }
0x41: {  	v15 =	vld [tilespmem:s28+$0xFFFFFFC0];
	v13 =	vmul.u32 $0x5556, v3;
	v3 =	vshrl.u32 v5, $0xA;
	v1 =	vshrl.u32 v1, $0x5  }
0x42: {  	v31 =	vld [tilespmem:s30+$0xFFFFFFC0];
	v3 =	vmul.u32 $0x5556, v3;
	v22 =	vshrl.u32 v6, $0x5;
	v17 =	vshrl.u32 v17, $0x5  }
0x43: {  	v34 =	vld [tilespmem:s30+$0xFFFFFFE0];
	v19 =	vshrl.u32 v19, $0x5;
	v16 =	vand.u32 $0x7FFF800, v1;
	v13 =	vshrl.u32 v13, $0x5  }
0x44: {  	v6 =	vld [tilespmem:s29+$0x20];
	v22 =	vand.u32 $0x7FFF800, v22;
	v17 =	vand.u32 $0x7FFF800, v17;
	v16 =	vsub.s32 v2, v16  }
0x45: {  	v1 =	vld [tilespmem:s29+$0xFFFFFFC0];
	v18 =	vshrl.u32 v3, $0x6;
	v13 =	vand.u32 $0x7FFF800, v13;
	v8 =	vsub.s32 v8, v22  }
0x46: {  	v2 =	vld [tilespmem:s29+$0xFFFFFFD0];
	v10 =	vsub.s32 v10, v17;
	v16 =	vadd.s32 $0xFFFFF800, v16;
	v13 =	vsub.s32 v9, v13  }
0x47: {  	v3 =	vld [tilespmem:s29+$0xFFFFFFE0];
	v27 =	vor.u32 v4, v16;
	v16 =	vand.u32 $0x3FFFC00, v18;
	v18 =	vmul.u32 $0x5556, v7  }
0x48: {  	v7 =	vshrl.u32 v14, $0xA;
	v22 =	vadd.s32 $0xFFFFF800, v13;
	v28 =	vsub.s32 v5, v16  }
0x49: {  	v4 =	vld [tilespmem:s29+$0xFFFFFFF0];
	v16 =	vshrl.u32 v15, $0xA;
	v20 =	vmul.u32 $0x5556, v7;
	v30 =	vshrl.u32 v6, $0xA  }
0x4a: {  	v5 =	vld [tilespmem:s29+$0x0];
	[tilespmem:s28+$0x30] =	vst v27;
	v27 =	vshll.u32 v34, $0xE;
	v16 =	vmul.u32 $0x5556, v16;
	v21 =	vshrl.u32 v1, $0xA  }
0x4b: {  	v7 =	vld [tilespmem:s29+$0x10];
	v18 =	vshrl.u32 v18, $0x5;
	v30 =	vmul.u32 $0x5556, v30;
	[tilespmem:s29+$0x30] =	vst v28;
	v28 =	vshll.u32 v31, $0xE  }
0x4c: {  	v23 =	vshrl.u32 v2, $0xA;
	v24 =	vshrl.u32 v3, $0xA;
	v20 =	vshrl.u32 v20, $0x5  }
0x4d: {  	v21 =	vmul.u32 $0x5556, v21;
	v18 =	vand.u32 $0x7FFF800, v18;
	v16 =	vshrl.u32 v16, $0x5  }
0x4e: {  	v23 =	vmul.u32 $0x5556, v23;
	v24 =	vmul.u32 $0x5556, v24;
	v11 =	vsub.s32 v11, v18  }
0x4f: {  	v25 =	vshrl.u32 v4, $0xA;
	v16 =	vand.u32 $0x7FFF800, v16;
	v18 =	vadd.s32 $0xFFFFF800, v11  }
0x50: {  	v26 =	vshrl.u32 v5, $0xA;
	v25 =	vmul.u32 $0x5556, v25;
	v29 =	vshrl.u32 v7, $0xA  }
0x51: {  	v15 =	vsub.s32 v15, v16;
	v16 =	vand.u32 $0x7FFF800, v19;
	v19 =	vand.u32 $0x7FFF800, v20  }
0x52: {  	v32 =	vld [tilespmem:s30+$0xFFFFFFD0];
	v17 =	vshrl.u32 v23, $0x6;
	v20 =	vadd.s32 $0xFFFFF800, v10;
	v26 =	vmul.u32 $0x5556, v26  }
0x53: {  	v11 =	vld [tilespmem:s30+$0x0];
	v29 =	vmul.u32 $0x5556, v29;
	v12 =	vsub.s32 v12, v16;
	v14 =	vsub.s32 v14, v19  }
0x54: {  	v10 =	vld [tilespmem:s30+$0xFFFFFFF0];
	v16 =	vshrl.u32 v21, $0x6;
	v19 =	vshrl.u32 v24, $0x6;
	v9 =	vadd.s32 $0xFFFFF800, v15  }
0x55: {  	v21 =	vshrl.u32 v25, $0x6;
	v25 =	vand.u32 $0x3FFFC00, v16;
	v16 =	vadd.s32 $0xFFFFF800, v12;
	v12 =	vld [tilespmem:s30+$0x10]  }
0x56: {  	v24 =	vand.u32 $0x3FFFC00, v17;
	v15 =	vadd.s32 $0xFFFFF800, v14;
	v23 =	vand.u32 $0x3FFFC00, v19;
	v14 =	vld [tilespmem:s30+$0x20]  }
0x57: {  	v33 =	vshrl.u32 v26, $0x6;
	v29 =	vshrl.u32 v29, $0x6;
	v26 =	vadd.s32 $0xFFFFF800, v8  }
0x58: {  	v8 =	vshrl.u32 v30, $0x6;
	v21 =	vand.u32 $0x3FFFC00, v21;
	v19 =	vand.u32 $0x3FFFC00, v33  }
0x59: {  	s0 =	simm.s32 $0x0;
	s1 =	simm.s32 $0xD0C0;
	s31 =	simm.s32 $0x11040;
	v17 =	vand.u32 $0x3FFFC00, v29;
	v13 =	vand.u32 $0x3FFFC00, v8;
	v29 =	vshll.u32 v32, $0xE  }
.LBB2_4:
0x5a: {  	v30 =	vld [tilespmem:s1+$0x30];
	v10 =	vshll.u32 v10, $0xE;
	v11 =	vshll.u32 v11, $0xE;
	v12 =	vshll.u32 v12, $0xE  }
0x5b: {  	s0 =	sadd.s32 $0x8, s0;
	v28 =	vor.u32 v28, v9;
	v26 =	vor.u32 v29, v26;
	v14 =	vshll.u32 v14, $0xE;
	v8 =	vld [tilespmem:s1+$0xFFFFFFD0]  }
0x5c: {  	v22 =	vor.u32 v27, v22;
	s29 =	sadd.s32 $0x80, s29;
	p0 =	slt.u32 s0, $0x3F8;
	v10 =	vor.u32 v10, v20;
	v11 =	vor.u32 v11, v18;
	v9 =	vld [tilespmem:s1+$0xFFFFFFE0];
	[tilespmem:s28+$0xFFFFFFC0] =	vst v28  }
0x5d: {  	v1 =	vsub.s32 v1, v25;
	v12 =	vor.u32 v12, v16;
	v14 =	vor.u32 v14, v15;
	v18 =	vld [tilespmem:s29+$0x30];
	[tilespmem:s28+$0xFFFFFFD0] =	vst v26  }
0x5e: {  	v15 =	vld [tilespmem:s1+$0xFFFFFFF0];
	[tilespmem:s31+$0xFFFFFFC0] =	vst v1;
	v1 =	vsub.s32 v2, v24;
	v2 =	vsub.s32 v3, v23;
	v3 =	vsub.s32 v4, v21  }
0x5f: {  	v5 =	vsub.s32 v5, v19;
	v17 =	vsub.s32 v7, v17;
	s30 =	sadd.s32 $0x80, s30;
	v16 =	vld [tilespmem:s1+$0x0];
	v4 =	vshrl.u32 v30, $0xA;
	[tilespmem:s31+$0xFFFFFFD0] =	vst v1  }
0x60: {  	v13 =	vsub.s32 v6, v13;
	v1 =	vshrl.u32 v8, $0xA;
	v7 =	vld [tilespmem:s30+$0x30];
	v4 =	vmul.u32 $0x5556, v4;
	[tilespmem:s28+$0xFFFFFFE0] =	vst v22  }
0x61: {  	v6 =	vmul.u32 $0x5556, v1;
	v1 =	vshrl.u32 v9, $0xA;
	v19 =	vld [tilespmem:s1+$0x10];
	[tilespmem:s31+$0xFFFFFFE0] =	vst v2  }
0x62: {  	v20 =	vmul.u32 $0x5556, v1;
	v21 =	vld [tilespmem:s1+$0x20];
	v1 =	vshrl.u32 v4, $0x5;
	v2 =	vshrl.u32 v18, $0xA;
	[tilespmem:s28+$0xFFFFFFF0] =	vst v10  }
0x63: {  	v22 =	vld [tilespmem:s1+$0xFFFFFFC0];
	v4 =	vshrl.u32 v15, $0xA;
	v10 =	vand.u32 $0x7FFF800, v1;
	v23 =	vmul.u32 $0x5556, v2;
	[tilespmem:s31+$0xFFFFFFF0] =	vst v3  }
0x64: {  	v1 =	vld [tilespmem:s29+$0xFFFFFFC0];
	v24 =	vmul.u32 $0x5556, v4;
	v25 =	vshrl.u32 v16, $0xA;
	v3 =	vsub.s32 v30, v10;
	[tilespmem:s28+$0x0] =	vst v11  }
0x65: {  	v2 =	vld [tilespmem:s29+$0xFFFFFFD0];
	v4 =	vadd.s32 $0xFFFFF800, v3;
	v7 =	vshll.u32 v7, $0xE;
	v10 =	vshrl.u32 v23, $0x6;
	[tilespmem:s31+$0x0] =	vst v5  }
0x66: {  	v3 =	vld [tilespmem:s29+$0xFFFFFFE0];
	v11 =	vshrl.u32 v19, $0xA;
	v5 =	vor.u32 v7, v4;
	v7 =	vand.u32 $0x3FFFC00, v10;
	[tilespmem:s28+$0x10] =	vst v12  }
0x67: {  	v10 =	vmul.u32 $0x5556, v25;
	v4 =	vld [tilespmem:s29+$0xFFFFFFF0];
	v12 =	vshrl.u32 v21, $0xA;
	[tilespmem:s1+$0x30] =	vst v5;
	v7 =	vsub.s32 v18, v7  }
0x68: {  	v11 =	vmul.u32 $0x5556, v11;
	v18 =	vshrl.u32 v22, $0xA;
	v5 =	vld [tilespmem:s29+$0x0];
	v12 =	vmul.u32 $0x5556, v12;
	[tilespmem:s29+$0x30] =	vst v7  }
0x69: {  	v25 =	vshrl.u32 v6, $0x5;
	v18 =	vmul.u32 $0x5556, v18;
	v23 =	vshrl.u32 v1, $0xA;
	v7 =	vld [tilespmem:s29+$0x10];
	[tilespmem:s31+$0x10] =	vst v17  }
0x6a: {  	v20 =	vshrl.u32 v20, $0x5;
	v24 =	vshrl.u32 v24, $0x5;
	v17 =	vshrl.u32 v2, $0xA;
	v6 =	vld [tilespmem:s29+$0x20];
	[tilespmem:s28+$0x20] =	vst v14;
	s28 =	smov.u32 s1  }
0x6b: {  	v26 =	vshrl.u32 v10, $0x5;
	v27 =	vld [tilespmem:s30+$0xFFFFFFC0];
	v14 =	vshrl.u32 v18, $0x5;
	v18 =	vshrl.u32 v3, $0xA;
	[tilespmem:s31+$0x20] =	vst v13;
	s31 =	smov.u32 s29  }
0x6c: {  	v28 =	vshrl.u32 v11, $0x5;
	v30 =	vshrl.u32 v12, $0x5;
	v29 =	vld [tilespmem:s30+$0xFFFFFFD0];
	v13 =	vshrl.u32 v4, $0xA  }
0x6d: {  	v23 =	vmul.u32 $0x5556, v23;
	v17 =	vmul.u32 $0x5556, v17;
	v31 =	vld [tilespmem:s30+$0xFFFFFFE0];
	v12 =	vshrl.u32 v5, $0xA  }
0x6e: {  	v18 =	vmul.u32 $0x5556, v18;
	v13 =	vmul.u32 $0x5556, v13;
	v10 =	vld [tilespmem:s30+$0xFFFFFFF0];
	v32 =	vshrl.u32 v7, $0xA  }
0x6f: {  	v33 =	vmul.u32 $0x5556, v12;
	v11 =	vld [tilespmem:s30+$0x0];
	v32 =	vmul.u32 $0x5556, v32;
	v34 =	vshrl.u32 v6, $0xA  }
0x70: {  	v25 =	vand.u32 $0x7FFF800, v25;
	v35 =	vand.u32 $0x7FFF800, v14;
	v12 =	vld [tilespmem:s30+$0x10];
	v34 =	vmul.u32 $0x5556, v34  }
0x71: {  	v20 =	vand.u32 $0x7FFF800, v20;
	v24 =	vand.u32 $0x7FFF800, v24;
	v26 =	vand.u32 $0x7FFF800, v26;
	v14 =	vld [tilespmem:s30+$0x20]  }
0x72: {  	v28 =	vand.u32 $0x7FFF800, v28;
	v30 =	vand.u32 $0x7FFF800, v30;
	v22 =	vsub.s32 v22, v35  }
0x73: {  	v20 =	vsub.s32 v9, v20;
	v8 =	vsub.s32 v8, v25;
	v15 =	vsub.s32 v15, v24  }
0x74: {  	v16 =	vsub.s32 v16, v26;
	v19 =	vsub.s32 v19, v28;
	v21 =	vsub.s32 v21, v30  }
0x75: {  	v23 =	vshrl.u32 v23, $0x6;
	v17 =	vshrl.u32 v17, $0x6;
	v28 =	vshrl.u32 v18, $0x6  }
0x76: {  	v13 =	vshrl.u32 v13, $0x6;
	v30 =	vshrl.u32 v33, $0x6;
	v32 =	vshrl.u32 v32, $0x6  }
0x77: {  	v26 =	vadd.s32 $0xFFFFF800, v8;
	v9 =	vadd.s32 $0xFFFFF800, v22;
	v8 =	vshrl.u32 v34, $0x6  }
.Ltmp1:
0x78: {  	v22 =	vadd.s32 $0xFFFFF800, v20;
	v20 =	vadd.s32 $0xFFFFF800, v15;
	v18 =	vadd.s32 $0xFFFFF800, v16;
	(pc) =	sbr.rel @p0 .LBB2_4-.Ltmp1, $4  }
0x79: {  	v25 =	vand.u32 $0x3FFFC00, v23;
	v16 =	vadd.s32 $0xFFFFF800, v19;
	v15 =	vadd.s32 $0xFFFFF800, v21  }
0x7a: {  	v24 =	vand.u32 $0x3FFFC00, v17;
	v23 =	vand.u32 $0x3FFFC00, v28;
	v21 =	vand.u32 $0x3FFFC00, v13  }
0x7b: {  	v19 =	vand.u32 $0x3FFFC00, v30;
	v17 =	vand.u32 $0x3FFFC00, v32;
	v13 =	vand.u32 $0x3FFFC00, v8  }
0x7c: {  	s1 =	sadd.s32 $0x80, s1;
	v28 =	vshll.u32 v27, $0xE;
	v29 =	vshll.u32 v29, $0xE;
	v27 =	vshll.u32 v31, $0xE  }
0x7d: {  	v8 =	vor.u32 v28, v9  }
0x7e: {  	v37 =	vor.u32 v29, v26;
	[tilespmem:s28+$0xFFFFFFC0] =	vst v8  }
0x7f: {  	v1 =	vsub.s32 v1, v25;
	[tilespmem:s28+$0xFFFFFFD0] =	vst v37  }
0x80: {  	[tilespmem:s31+$0xFFFFFFC0] =	vst v1;
	v1 =	vsub.s32 v2, v24  }
0x81: {  	v2 =	vor.u32 v27, v22;
	[tilespmem:s31+$0xFFFFFFD0] =	vst v1  }
0x82: {  	v3 =	vsub.s32 v3, v23;
	v1 =	vshll.u32 v10, $0xE;
	[tilespmem:s28+$0xFFFFFFE0] =	vst v2  }
0x83: {  	v1 =	vor.u32 v1, v20;
	[tilespmem:s31+$0xFFFFFFE0] =	vst v3  }
0x84: {  	v2 =	vshll.u32 v11, $0xE;
	v3 =	vsub.s32 v4, v21;
	[tilespmem:s28+$0xFFFFFFF0] =	vst v1  }
0x85: {  	v1 =	vor.u32 v2, v18;
	[tilespmem:s31+$0xFFFFFFF0] =	vst v3  }
0x86: {  	v2 =	vshll.u32 v12, $0xE;
	v3 =	vsub.s32 v5, v19;
	[tilespmem:s28+$0x0] =	vst v1  }
0x87: {  	v1 =	vor.u32 v2, v16;
	[tilespmem:s31+$0x0] =	vst v3  }
0x88: {  	v2 =	vshll.u32 v14, $0xE;
	v3 =	vsub.s32 v7, v17;
	[tilespmem:s28+$0x10] =	vst v1  }
0x89: {  	v1 =	vor.u32 v2, v15;
	[tilespmem:s31+$0x10] =	vst v3  }
0x8a: {  	v2 =	vsub.s32 v6, v13;
	[tilespmem:s28+$0x20] =	vst v1  }
0x8b: {  	[tilespmem:s31+$0x20] =	vst v2  }
0x8c: {  	[hbm4b:s8+s2] =	stream.linear.scatter [tilespmem:s15], [sflag:$0x3], $0x4000, $0x38;
	[tilespmem:$0x19000] =	vst v63  }
0x8d: {  	_ = 	snop  }
0x8e: {  	[hbm4b:s9+s2] =	stream.linear.scatter [tilespmem:s16], [sflag:$0x4], $0x4000, $0x38;
	[tilespmem:$0x19000] =	vst v63  }
0x8f: {  	_ =	swait.ge [sflag:s21], $0x4000  }
0x90: {  	[sflag:s21] =	ssyncset.done $0x0  }
0x91: {  	[sflag:s21] =	ssyncadd.s32 $0xFFFFC000  }
0x92: {  	_ =	swait.ge [sflag:s22], $0x1000  }
0x93: {  	[sflag:s22] =	ssyncset.done $0x0  }
0x94: {  	s0 =	simm.s32 $0xD080;
	[sflag:s22] =	ssyncadd.s32 $0xFFFFF000  }
0x95: {  	v1 =	vld [tilespmem:s0+$0x70]  }
0x96: {  	v2 =	vld [tilespmem:s0+$0xFFFFFF90]  }
0x97: {  	v3 =	vld [tilespmem:s0+$0xFFFFFFA0]  }
0x98: {  	v38 =	vld [tilespmem:s0+$0xFFFFFFB0]  }
0x99: {  	v39 =	vld [tilespmem:s0+$0xFFFFFFC0]  }
0x9a: {  	v40 =	vld [tilespmem:s0+$0xFFFFFFD0]  }
0x9b: {  	v42 =	vld [tilespmem:s0+$0xFFFFFFE0]  }
0x9c: {  	v43 =	vld [tilespmem:s0+$0xFFFFFFF0]  }
0x9d: {  	v44 =	vld [tilespmem:s0+$0x0]  }
0x9e: {  	v45 =	vld [tilespmem:s0+$0x10]  }
0x9f: {  	v46 =	vld [tilespmem:s0+$0x20]  }
0xa0: {  	v48 =	vld [tilespmem:s0+$0x30]  }
0xa1: {  	v49 =	vld [tilespmem:s0+$0x40]  }
0xa2: {  	v51 =	vld [tilespmem:s0+$0x50]  }
0xa3: {  	v52 =	vld [tilespmem:s0+$0x60]  }
0xa4: {  	s28 =	simm.s32 $0x11080;
	v54 =	vld [tilespmem:s0+$0xFFFFFF80]  }
0xa5: {  	v57 =	vld [tilespmem:s28+$0x70]  }
0xa6: {  	v59 =	vand.u32 $0x3FFF, v42;
	v8 =	vshrl.u32 v42, $0xE;
	v42 =	vld [tilespmem:s28+$0xFFFFFF90]  }
0xa7: {  	v41 =	vand.u32 $0x3FFF, v1;
	v60 =	vand.u32 $0x3FFF, v43;
	v9 =	vshrl.u32 v43, $0xE;
	v43 =	vld [tilespmem:s28+$0xFFFFFFA0]  }
0xa8: {  	v1 =	vshrl.u32 v1, $0xE;
	v62 =	vand.u32 $0x3FFF, v44;
	v10 =	vshrl.u32 v44, $0xE;
	v44 =	vld [tilespmem:s28+$0xFFFFFFC0]  }
0xa9: {  	v47 =	vand.u32 $0x3FFF, v2;
	v31 =	vand.u32 $0x3FFF, v45;
	v11 =	vshrl.u32 v45, $0xE;
	v45 =	vld [tilespmem:s28+$0xFFFFFFD0]  }
0xaa: {  	v2 =	vshrl.u32 v2, $0xE;
	v32 =	vand.u32 $0x3FFF, v46;
	v12 =	vshrl.u32 v46, $0xE;
	v46 =	vld [tilespmem:s28+$0xFFFFFFE0]  }
0xab: {  	v50 =	vand.u32 $0x3FFF, v3;
	v33 =	vand.u32 $0x3FFF, v48;
	v14 =	vshrl.u32 v48, $0xE;
	v48 =	vld [tilespmem:s28+$0x0]  }
0xac: {  	v3 =	vshrl.u32 v3, $0xE;
	v7 =	vld.idx.msk [tilespmem:v41+s2+$0x0], $0xffff  }
0xad: {  	v53 =	vand.u32 $0x3FFF, v38;
	v1 =	vld.idx.msk [tilespmem:v1+s12+$0x0], $0xffff  }
0xae: {  	v4 =	vshrl.u32 v38, $0xE;
	v55 =	vld.idx.msk [tilespmem:v47+s2+$0x0], $0xffff  }
0xaf: {  	v56 =	vand.u32 $0x3FFF, v39;
	v2 =	vld.idx.msk [tilespmem:v2+s12+$0x0], $0xffff  }
0xb0: {  	v5 =	vshrl.u32 v39, $0xE;
	v16 =	vld.idx.msk [tilespmem:v50+s2+$0x0], $0xffff  }
0xb1: {  	v20 =	vshrl.u32 v54, $0xE;
	v3 =	vld.idx.msk [tilespmem:v3+s12+$0x0], $0xffff  }
0xb2: {  	v58 =	vand.u32 $0x3FFF, v40;
	v19 =	vld.idx.msk [tilespmem:v53+s2+$0x0], $0xffff  }
0xb3: {  	v6 =	vshrl.u32 v40, $0xE;
	v4 =	vld.idx.msk [tilespmem:v4+s12+$0x0], $0xffff  }
0xb4: {  	v13 =	vld.idx.msk [tilespmem:v56+s2+$0x0], $0xffff  }
0xb5: {  	v5 =	vld.idx.msk [tilespmem:v5+s12+$0x0], $0xffff  }
0xb6: {  	v20 =	vld.idx.msk [tilespmem:v20+s12+$0x0], $0xffff  }
0xb7: {  	v22 =	vld.idx.msk [tilespmem:v58+s2+$0x0], $0xffff  }
0xb8: {  	v6 =	vld.idx.msk [tilespmem:v6+s12+$0x0], $0xffff  }
0xb9: {  	v63 =	vld.idx.msk [tilespmem:v59+s2+$0x0], $0xffff  }
0xba: {  	v8 =	vld.idx.msk [tilespmem:v8+s12+$0x0], $0xffff  }
0xbb: {  	v24 =	vld.idx.msk [tilespmem:v60+s2+$0x0], $0xffff  }
0xbc: {  	v9 =	vld.idx.msk [tilespmem:v9+s12+$0x0], $0xffff;
	v1 =	vmul.f32 v1, v7  }
0xbd: {  	v26 =	vld.idx.msk [tilespmem:v62+s2+$0x0], $0xffff  }
0xbe: {  	v10 =	vld.idx.msk [tilespmem:v10+s12+$0x0], $0xffff;
	v1 =	vmul.f32 $1.442695020e+00, v1  }
0xbf: {  	v25 =	vld.idx.msk [tilespmem:v32+s2+$0x0], $0xffff  }
0xc0: {  	v12 =	vld.idx.msk [tilespmem:v12+s12+$0x0], $0xffff;
	(erf) = vpow2.f32 v1;
	v1 =	vand.u32 $0x3FFF, v54  }
0xc1: {  	v34 =	vand.u32 $0x3FFF, v49;
	v27 =	vld.idx.msk [tilespmem:v33+s2+$0x0], $0xffff  }
0xc2: {  	v15 =	vshrl.u32 v49, $0xE;
	v14 =	vld.idx.msk [tilespmem:v14+s12+$0x0], $0xffff  }
0xc3: {  	v35 =	vand.u32 $0x3FFF, v51;
	v23 =	vld.idx.msk [tilespmem:v31+s2+$0x0], $0xffff;
	v2 =	vmul.f32 v2, v55  }
0xc4: {  	v17 =	vshrl.u32 v51, $0xE;
	v11 =	vld.idx.msk [tilespmem:v11+s12+$0x0], $0xffff;
	v3 =	vmul.f32 v3, v16;
	v4 =	vmul.f32 v4, v19  }
0xc5: {  	v30 =	vand.u32 $0x3FFF, v52;
	v8 =	vmul.f32 v8, v63;
	v10 =	vmul.f32 v10, v26;
	v1 =	vld.idx.msk [tilespmem:v1+s2+$0x0], $0xffff  }
0xc6: {  	v18 =	vshrl.u32 v52, $0xE;
	v28 =	vld.idx.msk [tilespmem:v34+s2+$0x0], $0xffff;
	v12 =	vmul.f32 v12, v25;
	v2 =	vmul.f32 $1.442695020e+00, v2  }
0xc7: {  	v36 =	vld.idx.msk [tilespmem:v15+s12+$0x0], $0xffff;
	v52 =	vmul.f32 v14, v27;
	v3 =	vmul.f32 $1.442695020e+00, v3  }
0xc8: {  	v37 =	vld.idx.msk [tilespmem:v35+s2+$0x0], $0xffff;
	(erf) = vpow2.f32 v2;
	v2 =	vmul.f32 v5, v13  }
0xc9: {  	v38 =	vld.idx.msk [tilespmem:v17+s12+$0x0], $0xffff;
	(erf) = vpow2.f32 v3;
	v3 =	vmul.f32 $1.442695020e+00, v4  }
0xca: {  	v39 =	vld.idx.msk [tilespmem:v30+s2+$0x0], $0xffff;
	v2 =	vmul.f32 $1.442695020e+00, v2;
	v1 =	vmul.f32 v20, v1  }
0xcb: {  	v40 =	vld.idx.msk [tilespmem:v18+s12+$0x0], $0xffff;
	(erf) = vpow2.f32 v3;
	v3 =	vmul.f32 v6, v22  }
0xcc: {  	v41 =	vld [tilespmem:s28+$0xFFFFFF80];
	v7 =	vmul.f32 v36, v28;
	v1 =	vmul.f32 $1.442695020e+00, v1  }
0xcd: {  	v47 =	vld [tilespmem:s28+$0xFFFFFFF0];
	(erf) = vpow2.f32 v2;
	v3 =	vmul.f32 $1.442695020e+00, v3  }
0xce: {  	v2 =	vld [tilespmem:s28+$0xFFFFFFB0];
	(erf) = vpow2.f32 v1;
	v1 =	vmul.f32 v9, v24  }
0xcf: {  	v50 =	vld [tilespmem:s28+$0x20];
	(erf) = vpow2.f32 v3;
	v3 =	vmul.f32 $1.442695020e+00, v8  }
0xd0: {  	v53 =	vld [tilespmem:s28+$0x30];
	v58 =	vmul.f32 v38, v37;
	v1 =	vmul.f32 $1.442695020e+00, v1  }
0xd1: {  	v56 =	vld [tilespmem:s28+$0x50];
	(erf) = vpow2.f32 v3;
	v3 =	vmul.f32 v11, v23  }
0xd2: {  	v59 =	vld [tilespmem:s28+$0x60];
	v10 =	vmul.f32 $1.442695020e+00, v10;
	v12 =	vmul.f32 $1.442695020e+00, v12;
	v61 =	vpop (erf)  }
0xd3: {  	[tilespmem:v57+s23+$0x0] =	vst.idx.add.f32.msk $0xffff, v61;
	v49 =	vpop (erf);
	(erf) = vpow2.f32 v1;
	v3 =	vmul.f32 $1.442695020e+00, v3  }
0xd4: {  	v7 =	vmul.f32 $1.442695020e+00, v7;
	v51 =	vpop (erf);
	[tilespmem:v42+s23+$0x0] =	vst.idx.add.f32.msk $0xffff, v49;
	(erf) = vpow2.f32 v10  }
0xd5: {  	[tilespmem:v43+s23+$0x0] =	vst.idx.add.f32.msk $0xffff, v51;
	v54 =	vpop (erf);
	v10 =	vmul.f32 $1.442695020e+00, v52;
	(erf) = vpow2.f32 v3  }
0xd6: {  	v5 =	vmul.f32 v40, v39;
	[tilespmem:v2+s23+$0x0] =	vst.idx.add.f32.msk $0xffff, v54;
	(erf) = vpow2.f32 v12  }
0xd7: {  	v60 =	vmul.f32 $1.442695020e+00, v58;
	v55 =	vpop (erf);
	v1 =	vld [tilespmem:s28+$0x10];
	(erf) = vpow2.f32 v10  }
0xd8: {  	v5 =	vmul.f32 $1.442695020e+00, v5;
	[tilespmem:v44+s23+$0x0] =	vst.idx.add.f32.msk $0xffff, v55;
	v57 =	vpop (erf);
	(erf) = vpow2.f32 v7  }
0xd9: {  	v3 =	vld [tilespmem:s28+$0x40];
	(erf) = vpow2.f32 v60  }
0xda: {  	[tilespmem:v41+s23+$0x0] =	vst.idx.add.f32.msk $0xffff, v57;
	v2 =	vpop (erf);
	(erf) = vpow2.f32 v5  }
0xdb: {  	[tilespmem:v45+s23+$0x0] =	vst.idx.add.f32.msk $0xffff, v2;
	v61 =	vpop (erf)  }
0xdc: {  	v2 =	vpop (erf);
	[tilespmem:v46+s23+$0x0] =	vst.idx.add.f32.msk $0xffff, v61  }
0xdd: {  	v62 =	vpop (erf);
	[tilespmem:v47+s23+$0x0] =	vst.idx.add.f32.msk $0xffff, v2  }
0xde: {  	[tilespmem:v48+s23+$0x0] =	vst.idx.add.f32.msk $0xffff, v62;
	v2 =	vpop (erf)  }
0xdf: {  	v63 =	vpop (erf);
	[tilespmem:v1+s23+$0x0] =	vst.idx.add.f32.msk $0xffff, v2  }
0xe0: {  	v1 =	vpop (erf);
	[tilespmem:v50+s23+$0x0] =	vst.idx.add.f32.msk $0xffff, v63  }
0xe1: {  	v2 =	vpop (erf);
	[tilespmem:v53+s23+$0x0] =	vst.idx.add.f32.msk $0xffff, v1  }
0xe2: {  	v1 =	vpop (erf);
	[tilespmem:v3+s23+$0x0] =	vst.idx.add.f32.msk $0xffff, v2  }
0xe3: {  	v2 =	vpop (erf);
	[tilespmem:v56+s23+$0x0] =	vst.idx.add.f32.msk $0xffff, v1  }
0xe4: {  	s29 =	simm.s32 $0x0;
	s30 =	simm.s32 $0xD180;
	[tilespmem:v59+s23+$0x0] =	vst.idx.add.f32.msk $0xffff, v2  }
.LBB2_6:
0xe5: {  	v1 =	vld [tilespmem:s30+$0x70]  }
0xe6: {  	s29 =	sadd.s32 $0x10, s29;
	v2 =	vld [tilespmem:s30+$0xFFFFFF90]  }
0xe7: {  	p0 =	slt.u32 s29, $0x3F0;
	v3 =	vld [tilespmem:s30+$0xFFFFFFA0]  }
0xe8: {  	v4 =	vld [tilespmem:s30+$0xFFFFFFB0]  }
0xe9: {  	v5 =	vld [tilespmem:s30+$0xFFFFFFC0]  }
0xea: {  	v6 =	vld [tilespmem:s30+$0xFFFFFFD0];
	v7 =	vand.u32 $0x3FFF, v1  }
0xeb: {  	v1 =	vshrl.u32 v1, $0xE;
	v8 =	vshrl.u32 v2, $0xE;
	v2 =	vand.u32 $0x3FFF, v2;
	v9 =	vld [tilespmem:s30+$0xFFFFFFE0]  }
0xec: {  	v10 =	vshrl.u32 v3, $0xE;
	v3 =	vand.u32 $0x3FFF, v3;
	v11 =	vld [tilespmem:s30+$0xFFFFFFF0]  }
0xed: {  	v12 =	vshrl.u32 v4, $0xE;
	v4 =	vand.u32 $0x3FFF, v4;
	v13 =	vld [tilespmem:s30+$0x0]  }
0xee: {  	v14 =	vshrl.u32 v5, $0xE;
	v5 =	vand.u32 $0x3FFF, v5;
	v15 =	vld [tilespmem:s30+$0x10]  }
0xef: {  	v16 =	vshrl.u32 v6, $0xE;
	v6 =	vand.u32 $0x3FFF, v6;
	v7 =	vld.idx.msk [tilespmem:v7+s2+$0x0], $0xffff  }
0xf0: {  	v17 =	vshrl.u32 v9, $0xE;
	v9 =	vand.u32 $0x3FFF, v9;
	v1 =	vld.idx.msk [tilespmem:v1+s12+$0x0], $0xffff  }
0xf1: {  	v18 =	vshrl.u32 v11, $0xE;
	v11 =	vand.u32 $0x3FFF, v11;
	v19 =	vld [tilespmem:s30+$0x20]  }
0xf2: {  	v20 =	vshrl.u32 v13, $0xE;
	v13 =	vand.u32 $0x3FFF, v13;
	v21 =	vld [tilespmem:s30+$0x30]  }
0xf3: {  	v22 =	vshrl.u32 v15, $0xE;
	v15 =	vand.u32 $0x3FFF, v15;
	v23 =	vld [tilespmem:s30+$0x40]  }
0xf4: {  	v24 =	vld [tilespmem:s30+$0x50]  }
0xf5: {  	v25 =	vld [tilespmem:s30+$0x60]  }
0xf6: {  	v1 =	vmul.f32 v1, v7;
	v26 =	vld [tilespmem:s30+$0xFFFFFF80];
	v27 =	vshrl.u32 v19, $0xE;
	v19 =	vand.u32 $0x3FFF, v19  }
0xf7: {  	v2 =	vld.idx.msk [tilespmem:v2+s2+$0x0], $0xffff;
	v7 =	vshrl.u32 v21, $0xE;
	v21 =	vand.u32 $0x3FFF, v21  }
0xf8: {  	v1 =	vmul.f32 $1.442695020e+00, v1;
	v8 =	vld.idx.msk [tilespmem:v8+s12+$0x0], $0xffff;
	v28 =	vshrl.u32 v23, $0xE;
	v23 =	vand.u32 $0x3FFF, v23  }
0xf9: {  	v3 =	vld.idx.msk [tilespmem:v3+s2+$0x0], $0xffff;
	v29 =	vshrl.u32 v24, $0xE;
	v24 =	vand.u32 $0x3FFF, v24  }
0xfa: {  	v10 =	vld.idx.msk [tilespmem:v10+s12+$0x0], $0xffff;
	v30 =	vshrl.u32 v25, $0xE;
	v25 =	vand.u32 $0x3FFF, v25;
	(erf) = vpow2.f32 v1  }
0xfb: {  	s28 =	sadd.s32 $0x100, s28;
	v1 =	vshrl.u32 v26, $0xE;
	v26 =	vand.u32 $0x3FFF, v26;
	v4 =	vld.idx.msk [tilespmem:v4+s2+$0x0], $0xffff  }
0xfc: {  	v31 =	vld [tilespmem:s28+$0x70]  }
0xfd: {  	v12 =	vld.idx.msk [tilespmem:v12+s12+$0x0], $0xffff  }
0xfe: {  	v2 =	vmul.f32 v8, v2;
	v5 =	vld.idx.msk [tilespmem:v5+s2+$0x0], $0xffff  }
0xff: {  	v8 =	vld.idx.msk [tilespmem:v14+s12+$0x0], $0xffff  }
0x100: {  	v2 =	vmul.f32 $1.442695020e+00, v2;
	v3 =	vmul.f32 v10, v3;
	v14 =	vld.idx.msk [tilespmem:v26+s2+$0x0], $0xffff  }
0x101: {  	v1 =	vld.idx.msk [tilespmem:v1+s12+$0x0], $0xffff  }
0x102: {  	v3 =	vmul.f32 $1.442695020e+00, v3;
	v6 =	vld.idx.msk [tilespmem:v6+s2+$0x0], $0xffff;
	(erf) = vpow2.f32 v2  }
0x103: {  	v2 =	vmul.f32 v12, v4;
	v4 =	vld.idx.msk [tilespmem:v16+s12+$0x0], $0xffff;
	v10 =	vpop (erf)  }
0x104: {  	[tilespmem:v31+s23+$0x0] =	vst.idx.add.f32.msk $0xffff, v10;
	(erf) = vpow2.f32 v3  }
0x105: {  	v2 =	vmul.f32 $1.442695020e+00, v2;
	v3 =	vmul.f32 v8, v5;
	v5 =	vld.idx.msk [tilespmem:v9+s2+$0x0], $0xffff  }
0x106: {  	v8 =	vld.idx.msk [tilespmem:v17+s12+$0x0], $0xffff  }
0x107: {  	v1 =	vmul.f32 v1, v14;
	v3 =	vmul.f32 $1.442695020e+00, v3;
	v9 =	vld.idx.msk [tilespmem:v11+s2+$0x0], $0xffff  }
0x108: {  	v10 =	vld.idx.msk [tilespmem:v18+s12+$0x0], $0xffff;
	(erf) = vpow2.f32 v2  }
0x109: {  	v11 =	vmul.f32 $1.442695020e+00, v1;
	v2 =	vmul.f32 v4, v6;
	v4 =	vld.idx.msk [tilespmem:v13+s2+$0x0], $0xffff  }
0x10a: {  	v6 =	vld.idx.msk [tilespmem:v20+s12+$0x0], $0xffff;
	(erf) = vpow2.f32 v3  }
0x10b: {  	v2 =	vmul.f32 $1.442695020e+00, v2;
	v3 =	vld.idx.msk [tilespmem:v15+s2+$0x0], $0xffff;
	(erf) = vpow2.f32 v11;
	v1 =	vpop (erf)  }
0x10c: {  	v5 =	vmul.f32 v8, v5;
	v8 =	vld.idx.msk [tilespmem:v22+s12+$0x0], $0xffff  }
0x10d: {  	v11 =	vld.idx.msk [tilespmem:v19+s2+$0x0], $0xffff;
	v12 =	vpop (erf);
	(erf) = vpow2.f32 v2  }
0x10e: {  	v2 =	vmul.f32 $1.442695020e+00, v5;
	v5 =	vmul.f32 v10, v9;
	v9 =	vld.idx.msk [tilespmem:v27+s12+$0x0], $0xffff  }
0x10f: {  	v10 =	vld.idx.msk [tilespmem:v21+s2+$0x0], $0xffff  }
0x110: {  	v5 =	vmul.f32 $1.442695020e+00, v5;
	v4 =	vmul.f32 v6, v4;
	v6 =	vld.idx.msk [tilespmem:v7+s12+$0x0], $0xffff  }
0x111: {  	v7 =	vld.idx.msk [tilespmem:v23+s2+$0x0], $0xffff;
	v13 =	vpop (erf);
	(erf) = vpow2.f32 v2  }
0x112: {  	v2 =	vmul.f32 $1.442695020e+00, v4;
	v3 =	vmul.f32 v8, v3;
	v4 =	vld.idx.msk [tilespmem:v28+s12+$0x0], $0xffff  }
0x113: {  	v8 =	vld.idx.msk [tilespmem:v24+s2+$0x0], $0xffff;
	v14 =	vpop (erf);
	(erf) = vpow2.f32 v5  }
0x114: {  	v3 =	vmul.f32 $1.442695020e+00, v3;
	v5 =	vmul.f32 v9, v11;
	v9 =	vld.idx.msk [tilespmem:v29+s12+$0x0], $0xffff;
	v11 =	vpop (erf)  }
0x115: {  	v15 =	vld.idx.msk [tilespmem:v25+s2+$0x0], $0xffff;
	(erf) = vpow2.f32 v2  }
0x116: {  	v2 =	vmul.f32 $1.442695020e+00, v5;
	v5 =	vmul.f32 v6, v10;
	v6 =	vld.idx.msk [tilespmem:v30+s12+$0x0], $0xffff;
	v10 =	vpop (erf)  }
0x117: {  	v16 =	vld [tilespmem:s28+$0xFFFFFF80];
	(erf) = vpow2.f32 v3  }
0x118: {  	v5 =	vmul.f32 $1.442695020e+00, v5;
	v4 =	vmul.f32 v4, v7;
	v3 =	vld [tilespmem:s28+$0xFFFFFF90]  }
0x119: {  	v7 =	vld [tilespmem:s28+$0xFFFFFFA0];
	(erf) = vpow2.f32 v2  }
0x11a: {  	v4 =	vmul.f32 $1.442695020e+00, v4;
	v8 =	vmul.f32 v9, v8;
	v2 =	vld [tilespmem:s28+$0xFFFFFFB0];
	v9 =	vpop (erf)  }
0x11b: {  	v17 =	vld [tilespmem:s28+$0xFFFFFFC0];
	(erf) = vpow2.f32 v5  }
0x11c: {  	v8 =	vmul.f32 $1.442695020e+00, v8;
	v6 =	vmul.f32 v6, v15;
	v5 =	vld [tilespmem:s28+$0xFFFFFFD0];
	v15 =	vpop (erf)  }
0x11d: {  	v18 =	vld [tilespmem:s28+$0xFFFFFFE0];
	(erf) = vpow2.f32 v4  }
0x11e: {  	v6 =	vmul.f32 $1.442695020e+00, v6;
	v4 =	vld [tilespmem:s28+$0xFFFFFFF0];
	v19 =	vpop (erf);
	(erf) = vpow2.f32 v8  }
0x11f: {  	v8 =	vld [tilespmem:s28+$0x0]  }
0x120: {  	v20 =	vld [tilespmem:s28+$0x10];
	v21 =	vpop (erf);
	(erf) = vpow2.f32 v6  }
0x121: {  	v6 =	vld [tilespmem:s28+$0x20]  }
0x122: {  	v22 =	vld [tilespmem:s28+$0x30];
	v23 =	vpop (erf)  }
0x123: {  	v24 =	vld [tilespmem:s28+$0x40]  }
0x124: {  	v25 =	vld [tilespmem:s28+$0x50];
	v26 =	vpop (erf)  }
0x125: {  	v27 =	vld [tilespmem:s28+$0x60]  }
0x126: {  	[tilespmem:v16+s23+$0x0] =	vst.idx.add.f32.msk $0xffff, v11;
	v11 =	vpop (erf)  }
0x127: {  	[tilespmem:v3+s23+$0x0] =	vst.idx.add.f32.msk $0xffff, v1;
	v1 =	vpop (erf)  }
0x128: {  	[tilespmem:v7+s23+$0x0] =	vst.idx.add.f32.msk $0xffff, v12  }
0x129: {  	[tilespmem:v2+s23+$0x0] =	vst.idx.add.f32.msk $0xffff, v13;
	v2 =	vpop (erf)  }
0x12a: {  	[tilespmem:v17+s23+$0x0] =	vst.idx.add.f32.msk $0xffff, v14  }
0x12b: {  	[tilespmem:v5+s23+$0x0] =	vst.idx.add.f32.msk $0xffff, v10  }
0x12c: {  	[tilespmem:v18+s23+$0x0] =	vst.idx.add.f32.msk $0xffff, v9  }
0x12d: {  	[tilespmem:v4+s23+$0x0] =	vst.idx.add.f32.msk $0xffff, v15  }
0x12e: {  	[tilespmem:v8+s23+$0x0] =	vst.idx.add.f32.msk $0xffff, v19  }
0x12f: {  	[tilespmem:v20+s23+$0x0] =	vst.idx.add.f32.msk $0xffff, v21  }
.Ltmp2:
0x130: {  	[tilespmem:v6+s23+$0x0] =	vst.idx.add.f32.msk $0xffff, v23;
	(pc) =	sbr.rel @p0 .LBB2_6-.Ltmp2, $4  }
0x131: {  	[tilespmem:v22+s23+$0x0] =	vst.idx.add.f32.msk $0xffff, v26  }
0x132: {  	[tilespmem:v24+s23+$0x0] =	vst.idx.add.f32.msk $0xffff, v11  }
0x133: {  	[tilespmem:v25+s23+$0x0] =	vst.idx.add.f32.msk $0xffff, v1  }
0x134: {  	s30 =	sadd.s32 $0x100, s30;
	[tilespmem:v27+s23+$0x0] =	vst.idx.add.f32.msk $0xffff, v2  }
0x135: {  	[hbm4b:s10+s13] =	stream.strided.scatter [tilespmem:s23], [sflag:$0x6], $0x8000, s24, s13, $0x38;
	[tilespmem:$0x19000] =	vst v63  }
0x136: {  	_ =	swait.ge [sflag:s25], $0x8000  }
0x137: {  	[sflag:s25] =	ssyncset.done $0x0  }
0x138: {  	s26 =	sadd.s32 $0x1, s26;
	[sflag:s25] =	ssyncadd.s32 $0xFFFF8000  }
0x139: {  	p0 =	sne.s32 s26, s11;
	_ =	swait.ge [sflag:s18], $0x4000  }
.Ltmp3:
0x13a: {  	[sflag:s18] =	ssyncset.done $0x0;
	(pc) =	sbr.rel @p0 .LBB2_1-.Ltmp3, $4  }
0x13b: {  	[sflag:s18] =	ssyncadd.s32 $0xFFFFC000  }
0x13c: {  	_ =	swait.ge [sflag:s19], $0x4000  }
0x13d: {  	[sflag:s19] =	ssyncset.done $0x0  }
0x13e: {  	[sflag:s19] =	ssyncadd.s32 $0xFFFFC000  }
0x13f: {  	_ =	sfence.sel $0x180000  }
0x140: {  	[bflag:$0x0] =	sbarrier.arrive $0xFFFF  }
0x141: {  	_ =	strace $0x9000004A  }
0x142: {  	s0 =	stileid.u32;
	[bflag:$0x2] =	sbarrier.arrive $0xFFFF  }
0x143: {  	p0 =	sne.s32 s0, $0x0;
	s0 =	rddreg [dreg:$0x3]  }
0x144: {  	s0 =	sadd.s32 @!p0 $0x100000, s0  }
0x145: {  	[sflag:s0] =	ssyncadd.tile.s32 @!p0 $0x1;
	_ =	shalt  }
.Lfunc_end2:
_tile_overlayer_lowered:
.L_overlay_start_2:
0x146: {  	(tag) =	ssettag $0x2  }
0x147: {  	s0 =	rddreg [dreg:$0x0];
	s2 =	stileid.u32  }
0x148: {  	s1 =	rddreg [dreg:$0x1];
	p0 =	sne.s32 s2, $0x0  }
0x149: {  	s3 =	rddreg [dreg:$0x2];
	[bflag:$0x3] =	sbarrier.arrive $0xFFFF;
	s2 =	simm.s32 @!p0 $0x1C06  }
0x14a: {  	[timem:s3], [sflag:s2] =	dma.local @!p0 [hbm:s0], s1  }
0x14b: {  	s0 =	simm.s32 @!p0 $0x6  }
0x14c: {  	_ =	swait.ge @!p0 [sflag:s0], s1  }
0x14d: {  	s1 =	ssub.s32 @!p0 $0x0, s1;
	[sflag:s0] =	ssyncset.done @!p0 $0x0  }
0x14e: {  	[sflag:s0] =	ssyncadd.s32 @!p0 s1  }
0x14f: {  	[bflag:$0x3] =	sbarrier.arrive $0xFFFF  }
0x150: {  	_ =	shalt  }

// kernel: kernel.29.cloned.1.call-start
scs
__scs_entry_jumppad:
0x0: {  	(pc) =	sbr.rel $0x88, $3  }
0x1: {  	(tag) =	ssettag $0x0;
	lr =	simm.s32 $0x1  }
0x2: {  	[smem:$0x3F9D] =	sst lr;
	_ =	strace $0xD0000000  }
0x3: {  	_ = 	snop  }
0x4: {  	_ = 	snop  }
0x5: {  	_ = 	snop  }
0x6: {  	_ = 	snop  }
0x7: {  	_ = 	snop  }
__scs_overlays_trampoline_lowered:
0x8: {  	[smem:$0x3FAC] =	sst s0  }
0x9: {  	[smem:$0x3FAD] =	sst s1  }
0xa: {  	[smem:$0x3FAE] =	sst s2  }
0xb: {  	[smem:$0x3FAF] =	sst s3  }
0xc: {  	[smem:$0x3FB0] =	sst s4  }
0xd: {  	[smem:$0x3FB1] =	sst s5  }
0xe: {  	[smem:$0x3FB2] =	sst s6  }
0xf: {  	[smem:$0x3FB3] =	sst s7  }
0x10: {  	[smem:$0x3FB4] =	sst s8  }
0x11: {  	[smem:$0x3FB5] =	sst s9;
	s0 =	simm.s32 @!p0 $0x0  }
0x12: {  	s1 =	sld [smem:$0x3F9B];
	s0 =	simm.s32 @p0 $0x1  }
0x13: {  	[smem:$0x3FB6] =	sst s0;
	s0 =	simm.s32 @!p1 $0x0  }
0x14: {  	s2 =	sld [smem:$0x3F9A];
	s0 =	simm.s32 @p1 $0x1  }
0x15: {  	[smem:$0x3FB7] =	sst s0;
	s0 =	simm.s32 @!p2 $0x0  }
0x16: {  	s3 =	sld [smem:$0x3FDB];
	s0 =	simm.s32 @p2 $0x1  }
0x17: {  	s4 =	simm.s32 $0x1BF5;
	[smem:$0x3FB9] =	sst s0  }
0x18: {  	s0 =	sld [smem:$0x3F9C];
	_ =	swait.ge [sflag:s4], $0x0  }
0x19: {  	s7 =	sld [smem:$0x3F9D]  }
0x1a: {  	s8 =	sadd.s32 $0xFFFFE003, lr  }
0x1b: {  	s9 =	sadd.s32 $0xFFFFFEF7, lr;
	s5 =	simm.s32 $0xFFFFFFFF;
	p2 =	slt.u32 s8, $0xFFFFF086  }
0x1c: {  	p1 =	slt.u32 s9, $0xF7A;
	s5 =	simm.s32 @!p2 $0x0  }
0x1d: {  	s5 =	simm.s32 @p1 $0x1;
	p0 =	seq.s32 s7, s2  }
0x1e: {  	s7 =	smul.u32 @!p0 $0xF7A, s2;
	p2 =	seq.s32 @!p0 s5, $0x0  }
0x1f: {  	s9 =	smul.u32 $0xF7A, s1;
	s8 =	simm.s32 @!p0 $0x1BF5;
	p2 =	por !p2, p0  }
0x20: {  	[sflag:s8] =	ssyncset.s32 @!p0 $0xFFFFF086;
	s6 =	sadd.s32 @!p0 s3, s7;
	s7 =	simm.s32 @!p0 $0x108  }
0x21: {  	s3 =	sadd.s32 s3, s9;
	s6 =	sadd.s32 @!p0 $0x88, s6;
	s7 =	simm.s32 @p2 $0x1082  }
0x22: {  	[simem:s7], [sflag:s8] =	dma.local @!p0 [hbm:s6], $0xF7A  }
0x23: {  	s9 =	sor.u32 $0xD0000000, s2;
	s6 =	simm.s32 $0x108;
	_ =	swait.ge @!p0 [sflag:s8], $0x0  }
0x24: {  	s3 =	sadd.s32 $0x88, s3;
	s6 =	simm.s32 @!p1 $0x1082;
	[sflag:s4] =	ssyncset.s32 $0xFFFFF086  }
0x25: {  	[simem:s6], [sflag:s4] =	dma.local [hbm:s3], $0xF7A  }
0x26: {  	[smem:$0x3F9D] =	sst s1;
	(tag) =	ssettag s2;
	_ =	strace s9  }
0x27: {  	s1 =	sld [smem:$0x3FAD]  }
0x28: {  	s2 =	sld [smem:$0x3FAE]  }
0x29: {  	s4 =	sld [smem:$0x3FB0]  }
0x2a: {  	p0 =	seq.s32 s5, $0x0;
	s5 =	sld [smem:$0x3FB1]  }
0x2b: {  	s6 =	sld [smem:$0x3FB2]  }
0x2c: {  	s7 =	sld [smem:$0x3FB3]  }
0x2d: {  	s3 =	simm.s32 $0x108;
	s8 =	sld [smem:$0x3FB4]  }
0x2e: {  	s3 =	simm.s32 @!p0 $0x1082;
	s9 =	sld [smem:$0x3FB5]  }
0x2f: {  	lr =	sadd.s32 s0, s3;
	s0 =	sld [smem:$0x3FAC]  }
0x30: {  	s3 =	sld [smem:$0x3FAF]  }
0x31: {  	[smem:$0x3FB8] =	sst s10  }
0x32: {  	s10 =	sld [smem:$0x3FB6];
	_ =	sdelay $0x3  }
0x33: {  	p0 =	seq.s32 s10, $0x1;
	s10 =	sld [smem:$0x3FB8];
	_ =	sdelay $0x3  }
0x34: {  	[smem:$0x3FB8] =	sst s10  }
0x35: {  	s10 =	sld [smem:$0x3FB7];
	_ =	sdelay $0x3  }
0x36: {  	p1 =	seq.s32 s10, $0x1;
	s10 =	sld [smem:$0x3FB8];
	_ =	sdelay $0x3  }
0x37: {  	[smem:$0x3FB8] =	sst s10  }
0x38: {  	s10 =	sld [smem:$0x3FB9]  }
0x39: {  	_ = 	snop;
	(pc) =	sbr.ind lr, $3  }
0x3a: {  	_ = 	snop  }
0x3b: {  	_ = 	snop  }
0x3c: {  	p2 =	seq.s32 s10, $0x1;
	s10 =	sld [smem:$0x3FB8]  }
0x3d: {  	_ =	shalt  }
0x3e: {  	_ =	shalt  }
0x3f: {  	_ =	shalt  }
0x40: {  	_ =	shalt  }
0x41: {  	_ =	shalt  }
0x42: {  	_ =	shalt  }
0x43: {  	_ =	shalt  }
0x44: {  	_ =	shalt  }
0x45: {  	_ =	shalt  }
0x46: {  	_ =	shalt  }
0x47: {  	_ =	shalt  }
0x48: {  	_ =	shalt  }
0x49: {  	_ =	shalt  }
0x4a: {  	_ =	shalt  }
0x4b: {  	_ =	shalt  }
0x4c: {  	_ =	shalt  }
0x4d: {  	_ =	shalt  }
0x4e: {  	_ =	shalt  }
0x4f: {  	_ =	shalt  }
0x50: {  	_ =	shalt  }
0x51: {  	_ =	shalt  }
0x52: {  	_ =	shalt  }
0x53: {  	_ =	shalt  }
0x54: {  	_ =	shalt  }
0x55: {  	_ =	shalt  }
0x56: {  	_ =	shalt  }
0x57: {  	_ =	shalt  }
0x58: {  	_ =	shalt  }
0x59: {  	_ =	shalt  }
0x5a: {  	_ =	shalt  }
0x5b: {  	_ =	shalt  }
0x5c: {  	_ =	shalt  }
0x5d: {  	_ =	shalt  }
0x5e: {  	_ =	shalt  }
0x5f: {  	_ =	shalt  }
0x60: {  	_ =	shalt  }
0x61: {  	_ =	shalt  }
0x62: {  	_ =	shalt  }
0x63: {  	_ =	shalt  }
0x64: {  	_ =	shalt  }
0x65: {  	_ =	shalt  }
0x66: {  	_ =	shalt  }
0x67: {  	_ =	shalt  }
0x68: {  	_ =	shalt  }
0x69: {  	_ =	shalt  }
0x6a: {  	_ =	shalt  }
0x6b: {  	_ =	shalt  }
0x6c: {  	_ =	shalt  }
0x6d: {  	_ =	shalt  }
0x6e: {  	_ =	shalt  }
0x6f: {  	_ =	shalt  }
0x70: {  	_ =	shalt  }
0x71: {  	_ =	shalt  }
0x72: {  	_ =	shalt  }
0x73: {  	_ =	shalt  }
0x74: {  	_ =	shalt  }
0x75: {  	_ =	shalt  }
0x76: {  	_ =	shalt  }
0x77: {  	_ =	shalt  }
0x78: {  	_ =	shalt  }
0x79: {  	_ =	shalt  }
0x7a: {  	_ =	shalt  }
0x7b: {  	_ =	shalt  }
0x7c: {  	_ =	shalt  }
0x7d: {  	_ =	shalt  }
0x7e: {  	_ =	shalt  }
0x7f: {  	_ =	shalt  }
0x80: {  	_ =	shalt  }
0x81: {  	_ =	shalt  }
0x82: {  	_ =	shalt  }
0x83: {  	_ =	shalt  }
0x84: {  	_ =	shalt  }
0x85: {  	_ =	shalt  }
0x86: {  	_ =	shalt  }
0x87: {  	_ =	shalt  }
.Lfunc_end0:
.L_simem_size_0:
called_computation.2_lowered:
.L_overlay_start_0:
0x88: {  	s2 =	sld [smem:$0x3FD9]  }
0x89: {  	s3 =	sld [smem:$0x3FFE];
	_ =	sdelay $0x1  }
0x8a: {  	s1 =	srdreg.scid  }
0x8b: {  	s0 =	sand.u32 $0x1, s1  }
0x8c: {  	s17 =	sshll.u32 s0, $0xA;
	s2 =	sadd.s32 s3, s2  }
0x8d: {  	s2 =	sadd.s32 s2, s17  }
0x8e: {  	[smem:$0x3FC4] =	sst s2  }
0x8f: {  	_ = 	snop  }
0x90: {  	s2 =	sld [smem:$0x3FD0];
	(tm) =	ssettm $0x1  }
0x91: {  	s18 =	sld [smem:$0x3FFB];
	_ =	sdelay $0x3  }
0x92: {  	_ =	strace s18  }
0x93: {  	s3 =	sld [smem:$0x3FFC];
	_ =	sdelay $0x3  }
0x94: {  	_ =	strace s3  }
0x95: {  	s3 =	sld [smem:$0x3FFD];
	_ =	sdelay $0x3  }
0x96: {  	_ =	strace s3  }
0x97: {  	_ =	strace $0x8FFFFFFF  }
0x98: {  	s19 =	sld [smem:$0x3FDB];
	_ =	sdelay $0x1  }
0x99: {  	s4 =	simm.s32 $_scs_section_size  }
0x9a: {  	s5 =	simm.s32 $_size__tile_overlayer_lowered;
	s6 =	simm.s32 $_tile_overlayer_lowered  }
0x9b: {  	s22 =	simm.s32 $0x1BFF;
	s21 =	sshll.u32 s6, $0x1;
	s3 =	sadd.s32 s4, s19  }
0x9c: {  	s7 =	simm.s32 $0x0;
	s20 =	sshll.u32 s5, $0x1;
	s5 =	sadd.s32 s21, s3  }
0x9d: {  	[timem:s7], [sflag:s22] =	dma.local [hbm:s5], s20  }
0x9e: {  	_ =	swait.ge [sflag:s22], s20  }
0x9f: {  	s4 =	ssub.s32 $0x0, s20;
	[sflag:s22] =	ssyncset.done $0x0  }
0xa0: {  	[sflag:s22] =	ssyncadd.s32 s4;
	_ =	sdelay $0x1  }
0xa1: {  	s23 =	simm.s32 $0x1B8B  }
0xa2: {  	_ =	swait.ge [sflag:s23], $0x1  }
0xa3: {  	[sflag:s23] =	ssyncset.done $0x0  }
0xa4: {  	s25 =	simm.s32 $0x1B8E;
	s24 =	sld [smem:$0x3FFE];
	[sflag:s23] =	ssyncadd.s32 $0xFFFFFFFF  }
0xa5: {  	s26 =	simm.s32 $execute0_lowered;
	[smem:$0x3FD2] =	sst s25  }
0xa6: {  	s5 =	sshll.u32 s26, $0x1;
	_ =	strace $0x8000004C;
	[dreg:$0x1] =	wrdreg $0xFFFFFFFF  }
0xa7: {  	s28 =	simm.s32 $_size_execute0_lowered;
	s3 =	sadd.s32 s3, s5;
	[dreg:$0x0] =	wrdreg $0x0  }
0xa8: {  	s5 =	sshll.u32 s28, $0x1;
	[dreg:$0x2] =	wrdreg s3  }
0xa9: {  	[dreg:$0x3] =	wrdreg s5  }
0xaa: {  	[dreg:$0x4] =	wrdreg $0xC0  }
0xab: {  	_ =	task [dreg:s7], $0x5FFFF  }
0xac: {  	[dreg:$0x1] =	wrdreg $0xFFFFFFFF  }
0xad: {  	[dreg:$0x0] =	wrdreg $0x60  }
0xae: {  	[dreg:$0x2] =	wrdreg s2  }
0xaf: {  	[dreg:$0x3] =	wrdreg s24  }
0xb0: {  	[dreg:$0x4] =	wrdreg $0x9  }
0xb1: {  	_ =	task.clear_ibuf [dreg:s7], $0x5FFFF;
	_ =	strace $0x9000004C  }
0xb2: {  	s29 =	simm.s32 $0x9;
	_ =	strace $0x8000004E  }
0xb3: {  	_ =	swait.ge [sflag:s29], $0x1  }
0xb4: {  	[sflag:s29] =	ssyncadd.s32 $0xFFFFFFFF  }
0xb5: {  	_ =	strace $0x9000004E  }
0xb6: {  	_ =	sfence  }
0xb7: {  	s30 =	sld [smem:$0x0];
	_ =	sdelay $0x2  }
0xb8: {  	s31 =	sshll.u32 s1, $0xD;
	s1 =	sshrl.u32 s1, $0x2  }
0xb9: {  	s3 =	sand.u32 $0x4000, s31;
	s1 =	sadd.s32 s1, s30  }
0xba: {  	s0 =	sor.u32 s3, s0;
	s1 =	sshll.u32 s1, $0x11  }
0xbb: {  	s0 =	sor.u32 s1, s0  }
0xbc: {  	s0 =	sadd.s32 $0x8F2B, s0  }
0xbd: {  	[sflag:s0] =	ssyncadd.remote.s32 $0x1  }
0xbe: {  	_ =	sfence.sel $0xFFFF  }
0xbf: {  	[dreg:$0x0] =	wrdreg $0xFFFFFFFF;
	(pc) =	sbr.abs _section_cstart, $3  }
0xc0: {  	[dreg:$0x1] =	wrdreg $0xFFFFFFFF  }
0xc1: {  	_ =	task.clear_ibuf [dreg:s7], $0x2FFFF;
	_ =	strace $0x9FFFFFFF  }
0xc2: {  	(tm) =	ssettm $0x7FFFFFFF  }
0xc3: {  	_ =	shalt  }
tec
execute0_lowered:
.L_overlay_start_1:
0x0: {  	(tag) =	ssettag $0x1  }
0x1: {  	s2 =	rddreg [dreg:$0x0];
	s1 =	srdreg.scid  }
0x2: {  	s0 =	stileid.u32;
	s4 =	rddreg [dreg:$0x1];
	s3 =	simm.s32 $0x0  }
0x3: {  	s10 =	simm.s32 $0x80;
	s11 =	simm.s32 $0x400;
	s12 =	simm.s32 $0x2  }
0x4: {  	s13 =	simm.s32 $0x0;
	s5 =	sand.u32 $0x1, s1;
	s1 =	rddreg [dreg:$0x2]  }
0x5: {  	s6 =	sshll.u32 s0, $0x1;
	[smem:$0x7FF] =	sst s3;
	s8 =	sshll.u32 s0, $0xC  }
0x6: {  	s6 =	sor.u32 s5, s6;
	_ =	strace $0x8000004D;
	s8 =	sand.u32 $0xC000, s8  }
0x7: {  	s5 =	ssub.s32 $0x2, s5;
	s7 =	sshll.u32 s6, $0xB;
	s6 =	sshll.u32 s6, $0x4  }
0x8: {  	s8 =	sadd.s32 s8, s4;
	s30 =	sshrl.u32 s5, $0x1;
	s7 =	sadd.s32 s7, s4  }
0x9: {  	s6 =	sand.u32 $0x70, s6;
	s9 =	ssub.s32 s5, s30;
	s4 =	sadd.s32 $0x16800, s7  }
0xa: {  	s31 =	sadd.s32 s6, s8;
	s6 =	smax.u32 s9, $0x1;
	s7 =	simm.s32 $0xC000  }
0xb: {  	v0 =	vimm.f32 $0.0e+00;
	s8 =	simm.s32 $0x1;
	s9 =	simm.s32 $0x8000;
	s5 =	sadd.s32 $0x26A00, s31  }
.LBB2_1:
0xc: {  	[tilespmem:s3], [sflag:$0x1] =	stream.linear.gather [hbm4b:s2+s3], $0x8000, $0x38;
	[tilespmem:$0x10000] =	vst v63  }
0xd: {  	s14 =	simm.s32 $0x8040  }
0xe: {  	[tilespmem:s7], [sflag:$0x1] =	stream.linear.gather [hbm4b:s4+s3], $0x4000, $0x38;
	[tilespmem:$0x10000] =	vst v63  }
0xf: {  	[tilespmem:s14+$0xFFFFFFC0] =	vst v0  }
0x10: {  	[tilespmem:s14+$0x30] =	vst v0  }
0x11: {  	[tilespmem:s14+$0x20] =	vst v0  }
0x12: {  	[tilespmem:s14+$0x10] =	vst v0  }
0x13: {  	[tilespmem:s14+$0x0] =	vst v0  }
0x14: {  	[tilespmem:s14+$0xFFFFFFF0] =	vst v0  }
0x15: {  	s15 =	simm.s32 $0x0;
	[tilespmem:s14+$0xFFFFFFE0] =	vst v0  }
.LBB2_2:
0x16: {  	s15 =	sadd.s32 $0x8, s15;
	[tilespmem:s14+$0xFFFFFFD0] =	vst v0;
	s14 =	sadd.s32 $0x80, s14  }
0x17: {  	[tilespmem:s14+$0xFFFFFFC0] =	vst v0;
	p0 =	slt.u32 s15, $0x3F8  }
0x18: {  	[tilespmem:s14+$0x30] =	vst v0  }
.Ltmp0:
0x19: {  	[tilespmem:s14+$0x20] =	vst v0;
	(pc) =	sbr.rel @p0 .LBB2_2-.Ltmp0, $4  }
0x1a: {  	[tilespmem:s14+$0x10] =	vst v0  }
0x1b: {  	[tilespmem:s14+$0x0] =	vst v0  }
0x1c: {  	[tilespmem:s14+$0xFFFFFFF0] =	vst v0  }
0x1d: {  	[tilespmem:s14+$0xFFFFFFE0] =	vst v0  }
0x1e: {  	[tilespmem:s14+$0xFFFFFFD0] =	vst v0  }
0x1f: {  	_ =	swait.ge [sflag:s8], $0x8000  }
0x20: {  	[sflag:s8] =	ssyncset.done $0x0  }
0x21: {  	[sflag:s8] =	ssyncadd.s32 $0xFFFF8000  }
0x22: {  	_ =	swait.ge [sflag:s8], $0x4000  }
0x23: {  	[sflag:s8] =	ssyncset.done $0x0  }
0x24: {  	s14 =	simm.s32 $0xC080;
	[sflag:s8] =	ssyncadd.s32 $0xFFFFC000  }
0x25: {  	v12 =	vld [tilespmem:s14+$0xFFFFFF90]  }
0x26: {  	v4 =	vld [tilespmem:s14+$0xFFFFFFC0]  }
0x27: {  	v3 =	vld [tilespmem:s14+$0xFFFFFFD0]  }
0x28: {  	v2 =	vld [tilespmem:s14+$0xFFFFFFE0]  }
0x29: {  	v14 =	vld [tilespmem:s14+$0xFFFFFFF0]  }
0x2a: {  	v5 =	vld [tilespmem:s14+$0xFFFFFF80]  }
0x2b: {  	v6 =	vld [tilespmem:s14+$0x70]  }
0x2c: {  	v7 =	vld [tilespmem:s14+$0x60]  }
0x2d: {  	v8 =	vld [tilespmem:s14+$0x50]  }
0x2e: {  	v1 =	vld [tilespmem:s14+$0xFFFFFFA0]  }
0x2f: {  	v10 =	vld [tilespmem:s14+$0x40]  }
0x30: {  	v11 =	vld [tilespmem:s14+$0x30];
	v9 =	vand.u32 $0x7FFF, v5  }
0x31: {  	v15 =	vld [tilespmem:s14+$0x20];
	v13 =	vand.u32 $0x7FFF, v6  }
0x32: {  	v17 =	vld [tilespmem:s14+$0x10];
	v16 =	vand.u32 $0x7FFF, v7  }
0x33: {  	v19 =	vld [tilespmem:s14+$0x0];
	v18 =	vand.u32 $0x7FFF, v8  }
0x34: {  	v22 =	vld [tilespmem:s14+$0xFFFFFFB0];
	v20 =	vand.u32 $0x7FFF, v10  }
0x35: {  	v5 =	vshrl.u32 v5, $0xF;
	v9 =	vld.idx.msk [tilespmem:v9+s3+$0x0], $0xffff  }
0x36: {  	v21 =	vand.u32 $0x7FFF, v15;
	v13 =	vld.idx.msk [tilespmem:v13+s3+$0x0], $0xffff  }
0x37: {  	v6 =	vshrl.u32 v6, $0xF;
	v16 =	vld.idx.msk [tilespmem:v16+s3+$0x0], $0xffff  }
0x38: {  	v7 =	vshrl.u32 v7, $0xF;
	v18 =	vld.idx.msk [tilespmem:v18+s3+$0x0], $0xffff  }
0x39: {  	v23 =	vand.u32 $0x7FFF, v11;
	v20 =	vld.idx.msk [tilespmem:v20+s3+$0x0], $0xffff  }
0x3a: {  	v8 =	vshrl.u32 v8, $0xF;
	[tilespmem:v5+s9+$0x0] =	vst.idx.add.f32.msk $0xffff, v9  }
0x3b: {  	v5 =	vand.u32 $0x7FFF, v19;
	v9 =	vld.idx.msk [tilespmem:v21+s3+$0x0], $0xffff  }
0x3c: {  	v62 =	vand.u32 $0x7FFF, v14;
	[tilespmem:v6+s9+$0x0] =	vst.idx.add.f32.msk $0xffff, v13  }
0x3d: {  	v10 =	vshrl.u32 v10, $0xF;
	[tilespmem:v7+s9+$0x0] =	vst.idx.add.f32.msk $0xffff, v16  }
0x3e: {  	v6 =	vand.u32 $0x7FFF, v17;
	v16 =	vld.idx.msk [tilespmem:v23+s3+$0x0], $0xffff  }
0x3f: {  	v63 =	vand.u32 $0x7FFF, v3;
	[tilespmem:v8+s9+$0x0] =	vst.idx.add.f32.msk $0xffff, v18  }
0x40: {  	v7 =	vld.idx.msk [tilespmem:v5+s3+$0x0], $0xffff;
	v5 =	vshrl.u32 v15, $0xF;
	v15 =	vshrl.u32 v11, $0xF  }
0x41: {  	v8 =	vand.u32 $0x7FFF, v4;
	v13 =	vld.idx.msk [tilespmem:v62+s3+$0x0], $0xffff  }
0x42: {  	[tilespmem:v10+s9+$0x0] =	vst.idx.add.f32.msk $0xffff, v20  }
0x43: {  	v18 =	vand.u32 $0x7FFF, v2;
	v11 =	vld.idx.msk [tilespmem:v6+s3+$0x0], $0xffff  }
0x44: {  	v20 =	vand.u32 $0x7FFF, v22;
	v6 =	vld.idx.msk [tilespmem:v63+s3+$0x0], $0xffff  }
0x45: {  	[tilespmem:v15+s9+$0x0] =	vst.idx.add.f32.msk $0xffff, v16;
	v15 =	vshrl.u32 v14, $0xF  }
0x46: {  	v8 =	vld.idx.msk [tilespmem:v8+s3+$0x0], $0xffff;
	v16 =	vshrl.u32 v19, $0xF  }
0x47: {  	v3 =	vshrl.u32 v3, $0xF;
	v17 =	vshrl.u32 v17, $0xF;
	[tilespmem:v5+s9+$0x0] =	vst.idx.add.f32.msk $0xffff, v9  }
0x48: {  	v2 =	vshrl.u32 v2, $0xF;
	v4 =	vshrl.u32 v4, $0xF;
	v9 =	vand.u32 $0x7FFF, v1;
	v14 =	vld.idx.msk [tilespmem:v18+s3+$0x0], $0xffff  }
0x49: {  	s15 =	simm.s32 $0x0;
	v10 =	vand.u32 $0x7FFF, v12;
	v12 =	vshrl.u32 v12, $0xF;
	v5 =	vshrl.u32 v22, $0xF;
	v18 =	vld.idx.msk [tilespmem:v20+s3+$0x0], $0xffff  }
.LBB2_4:
0x4a: {  	s15 =	sadd.s32 $0x10, s15;
	[tilespmem:v15+s9+$0x0] =	vst.idx.add.f32.msk $0xffff, v13;
	s14 =	sadd.s32 $0x100, s14  }
0x4b: {  	p0 =	slt.u32 s15, $0x3F0;
	[tilespmem:v16+s9+$0x0] =	vst.idx.add.f32.msk $0xffff, v7  }
0x4c: {  	[tilespmem:v17+s9+$0x0] =	vst.idx.add.f32.msk $0xffff, v11  }
0x4d: {  	v7 =	vld.idx.msk [tilespmem:v9+s3+$0x0], $0xffff  }
0x4e: {  	v1 =	vshrl.u32 v1, $0xF;
	v9 =	vld.idx.msk [tilespmem:v10+s3+$0x0], $0xffff  }
0x4f: {  	[tilespmem:v5+s9+$0x0] =	vst.idx.add.f32.msk $0xffff, v18  }
0x50: {  	[tilespmem:v2+s9+$0x0] =	vst.idx.add.f32.msk $0xffff, v14  }
0x51: {  	[tilespmem:v3+s9+$0x0] =	vst.idx.add.f32.msk $0xffff, v6  }
0x52: {  	[tilespmem:v4+s9+$0x0] =	vst.idx.add.f32.msk $0xffff, v8  }
0x53: {  	[tilespmem:v1+s9+$0x0] =	vst.idx.add.f32.msk $0xffff, v7  }
0x54: {  	[tilespmem:v12+s9+$0x0] =	vst.idx.add.f32.msk $0xffff, v9  }
0x55: {  	v8 =	vld [tilespmem:s14+$0xFFFFFF90]  }
0x56: {  	v5 =	vld [tilespmem:s14+$0xFFFFFFC0]  }
0x57: {  	v4 =	vld [tilespmem:s14+$0xFFFFFFD0]  }
0x58: {  	v3 =	vld [tilespmem:s14+$0xFFFFFFE0]  }
0x59: {  	v6 =	vld [tilespmem:s14+$0xFFFFFFF0]  }
0x5a: {  	v2 =	vld [tilespmem:s14+$0xFFFFFF80]  }
0x5b: {  	v7 =	vld [tilespmem:s14+$0x70]  }
0x5c: {  	v9 =	vld [tilespmem:s14+$0x60]  }
0x5d: {  	v10 =	vld [tilespmem:s14+$0x50]  }
0x5e: {  	v1 =	vld [tilespmem:s14+$0xFFFFFFA0]  }
0x5f: {  	v11 =	vand.u32 $0x7FFF, v2;
	v12 =	vld [tilespmem:s14+$0x40]  }
0x60: {  	v13 =	vld [tilespmem:s14+$0x30];
	v14 =	vand.u32 $0x7FFF, v7  }
0x61: {  	v15 =	vld [tilespmem:s14+$0x20];
	v16 =	vand.u32 $0x7FFF, v9  }
0x62: {  	v17 =	vld [tilespmem:s14+$0x10];
	v18 =	vand.u32 $0x7FFF, v10  }
0x63: {  	v19 =	vld [tilespmem:s14+$0x0]  }
0x64: {  	v11 =	vld.idx.msk [tilespmem:v11+s3+$0x0], $0xffff;
	v20 =	vand.u32 $0x7FFF, v12  }
0x65: {  	v2 =	vshrl.u32 v2, $0xF;
	v14 =	vld.idx.msk [tilespmem:v14+s3+$0x0], $0xffff  }
0x66: {  	v7 =	vshrl.u32 v7, $0xF;
	v21 =	vand.u32 $0x7FFF, v15;
	v16 =	vld.idx.msk [tilespmem:v16+s3+$0x0], $0xffff  }
0x67: {  	v9 =	vshrl.u32 v9, $0xF;
	v23 =	vand.u32 $0x7FFF, v13;
	v22 =	vand.u32 $0x7FFF, v17;
	v18 =	vld.idx.msk [tilespmem:v18+s3+$0x0], $0xffff  }
0x68: {  	v26 =	vshrl.u32 v10, $0xF;
	v24 =	vld [tilespmem:s14+$0xFFFFFFB0];
	v25 =	vand.u32 $0x7FFF, v19  }
0x69: {  	v27 =	vand.u32 $0x7FFF, v6;
	v20 =	vld.idx.msk [tilespmem:v20+s3+$0x0], $0xffff  }
0x6a: {  	v28 =	vand.u32 $0x7FFF, v3;
	[tilespmem:v2+s9+$0x0] =	vst.idx.add.f32.msk $0xffff, v11;
	v2 =	vshrl.u32 v3, $0xF  }
0x6b: {  	v29 =	vand.u32 $0x7FFF, v4;
	v12 =	vshrl.u32 v12, $0xF;
	v3 =	vshrl.u32 v4, $0xF;
	v21 =	vld.idx.msk [tilespmem:v21+s3+$0x0], $0xffff  }
0x6c: {  	v30 =	vand.u32 $0x7FFF, v5;
	v4 =	vshrl.u32 v5, $0xF;
	[tilespmem:v7+s9+$0x0] =	vst.idx.add.f32.msk $0xffff, v14  }
0x6d: {  	v14 =	vshrl.u32 v15, $0xF;
	v5 =	vshrl.u32 v24, $0xF;
	v24 =	vand.u32 $0x7FFF, v24;
	[tilespmem:v9+s9+$0x0] =	vst.idx.add.f32.msk $0xffff, v16  }
0x6e: {  	v9 =	vand.u32 $0x7FFF, v1;
	v23 =	vld.idx.msk [tilespmem:v23+s3+$0x0], $0xffff  }
0x6f: {  	v10 =	vand.u32 $0x7FFF, v8;
	v31 =	vshrl.u32 v13, $0xF;
	[tilespmem:v26+s9+$0x0] =	vst.idx.add.f32.msk $0xffff, v18  }
0x70: {  	v7 =	vld.idx.msk [tilespmem:v25+s3+$0x0], $0xffff  }
0x71: {  	v13 =	vld.idx.msk [tilespmem:v27+s3+$0x0], $0xffff  }
0x72: {  	v15 =	vshrl.u32 v6, $0xF;
	v11 =	vld.idx.msk [tilespmem:v22+s3+$0x0], $0xffff  }
0x73: {  	v16 =	vshrl.u32 v19, $0xF;
	[tilespmem:v12+s9+$0x0] =	vst.idx.add.f32.msk $0xffff, v20  }
0x74: {  	v17 =	vshrl.u32 v17, $0xF;
	v6 =	vld.idx.msk [tilespmem:v29+s3+$0x0], $0xffff  }
.Ltmp1:
0x75: {  	v12 =	vshrl.u32 v8, $0xF;
	v8 =	vld.idx.msk [tilespmem:v30+s3+$0x0], $0xffff;
	(pc) =	sbr.rel @p0 .LBB2_4-.Ltmp1, $4  }
0x76: {  	[tilespmem:v14+s9+$0x0] =	vst.idx.add.f32.msk $0xffff, v21  }
0x77: {  	[tilespmem:v31+s9+$0x0] =	vst.idx.add.f32.msk $0xffff, v23  }
0x78: {  	v14 =	vld.idx.msk [tilespmem:v28+s3+$0x0], $0xffff  }
0x79: {  	v18 =	vld.idx.msk [tilespmem:v24+s3+$0x0], $0xffff  }
0x7a: {  	_ =	sdelay $0x3  }
0x7b: {  	[tilespmem:v15+s9+$0x0] =	vst.idx.add.f32.msk $0xffff, v13  }
0x7c: {  	[tilespmem:v16+s9+$0x0] =	vst.idx.add.f32.msk $0xffff, v7  }
0x7d: {  	[tilespmem:v17+s9+$0x0] =	vst.idx.add.f32.msk $0xffff, v11  }
0x7e: {  	v62 =	vld.idx.msk [tilespmem:v9+s3+$0x0], $0xffff  }
0x7f: {  	v63 =	vld.idx.msk [tilespmem:v10+s3+$0x0], $0xffff;
	v1 =	vshrl.u32 v1, $0xF  }
0x80: {  	[tilespmem:v3+s9+$0x0] =	vst.idx.add.f32.msk $0xffff, v6  }
0x81: {  	[tilespmem:v4+s9+$0x0] =	vst.idx.add.f32.msk $0xffff, v8  }
0x82: {  	[tilespmem:v2+s9+$0x0] =	vst.idx.add.f32.msk $0xffff, v14  }
0x83: {  	s13 =	sadd.s32 $0x1, s13;
	[tilespmem:v5+s9+$0x0] =	vst.idx.add.f32.msk $0xffff, v18  }
0x84: {  	p0 =	sne.s32 s13, s6;
	[tilespmem:v1+s9+$0x0] =	vst.idx.add.f32.msk $0xffff, v62  }
.Ltmp2:
0x85: {  	[tilespmem:v12+s9+$0x0] =	vst.idx.add.f32.msk $0xffff, v63;
	(pc) =	sbr.rel @p0 .LBB2_1-.Ltmp2, $4  }
0x86: {  	[hbm4b:s5+s10] =	stream.strided.scatter [tilespmem:s9], [sflag:$0x2], $0x4000, s11, s10, $0x38;
	[tilespmem:$0x10000] =	vst v63  }
0x87: {  	_ =	swait.ge [sflag:s12], $0x4000  }
0x88: {  	[sflag:s12] =	ssyncset.done $0x0  }
0x89: {  	[sflag:s12] =	ssyncadd.s32 $0xFFFFC000  }
0x8a: {  	_ =	sfence.sel $0x180000  }
0x8b: {  	[bflag:$0x0] =	sbarrier.arrive $0xFFFF  }
0x8c: {  	p0 =	sne.s32 s0, $0x0;
	_ =	strace $0x9000004D  }
0x8d: {  	s0 =	sadd.s32 @!p0 $0x100000, s1;
	[bflag:$0x2] =	sbarrier.arrive $0xFFFF  }
0x8e: {  	[sflag:s0] =	ssyncadd.tile.s32 @!p0 $0x1;
	_ =	shalt  }
.Lfunc_end2:
_tile_overlayer_lowered:
.L_overlay_start_2:
0x8f: {  	(tag) =	ssettag $0x2  }
0x90: {  	s0 =	rddreg [dreg:$0x0];
	s2 =	stileid.u32  }
0x91: {  	s1 =	rddreg [dreg:$0x1];
	p0 =	sne.s32 s2, $0x0  }
0x92: {  	s3 =	rddreg [dreg:$0x2];
	[bflag:$0x3] =	sbarrier.arrive $0xFFFF;
	s2 =	simm.s32 @!p0 $0x1C02  }
0x93: {  	[timem:s3], [sflag:s2] =	dma.local @!p0 [hbm:s0], s1  }
0x94: {  	s0 =	simm.s32 @!p0 $0x2  }
0x95: {  	_ =	swait.ge @!p0 [sflag:s0], s1  }
0x96: {  	s1 =	ssub.s32 @!p0 $0x0, s1;
	[sflag:s0] =	ssyncset.done @!p0 $0x0  }
0x97: {  	[sflag:s0] =	ssyncadd.s32 @!p0 s1  }
0x98: {  	[bflag:$0x3] =	sbarrier.arrive $0xFFFF  }
0x99: {  	_ =	shalt  }

// kernel: kernel.32.cloned.1.call-start
scs
__scs_entry_jumppad:
0x0: {  	(pc) =	sbr.rel $0x88, $3  }
0x1: {  	(tag) =	ssettag $0x0;
	lr =	simm.s32 $0x1  }
0x2: {  	[smem:$0x3F9D] =	sst lr;
	_ =	strace $0xD0000000  }
0x3: {  	_ = 	snop  }
0x4: {  	_ = 	snop  }
0x5: {  	_ = 	snop  }
0x6: {  	_ = 	snop  }
0x7: {  	_ = 	snop  }
__scs_overlays_trampoline_lowered:
0x8: {  	[smem:$0x3FAC] =	sst s0  }
0x9: {  	[smem:$0x3FAD] =	sst s1  }
0xa: {  	[smem:$0x3FAE] =	sst s2  }
0xb: {  	[smem:$0x3FAF] =	sst s3  }
0xc: {  	[smem:$0x3FB0] =	sst s4  }
0xd: {  	[smem:$0x3FB1] =	sst s5  }
0xe: {  	[smem:$0x3FB2] =	sst s6  }
0xf: {  	[smem:$0x3FB3] =	sst s7  }
0x10: {  	[smem:$0x3FB4] =	sst s8  }
0x11: {  	[smem:$0x3FB5] =	sst s9;
	s0 =	simm.s32 @!p0 $0x0  }
0x12: {  	s1 =	sld [smem:$0x3F9B];
	s0 =	simm.s32 @p0 $0x1  }
0x13: {  	[smem:$0x3FB6] =	sst s0;
	s0 =	simm.s32 @!p1 $0x0  }
0x14: {  	s2 =	sld [smem:$0x3F9A];
	s0 =	simm.s32 @p1 $0x1  }
0x15: {  	[smem:$0x3FB7] =	sst s0;
	s0 =	simm.s32 @!p2 $0x0  }
0x16: {  	s3 =	sld [smem:$0x3FDB];
	s0 =	simm.s32 @p2 $0x1  }
0x17: {  	s4 =	simm.s32 $0x1BF5;
	[smem:$0x3FB9] =	sst s0  }
0x18: {  	s0 =	sld [smem:$0x3F9C];
	_ =	swait.ge [sflag:s4], $0x0  }
0x19: {  	s7 =	sld [smem:$0x3F9D]  }
0x1a: {  	s8 =	sadd.s32 $0xFFFFE003, lr  }
0x1b: {  	s9 =	sadd.s32 $0xFFFFFEF7, lr;
	s5 =	simm.s32 $0xFFFFFFFF;
	p2 =	slt.u32 s8, $0xFFFFF086  }
0x1c: {  	p1 =	slt.u32 s9, $0xF7A;
	s5 =	simm.s32 @!p2 $0x0  }
0x1d: {  	s5 =	simm.s32 @p1 $0x1;
	p0 =	seq.s32 s7, s2  }
0x1e: {  	s7 =	smul.u32 @!p0 $0xF7A, s2;
	p2 =	seq.s32 @!p0 s5, $0x0  }
0x1f: {  	s9 =	smul.u32 $0xF7A, s1;
	s8 =	simm.s32 @!p0 $0x1BF5;
	p2 =	por !p2, p0  }
0x20: {  	[sflag:s8] =	ssyncset.s32 @!p0 $0xFFFFF086;
	s6 =	sadd.s32 @!p0 s3, s7;
	s7 =	simm.s32 @!p0 $0x108  }
0x21: {  	s3 =	sadd.s32 s3, s9;
	s6 =	sadd.s32 @!p0 $0x88, s6;
	s7 =	simm.s32 @p2 $0x1082  }
0x22: {  	[simem:s7], [sflag:s8] =	dma.local @!p0 [hbm:s6], $0xF7A  }
0x23: {  	s9 =	sor.u32 $0xD0000000, s2;
	s6 =	simm.s32 $0x108;
	_ =	swait.ge @!p0 [sflag:s8], $0x0  }
0x24: {  	s3 =	sadd.s32 $0x88, s3;
	s6 =	simm.s32 @!p1 $0x1082;
	[sflag:s4] =	ssyncset.s32 $0xFFFFF086  }
0x25: {  	[simem:s6], [sflag:s4] =	dma.local [hbm:s3], $0xF7A  }
0x26: {  	[smem:$0x3F9D] =	sst s1;
	(tag) =	ssettag s2;
	_ =	strace s9  }
0x27: {  	s1 =	sld [smem:$0x3FAD]  }
0x28: {  	s2 =	sld [smem:$0x3FAE]  }
0x29: {  	s4 =	sld [smem:$0x3FB0]  }
0x2a: {  	p0 =	seq.s32 s5, $0x0;
	s5 =	sld [smem:$0x3FB1]  }
0x2b: {  	s6 =	sld [smem:$0x3FB2]  }
0x2c: {  	s7 =	sld [smem:$0x3FB3]  }
0x2d: {  	s3 =	simm.s32 $0x108;
	s8 =	sld [smem:$0x3FB4]  }
0x2e: {  	s3 =	simm.s32 @!p0 $0x1082;
	s9 =	sld [smem:$0x3FB5]  }
0x2f: {  	lr =	sadd.s32 s0, s3;
	s0 =	sld [smem:$0x3FAC]  }
0x30: {  	s3 =	sld [smem:$0x3FAF]  }
0x31: {  	[smem:$0x3FB8] =	sst s10  }
0x32: {  	s10 =	sld [smem:$0x3FB6];
	_ =	sdelay $0x3  }
0x33: {  	p0 =	seq.s32 s10, $0x1;
	s10 =	sld [smem:$0x3FB8];
	_ =	sdelay $0x3  }
0x34: {  	[smem:$0x3FB8] =	sst s10  }
0x35: {  	s10 =	sld [smem:$0x3FB7];
	_ =	sdelay $0x3  }
0x36: {  	p1 =	seq.s32 s10, $0x1;
	s10 =	sld [smem:$0x3FB8];
	_ =	sdelay $0x3  }
0x37: {  	[smem:$0x3FB8] =	sst s10  }
0x38: {  	s10 =	sld [smem:$0x3FB9]  }
0x39: {  	_ = 	snop;
	(pc) =	sbr.ind lr, $3  }
0x3a: {  	_ = 	snop  }
0x3b: {  	_ = 	snop  }
0x3c: {  	p2 =	seq.s32 s10, $0x1;
	s10 =	sld [smem:$0x3FB8]  }
0x3d: {  	_ =	shalt  }
0x3e: {  	_ =	shalt  }
0x3f: {  	_ =	shalt  }
0x40: {  	_ =	shalt  }
0x41: {  	_ =	shalt  }
0x42: {  	_ =	shalt  }
0x43: {  	_ =	shalt  }
0x44: {  	_ =	shalt  }
0x45: {  	_ =	shalt  }
0x46: {  	_ =	shalt  }
0x47: {  	_ =	shalt  }
0x48: {  	_ =	shalt  }
0x49: {  	_ =	shalt  }
0x4a: {  	_ =	shalt  }
0x4b: {  	_ =	shalt  }
0x4c: {  	_ =	shalt  }
0x4d: {  	_ =	shalt  }
0x4e: {  	_ =	shalt  }
0x4f: {  	_ =	shalt  }
0x50: {  	_ =	shalt  }
0x51: {  	_ =	shalt  }
0x52: {  	_ =	shalt  }
0x53: {  	_ =	shalt  }
0x54: {  	_ =	shalt  }
0x55: {  	_ =	shalt  }
0x56: {  	_ =	shalt  }
0x57: {  	_ =	shalt  }
0x58: {  	_ =	shalt  }
0x59: {  	_ =	shalt  }
0x5a: {  	_ =	shalt  }
0x5b: {  	_ =	shalt  }
0x5c: {  	_ =	shalt  }
0x5d: {  	_ =	shalt  }
0x5e: {  	_ =	shalt  }
0x5f: {  	_ =	shalt  }
0x60: {  	_ =	shalt  }
0x61: {  	_ =	shalt  }
0x62: {  	_ =	shalt  }
0x63: {  	_ =	shalt  }
0x64: {  	_ =	shalt  }
0x65: {  	_ =	shalt  }
0x66: {  	_ =	shalt  }
0x67: {  	_ =	shalt  }
0x68: {  	_ =	shalt  }
0x69: {  	_ =	shalt  }
0x6a: {  	_ =	shalt  }
0x6b: {  	_ =	shalt  }
0x6c: {  	_ =	shalt  }
0x6d: {  	_ =	shalt  }
0x6e: {  	_ =	shalt  }
0x6f: {  	_ =	shalt  }
0x70: {  	_ =	shalt  }
0x71: {  	_ =	shalt  }
0x72: {  	_ =	shalt  }
0x73: {  	_ =	shalt  }
0x74: {  	_ =	shalt  }
0x75: {  	_ =	shalt  }
0x76: {  	_ =	shalt  }
0x77: {  	_ =	shalt  }
0x78: {  	_ =	shalt  }
0x79: {  	_ =	shalt  }
0x7a: {  	_ =	shalt  }
0x7b: {  	_ =	shalt  }
0x7c: {  	_ =	shalt  }
0x7d: {  	_ =	shalt  }
0x7e: {  	_ =	shalt  }
0x7f: {  	_ =	shalt  }
0x80: {  	_ =	shalt  }
0x81: {  	_ =	shalt  }
0x82: {  	_ =	shalt  }
0x83: {  	_ =	shalt  }
0x84: {  	_ =	shalt  }
0x85: {  	_ =	shalt  }
0x86: {  	_ =	shalt  }
0x87: {  	_ =	shalt  }
.Lfunc_end0:
.L_simem_size_0:
called_computation.3_lowered:
.L_overlay_start_0:
0x88: {  	s2 =	sld [smem:$0x3FD9]  }
0x89: {  	s3 =	sld [smem:$0x3FFE];
	_ =	sdelay $0x1  }
0x8a: {  	s1 =	srdreg.scid  }
0x8b: {  	s0 =	sand.u32 $0x1, s1  }
0x8c: {  	s16 =	sshll.u32 s0, $0xA;
	s2 =	sadd.s32 s3, s2  }
0x8d: {  	s2 =	sadd.s32 s2, s16  }
0x8e: {  	[smem:$0x3FC4] =	sst s2  }
0x8f: {  	_ = 	snop  }
0x90: {  	(tm) =	ssettm $0x1  }
0x91: {  	s17 =	sld [smem:$0x3FFB];
	_ =	sdelay $0x3  }
0x92: {  	_ =	strace s17  }
0x93: {  	s2 =	sld [smem:$0x3FFC];
	_ =	sdelay $0x3  }
0x94: {  	_ =	strace s2  }
0x95: {  	s2 =	sld [smem:$0x3FFD];
	_ =	sdelay $0x3  }
0x96: {  	_ =	strace s2  }
0x97: {  	_ =	strace $0x8FFFFFFF  }
0x98: {  	s18 =	sld [smem:$0x3FDB];
	_ =	sdelay $0x1  }
0x99: {  	s19 =	simm.s32 $_scs_section_size  }
0x9a: {  	s4 =	simm.s32 $_size__tile_overlayer_lowered;
	s5 =	simm.s32 $_tile_overlayer_lowered  }
0x9b: {  	s22 =	simm.s32 $0x1BFF;
	s21 =	sshll.u32 s5, $0x1;
	s2 =	sadd.s32 s19, s18  }
0x9c: {  	s6 =	simm.s32 $0x0;
	s20 =	sshll.u32 s4, $0x1;
	s4 =	sadd.s32 s21, s2  }
0x9d: {  	[timem:s6], [sflag:s22] =	dma.local [hbm:s4], s20  }
0x9e: {  	_ =	swait.ge [sflag:s22], s20  }
0x9f: {  	s3 =	ssub.s32 $0x0, s20;
	[sflag:s22] =	ssyncset.done $0x0  }
0xa0: {  	[sflag:s22] =	ssyncadd.s32 s3;
	_ =	sdelay $0x1  }
0xa1: {  	s23 =	simm.s32 $0x1B8B  }
0xa2: {  	_ =	swait.ge [sflag:s23], $0x1  }
0xa3: {  	[sflag:s23] =	ssyncset.done $0x0  }
0xa4: {  	s25 =	simm.s32 $0x1B8E;
	s24 =	sld [smem:$0x3FFE];
	[sflag:s23] =	ssyncadd.s32 $0xFFFFFFFF  }
0xa5: {  	s26 =	simm.s32 $execute0_lowered;
	[smem:$0x3FD2] =	sst s25  }
0xa6: {  	s4 =	sshll.u32 s26, $0x1;
	_ =	strace $0x8000004F;
	[dreg:$0x1] =	wrdreg $0xFFFFFFFF  }
0xa7: {  	s28 =	simm.s32 $_size_execute0_lowered;
	s2 =	sadd.s32 s2, s4;
	[dreg:$0x0] =	wrdreg $0x0  }
0xa8: {  	s4 =	sshll.u32 s28, $0x1;
	[dreg:$0x2] =	wrdreg s2  }
0xa9: {  	[dreg:$0x3] =	wrdreg s4  }
0xaa: {  	[dreg:$0x4] =	wrdreg $0xC0  }
0xab: {  	_ =	task [dreg:s6], $0x5FFFF  }
0xac: {  	[dreg:$0x1] =	wrdreg $0xFFFFFFFF  }
0xad: {  	[dreg:$0x0] =	wrdreg $0x60  }
0xae: {  	[dreg:$0x2] =	wrdreg s24  }
0xaf: {  	[dreg:$0x3] =	wrdreg $0x9  }
0xb0: {  	_ =	task.clear_ibuf [dreg:s6], $0x4FFFF;
	_ =	strace $0x9000004F  }
0xb1: {  	s29 =	simm.s32 $0x9;
	_ =	strace $0x80000051  }
0xb2: {  	_ =	swait.ge [sflag:s29], $0x1  }
0xb3: {  	[sflag:s29] =	ssyncadd.s32 $0xFFFFFFFF  }
0xb4: {  	_ =	strace $0x90000051  }
0xb5: {  	_ =	sfence  }
0xb6: {  	s30 =	sld [smem:$0x0];
	_ =	sdelay $0x2  }
0xb7: {  	s31 =	sshll.u32 s1, $0xD;
	s1 =	sshrl.u32 s1, $0x2  }
0xb8: {  	s3 =	sand.u32 $0x4000, s31;
	s1 =	sadd.s32 s1, s30  }
0xb9: {  	s0 =	sor.u32 s3, s0;
	s1 =	sshll.u32 s1, $0x11  }
0xba: {  	s0 =	sor.u32 s1, s0  }
0xbb: {  	s0 =	sadd.s32 $0x8F2B, s0  }
0xbc: {  	[sflag:s0] =	ssyncadd.remote.s32 $0x1  }
0xbd: {  	_ =	sfence.sel $0xFFFF  }
0xbe: {  	[dreg:$0x0] =	wrdreg $0xFFFFFFFF;
	(pc) =	sbr.abs _section_cstart, $3  }
0xbf: {  	[dreg:$0x1] =	wrdreg $0xFFFFFFFF  }
0xc0: {  	_ =	task.clear_ibuf [dreg:s6], $0x2FFFF;
	_ =	strace $0x9FFFFFFF  }
0xc1: {  	(tm) =	ssettm $0x7FFFFFFF  }
tec
execute0_lowered:
.L_overlay_start_1:
0x0: {  	(tag) =	ssettag $0x1  }
0x1: {  	s5 =	rddreg [dreg:$0x0]  }
0x2: {  	s0 =	rddreg [dreg:$0x1];
	s3 =	srdreg.scid  }
0x3: {  	s1 =	stileid.u32;
	s2 =	simm.s32 $0x0;
	s11 =	simm.s32 $0x11000  }
0x4: {  	s12 =	simm.s32 $0x1;
	s13 =	simm.s32 $0x5000;
	s14 =	simm.s32 $0x80  }
0x5: {  	s15 =	simm.s32 $0x400;
	s16 =	simm.s32 $0x2;
	s17 =	simm.s32 $0x0  }
0x6: {  	s6 =	sand.u32 $0x1, s3;
	s30 =	sshll.u32 s1, $0x1;
	[smem:$0x7FF] =	sst s2  }
0x7: {  	s3 =	sadd.s32 $0x6800, s5;
	s9 =	sshll.u32 s1, $0xD;
	s7 =	sor.u32 s6, s30  }
0x8: {  	_ =	strace $0x80000050;
	s9 =	sand.u32 $0x18000, s9;
	s6 =	ssub.s32 $0x2, s6  }
0x9: {  	s4 =	sshll.u32 s7, $0xB;
	s7 =	sshll.u32 s7, $0x4;
	s9 =	sadd.s32 s9, s5  }
0xa: {  	s31 =	sshrl.u32 s6, $0x1;
	s8 =	sadd.s32 s4, s5;
	s4 =	sadd.s32 $0x26800, s5  }
0xb: {  	s7 =	sand.u32 $0x70, s7;
	s10 =	ssub.s32 s6, s31;
	s5 =	sadd.s32 $0x46A00, s8  }
0xc: {  	s7 =	sadd.s32 s7, s9;
	s6 =	sadd.s32 $0x56A00, s8;
	s8 =	smax.u32 s10, $0x1  }
0xd: {  	v0 =	vimm.f32 $0.0e+00;
	s9 =	simm.s32 $0x4000;
	s10 =	simm.s32 $0xD000;
	s7 =	sadd.s32 $0x26A00, s7  }
.LBB2_1:
0xe: {  	[tilespmem:s2], [sflag:$0x1] =	stream.linear.gather [hbm4b:s3+s2], $0x4000, $0x38;
	[tilespmem:$0x15000] =	vst v63  }
0xf: {  	_ = 	snop  }
0x10: {  	[tilespmem:s9], [sflag:$0x1] =	stream.linear.gather [hbm4b:s4+s2], $0x1000, $0x38;
	[tilespmem:$0x15000] =	vst v63  }
0x11: {  	_ = 	snop  }
0x12: {  	[tilespmem:s10], [sflag:$0x1] =	stream.linear.gather [hbm4b:s5+s2], $0x4000, $0x38;
	[tilespmem:$0x15000] =	vst v63  }
0x13: {  	s18 =	simm.s32 $0x5040  }
0x14: {  	[tilespmem:s11], [sflag:$0x1] =	stream.linear.gather [hbm4b:s6+s2], $0x4000, $0x38;
	[tilespmem:$0x15000] =	vst v63  }
0x15: {  	[tilespmem:s18+$0xFFFFFFC0] =	vst v0  }
0x16: {  	[tilespmem:s18+$0x30] =	vst v0  }
0x17: {  	[tilespmem:s18+$0x20] =	vst v0  }
0x18: {  	[tilespmem:s18+$0x10] =	vst v0  }
0x19: {  	[tilespmem:s18+$0x0] =	vst v0  }
0x1a: {  	[tilespmem:s18+$0xFFFFFFF0] =	vst v0  }
0x1b: {  	s19 =	simm.s32 $0x0;
	[tilespmem:s18+$0xFFFFFFE0] =	vst v0  }
.LBB2_2:
0x1c: {  	s19 =	sadd.s32 $0x8, s19;
	[tilespmem:s18+$0xFFFFFFD0] =	vst v0;
	s18 =	sadd.s32 $0x80, s18  }
0x1d: {  	[tilespmem:s18+$0xFFFFFFC0] =	vst v0;
	p0 =	slt.u32 s19, $0x7F8  }
0x1e: {  	[tilespmem:s18+$0x30] =	vst v0  }
.Ltmp0:
0x1f: {  	[tilespmem:s18+$0x20] =	vst v0;
	(pc) =	sbr.rel @p0 .LBB2_2-.Ltmp0, $4  }
0x20: {  	[tilespmem:s18+$0x10] =	vst v0  }
0x21: {  	[tilespmem:s18+$0x0] =	vst v0  }
0x22: {  	[tilespmem:s18+$0xFFFFFFF0] =	vst v0  }
0x23: {  	[tilespmem:s18+$0xFFFFFFE0] =	vst v0  }
0x24: {  	[tilespmem:s18+$0xFFFFFFD0] =	vst v0  }
0x25: {  	_ =	swait.ge [sflag:s12], $0x4000  }
0x26: {  	[sflag:s12] =	ssyncset.done $0x0  }
0x27: {  	[sflag:s12] =	ssyncadd.s32 $0xFFFFC000  }
0x28: {  	_ =	swait.ge [sflag:s12], $0x1000  }
0x29: {  	[sflag:s12] =	ssyncset.done $0x0  }
0x2a: {  	[sflag:s12] =	ssyncadd.s32 $0xFFFFF000  }
0x2b: {  	_ =	swait.ge [sflag:s12], $0x4000  }
0x2c: {  	[sflag:s12] =	ssyncset.done $0x0  }
0x2d: {  	[sflag:s12] =	ssyncadd.s32 $0xFFFFC000  }
0x2e: {  	_ =	swait.ge [sflag:s12], $0x4000  }
0x2f: {  	[sflag:s12] =	ssyncset.done $0x0  }
0x30: {  	s31 =	simm.s32 $0xD080;
	[sflag:s12] =	ssyncadd.s32 $0xFFFFC000  }
0x31: {  	v1 =	vld [tilespmem:s31+$0x70]  }
0x32: {  	v2 =	vld [tilespmem:s31+$0xFFFFFF90]  }
0x33: {  	v3 =	vld [tilespmem:s31+$0xFFFFFFA0]  }
0x34: {  	v4 =	vld [tilespmem:s31+$0xFFFFFFB0]  }
0x35: {  	v5 =	vld [tilespmem:s31+$0xFFFFFFC0]  }
0x36: {  	v6 =	vld [tilespmem:s31+$0xFFFFFFD0]  }
0x37: {  	v8 =	vld [tilespmem:s31+$0xFFFFFFE0]  }
0x38: {  	v9 =	vld [tilespmem:s31+$0xFFFFFFF0]  }
0x39: {  	v10 =	vld [tilespmem:s31+$0x0]  }
0x3a: {  	v11 =	vld [tilespmem:s31+$0x10]  }
0x3b: {  	v12 =	vld [tilespmem:s31+$0x20]  }
0x3c: {  	v14 =	vld [tilespmem:s31+$0x30]  }
0x3d: {  	v15 =	vld [tilespmem:s31+$0x40]  }
0x3e: {  	v17 =	vld [tilespmem:s31+$0x50]  }
0x3f: {  	v18 =	vld [tilespmem:s31+$0x60]  }
0x40: {  	s18 =	simm.s32 $0x11080;
	v20 =	vld [tilespmem:s31+$0xFFFFFF80]  }
0x41: {  	v21 =	vld [tilespmem:s18+$0x70]  }
0x42: {  	v41 =	vld [tilespmem:s18+$0xFFFFFF80]  }
0x43: {  	v42 =	vld [tilespmem:s18+$0xFFFFFF90]  }
0x44: {  	v43 =	vld [tilespmem:s18+$0xFFFFFFA0]  }
0x45: {  	v44 =	vld [tilespmem:s18+$0xFFFFFFC0]  }
0x46: {  	v45 =	vld [tilespmem:s18+$0xFFFFFFD0];
	v7 =	vand.u32 $0x3FFF, v1  }
0x47: {  	v46 =	vld [tilespmem:s18+$0xFFFFFFE0];
	v1 =	vshrl.u32 v1, $0xE  }
0x48: {  	v47 =	vld [tilespmem:s18+$0xFFFFFFF0];
	v13 =	vand.u32 $0x3FFF, v2  }
0x49: {  	v48 =	vld [tilespmem:s18+$0x0];
	v2 =	vshrl.u32 v2, $0xE  }
0x4a: {  	v50 =	vld [tilespmem:s18+$0x20];
	v16 =	vand.u32 $0x3FFF, v3  }
0x4b: {  	v3 =	vshrl.u32 v3, $0xE;
	v7 =	vld.idx.msk [tilespmem:v7+s2+$0x0], $0xffff  }
0x4c: {  	v19 =	vand.u32 $0x3FFF, v4;
	v1 =	vld.idx.msk [tilespmem:v1+s9+$0x0], $0xffff  }
0x4d: {  	v4 =	vshrl.u32 v4, $0xE;
	v63 =	vld.idx.msk [tilespmem:v13+s2+$0x0], $0xffff  }
0x4e: {  	v32 =	vand.u32 $0x3FFF, v5;
	v2 =	vld.idx.msk [tilespmem:v2+s9+$0x0], $0xffff  }
0x4f: {  	v5 =	vshrl.u32 v5, $0xE;
	v16 =	vld.idx.msk [tilespmem:v16+s2+$0x0], $0xffff  }
0x50: {  	v22 =	vand.u32 $0x3FFF, v6;
	v3 =	vld.idx.msk [tilespmem:v3+s9+$0x0], $0xffff  }
0x51: {  	v6 =	vshrl.u32 v6, $0xE;
	v19 =	vld.idx.msk [tilespmem:v19+s2+$0x0], $0xffff  }
0x52: {  	v23 =	vand.u32 $0x3FFF, v8;
	v4 =	vld.idx.msk [tilespmem:v4+s9+$0x0], $0xffff  }
0x53: {  	v8 =	vshrl.u32 v8, $0xE;
	v13 =	vld.idx.msk [tilespmem:v32+s2+$0x0], $0xffff  }
0x54: {  	v26 =	vand.u32 $0x3FFF, v10;
	v5 =	vld.idx.msk [tilespmem:v5+s9+$0x0], $0xffff  }
0x55: {  	v10 =	vshrl.u32 v10, $0xE;
	v22 =	vld.idx.msk [tilespmem:v22+s2+$0x0], $0xffff  }
0x56: {  	v27 =	vand.u32 $0x3FFF, v14;
	v6 =	vld.idx.msk [tilespmem:v6+s9+$0x0], $0xffff  }
0x57: {  	v14 =	vshrl.u32 v14, $0xE;
	v33 =	vld.idx.msk [tilespmem:v23+s2+$0x0], $0xffff;
	v1 =	vmul.f32 v1, v7  }
0x58: {  	v28 =	vand.u32 $0x3FFF, v15;
	v8 =	vld.idx.msk [tilespmem:v8+s9+$0x0], $0xffff  }
0x59: {  	v15 =	vshrl.u32 v15, $0xE;
	v26 =	vld.idx.msk [tilespmem:v26+s2+$0x0], $0xffff;
	v1 =	vmul.f32 $1.442695020e+00, v1  }
0x5a: {  	v24 =	vand.u32 $0x3FFF, v9;
	v10 =	vld.idx.msk [tilespmem:v10+s9+$0x0], $0xffff  }
0x5b: {  	v27 =	vld.idx.msk [tilespmem:v27+s2+$0x0], $0xffff;
	(erf) = vpow2.f32 v1;
	v1 =	vand.u32 $0x3FFF, v20  }
0x5c: {  	v14 =	vld.idx.msk [tilespmem:v14+s9+$0x0], $0xffff;
	v20 =	vshrl.u32 v20, $0xE  }
0x5d: {  	v29 =	vand.u32 $0x3FFF, v17;
	v28 =	vld.idx.msk [tilespmem:v28+s2+$0x0], $0xffff  }
0x5e: {  	v17 =	vshrl.u32 v17, $0xE;
	v36 =	vld.idx.msk [tilespmem:v15+s9+$0x0], $0xffff  }
0x5f: {  	v9 =	vshrl.u32 v9, $0xE;
	v34 =	vand.u32 $0x3FFF, v11;
	v24 =	vld.idx.msk [tilespmem:v24+s2+$0x0], $0xffff;
	v2 =	vmul.f32 v2, v63  }
0x60: {  	v11 =	vshrl.u32 v11, $0xE;
	v3 =	vmul.f32 v3, v16;
	v4 =	vmul.f32 v4, v19;
	v1 =	vld.idx.msk [tilespmem:v1+s2+$0x0], $0xffff  }
0x61: {  	v35 =	vand.u32 $0x3FFF, v12;
	v8 =	vmul.f32 v8, v33;
	v10 =	vmul.f32 v10, v26;
	v20 =	vld.idx.msk [tilespmem:v20+s9+$0x0], $0xffff  }
0x62: {  	v12 =	vshrl.u32 v12, $0xE;
	v37 =	vld.idx.msk [tilespmem:v29+s2+$0x0], $0xffff;
	v52 =	vmul.f32 v14, v27;
	v2 =	vmul.f32 $1.442695020e+00, v2  }
0x63: {  	v38 =	vld.idx.msk [tilespmem:v17+s9+$0x0], $0xffff;
	v7 =	vmul.f32 v36, v28;
	v3 =	vmul.f32 $1.442695020e+00, v3  }
0x64: {  	v9 =	vld.idx.msk [tilespmem:v9+s9+$0x0], $0xffff;
	(erf) = vpow2.f32 v2;
	v2 =	vmul.f32 v5, v13  }
0x65: {  	v23 =	vld.idx.msk [tilespmem:v34+s2+$0x0], $0xffff;
	(erf) = vpow2.f32 v3;
	v3 =	vmul.f32 $1.442695020e+00, v4  }
0x66: {  	v11 =	vld.idx.msk [tilespmem:v11+s9+$0x0], $0xffff;
	v2 =	vmul.f32 $1.442695020e+00, v2;
	v1 =	vmul.f32 v20, v1  }
0x67: {  	v30 =	vand.u32 $0x3FFF, v18;
	v12 =	vld.idx.msk [tilespmem:v12+s9+$0x0], $0xffff;
	(erf) = vpow2.f32 v3;
	v3 =	vmul.f32 v6, v22;
	v25 =	vpop (erf)  }
0x68: {  	v18 =	vshrl.u32 v18, $0xE;
	v58 =	vmul.f32 v38, v37;
	[tilespmem:v21+s13+$0x0] =	vst.idx.add.f32.msk $0xffff, v25;
	v1 =	vmul.f32 $1.442695020e+00, v1  }
0x69: {  	(erf) = vpow2.f32 v2;
	v3 =	vmul.f32 $1.442695020e+00, v3;
	v25 =	vld.idx.msk [tilespmem:v35+s2+$0x0], $0xffff  }
0x6a: {  	v2 =	vld [tilespmem:s18+$0xFFFFFFB0];
	(erf) = vpow2.f32 v1;
	v1 =	vmul.f32 v9, v24  }
0x6b: {  	v53 =	vld [tilespmem:s18+$0x30];
	(erf) = vpow2.f32 v3;
	v3 =	vmul.f32 $1.442695020e+00, v8  }
0x6c: {  	v39 =	vld.idx.msk [tilespmem:v30+s2+$0x0], $0xffff;
	v10 =	vmul.f32 $1.442695020e+00, v10;
	v1 =	vmul.f32 $1.442695020e+00, v1  }
0x6d: {  	v40 =	vld.idx.msk [tilespmem:v18+s9+$0x0], $0xffff;
	(erf) = vpow2.f32 v3;
	v3 =	vmul.f32 v11, v23  }
0x6e: {  	v56 =	vld [tilespmem:s18+$0x50];
	v7 =	vmul.f32 $1.442695020e+00, v7;
	v12 =	vmul.f32 v12, v25  }
0x6f: {  	v59 =	vld [tilespmem:s18+$0x60];
	v49 =	vpop (erf);
	(erf) = vpow2.f32 v1;
	v3 =	vmul.f32 $1.442695020e+00, v3  }
0x70: {  	v51 =	vpop (erf);
	[tilespmem:v42+s13+$0x0] =	vst.idx.add.f32.msk $0xffff, v49;
	v12 =	vmul.f32 $1.442695020e+00, v12;
	(erf) = vpow2.f32 v10  }
0x71: {  	[tilespmem:v43+s13+$0x0] =	vst.idx.add.f32.msk $0xffff, v51;
	v54 =	vpop (erf);
	v10 =	vmul.f32 $1.442695020e+00, v52;
	(erf) = vpow2.f32 v3  }
0x72: {  	v5 =	vmul.f32 v40, v39;
	[tilespmem:v2+s13+$0x0] =	vst.idx.add.f32.msk $0xffff, v54;
	(erf) = vpow2.f32 v12  }
0x73: {  	v60 =	vmul.f32 $1.442695020e+00, v58;
	v55 =	vpop (erf);
	v1 =	vld [tilespmem:s18+$0x10];
	(erf) = vpow2.f32 v10  }
0x74: {  	v5 =	vmul.f32 $1.442695020e+00, v5;
	[tilespmem:v44+s13+$0x0] =	vst.idx.add.f32.msk $0xffff, v55;
	v57 =	vpop (erf);
	(erf) = vpow2.f32 v7  }
0x75: {  	v3 =	vld [tilespmem:s18+$0x40];
	(erf) = vpow2.f32 v60  }
0x76: {  	[tilespmem:v41+s13+$0x0] =	vst.idx.add.f32.msk $0xffff, v57;
	v2 =	vpop (erf);
	(erf) = vpow2.f32 v5  }
0x77: {  	[tilespmem:v45+s13+$0x0] =	vst.idx.add.f32.msk $0xffff, v2;
	v61 =	vpop (erf)  }
0x78: {  	v2 =	vpop (erf);
	[tilespmem:v46+s13+$0x0] =	vst.idx.add.f32.msk $0xffff, v61  }
0x79: {  	v62 =	vpop (erf);
	[tilespmem:v47+s13+$0x0] =	vst.idx.add.f32.msk $0xffff, v2  }
0x7a: {  	[tilespmem:v48+s13+$0x0] =	vst.idx.add.f32.msk $0xffff, v62;
	v2 =	vpop (erf)  }
0x7b: {  	v63 =	vpop (erf);
	[tilespmem:v1+s13+$0x0] =	vst.idx.add.f32.msk $0xffff, v2  }
0x7c: {  	v1 =	vpop (erf);
	[tilespmem:v50+s13+$0x0] =	vst.idx.add.f32.msk $0xffff, v63  }
0x7d: {  	v2 =	vpop (erf);
	[tilespmem:v53+s13+$0x0] =	vst.idx.add.f32.msk $0xffff, v1  }
0x7e: {  	v1 =	vpop (erf);
	[tilespmem:v3+s13+$0x0] =	vst.idx.add.f32.msk $0xffff, v2  }
0x7f: {  	v2 =	vpop (erf);
	[tilespmem:v56+s13+$0x0] =	vst.idx.add.f32.msk $0xffff, v1  }
0x80: {  	s19 =	simm.s32 $0x0;
	s20 =	simm.s32 $0xD180;
	[tilespmem:v59+s13+$0x0] =	vst.idx.add.f32.msk $0xffff, v2  }
.LBB2_4:
0x81: {  	v1 =	vld [tilespmem:s20+$0x70]  }
0x82: {  	s19 =	sadd.s32 $0x10, s19;
	v2 =	vld [tilespmem:s20+$0xFFFFFF90]  }
0x83: {  	p0 =	slt.u32 s19, $0x3F0;
	v3 =	vld [tilespmem:s20+$0xFFFFFFA0]  }
0x84: {  	v4 =	vld [tilespmem:s20+$0xFFFFFFB0]  }
0x85: {  	v5 =	vld [tilespmem:s20+$0xFFFFFFC0]  }
0x86: {  	v6 =	vld [tilespmem:s20+$0xFFFFFFD0];
	v7 =	vand.u32 $0x3FFF, v1  }
0x87: {  	v1 =	vshrl.u32 v1, $0xE;
	v8 =	vshrl.u32 v2, $0xE;
	v2 =	vand.u32 $0x3FFF, v2;
	v9 =	vld [tilespmem:s20+$0xFFFFFFE0]  }
0x88: {  	v10 =	vshrl.u32 v3, $0xE;
	v3 =	vand.u32 $0x3FFF, v3;
	v11 =	vld [tilespmem:s20+$0xFFFFFFF0]  }
0x89: {  	v12 =	vshrl.u32 v4, $0xE;
	v4 =	vand.u32 $0x3FFF, v4;
	v13 =	vld [tilespmem:s20+$0x0]  }
0x8a: {  	v14 =	vshrl.u32 v5, $0xE;
	v5 =	vand.u32 $0x3FFF, v5;
	v15 =	vld [tilespmem:s20+$0x10]  }
0x8b: {  	v16 =	vshrl.u32 v6, $0xE;
	v6 =	vand.u32 $0x3FFF, v6;
	v7 =	vld.idx.msk [tilespmem:v7+s2+$0x0], $0xffff  }
0x8c: {  	v17 =	vshrl.u32 v9, $0xE;
	v9 =	vand.u32 $0x3FFF, v9;
	v1 =	vld.idx.msk [tilespmem:v1+s9+$0x0], $0xffff  }
0x8d: {  	v18 =	vshrl.u32 v11, $0xE;
	v11 =	vand.u32 $0x3FFF, v11;
	v19 =	vld [tilespmem:s20+$0x20]  }
0x8e: {  	v20 =	vshrl.u32 v13, $0xE;
	v13 =	vand.u32 $0x3FFF, v13;
	v21 =	vld [tilespmem:s20+$0x30]  }
0x8f: {  	v22 =	vshrl.u32 v15, $0xE;
	v15 =	vand.u32 $0x3FFF, v15;
	v23 =	vld [tilespmem:s20+$0x40]  }
0x90: {  	v24 =	vld [tilespmem:s20+$0x50]  }
0x91: {  	v25 =	vld [tilespmem:s20+$0x60]  }
0x92: {  	v1 =	vmul.f32 v1, v7;
	v26 =	vld [tilespmem:s20+$0xFFFFFF80];
	v27 =	vshrl.u32 v19, $0xE;
	v19 =	vand.u32 $0x3FFF, v19  }
0x93: {  	v2 =	vld.idx.msk [tilespmem:v2+s2+$0x0], $0xffff;
	v7 =	vshrl.u32 v21, $0xE;
	v21 =	vand.u32 $0x3FFF, v21  }
0x94: {  	v1 =	vmul.f32 $1.442695020e+00, v1;
	v8 =	vld.idx.msk [tilespmem:v8+s9+$0x0], $0xffff;
	v28 =	vshrl.u32 v23, $0xE;
	v23 =	vand.u32 $0x3FFF, v23  }
0x95: {  	v3 =	vld.idx.msk [tilespmem:v3+s2+$0x0], $0xffff;
	v29 =	vshrl.u32 v24, $0xE;
	v24 =	vand.u32 $0x3FFF, v24  }
0x96: {  	v10 =	vld.idx.msk [tilespmem:v10+s9+$0x0], $0xffff;
	v30 =	vshrl.u32 v25, $0xE;
	v25 =	vand.u32 $0x3FFF, v25;
	(erf) = vpow2.f32 v1  }
0x97: {  	s18 =	sadd.s32 $0x100, s18;
	v1 =	vshrl.u32 v26, $0xE;
	v26 =	vand.u32 $0x3FFF, v26;
	v4 =	vld.idx.msk [tilespmem:v4+s2+$0x0], $0xffff  }
0x98: {  	v31 =	vld [tilespmem:s18+$0x70]  }
0x99: {  	v12 =	vld.idx.msk [tilespmem:v12+s9+$0x0], $0xffff  }
0x9a: {  	v2 =	vmul.f32 v8, v2;
	v5 =	vld.idx.msk [tilespmem:v5+s2+$0x0], $0xffff  }
0x9b: {  	v8 =	vld.idx.msk [tilespmem:v14+s9+$0x0], $0xffff  }
0x9c: {  	v2 =	vmul.f32 $1.442695020e+00, v2;
	v3 =	vmul.f32 v10, v3;
	v14 =	vld.idx.msk [tilespmem:v26+s2+$0x0], $0xffff  }
0x9d: {  	v1 =	vld.idx.msk [tilespmem:v1+s9+$0x0], $0xffff  }
0x9e: {  	v3 =	vmul.f32 $1.442695020e+00, v3;
	v6 =	vld.idx.msk [tilespmem:v6+s2+$0x0], $0xffff;
	(erf) = vpow2.f32 v2  }
0x9f: {  	v2 =	vmul.f32 v12, v4;
	v4 =	vld.idx.msk [tilespmem:v16+s9+$0x0], $0xffff;
	v10 =	vpop (erf)  }
0xa0: {  	[tilespmem:v31+s13+$0x0] =	vst.idx.add.f32.msk $0xffff, v10;
	(erf) = vpow2.f32 v3  }
0xa1: {  	v2 =	vmul.f32 $1.442695020e+00, v2;
	v3 =	vmul.f32 v8, v5;
	v5 =	vld.idx.msk [tilespmem:v9+s2+$0x0], $0xffff  }
0xa2: {  	v8 =	vld.idx.msk [tilespmem:v17+s9+$0x0], $0xffff  }
0xa3: {  	v1 =	vmul.f32 v1, v14;
	v3 =	vmul.f32 $1.442695020e+00, v3;
	v9 =	vld.idx.msk [tilespmem:v11+s2+$0x0], $0xffff  }
0xa4: {  	v10 =	vld.idx.msk [tilespmem:v18+s9+$0x0], $0xffff;
	(erf) = vpow2.f32 v2  }
0xa5: {  	v11 =	vmul.f32 $1.442695020e+00, v1;
	v2 =	vmul.f32 v4, v6;
	v4 =	vld.idx.msk [tilespmem:v13+s2+$0x0], $0xffff  }
0xa6: {  	v6 =	vld.idx.msk [tilespmem:v20+s9+$0x0], $0xffff;
	(erf) = vpow2.f32 v3  }
0xa7: {  	v2 =	vmul.f32 $1.442695020e+00, v2;
	v3 =	vld.idx.msk [tilespmem:v15+s2+$0x0], $0xffff;
	(erf) = vpow2.f32 v11;
	v1 =	vpop (erf)  }
0xa8: {  	v5 =	vmul.f32 v8, v5;
	v8 =	vld.idx.msk [tilespmem:v22+s9+$0x0], $0xffff  }
0xa9: {  	v11 =	vld.idx.msk [tilespmem:v19+s2+$0x0], $0xffff;
	v12 =	vpop (erf);
	(erf) = vpow2.f32 v2  }
0xaa: {  	v2 =	vmul.f32 $1.442695020e+00, v5;
	v5 =	vmul.f32 v10, v9;
	v9 =	vld.idx.msk [tilespmem:v27+s9+$0x0], $0xffff  }
0xab: {  	v10 =	vld.idx.msk [tilespmem:v21+s2+$0x0], $0xffff  }
0xac: {  	v5 =	vmul.f32 $1.442695020e+00, v5;
	v4 =	vmul.f32 v6, v4;
	v6 =	vld.idx.msk [tilespmem:v7+s9+$0x0], $0xffff  }
0xad: {  	v7 =	vld.idx.msk [tilespmem:v23+s2+$0x0], $0xffff;
	v13 =	vpop (erf);
	(erf) = vpow2.f32 v2  }
0xae: {  	v2 =	vmul.f32 $1.442695020e+00, v4;
	v3 =	vmul.f32 v8, v3;
	v4 =	vld.idx.msk [tilespmem:v28+s9+$0x0], $0xffff  }
0xaf: {  	v8 =	vld.idx.msk [tilespmem:v24+s2+$0x0], $0xffff;
	v14 =	vpop (erf);
	(erf) = vpow2.f32 v5  }
0xb0: {  	v3 =	vmul.f32 $1.442695020e+00, v3;
	v5 =	vmul.f32 v9, v11;
	v9 =	vld.idx.msk [tilespmem:v29+s9+$0x0], $0xffff;
	v11 =	vpop (erf)  }
0xb1: {  	v15 =	vld.idx.msk [tilespmem:v25+s2+$0x0], $0xffff;
	(erf) = vpow2.f32 v2  }
0xb2: {  	v2 =	vmul.f32 $1.442695020e+00, v5;
	v5 =	vmul.f32 v6, v10;
	v6 =	vld.idx.msk [tilespmem:v30+s9+$0x0], $0xffff;
	v10 =	vpop (erf)  }
0xb3: {  	v16 =	vld [tilespmem:s18+$0xFFFFFF80];
	(erf) = vpow2.f32 v3  }
0xb4: {  	v5 =	vmul.f32 $1.442695020e+00, v5;
	v4 =	vmul.f32 v4, v7;
	v3 =	vld [tilespmem:s18+$0xFFFFFF90]  }
0xb5: {  	v7 =	vld [tilespmem:s18+$0xFFFFFFA0];
	(erf) = vpow2.f32 v2  }
0xb6: {  	v4 =	vmul.f32 $1.442695020e+00, v4;
	v8 =	vmul.f32 v9, v8;
	v2 =	vld [tilespmem:s18+$0xFFFFFFB0];
	v9 =	vpop (erf)  }
0xb7: {  	v17 =	vld [tilespmem:s18+$0xFFFFFFC0];
	(erf) = vpow2.f32 v5  }
0xb8: {  	v8 =	vmul.f32 $1.442695020e+00, v8;
	v6 =	vmul.f32 v6, v15;
	v5 =	vld [tilespmem:s18+$0xFFFFFFD0];
	v15 =	vpop (erf)  }
0xb9: {  	v18 =	vld [tilespmem:s18+$0xFFFFFFE0];
	(erf) = vpow2.f32 v4  }
0xba: {  	v6 =	vmul.f32 $1.442695020e+00, v6;
	v4 =	vld [tilespmem:s18+$0xFFFFFFF0];
	v19 =	vpop (erf);
	(erf) = vpow2.f32 v8  }
0xbb: {  	v8 =	vld [tilespmem:s18+$0x0]  }
0xbc: {  	v20 =	vld [tilespmem:s18+$0x10];
	v21 =	vpop (erf);
	(erf) = vpow2.f32 v6  }
0xbd: {  	v6 =	vld [tilespmem:s18+$0x20]  }
0xbe: {  	v22 =	vld [tilespmem:s18+$0x30];
	v23 =	vpop (erf)  }
0xbf: {  	v24 =	vld [tilespmem:s18+$0x40]  }
0xc0: {  	v25 =	vld [tilespmem:s18+$0x50];
	v26 =	vpop (erf)  }
0xc1: {  	v27 =	vld [tilespmem:s18+$0x60]  }
0xc2: {  	[tilespmem:v16+s13+$0x0] =	vst.idx.add.f32.msk $0xffff, v11;
	v11 =	vpop (erf)  }
0xc3: {  	[tilespmem:v3+s13+$0x0] =	vst.idx.add.f32.msk $0xffff, v1;
	v1 =	vpop (erf)  }
0xc4: {  	[tilespmem:v7+s13+$0x0] =	vst.idx.add.f32.msk $0xffff, v12  }
0xc5: {  	[tilespmem:v2+s13+$0x0] =	vst.idx.add.f32.msk $0xffff, v13;
	v2 =	vpop (erf)  }
0xc6: {  	[tilespmem:v17+s13+$0x0] =	vst.idx.add.f32.msk $0xffff, v14  }
0xc7: {  	[tilespmem:v5+s13+$0x0] =	vst.idx.add.f32.msk $0xffff, v10  }
0xc8: {  	[tilespmem:v18+s13+$0x0] =	vst.idx.add.f32.msk $0xffff, v9  }
0xc9: {  	[tilespmem:v4+s13+$0x0] =	vst.idx.add.f32.msk $0xffff, v15  }
0xca: {  	[tilespmem:v8+s13+$0x0] =	vst.idx.add.f32.msk $0xffff, v19  }
0xcb: {  	[tilespmem:v20+s13+$0x0] =	vst.idx.add.f32.msk $0xffff, v21  }
.Ltmp1:
0xcc: {  	[tilespmem:v6+s13+$0x0] =	vst.idx.add.f32.msk $0xffff, v23;
	(pc) =	sbr.rel @p0 .LBB2_4-.Ltmp1, $4  }
0xcd: {  	[tilespmem:v22+s13+$0x0] =	vst.idx.add.f32.msk $0xffff, v26  }
0xce: {  	[tilespmem:v24+s13+$0x0] =	vst.idx.add.f32.msk $0xffff, v11  }
0xcf: {  	[tilespmem:v25+s13+$0x0] =	vst.idx.add.f32.msk $0xffff, v1  }
0xd0: {  	s20 =	sadd.s32 $0x100, s20;
	[tilespmem:v27+s13+$0x0] =	vst.idx.add.f32.msk $0xffff, v2  }
0xd1: {  	s17 =	sadd.s32 $0x1, s17  }
0xd2: {  	p0 =	sne.s32 s17, s8  }
.Ltmp2:
0xd3: {  	_ = 	snop;
	(pc) =	sbr.rel @p0 .LBB2_1-.Ltmp2, $4  }
0xd4: {  	[hbm4b:s7+s14] =	stream.strided.scatter [tilespmem:s13], [sflag:$0x2], $0x8000, s15, s14, $0x38;
	[tilespmem:$0x15000] =	vst v63  }
0xd5: {  	_ =	swait.ge [sflag:s16], $0x8000  }
0xd6: {  	[sflag:s16] =	ssyncset.done $0x0  }
0xd7: {  	[sflag:s16] =	ssyncadd.s32 $0xFFFF8000  }
0xd8: {  	_ =	sfence.sel $0x180000  }
0xd9: {  	[bflag:$0x0] =	sbarrier.arrive $0xFFFF  }
0xda: {  	p0 =	sne.s32 s1, $0x0;
	_ =	strace $0x90000050  }
0xdb: {  	s0 =	sadd.s32 @!p0 $0x100000, s0;
	[bflag:$0x2] =	sbarrier.arrive $0xFFFF  }
0xdc: {  	[sflag:s0] =	ssyncadd.tile.s32 @!p0 $0x1;
	_ =	shalt  }
.Lfunc_end2:
_tile_overlayer_lowered:
.L_overlay_start_2:
0xdd: {  	(tag) =	ssettag $0x2  }
0xde: {  	s0 =	rddreg [dreg:$0x0];
	s2 =	stileid.u32  }
0xdf: {  	s1 =	rddreg [dreg:$0x1];
	p0 =	sne.s32 s2, $0x0  }
0xe0: {  	s3 =	rddreg [dreg:$0x2];
	[bflag:$0x3] =	sbarrier.arrive $0xFFFF;
	s2 =	simm.s32 @!p0 $0x1C02  }
0xe1: {  	[timem:s3], [sflag:s2] =	dma.local @!p0 [hbm:s0], s1  }
0xe2: {  	s0 =	simm.s32 @!p0 $0x2  }
0xe3: {  	_ =	swait.ge @!p0 [sflag:s0], s1  }
0xe4: {  	s1 =	ssub.s32 @!p0 $0x0, s1;
	[sflag:s0] =	ssyncset.done @!p0 $0x0  }
0xe5: {  	[sflag:s0] =	ssyncadd.s32 @!p0 s1  }
0xe6: {  	[bflag:$0x3] =	sbarrier.arrive $0xFFFF  }
0xe7: {  	_ =	shalt  }

// kernel: kernel.35.cloned.1.call-start
scs
__scs_entry_jumppad:
0x0: {  	(pc) =	sbr.rel $0x88, $3  }
0x1: {  	(tag) =	ssettag $0x0;
	lr =	simm.s32 $0x1  }
0x2: {  	[smem:$0x3F9D] =	sst lr;
	_ =	strace $0xD0000000  }
0x3: {  	_ = 	snop  }
0x4: {  	_ = 	snop  }
0x5: {  	_ = 	snop  }
0x6: {  	_ = 	snop  }
0x7: {  	_ = 	snop  }
__scs_overlays_trampoline_lowered:
0x8: {  	[smem:$0x3FAC] =	sst s0  }
0x9: {  	[smem:$0x3FAD] =	sst s1  }
0xa: {  	[smem:$0x3FAE] =	sst s2  }
0xb: {  	[smem:$0x3FAF] =	sst s3  }
0xc: {  	[smem:$0x3FB0] =	sst s4  }
0xd: {  	[smem:$0x3FB1] =	sst s5  }
0xe: {  	[smem:$0x3FB2] =	sst s6  }
0xf: {  	[smem:$0x3FB3] =	sst s7  }
0x10: {  	[smem:$0x3FB4] =	sst s8  }
0x11: {  	[smem:$0x3FB5] =	sst s9;
	s0 =	simm.s32 @!p0 $0x0  }
0x12: {  	s1 =	sld [smem:$0x3F9B];
	s0 =	simm.s32 @p0 $0x1  }
0x13: {  	[smem:$0x3FB6] =	sst s0;
	s0 =	simm.s32 @!p1 $0x0  }
0x14: {  	s2 =	sld [smem:$0x3F9A];
	s0 =	simm.s32 @p1 $0x1  }
0x15: {  	[smem:$0x3FB7] =	sst s0;
	s0 =	simm.s32 @!p2 $0x0  }
0x16: {  	s3 =	sld [smem:$0x3FDB];
	s0 =	simm.s32 @p2 $0x1  }
0x17: {  	s4 =	simm.s32 $0x1BF5;
	[smem:$0x3FB9] =	sst s0  }
0x18: {  	s0 =	sld [smem:$0x3F9C];
	_ =	swait.ge [sflag:s4], $0x0  }
0x19: {  	s7 =	sld [smem:$0x3F9D]  }
0x1a: {  	s8 =	sadd.s32 $0xFFFFE003, lr  }
0x1b: {  	s9 =	sadd.s32 $0xFFFFFEF7, lr;
	s5 =	simm.s32 $0xFFFFFFFF;
	p2 =	slt.u32 s8, $0xFFFFF086  }
0x1c: {  	p1 =	slt.u32 s9, $0xF7A;
	s5 =	simm.s32 @!p2 $0x0  }
0x1d: {  	s5 =	simm.s32 @p1 $0x1;
	p0 =	seq.s32 s7, s2  }
0x1e: {  	s7 =	smul.u32 @!p0 $0xF7A, s2;
	p2 =	seq.s32 @!p0 s5, $0x0  }
0x1f: {  	s9 =	smul.u32 $0xF7A, s1;
	s8 =	simm.s32 @!p0 $0x1BF5;
	p2 =	por !p2, p0  }
0x20: {  	[sflag:s8] =	ssyncset.s32 @!p0 $0xFFFFF086;
	s6 =	sadd.s32 @!p0 s3, s7;
	s7 =	simm.s32 @!p0 $0x108  }
0x21: {  	s3 =	sadd.s32 s3, s9;
	s6 =	sadd.s32 @!p0 $0x88, s6;
	s7 =	simm.s32 @p2 $0x1082  }
0x22: {  	[simem:s7], [sflag:s8] =	dma.local @!p0 [hbm:s6], $0xF7A  }
0x23: {  	s9 =	sor.u32 $0xD0000000, s2;
	s6 =	simm.s32 $0x108;
	_ =	swait.ge @!p0 [sflag:s8], $0x0  }
0x24: {  	s3 =	sadd.s32 $0x88, s3;
	s6 =	simm.s32 @!p1 $0x1082;
	[sflag:s4] =	ssyncset.s32 $0xFFFFF086  }
0x25: {  	[simem:s6], [sflag:s4] =	dma.local [hbm:s3], $0xF7A  }
0x26: {  	[smem:$0x3F9D] =	sst s1;
	(tag) =	ssettag s2;
	_ =	strace s9  }
0x27: {  	s1 =	sld [smem:$0x3FAD]  }
0x28: {  	s2 =	sld [smem:$0x3FAE]  }
0x29: {  	s4 =	sld [smem:$0x3FB0]  }
0x2a: {  	p0 =	seq.s32 s5, $0x0;
	s5 =	sld [smem:$0x3FB1]  }
0x2b: {  	s6 =	sld [smem:$0x3FB2]  }
0x2c: {  	s7 =	sld [smem:$0x3FB3]  }
0x2d: {  	s3 =	simm.s32 $0x108;
	s8 =	sld [smem:$0x3FB4]  }
0x2e: {  	s3 =	simm.s32 @!p0 $0x1082;
	s9 =	sld [smem:$0x3FB5]  }
0x2f: {  	lr =	sadd.s32 s0, s3;
	s0 =	sld [smem:$0x3FAC]  }
0x30: {  	s3 =	sld [smem:$0x3FAF]  }
0x31: {  	[smem:$0x3FB8] =	sst s10  }
0x32: {  	s10 =	sld [smem:$0x3FB6];
	_ =	sdelay $0x3  }
0x33: {  	p0 =	seq.s32 s10, $0x1;
	s10 =	sld [smem:$0x3FB8];
	_ =	sdelay $0x3  }
0x34: {  	[smem:$0x3FB8] =	sst s10  }
0x35: {  	s10 =	sld [smem:$0x3FB7];
	_ =	sdelay $0x3  }
0x36: {  	p1 =	seq.s32 s10, $0x1;
	s10 =	sld [smem:$0x3FB8];
	_ =	sdelay $0x3  }
0x37: {  	[smem:$0x3FB8] =	sst s10  }
0x38: {  	s10 =	sld [smem:$0x3FB9]  }
0x39: {  	_ = 	snop;
	(pc) =	sbr.ind lr, $3  }
0x3a: {  	_ = 	snop  }
0x3b: {  	_ = 	snop  }
0x3c: {  	p2 =	seq.s32 s10, $0x1;
	s10 =	sld [smem:$0x3FB8]  }
0x3d: {  	_ =	shalt  }
0x3e: {  	_ =	shalt  }
0x3f: {  	_ =	shalt  }
0x40: {  	_ =	shalt  }
0x41: {  	_ =	shalt  }
0x42: {  	_ =	shalt  }
0x43: {  	_ =	shalt  }
0x44: {  	_ =	shalt  }
0x45: {  	_ =	shalt  }
0x46: {  	_ =	shalt  }
0x47: {  	_ =	shalt  }
0x48: {  	_ =	shalt  }
0x49: {  	_ =	shalt  }
0x4a: {  	_ =	shalt  }
0x4b: {  	_ =	shalt  }
0x4c: {  	_ =	shalt  }
0x4d: {  	_ =	shalt  }
0x4e: {  	_ =	shalt  }
0x4f: {  	_ =	shalt  }
0x50: {  	_ =	shalt  }
0x51: {  	_ =	shalt  }
0x52: {  	_ =	shalt  }
0x53: {  	_ =	shalt  }
0x54: {  	_ =	shalt  }
0x55: {  	_ =	shalt  }
0x56: {  	_ =	shalt  }
0x57: {  	_ =	shalt  }
0x58: {  	_ =	shalt  }
0x59: {  	_ =	shalt  }
0x5a: {  	_ =	shalt  }
0x5b: {  	_ =	shalt  }
0x5c: {  	_ =	shalt  }
0x5d: {  	_ =	shalt  }
0x5e: {  	_ =	shalt  }
0x5f: {  	_ =	shalt  }
0x60: {  	_ =	shalt  }
0x61: {  	_ =	shalt  }
0x62: {  	_ =	shalt  }
0x63: {  	_ =	shalt  }
0x64: {  	_ =	shalt  }
0x65: {  	_ =	shalt  }
0x66: {  	_ =	shalt  }
0x67: {  	_ =	shalt  }
0x68: {  	_ =	shalt  }
0x69: {  	_ =	shalt  }
0x6a: {  	_ =	shalt  }
0x6b: {  	_ =	shalt  }
0x6c: {  	_ =	shalt  }
0x6d: {  	_ =	shalt  }
0x6e: {  	_ =	shalt  }
0x6f: {  	_ =	shalt  }
0x70: {  	_ =	shalt  }
0x71: {  	_ =	shalt  }
0x72: {  	_ =	shalt  }
0x73: {  	_ =	shalt  }
0x74: {  	_ =	shalt  }
0x75: {  	_ =	shalt  }
0x76: {  	_ =	shalt  }
0x77: {  	_ =	shalt  }
0x78: {  	_ =	shalt  }
0x79: {  	_ =	shalt  }
0x7a: {  	_ =	shalt  }
0x7b: {  	_ =	shalt  }
0x7c: {  	_ =	shalt  }
0x7d: {  	_ =	shalt  }
0x7e: {  	_ =	shalt  }
0x7f: {  	_ =	shalt  }
0x80: {  	_ =	shalt  }
0x81: {  	_ =	shalt  }
0x82: {  	_ =	shalt  }
0x83: {  	_ =	shalt  }
0x84: {  	_ =	shalt  }
0x85: {  	_ =	shalt  }
0x86: {  	_ =	shalt  }
0x87: {  	_ =	shalt  }
.Lfunc_end0:
.L_simem_size_0:
called_computation.4_lowered:
.L_overlay_start_0:
0x88: {  	s2 =	sld [smem:$0x3FD9]  }
0x89: {  	s3 =	sld [smem:$0x3FFE];
	_ =	sdelay $0x1  }
0x8a: {  	s1 =	srdreg.scid  }
0x8b: {  	s0 =	sand.u32 $0x1, s1  }
0x8c: {  	s17 =	sshll.u32 s0, $0xA;
	s2 =	sadd.s32 s3, s2  }
0x8d: {  	s2 =	sadd.s32 s2, s17  }
0x8e: {  	[smem:$0x3FC4] =	sst s2  }
0x8f: {  	_ = 	snop  }
0x90: {  	s2 =	sld [smem:$0x3FD0];
	(tm) =	ssettm $0x1  }
0x91: {  	s18 =	sld [smem:$0x3FFB];
	_ =	sdelay $0x3  }
0x92: {  	_ =	strace s18  }
0x93: {  	s3 =	sld [smem:$0x3FFC];
	_ =	sdelay $0x3  }
0x94: {  	_ =	strace s3  }
0x95: {  	s3 =	sld [smem:$0x3FFD];
	_ =	sdelay $0x3  }
0x96: {  	_ =	strace s3  }
0x97: {  	_ =	strace $0x8FFFFFFF  }
0x98: {  	s19 =	sld [smem:$0x3FDB];
	_ =	sdelay $0x1  }
0x99: {  	s4 =	simm.s32 $_scs_section_size  }
0x9a: {  	s5 =	simm.s32 $_size__tile_overlayer_lowered;
	s6 =	simm.s32 $_tile_overlayer_lowered  }
0x9b: {  	s22 =	simm.s32 $0x1BFF;
	s21 =	sshll.u32 s6, $0x1;
	s3 =	sadd.s32 s4, s19  }
0x9c: {  	s7 =	simm.s32 $0x0;
	s20 =	sshll.u32 s5, $0x1;
	s5 =	sadd.s32 s21, s3  }
0x9d: {  	[timem:s7], [sflag:s22] =	dma.local [hbm:s5], s20  }
0x9e: {  	_ =	swait.ge [sflag:s22], s20  }
0x9f: {  	s4 =	ssub.s32 $0x0, s20;
	[sflag:s22] =	ssyncset.done $0x0  }
0xa0: {  	[sflag:s22] =	ssyncadd.s32 s4;
	_ =	sdelay $0x1  }
0xa1: {  	s23 =	simm.s32 $0x1B8B  }
0xa2: {  	_ =	swait.ge [sflag:s23], $0x1  }
0xa3: {  	[sflag:s23] =	ssyncset.done $0x0  }
0xa4: {  	s25 =	simm.s32 $0x1B8E;
	s24 =	sld [smem:$0x3FFE];
	[sflag:s23] =	ssyncadd.s32 $0xFFFFFFFF  }
0xa5: {  	s26 =	simm.s32 $execute0_lowered;
	[smem:$0x3FD2] =	sst s25  }
0xa6: {  	s5 =	sshll.u32 s26, $0x1;
	_ =	strace $0x80000052;
	[dreg:$0x1] =	wrdreg $0xFFFFFFFF  }
0xa7: {  	s28 =	simm.s32 $_size_execute0_lowered;
	s3 =	sadd.s32 s3, s5;
	[dreg:$0x0] =	wrdreg $0x0  }
0xa8: {  	s5 =	sshll.u32 s28, $0x1;
	[dreg:$0x2] =	wrdreg s3  }
0xa9: {  	[dreg:$0x3] =	wrdreg s5  }
0xaa: {  	[dreg:$0x4] =	wrdreg $0xC0  }
0xab: {  	_ =	task [dreg:s7], $0x5FFFF  }
0xac: {  	[dreg:$0x1] =	wrdreg $0xFFFFFFFF  }
0xad: {  	[dreg:$0x0] =	wrdreg $0x60  }
0xae: {  	[dreg:$0x2] =	wrdreg s2  }
0xaf: {  	[dreg:$0x3] =	wrdreg s24  }
0xb0: {  	[dreg:$0x4] =	wrdreg $0x9  }
0xb1: {  	_ =	task.clear_ibuf [dreg:s7], $0x5FFFF;
	_ =	strace $0x90000052  }
0xb2: {  	s29 =	simm.s32 $0x9;
	_ =	strace $0x80000054  }
0xb3: {  	_ =	swait.ge [sflag:s29], $0x1  }
0xb4: {  	[sflag:s29] =	ssyncadd.s32 $0xFFFFFFFF  }
0xb5: {  	_ =	strace $0x90000054  }
0xb6: {  	_ =	sfence  }
0xb7: {  	s30 =	sld [smem:$0x0];
	_ =	sdelay $0x2  }
0xb8: {  	s31 =	sshll.u32 s1, $0xD;
	s1 =	sshrl.u32 s1, $0x2  }
0xb9: {  	s3 =	sand.u32 $0x4000, s31;
	s1 =	sadd.s32 s1, s30  }
0xba: {  	s0 =	sor.u32 s3, s0;
	s1 =	sshll.u32 s1, $0x11  }
0xbb: {  	s0 =	sor.u32 s1, s0  }
0xbc: {  	s0 =	sadd.s32 $0x8F2B, s0  }
0xbd: {  	[sflag:s0] =	ssyncadd.remote.s32 $0x1  }
0xbe: {  	_ =	sfence.sel $0xFFFF  }
0xbf: {  	[dreg:$0x0] =	wrdreg $0xFFFFFFFF;
	(pc) =	sbr.abs _section_cstart, $3  }
0xc0: {  	[dreg:$0x1] =	wrdreg $0xFFFFFFFF  }
0xc1: {  	_ =	task.clear_ibuf [dreg:s7], $0x2FFFF;
	_ =	strace $0x9FFFFFFF  }
0xc2: {  	(tm) =	ssettm $0x7FFFFFFF  }
0xc3: {  	_ =	shalt  }
tec
execute0_lowered:
.L_overlay_start_1:
0x0: {  	(tag) =	ssettag $0x1  }
0x1: {  	s2 =	rddreg [dreg:$0x0];
	s1 =	srdreg.scid  }
0x2: {  	s0 =	stileid.u32;
	s4 =	rddreg [dreg:$0x1];
	s3 =	simm.s32 $0x0  }
0x3: {  	s10 =	simm.s32 $0x80;
	s11 =	simm.s32 $0x400;
	s12 =	simm.s32 $0x2  }
0x4: {  	s13 =	simm.s32 $0x0;
	s5 =	sand.u32 $0x1, s1;
	s1 =	rddreg [dreg:$0x2]  }
0x5: {  	s6 =	sshll.u32 s0, $0x1;
	[smem:$0x7FF] =	sst s3;
	s8 =	sshll.u32 s0, $0xC  }
0x6: {  	s6 =	sor.u32 s5, s6;
	_ =	strace $0x80000053;
	s8 =	sand.u32 $0xC000, s8  }
0x7: {  	s5 =	ssub.s32 $0x2, s5;
	s7 =	sshll.u32 s6, $0xB;
	s6 =	sshll.u32 s6, $0x4  }
0x8: {  	s8 =	sadd.s32 s8, s4;
	s30 =	sshrl.u32 s5, $0x1;
	s7 =	sadd.s32 s7, s4  }
0x9: {  	s6 =	sand.u32 $0x70, s6;
	s9 =	ssub.s32 s5, s30;
	s4 =	sadd.s32 $0x16800, s7  }
0xa: {  	s31 =	sadd.s32 s6, s8;
	s6 =	smax.u32 s9, $0x1;
	s7 =	simm.s32 $0xC000  }
0xb: {  	v0 =	vimm.f32 $0.0e+00;
	s8 =	simm.s32 $0x1;
	s9 =	simm.s32 $0x8000;
	s5 =	sadd.s32 $0x26A00, s31  }
.LBB2_1:
0xc: {  	[tilespmem:s3], [sflag:$0x1] =	stream.linear.gather [hbm4b:s2+s3], $0x8000, $0x38;
	[tilespmem:$0x10000] =	vst v63  }
0xd: {  	s14 =	simm.s32 $0x8040  }
0xe: {  	[tilespmem:s7], [sflag:$0x1] =	stream.linear.gather [hbm4b:s4+s3], $0x4000, $0x38;
	[tilespmem:$0x10000] =	vst v63  }
0xf: {  	[tilespmem:s14+$0xFFFFFFC0] =	vst v0  }
0x10: {  	[tilespmem:s14+$0x30] =	vst v0  }
0x11: {  	[tilespmem:s14+$0x20] =	vst v0  }
0x12: {  	[tilespmem:s14+$0x10] =	vst v0  }
0x13: {  	[tilespmem:s14+$0x0] =	vst v0  }
0x14: {  	[tilespmem:s14+$0xFFFFFFF0] =	vst v0  }
0x15: {  	s15 =	simm.s32 $0x0;
	[tilespmem:s14+$0xFFFFFFE0] =	vst v0  }
.LBB2_2:
0x16: {  	s15 =	sadd.s32 $0x8, s15;
	[tilespmem:s14+$0xFFFFFFD0] =	vst v0;
	s14 =	sadd.s32 $0x80, s14  }
0x17: {  	[tilespmem:s14+$0xFFFFFFC0] =	vst v0;
	p0 =	slt.u32 s15, $0x3F8  }
0x18: {  	[tilespmem:s14+$0x30] =	vst v0  }
.Ltmp0:
0x19: {  	[tilespmem:s14+$0x20] =	vst v0;
	(pc) =	sbr.rel @p0 .LBB2_2-.Ltmp0, $4  }
0x1a: {  	[tilespmem:s14+$0x10] =	vst v0  }
0x1b: {  	[tilespmem:s14+$0x0] =	vst v0  }
0x1c: {  	[tilespmem:s14+$0xFFFFFFF0] =	vst v0  }
0x1d: {  	[tilespmem:s14+$0xFFFFFFE0] =	vst v0  }
0x1e: {  	[tilespmem:s14+$0xFFFFFFD0] =	vst v0  }
0x1f: {  	_ =	swait.ge [sflag:s8], $0x8000  }
0x20: {  	[sflag:s8] =	ssyncset.done $0x0  }
0x21: {  	[sflag:s8] =	ssyncadd.s32 $0xFFFF8000  }
0x22: {  	_ =	swait.ge [sflag:s8], $0x4000  }
0x23: {  	[sflag:s8] =	ssyncset.done $0x0  }
0x24: {  	s14 =	simm.s32 $0xC080;
	[sflag:s8] =	ssyncadd.s32 $0xFFFFC000  }
0x25: {  	v12 =	vld [tilespmem:s14+$0xFFFFFF90]  }
0x26: {  	v4 =	vld [tilespmem:s14+$0xFFFFFFC0]  }
0x27: {  	v3 =	vld [tilespmem:s14+$0xFFFFFFD0]  }
0x28: {  	v2 =	vld [tilespmem:s14+$0xFFFFFFE0]  }
0x29: {  	v14 =	vld [tilespmem:s14+$0xFFFFFFF0]  }
0x2a: {  	v5 =	vld [tilespmem:s14+$0xFFFFFF80]  }
0x2b: {  	v6 =	vld [tilespmem:s14+$0x70]  }
0x2c: {  	v7 =	vld [tilespmem:s14+$0x60]  }
0x2d: {  	v8 =	vld [tilespmem:s14+$0x50]  }
0x2e: {  	v1 =	vld [tilespmem:s14+$0xFFFFFFA0]  }
0x2f: {  	v10 =	vld [tilespmem:s14+$0x40]  }
0x30: {  	v11 =	vld [tilespmem:s14+$0x30];
	v9 =	vand.u32 $0x7FFF, v5  }
0x31: {  	v15 =	vld [tilespmem:s14+$0x20];
	v13 =	vand.u32 $0x7FFF, v6  }
0x32: {  	v17 =	vld [tilespmem:s14+$0x10];
	v16 =	vand.u32 $0x7FFF, v7  }
0x33: {  	v19 =	vld [tilespmem:s14+$0x0];
	v18 =	vand.u32 $0x7FFF, v8  }
0x34: {  	v22 =	vld [tilespmem:s14+$0xFFFFFFB0];
	v20 =	vand.u32 $0x7FFF, v10  }
0x35: {  	v5 =	vshrl.u32 v5, $0xF;
	v9 =	vld.idx.msk [tilespmem:v9+s3+$0x0], $0xffff  }
0x36: {  	v21 =	vand.u32 $0x7FFF, v15;
	v13 =	vld.idx.msk [tilespmem:v13+s3+$0x0], $0xffff  }
0x37: {  	v6 =	vshrl.u32 v6, $0xF;
	v16 =	vld.idx.msk [tilespmem:v16+s3+$0x0], $0xffff  }
0x38: {  	v7 =	vshrl.u32 v7, $0xF;
	v18 =	vld.idx.msk [tilespmem:v18+s3+$0x0], $0xffff  }
0x39: {  	v23 =	vand.u32 $0x7FFF, v11;
	v20 =	vld.idx.msk [tilespmem:v20+s3+$0x0], $0xffff  }
0x3a: {  	v8 =	vshrl.u32 v8, $0xF;
	[tilespmem:v5+s9+$0x0] =	vst.idx.add.f32.msk $0xffff, v9  }
0x3b: {  	v5 =	vand.u32 $0x7FFF, v19;
	v9 =	vld.idx.msk [tilespmem:v21+s3+$0x0], $0xffff  }
0x3c: {  	v62 =	vand.u32 $0x7FFF, v14;
	[tilespmem:v6+s9+$0x0] =	vst.idx.add.f32.msk $0xffff, v13  }
0x3d: {  	v10 =	vshrl.u32 v10, $0xF;
	[tilespmem:v7+s9+$0x0] =	vst.idx.add.f32.msk $0xffff, v16  }
0x3e: {  	v6 =	vand.u32 $0x7FFF, v17;
	v16 =	vld.idx.msk [tilespmem:v23+s3+$0x0], $0xffff  }
0x3f: {  	v63 =	vand.u32 $0x7FFF, v3;
	[tilespmem:v8+s9+$0x0] =	vst.idx.add.f32.msk $0xffff, v18  }
0x40: {  	v7 =	vld.idx.msk [tilespmem:v5+s3+$0x0], $0xffff;
	v5 =	vshrl.u32 v15, $0xF;
	v15 =	vshrl.u32 v11, $0xF  }
0x41: {  	v8 =	vand.u32 $0x7FFF, v4;
	v13 =	vld.idx.msk [tilespmem:v62+s3+$0x0], $0xffff  }
0x42: {  	[tilespmem:v10+s9+$0x0] =	vst.idx.add.f32.msk $0xffff, v20  }
0x43: {  	v18 =	vand.u32 $0x7FFF, v2;
	v11 =	vld.idx.msk [tilespmem:v6+s3+$0x0], $0xffff  }
0x44: {  	v20 =	vand.u32 $0x7FFF, v22;
	v6 =	vld.idx.msk [tilespmem:v63+s3+$0x0], $0xffff  }
0x45: {  	[tilespmem:v15+s9+$0x0] =	vst.idx.add.f32.msk $0xffff, v16;
	v15 =	vshrl.u32 v14, $0xF  }
0x46: {  	v8 =	vld.idx.msk [tilespmem:v8+s3+$0x0], $0xffff;
	v16 =	vshrl.u32 v19, $0xF  }
0x47: {  	v3 =	vshrl.u32 v3, $0xF;
	v17 =	vshrl.u32 v17, $0xF;
	[tilespmem:v5+s9+$0x0] =	vst.idx.add.f32.msk $0xffff, v9  }
0x48: {  	v2 =	vshrl.u32 v2, $0xF;
	v4 =	vshrl.u32 v4, $0xF;
	v9 =	vand.u32 $0x7FFF, v1;
	v14 =	vld.idx.msk [tilespmem:v18+s3+$0x0], $0xffff  }
0x49: {  	s15 =	simm.s32 $0x0;
	v10 =	vand.u32 $0x7FFF, v12;
	v12 =	vshrl.u32 v12, $0xF;
	v5 =	vshrl.u32 v22, $0xF;
	v18 =	vld.idx.msk [tilespmem:v20+s3+$0x0], $0xffff  }
.LBB2_4:
0x4a: {  	s15 =	sadd.s32 $0x10, s15;
	[tilespmem:v15+s9+$0x0] =	vst.idx.add.f32.msk $0xffff, v13;
	s14 =	sadd.s32 $0x100, s14  }
0x4b: {  	p0 =	slt.u32 s15, $0x3F0;
	[tilespmem:v16+s9+$0x0] =	vst.idx.add.f32.msk $0xffff, v7  }
0x4c: {  	[tilespmem:v17+s9+$0x0] =	vst.idx.add.f32.msk $0xffff, v11  }
0x4d: {  	v7 =	vld.idx.msk [tilespmem:v9+s3+$0x0], $0xffff  }
0x4e: {  	v1 =	vshrl.u32 v1, $0xF;
	v9 =	vld.idx.msk [tilespmem:v10+s3+$0x0], $0xffff  }
0x4f: {  	[tilespmem:v5+s9+$0x0] =	vst.idx.add.f32.msk $0xffff, v18  }
0x50: {  	[tilespmem:v2+s9+$0x0] =	vst.idx.add.f32.msk $0xffff, v14  }
0x51: {  	[tilespmem:v3+s9+$0x0] =	vst.idx.add.f32.msk $0xffff, v6  }
0x52: {  	[tilespmem:v4+s9+$0x0] =	vst.idx.add.f32.msk $0xffff, v8  }
0x53: {  	[tilespmem:v1+s9+$0x0] =	vst.idx.add.f32.msk $0xffff, v7  }
0x54: {  	[tilespmem:v12+s9+$0x0] =	vst.idx.add.f32.msk $0xffff, v9  }
0x55: {  	v8 =	vld [tilespmem:s14+$0xFFFFFF90]  }
0x56: {  	v5 =	vld [tilespmem:s14+$0xFFFFFFC0]  }
0x57: {  	v4 =	vld [tilespmem:s14+$0xFFFFFFD0]  }
0x58: {  	v3 =	vld [tilespmem:s14+$0xFFFFFFE0]  }
0x59: {  	v6 =	vld [tilespmem:s14+$0xFFFFFFF0]  }
0x5a: {  	v2 =	vld [tilespmem:s14+$0xFFFFFF80]  }
0x5b: {  	v7 =	vld [tilespmem:s14+$0x70]  }
0x5c: {  	v9 =	vld [tilespmem:s14+$0x60]  }
0x5d: {  	v10 =	vld [tilespmem:s14+$0x50]  }
0x5e: {  	v1 =	vld [tilespmem:s14+$0xFFFFFFA0]  }
0x5f: {  	v11 =	vand.u32 $0x7FFF, v2;
	v12 =	vld [tilespmem:s14+$0x40]  }
0x60: {  	v13 =	vld [tilespmem:s14+$0x30];
	v14 =	vand.u32 $0x7FFF, v7  }
0x61: {  	v15 =	vld [tilespmem:s14+$0x20];
	v16 =	vand.u32 $0x7FFF, v9  }
0x62: {  	v17 =	vld [tilespmem:s14+$0x10];
	v18 =	vand.u32 $0x7FFF, v10  }
0x63: {  	v19 =	vld [tilespmem:s14+$0x0]  }
0x64: {  	v11 =	vld.idx.msk [tilespmem:v11+s3+$0x0], $0xffff;
	v20 =	vand.u32 $0x7FFF, v12  }
0x65: {  	v2 =	vshrl.u32 v2, $0xF;
	v14 =	vld.idx.msk [tilespmem:v14+s3+$0x0], $0xffff  }
0x66: {  	v7 =	vshrl.u32 v7, $0xF;
	v21 =	vand.u32 $0x7FFF, v15;
	v16 =	vld.idx.msk [tilespmem:v16+s3+$0x0], $0xffff  }
0x67: {  	v9 =	vshrl.u32 v9, $0xF;
	v23 =	vand.u32 $0x7FFF, v13;
	v22 =	vand.u32 $0x7FFF, v17;
	v18 =	vld.idx.msk [tilespmem:v18+s3+$0x0], $0xffff  }
0x68: {  	v26 =	vshrl.u32 v10, $0xF;
	v24 =	vld [tilespmem:s14+$0xFFFFFFB0];
	v25 =	vand.u32 $0x7FFF, v19  }
0x69: {  	v27 =	vand.u32 $0x7FFF, v6;
	v20 =	vld.idx.msk [tilespmem:v20+s3+$0x0], $0xffff  }
0x6a: {  	v28 =	vand.u32 $0x7FFF, v3;
	[tilespmem:v2+s9+$0x0] =	vst.idx.add.f32.msk $0xffff, v11;
	v2 =	vshrl.u32 v3, $0xF  }
0x6b: {  	v29 =	vand.u32 $0x7FFF, v4;
	v12 =	vshrl.u32 v12, $0xF;
	v3 =	vshrl.u32 v4, $0xF;
	v21 =	vld.idx.msk [tilespmem:v21+s3+$0x0], $0xffff  }
0x6c: {  	v30 =	vand.u32 $0x7FFF, v5;
	v4 =	vshrl.u32 v5, $0xF;
	[tilespmem:v7+s9+$0x0] =	vst.idx.add.f32.msk $0xffff, v14  }
0x6d: {  	v14 =	vshrl.u32 v15, $0xF;
	v5 =	vshrl.u32 v24, $0xF;
	v24 =	vand.u32 $0x7FFF, v24;
	[tilespmem:v9+s9+$0x0] =	vst.idx.add.f32.msk $0xffff, v16  }
0x6e: {  	v9 =	vand.u32 $0x7FFF, v1;
	v23 =	vld.idx.msk [tilespmem:v23+s3+$0x0], $0xffff  }
0x6f: {  	v10 =	vand.u32 $0x7FFF, v8;
	v31 =	vshrl.u32 v13, $0xF;
	[tilespmem:v26+s9+$0x0] =	vst.idx.add.f32.msk $0xffff, v18  }
0x70: {  	v7 =	vld.idx.msk [tilespmem:v25+s3+$0x0], $0xffff  }
0x71: {  	v13 =	vld.idx.msk [tilespmem:v27+s3+$0x0], $0xffff  }
0x72: {  	v15 =	vshrl.u32 v6, $0xF;
	v11 =	vld.idx.msk [tilespmem:v22+s3+$0x0], $0xffff  }
0x73: {  	v16 =	vshrl.u32 v19, $0xF;
	[tilespmem:v12+s9+$0x0] =	vst.idx.add.f32.msk $0xffff, v20  }
0x74: {  	v17 =	vshrl.u32 v17, $0xF;
	v6 =	vld.idx.msk [tilespmem:v29+s3+$0x0], $0xffff  }
.Ltmp1:
0x75: {  	v12 =	vshrl.u32 v8, $0xF;
	v8 =	vld.idx.msk [tilespmem:v30+s3+$0x0], $0xffff;
	(pc) =	sbr.rel @p0 .LBB2_4-.Ltmp1, $4  }
0x76: {  	[tilespmem:v14+s9+$0x0] =	vst.idx.add.f32.msk $0xffff, v21  }
0x77: {  	[tilespmem:v31+s9+$0x0] =	vst.idx.add.f32.msk $0xffff, v23  }
0x78: {  	v14 =	vld.idx.msk [tilespmem:v28+s3+$0x0], $0xffff  }
0x79: {  	v18 =	vld.idx.msk [tilespmem:v24+s3+$0x0], $0xffff  }
0x7a: {  	_ =	sdelay $0x3  }
0x7b: {  	[tilespmem:v15+s9+$0x0] =	vst.idx.add.f32.msk $0xffff, v13  }
0x7c: {  	[tilespmem:v16+s9+$0x0] =	vst.idx.add.f32.msk $0xffff, v7  }
0x7d: {  	[tilespmem:v17+s9+$0x0] =	vst.idx.add.f32.msk $0xffff, v11  }
0x7e: {  	v62 =	vld.idx.msk [tilespmem:v9+s3+$0x0], $0xffff  }
0x7f: {  	v63 =	vld.idx.msk [tilespmem:v10+s3+$0x0], $0xffff;
	v1 =	vshrl.u32 v1, $0xF  }
0x80: {  	[tilespmem:v3+s9+$0x0] =	vst.idx.add.f32.msk $0xffff, v6  }
0x81: {  	[tilespmem:v4+s9+$0x0] =	vst.idx.add.f32.msk $0xffff, v8  }
0x82: {  	[tilespmem:v2+s9+$0x0] =	vst.idx.add.f32.msk $0xffff, v14  }
0x83: {  	s13 =	sadd.s32 $0x1, s13;
	[tilespmem:v5+s9+$0x0] =	vst.idx.add.f32.msk $0xffff, v18  }
0x84: {  	p0 =	sne.s32 s13, s6;
	[tilespmem:v1+s9+$0x0] =	vst.idx.add.f32.msk $0xffff, v62  }
.Ltmp2:
0x85: {  	[tilespmem:v12+s9+$0x0] =	vst.idx.add.f32.msk $0xffff, v63;
	(pc) =	sbr.rel @p0 .LBB2_1-.Ltmp2, $4  }
0x86: {  	[hbm4b:s5+s10] =	stream.strided.scatter [tilespmem:s9], [sflag:$0x2], $0x4000, s11, s10, $0x38;
	[tilespmem:$0x10000] =	vst v63  }
0x87: {  	_ =	swait.ge [sflag:s12], $0x4000  }
0x88: {  	[sflag:s12] =	ssyncset.done $0x0  }
0x89: {  	[sflag:s12] =	ssyncadd.s32 $0xFFFFC000  }
0x8a: {  	_ =	sfence.sel $0x180000  }
0x8b: {  	[bflag:$0x0] =	sbarrier.arrive $0xFFFF  }
0x8c: {  	p0 =	sne.s32 s0, $0x0;
	_ =	strace $0x90000053  }
0x8d: {  	s0 =	sadd.s32 @!p0 $0x100000, s1;
	[bflag:$0x2] =	sbarrier.arrive $0xFFFF  }
0x8e: {  	[sflag:s0] =	ssyncadd.tile.s32 @!p0 $0x1;
	_ =	shalt  }
.Lfunc_end2:
_tile_overlayer_lowered:
.L_overlay_start_2:
0x8f: {  	(tag) =	ssettag $0x2  }
0x90: {  	s0 =	rddreg [dreg:$0x0];
	s2 =	stileid.u32  }
0x91: {  	s1 =	rddreg [dreg:$0x1];
	p0 =	sne.s32 s2, $0x0  }
0x92: {  	s3 =	rddreg [dreg:$0x2];
	[bflag:$0x3] =	sbarrier.arrive $0xFFFF;
	s2 =	simm.s32 @!p0 $0x1C02  }
0x93: {  	[timem:s3], [sflag:s2] =	dma.local @!p0 [hbm:s0], s1  }
0x94: {  	s0 =	simm.s32 @!p0 $0x2  }
0x95: {  	_ =	swait.ge @!p0 [sflag:s0], s1  }
0x96: {  	s1 =	ssub.s32 @!p0 $0x0, s1;
	[sflag:s0] =	ssyncset.done @!p0 $0x0  }
0x97: {  	[sflag:s0] =	ssyncadd.s32 @!p0 s1  }
0x98: {  	[bflag:$0x3] =	sbarrier.arrive $0xFFFF  }
0x99: {  	_ =	shalt  }

// kernel: kernel.38.cloned.1.call-start
scs
__scs_entry_jumppad:
0x0: {  	(pc) =	sbr.rel $0x88, $3  }
0x1: {  	(tag) =	ssettag $0x0;
	lr =	simm.s32 $0x1  }
0x2: {  	[smem:$0x3F9D] =	sst lr;
	_ =	strace $0xD0000000  }
0x3: {  	_ = 	snop  }
0x4: {  	_ = 	snop  }
0x5: {  	_ = 	snop  }
0x6: {  	_ = 	snop  }
0x7: {  	_ = 	snop  }
__scs_overlays_trampoline_lowered:
0x8: {  	[smem:$0x3FAC] =	sst s0  }
0x9: {  	[smem:$0x3FAD] =	sst s1  }
0xa: {  	[smem:$0x3FAE] =	sst s2  }
0xb: {  	[smem:$0x3FAF] =	sst s3  }
0xc: {  	[smem:$0x3FB0] =	sst s4  }
0xd: {  	[smem:$0x3FB1] =	sst s5  }
0xe: {  	[smem:$0x3FB2] =	sst s6  }
0xf: {  	[smem:$0x3FB3] =	sst s7  }
0x10: {  	[smem:$0x3FB4] =	sst s8  }
0x11: {  	[smem:$0x3FB5] =	sst s9;
	s0 =	simm.s32 @!p0 $0x0  }
0x12: {  	s1 =	sld [smem:$0x3F9B];
	s0 =	simm.s32 @p0 $0x1  }
0x13: {  	[smem:$0x3FB6] =	sst s0;
	s0 =	simm.s32 @!p1 $0x0  }
0x14: {  	s2 =	sld [smem:$0x3F9A];
	s0 =	simm.s32 @p1 $0x1  }
0x15: {  	[smem:$0x3FB7] =	sst s0;
	s0 =	simm.s32 @!p2 $0x0  }
0x16: {  	s3 =	sld [smem:$0x3FDB];
	s0 =	simm.s32 @p2 $0x1  }
0x17: {  	s4 =	simm.s32 $0x1BF5;
	[smem:$0x3FB9] =	sst s0  }
0x18: {  	s0 =	sld [smem:$0x3F9C];
	_ =	swait.ge [sflag:s4], $0x0  }
0x19: {  	s7 =	sld [smem:$0x3F9D]  }
0x1a: {  	s8 =	sadd.s32 $0xFFFFE003, lr  }
0x1b: {  	s9 =	sadd.s32 $0xFFFFFEF7, lr;
	s5 =	simm.s32 $0xFFFFFFFF;
	p2 =	slt.u32 s8, $0xFFFFF086  }
0x1c: {  	p1 =	slt.u32 s9, $0xF7A;
	s5 =	simm.s32 @!p2 $0x0  }
0x1d: {  	s5 =	simm.s32 @p1 $0x1;
	p0 =	seq.s32 s7, s2  }
0x1e: {  	s7 =	smul.u32 @!p0 $0xF7A, s2;
	p2 =	seq.s32 @!p0 s5, $0x0  }
0x1f: {  	s9 =	smul.u32 $0xF7A, s1;
	s8 =	simm.s32 @!p0 $0x1BF5;
	p2 =	por !p2, p0  }
0x20: {  	[sflag:s8] =	ssyncset.s32 @!p0 $0xFFFFF086;
	s6 =	sadd.s32 @!p0 s3, s7;
	s7 =	simm.s32 @!p0 $0x108  }
0x21: {  	s3 =	sadd.s32 s3, s9;
	s6 =	sadd.s32 @!p0 $0x88, s6;
	s7 =	simm.s32 @p2 $0x1082  }
0x22: {  	[simem:s7], [sflag:s8] =	dma.local @!p0 [hbm:s6], $0xF7A  }
0x23: {  	s9 =	sor.u32 $0xD0000000, s2;
	s6 =	simm.s32 $0x108;
	_ =	swait.ge @!p0 [sflag:s8], $0x0  }
0x24: {  	s3 =	sadd.s32 $0x88, s3;
	s6 =	simm.s32 @!p1 $0x1082;
	[sflag:s4] =	ssyncset.s32 $0xFFFFF086  }
0x25: {  	[simem:s6], [sflag:s4] =	dma.local [hbm:s3], $0xF7A  }
0x26: {  	[smem:$0x3F9D] =	sst s1;
	(tag) =	ssettag s2;
	_ =	strace s9  }
0x27: {  	s1 =	sld [smem:$0x3FAD]  }
0x28: {  	s2 =	sld [smem:$0x3FAE]  }
0x29: {  	s4 =	sld [smem:$0x3FB0]  }
0x2a: {  	p0 =	seq.s32 s5, $0x0;
	s5 =	sld [smem:$0x3FB1]  }
0x2b: {  	s6 =	sld [smem:$0x3FB2]  }
0x2c: {  	s7 =	sld [smem:$0x3FB3]  }
0x2d: {  	s3 =	simm.s32 $0x108;
	s8 =	sld [smem:$0x3FB4]  }
0x2e: {  	s3 =	simm.s32 @!p0 $0x1082;
	s9 =	sld [smem:$0x3FB5]  }
0x2f: {  	lr =	sadd.s32 s0, s3;
	s0 =	sld [smem:$0x3FAC]  }
0x30: {  	s3 =	sld [smem:$0x3FAF]  }
0x31: {  	[smem:$0x3FB8] =	sst s10  }
0x32: {  	s10 =	sld [smem:$0x3FB6];
	_ =	sdelay $0x3  }
0x33: {  	p0 =	seq.s32 s10, $0x1;
	s10 =	sld [smem:$0x3FB8];
	_ =	sdelay $0x3  }
0x34: {  	[smem:$0x3FB8] =	sst s10  }
0x35: {  	s10 =	sld [smem:$0x3FB7];
	_ =	sdelay $0x3  }
0x36: {  	p1 =	seq.s32 s10, $0x1;
	s10 =	sld [smem:$0x3FB8];
	_ =	sdelay $0x3  }
0x37: {  	[smem:$0x3FB8] =	sst s10  }
0x38: {  	s10 =	sld [smem:$0x3FB9]  }
0x39: {  	_ = 	snop;
	(pc) =	sbr.ind lr, $3  }
0x3a: {  	_ = 	snop  }
0x3b: {  	_ = 	snop  }
0x3c: {  	p2 =	seq.s32 s10, $0x1;
	s10 =	sld [smem:$0x3FB8]  }
0x3d: {  	_ =	shalt  }
0x3e: {  	_ =	shalt  }
0x3f: {  	_ =	shalt  }
0x40: {  	_ =	shalt  }
0x41: {  	_ =	shalt  }
0x42: {  	_ =	shalt  }
0x43: {  	_ =	shalt  }
0x44: {  	_ =	shalt  }
0x45: {  	_ =	shalt  }
0x46: {  	_ =	shalt  }
0x47: {  	_ =	shalt  }
0x48: {  	_ =	shalt  }
0x49: {  	_ =	shalt  }
0x4a: {  	_ =	shalt  }
0x4b: {  	_ =	shalt  }
0x4c: {  	_ =	shalt  }
0x4d: {  	_ =	shalt  }
0x4e: {  	_ =	shalt  }
0x4f: {  	_ =	shalt  }
0x50: {  	_ =	shalt  }
0x51: {  	_ =	shalt  }
0x52: {  	_ =	shalt  }
0x53: {  	_ =	shalt  }
0x54: {  	_ =	shalt  }
0x55: {  	_ =	shalt  }
0x56: {  	_ =	shalt  }
0x57: {  	_ =	shalt  }
0x58: {  	_ =	shalt  }
0x59: {  	_ =	shalt  }
0x5a: {  	_ =	shalt  }
0x5b: {  	_ =	shalt  }
0x5c: {  	_ =	shalt  }
0x5d: {  	_ =	shalt  }
0x5e: {  	_ =	shalt  }
0x5f: {  	_ =	shalt  }
0x60: {  	_ =	shalt  }
0x61: {  	_ =	shalt  }
0x62: {  	_ =	shalt  }
0x63: {  	_ =	shalt  }
0x64: {  	_ =	shalt  }
0x65: {  	_ =	shalt  }
0x66: {  	_ =	shalt  }
0x67: {  	_ =	shalt  }
0x68: {  	_ =	shalt  }
0x69: {  	_ =	shalt  }
0x6a: {  	_ =	shalt  }
0x6b: {  	_ =	shalt  }
0x6c: {  	_ =	shalt  }
0x6d: {  	_ =	shalt  }
0x6e: {  	_ =	shalt  }
0x6f: {  	_ =	shalt  }
0x70: {  	_ =	shalt  }
0x71: {  	_ =	shalt  }
0x72: {  	_ =	shalt  }
0x73: {  	_ =	shalt  }
0x74: {  	_ =	shalt  }
0x75: {  	_ =	shalt  }
0x76: {  	_ =	shalt  }
0x77: {  	_ =	shalt  }
0x78: {  	_ =	shalt  }
0x79: {  	_ =	shalt  }
0x7a: {  	_ =	shalt  }
0x7b: {  	_ =	shalt  }
0x7c: {  	_ =	shalt  }
0x7d: {  	_ =	shalt  }
0x7e: {  	_ =	shalt  }
0x7f: {  	_ =	shalt  }
0x80: {  	_ =	shalt  }
0x81: {  	_ =	shalt  }
0x82: {  	_ =	shalt  }
0x83: {  	_ =	shalt  }
0x84: {  	_ =	shalt  }
0x85: {  	_ =	shalt  }
0x86: {  	_ =	shalt  }
0x87: {  	_ =	shalt  }
.Lfunc_end0:
.L_simem_size_0:
called_computation.5_lowered:
.L_overlay_start_0:
0x88: {  	s2 =	sld [smem:$0x3FD9]  }
0x89: {  	s3 =	sld [smem:$0x3FFE];
	_ =	sdelay $0x1  }
0x8a: {  	s1 =	srdreg.scid  }
0x8b: {  	s0 =	sand.u32 $0x1, s1  }
0x8c: {  	s16 =	sshll.u32 s0, $0xA;
	s2 =	sadd.s32 s3, s2  }
0x8d: {  	s2 =	sadd.s32 s2, s16  }
0x8e: {  	[smem:$0x3FC4] =	sst s2  }
0x8f: {  	_ = 	snop  }
0x90: {  	(tm) =	ssettm $0x1  }
0x91: {  	s17 =	sld [smem:$0x3FFB];
	_ =	sdelay $0x3  }
0x92: {  	_ =	strace s17  }
0x93: {  	s2 =	sld [smem:$0x3FFC];
	_ =	sdelay $0x3  }
0x94: {  	_ =	strace s2  }
0x95: {  	s2 =	sld [smem:$0x3FFD];
	_ =	sdelay $0x3  }
0x96: {  	_ =	strace s2  }
0x97: {  	_ =	strace $0x8FFFFFFF  }
0x98: {  	s18 =	sld [smem:$0x3FDB];
	_ =	sdelay $0x1  }
0x99: {  	s19 =	simm.s32 $_scs_section_size  }
0x9a: {  	s4 =	simm.s32 $_size__tile_overlayer_lowered;
	s5 =	simm.s32 $_tile_overlayer_lowered  }
0x9b: {  	s22 =	simm.s32 $0x1BFF;
	s21 =	sshll.u32 s5, $0x1;
	s2 =	sadd.s32 s19, s18  }
0x9c: {  	s6 =	simm.s32 $0x0;
	s20 =	sshll.u32 s4, $0x1;
	s4 =	sadd.s32 s21, s2  }
0x9d: {  	[timem:s6], [sflag:s22] =	dma.local [hbm:s4], s20  }
0x9e: {  	_ =	swait.ge [sflag:s22], s20  }
0x9f: {  	s3 =	ssub.s32 $0x0, s20;
	[sflag:s22] =	ssyncset.done $0x0  }
0xa0: {  	[sflag:s22] =	ssyncadd.s32 s3;
	_ =	sdelay $0x1  }
0xa1: {  	s23 =	simm.s32 $0x1B8B  }
0xa2: {  	_ =	swait.ge [sflag:s23], $0x1  }
0xa3: {  	[sflag:s23] =	ssyncset.done $0x0  }
0xa4: {  	s25 =	simm.s32 $0x1B8E;
	s24 =	sld [smem:$0x3FFE];
	[sflag:s23] =	ssyncadd.s32 $0xFFFFFFFF  }
0xa5: {  	s26 =	simm.s32 $execute0_lowered;
	[smem:$0x3FD2] =	sst s25  }
0xa6: {  	s4 =	sshll.u32 s26, $0x1;
	_ =	strace $0x80000055;
	[dreg:$0x1] =	wrdreg $0xFFFFFFFF  }
0xa7: {  	s28 =	simm.s32 $_size_execute0_lowered;
	s2 =	sadd.s32 s2, s4;
	[dreg:$0x0] =	wrdreg $0x0  }
0xa8: {  	s4 =	sshll.u32 s28, $0x1;
	[dreg:$0x2] =	wrdreg s2  }
0xa9: {  	[dreg:$0x3] =	wrdreg s4  }
0xaa: {  	[dreg:$0x4] =	wrdreg $0xC0  }
0xab: {  	_ =	task [dreg:s6], $0x5FFFF  }
0xac: {  	[dreg:$0x1] =	wrdreg $0xFFFFFFFF  }
0xad: {  	[dreg:$0x0] =	wrdreg $0x60  }
0xae: {  	[dreg:$0x2] =	wrdreg s24  }
0xaf: {  	[dreg:$0x3] =	wrdreg $0x9  }
0xb0: {  	_ =	task.clear_ibuf [dreg:s6], $0x4FFFF;
	_ =	strace $0x90000055  }
0xb1: {  	s29 =	simm.s32 $0x9;
	_ =	strace $0x80000057  }
0xb2: {  	_ =	swait.ge [sflag:s29], $0x1  }
0xb3: {  	[sflag:s29] =	ssyncadd.s32 $0xFFFFFFFF  }
0xb4: {  	_ =	strace $0x90000057  }
0xb5: {  	_ =	sfence  }
0xb6: {  	s30 =	sld [smem:$0x0];
	_ =	sdelay $0x2  }
0xb7: {  	s31 =	sshll.u32 s1, $0xD;
	s1 =	sshrl.u32 s1, $0x2  }
0xb8: {  	s3 =	sand.u32 $0x4000, s31;
	s1 =	sadd.s32 s1, s30  }
0xb9: {  	s0 =	sor.u32 s3, s0;
	s1 =	sshll.u32 s1, $0x11  }
0xba: {  	s0 =	sor.u32 s1, s0  }
0xbb: {  	s0 =	sadd.s32 $0x8F2B, s0  }
0xbc: {  	[sflag:s0] =	ssyncadd.remote.s32 $0x1  }
0xbd: {  	_ =	sfence.sel $0xFFFF  }
0xbe: {  	[dreg:$0x0] =	wrdreg $0xFFFFFFFF;
	(pc) =	sbr.abs _section_cstart, $3  }
0xbf: {  	[dreg:$0x1] =	wrdreg $0xFFFFFFFF  }
0xc0: {  	_ =	task.clear_ibuf [dreg:s6], $0x2FFFF;
	_ =	strace $0x9FFFFFFF  }
0xc1: {  	(tm) =	ssettm $0x7FFFFFFF  }
tec
execute0_lowered:
.L_overlay_start_1:
0x0: {  	(tag) =	ssettag $0x1  }
0x1: {  	s5 =	rddreg [dreg:$0x0]  }
0x2: {  	s0 =	rddreg [dreg:$0x1];
	s3 =	srdreg.scid  }
0x3: {  	s1 =	stileid.u32;
	s2 =	simm.s32 $0x0;
	s11 =	simm.s32 $0x11000  }
0x4: {  	s12 =	simm.s32 $0x1;
	s13 =	simm.s32 $0x5000;
	s14 =	simm.s32 $0x80  }
0x5: {  	s15 =	simm.s32 $0x400;
	s16 =	simm.s32 $0x2;
	s17 =	simm.s32 $0x0  }
0x6: {  	s6 =	sand.u32 $0x1, s3;
	s30 =	sshll.u32 s1, $0x1;
	[smem:$0x7FF] =	sst s2  }
0x7: {  	s3 =	sadd.s32 $0x6800, s5;
	s9 =	sshll.u32 s1, $0xD;
	s7 =	sor.u32 s6, s30  }
0x8: {  	_ =	strace $0x80000056;
	s9 =	sand.u32 $0x18000, s9;
	s6 =	ssub.s32 $0x2, s6  }
0x9: {  	s4 =	sshll.u32 s7, $0xB;
	s7 =	sshll.u32 s7, $0x4;
	s9 =	sadd.s32 s9, s5  }
0xa: {  	s31 =	sshrl.u32 s6, $0x1;
	s8 =	sadd.s32 s4, s5;
	s4 =	sadd.s32 $0x26800, s5  }
0xb: {  	s7 =	sand.u32 $0x70, s7;
	s10 =	ssub.s32 s6, s31;
	s5 =	sadd.s32 $0x46A00, s8  }
0xc: {  	s7 =	sadd.s32 s7, s9;
	s6 =	sadd.s32 $0x56A00, s8;
	s8 =	smax.u32 s10, $0x1  }
0xd: {  	v0 =	vimm.f32 $0.0e+00;
	s9 =	simm.s32 $0x4000;
	s10 =	simm.s32 $0xD000;
	s7 =	sadd.s32 $0x26A00, s7  }
.LBB2_1:
0xe: {  	[tilespmem:s2], [sflag:$0x1] =	stream.linear.gather [hbm4b:s3+s2], $0x4000, $0x38;
	[tilespmem:$0x15000] =	vst v63  }
0xf: {  	_ = 	snop  }
0x10: {  	[tilespmem:s9], [sflag:$0x1] =	stream.linear.gather [hbm4b:s4+s2], $0x1000, $0x38;
	[tilespmem:$0x15000] =	vst v63  }
0x11: {  	_ = 	snop  }
0x12: {  	[tilespmem:s10], [sflag:$0x1] =	stream.linear.gather [hbm4b:s5+s2], $0x4000, $0x38;
	[tilespmem:$0x15000] =	vst v63  }
0x13: {  	s18 =	simm.s32 $0x5040  }
0x14: {  	[tilespmem:s11], [sflag:$0x1] =	stream.linear.gather [hbm4b:s6+s2], $0x4000, $0x38;
	[tilespmem:$0x15000] =	vst v63  }
0x15: {  	[tilespmem:s18+$0xFFFFFFC0] =	vst v0  }
0x16: {  	[tilespmem:s18+$0x30] =	vst v0  }
0x17: {  	[tilespmem:s18+$0x20] =	vst v0  }
0x18: {  	[tilespmem:s18+$0x10] =	vst v0  }
0x19: {  	[tilespmem:s18+$0x0] =	vst v0  }
0x1a: {  	[tilespmem:s18+$0xFFFFFFF0] =	vst v0  }
0x1b: {  	s19 =	simm.s32 $0x0;
	[tilespmem:s18+$0xFFFFFFE0] =	vst v0  }
.LBB2_2:
0x1c: {  	s19 =	sadd.s32 $0x8, s19;
	[tilespmem:s18+$0xFFFFFFD0] =	vst v0;
	s18 =	sadd.s32 $0x80, s18  }
0x1d: {  	[tilespmem:s18+$0xFFFFFFC0] =	vst v0;
	p0 =	slt.u32 s19, $0x7F8  }
0x1e: {  	[tilespmem:s18+$0x30] =	vst v0  }
.Ltmp0:
0x1f: {  	[tilespmem:s18+$0x20] =	vst v0;
	(pc) =	sbr.rel @p0 .LBB2_2-.Ltmp0, $4  }
0x20: {  	[tilespmem:s18+$0x10] =	vst v0  }
0x21: {  	[tilespmem:s18+$0x0] =	vst v0  }
0x22: {  	[tilespmem:s18+$0xFFFFFFF0] =	vst v0  }
0x23: {  	[tilespmem:s18+$0xFFFFFFE0] =	vst v0  }
0x24: {  	[tilespmem:s18+$0xFFFFFFD0] =	vst v0  }
0x25: {  	_ =	swait.ge [sflag:s12], $0x4000  }
0x26: {  	[sflag:s12] =	ssyncset.done $0x0  }
0x27: {  	[sflag:s12] =	ssyncadd.s32 $0xFFFFC000  }
0x28: {  	_ =	swait.ge [sflag:s12], $0x1000  }
0x29: {  	[sflag:s12] =	ssyncset.done $0x0  }
0x2a: {  	[sflag:s12] =	ssyncadd.s32 $0xFFFFF000  }
0x2b: {  	_ =	swait.ge [sflag:s12], $0x4000  }
0x2c: {  	[sflag:s12] =	ssyncset.done $0x0  }
0x2d: {  	[sflag:s12] =	ssyncadd.s32 $0xFFFFC000  }
0x2e: {  	_ =	swait.ge [sflag:s12], $0x4000  }
0x2f: {  	[sflag:s12] =	ssyncset.done $0x0  }
0x30: {  	s31 =	simm.s32 $0xD080;
	[sflag:s12] =	ssyncadd.s32 $0xFFFFC000  }
0x31: {  	v1 =	vld [tilespmem:s31+$0x70]  }
0x32: {  	v2 =	vld [tilespmem:s31+$0xFFFFFF90]  }
0x33: {  	v3 =	vld [tilespmem:s31+$0xFFFFFFA0]  }
0x34: {  	v4 =	vld [tilespmem:s31+$0xFFFFFFB0]  }
0x35: {  	v5 =	vld [tilespmem:s31+$0xFFFFFFC0]  }
0x36: {  	v6 =	vld [tilespmem:s31+$0xFFFFFFD0]  }
0x37: {  	v8 =	vld [tilespmem:s31+$0xFFFFFFE0]  }
0x38: {  	v9 =	vld [tilespmem:s31+$0xFFFFFFF0]  }
0x39: {  	v10 =	vld [tilespmem:s31+$0x0]  }
0x3a: {  	v11 =	vld [tilespmem:s31+$0x10]  }
0x3b: {  	v12 =	vld [tilespmem:s31+$0x20]  }
0x3c: {  	v14 =	vld [tilespmem:s31+$0x30]  }
0x3d: {  	v15 =	vld [tilespmem:s31+$0x40]  }
0x3e: {  	v17 =	vld [tilespmem:s31+$0x50]  }
0x3f: {  	v18 =	vld [tilespmem:s31+$0x60]  }
0x40: {  	s18 =	simm.s32 $0x11080;
	v20 =	vld [tilespmem:s31+$0xFFFFFF80]  }
0x41: {  	v21 =	vld [tilespmem:s18+$0x70]  }
0x42: {  	v41 =	vld [tilespmem:s18+$0xFFFFFF80]  }
0x43: {  	v42 =	vld [tilespmem:s18+$0xFFFFFF90]  }
0x44: {  	v43 =	vld [tilespmem:s18+$0xFFFFFFA0]  }
0x45: {  	v44 =	vld [tilespmem:s18+$0xFFFFFFC0]  }
0x46: {  	v45 =	vld [tilespmem:s18+$0xFFFFFFD0];
	v7 =	vand.u32 $0x3FFF, v1  }
0x47: {  	v46 =	vld [tilespmem:s18+$0xFFFFFFE0];
	v1 =	vshrl.u32 v1, $0xE  }
0x48: {  	v47 =	vld [tilespmem:s18+$0xFFFFFFF0];
	v13 =	vand.u32 $0x3FFF, v2  }
0x49: {  	v48 =	vld [tilespmem:s18+$0x0];
	v2 =	vshrl.u32 v2, $0xE  }
0x4a: {  	v50 =	vld [tilespmem:s18+$0x20];
	v16 =	vand.u32 $0x3FFF, v3  }
0x4b: {  	v3 =	vshrl.u32 v3, $0xE;
	v7 =	vld.idx.msk [tilespmem:v7+s2+$0x0], $0xffff  }
0x4c: {  	v19 =	vand.u32 $0x3FFF, v4;
	v1 =	vld.idx.msk [tilespmem:v1+s9+$0x0], $0xffff  }
0x4d: {  	v4 =	vshrl.u32 v4, $0xE;
	v63 =	vld.idx.msk [tilespmem:v13+s2+$0x0], $0xffff  }
0x4e: {  	v32 =	vand.u32 $0x3FFF, v5;
	v2 =	vld.idx.msk [tilespmem:v2+s9+$0x0], $0xffff  }
0x4f: {  	v5 =	vshrl.u32 v5, $0xE;
	v16 =	vld.idx.msk [tilespmem:v16+s2+$0x0], $0xffff  }
0x50: {  	v22 =	vand.u32 $0x3FFF, v6;
	v3 =	vld.idx.msk [tilespmem:v3+s9+$0x0], $0xffff  }
0x51: {  	v6 =	vshrl.u32 v6, $0xE;
	v19 =	vld.idx.msk [tilespmem:v19+s2+$0x0], $0xffff  }
0x52: {  	v23 =	vand.u32 $0x3FFF, v8;
	v4 =	vld.idx.msk [tilespmem:v4+s9+$0x0], $0xffff  }
0x53: {  	v8 =	vshrl.u32 v8, $0xE;
	v13 =	vld.idx.msk [tilespmem:v32+s2+$0x0], $0xffff  }
0x54: {  	v26 =	vand.u32 $0x3FFF, v10;
	v5 =	vld.idx.msk [tilespmem:v5+s9+$0x0], $0xffff  }
0x55: {  	v10 =	vshrl.u32 v10, $0xE;
	v22 =	vld.idx.msk [tilespmem:v22+s2+$0x0], $0xffff  }
0x56: {  	v27 =	vand.u32 $0x3FFF, v14;
	v6 =	vld.idx.msk [tilespmem:v6+s9+$0x0], $0xffff  }
0x57: {  	v14 =	vshrl.u32 v14, $0xE;
	v33 =	vld.idx.msk [tilespmem:v23+s2+$0x0], $0xffff;
	v1 =	vmul.f32 v1, v7  }
0x58: {  	v28 =	vand.u32 $0x3FFF, v15;
	v8 =	vld.idx.msk [tilespmem:v8+s9+$0x0], $0xffff  }
0x59: {  	v15 =	vshrl.u32 v15, $0xE;
	v26 =	vld.idx.msk [tilespmem:v26+s2+$0x0], $0xffff;
	v1 =	vmul.f32 $1.442695020e+00, v1  }
0x5a: {  	v24 =	vand.u32 $0x3FFF, v9;
	v10 =	vld.idx.msk [tilespmem:v10+s9+$0x0], $0xffff  }
0x5b: {  	v27 =	vld.idx.msk [tilespmem:v27+s2+$0x0], $0xffff;
	(erf) = vpow2.f32 v1;
	v1 =	vand.u32 $0x3FFF, v20  }
0x5c: {  	v14 =	vld.idx.msk [tilespmem:v14+s9+$0x0], $0xffff;
	v20 =	vshrl.u32 v20, $0xE  }
0x5d: {  	v29 =	vand.u32 $0x3FFF, v17;
	v28 =	vld.idx.msk [tilespmem:v28+s2+$0x0], $0xffff  }
0x5e: {  	v17 =	vshrl.u32 v17, $0xE;
	v36 =	vld.idx.msk [tilespmem:v15+s9+$0x0], $0xffff  }
0x5f: {  	v9 =	vshrl.u32 v9, $0xE;
	v34 =	vand.u32 $0x3FFF, v11;
	v24 =	vld.idx.msk [tilespmem:v24+s2+$0x0], $0xffff;
	v2 =	vmul.f32 v2, v63  }
0x60: {  	v11 =	vshrl.u32 v11, $0xE;
	v3 =	vmul.f32 v3, v16;
	v4 =	vmul.f32 v4, v19;
	v1 =	vld.idx.msk [tilespmem:v1+s2+$0x0], $0xffff  }
0x61: {  	v35 =	vand.u32 $0x3FFF, v12;
	v8 =	vmul.f32 v8, v33;
	v10 =	vmul.f32 v10, v26;
	v20 =	vld.idx.msk [tilespmem:v20+s9+$0x0], $0xffff  }
0x62: {  	v12 =	vshrl.u32 v12, $0xE;
	v37 =	vld.idx.msk [tilespmem:v29+s2+$0x0], $0xffff;
	v52 =	vmul.f32 v14, v27;
	v2 =	vmul.f32 $1.442695020e+00, v2  }
0x63: {  	v38 =	vld.idx.msk [tilespmem:v17+s9+$0x0], $0xffff;
	v7 =	vmul.f32 v36, v28;
	v3 =	vmul.f32 $1.442695020e+00, v3  }
0x64: {  	v9 =	vld.idx.msk [tilespmem:v9+s9+$0x0], $0xffff;
	(erf) = vpow2.f32 v2;
	v2 =	vmul.f32 v5, v13  }
0x65: {  	v23 =	vld.idx.msk [tilespmem:v34+s2+$0x0], $0xffff;
	(erf) = vpow2.f32 v3;
	v3 =	vmul.f32 $1.442695020e+00, v4  }
0x66: {  	v11 =	vld.idx.msk [tilespmem:v11+s9+$0x0], $0xffff;
	v2 =	vmul.f32 $1.442695020e+00, v2;
	v1 =	vmul.f32 v20, v1  }
0x67: {  	v30 =	vand.u32 $0x3FFF, v18;
	v12 =	vld.idx.msk [tilespmem:v12+s9+$0x0], $0xffff;
	(erf) = vpow2.f32 v3;
	v3 =	vmul.f32 v6, v22;
	v25 =	vpop (erf)  }
0x68: {  	v18 =	vshrl.u32 v18, $0xE;
	v58 =	vmul.f32 v38, v37;
	[tilespmem:v21+s13+$0x0] =	vst.idx.add.f32.msk $0xffff, v25;
	v1 =	vmul.f32 $1.442695020e+00, v1  }
0x69: {  	(erf) = vpow2.f32 v2;
	v3 =	vmul.f32 $1.442695020e+00, v3;
	v25 =	vld.idx.msk [tilespmem:v35+s2+$0x0], $0xffff  }
0x6a: {  	v2 =	vld [tilespmem:s18+$0xFFFFFFB0];
	(erf) = vpow2.f32 v1;
	v1 =	vmul.f32 v9, v24  }
0x6b: {  	v53 =	vld [tilespmem:s18+$0x30];
	(erf) = vpow2.f32 v3;
	v3 =	vmul.f32 $1.442695020e+00, v8  }
0x6c: {  	v39 =	vld.idx.msk [tilespmem:v30+s2+$0x0], $0xffff;
	v10 =	vmul.f32 $1.442695020e+00, v10;
	v1 =	vmul.f32 $1.442695020e+00, v1  }
0x6d: {  	v40 =	vld.idx.msk [tilespmem:v18+s9+$0x0], $0xffff;
	(erf) = vpow2.f32 v3;
	v3 =	vmul.f32 v11, v23  }
0x6e: {  	v56 =	vld [tilespmem:s18+$0x50];
	v7 =	vmul.f32 $1.442695020e+00, v7;
	v12 =	vmul.f32 v12, v25  }
0x6f: {  	v59 =	vld [tilespmem:s18+$0x60];
	v49 =	vpop (erf);
	(erf) = vpow2.f32 v1;
	v3 =	vmul.f32 $1.442695020e+00, v3  }
0x70: {  	v51 =	vpop (erf);
	[tilespmem:v42+s13+$0x0] =	vst.idx.add.f32.msk $0xffff, v49;
	v12 =	vmul.f32 $1.442695020e+00, v12;
	(erf) = vpow2.f32 v10  }
0x71: {  	[tilespmem:v43+s13+$0x0] =	vst.idx.add.f32.msk $0xffff, v51;
	v54 =	vpop (erf);
	v10 =	vmul.f32 $1.442695020e+00, v52;
	(erf) = vpow2.f32 v3  }
0x72: {  	v5 =	vmul.f32 v40, v39;
	[tilespmem:v2+s13+$0x0] =	vst.idx.add.f32.msk $0xffff, v54;
	(erf) = vpow2.f32 v12  }
0x73: {  	v60 =	vmul.f32 $1.442695020e+00, v58;
	v55 =	vpop (erf);
	v1 =	vld [tilespmem:s18+$0x10];
	(erf) = vpow2.f32 v10  }
0x74: {  	v5 =	vmul.f32 $1.442695020e+00, v5;
	[tilespmem:v44+s13+$0x0] =	vst.idx.add.f32.msk $0xffff, v55;
	v57 =	vpop (erf);
	(erf) = vpow2.f32 v7  }
0x75: {  	v3 =	vld [tilespmem:s18+$0x40];
	(erf) = vpow2.f32 v60  }
0x76: {  	[tilespmem:v41+s13+$0x0] =	vst.idx.add.f32.msk $0xffff, v57;
	v2 =	vpop (erf);
	(erf) = vpow2.f32 v5  }
0x77: {  	[tilespmem:v45+s13+$0x0] =	vst.idx.add.f32.msk $0xffff, v2;
	v61 =	vpop (erf)  }
0x78: {  	v2 =	vpop (erf);
	[tilespmem:v46+s13+$0x0] =	vst.idx.add.f32.msk $0xffff, v61  }
0x79: {  	v62 =	vpop (erf);
	[tilespmem:v47+s13+$0x0] =	vst.idx.add.f32.msk $0xffff, v2  }
0x7a: {  	[tilespmem:v48+s13+$0x0] =	vst.idx.add.f32.msk $0xffff, v62;
	v2 =	vpop (erf)  }
0x7b: {  	v63 =	vpop (erf);
	[tilespmem:v1+s13+$0x0] =	vst.idx.add.f32.msk $0xffff, v2  }
0x7c: {  	v1 =	vpop (erf);
	[tilespmem:v50+s13+$0x0] =	vst.idx.add.f32.msk $0xffff, v63  }
0x7d: {  	v2 =	vpop (erf);
	[tilespmem:v53+s13+$0x0] =	vst.idx.add.f32.msk $0xffff, v1  }
0x7e: {  	v1 =	vpop (erf);
	[tilespmem:v3+s13+$0x0] =	vst.idx.add.f32.msk $0xffff, v2  }
0x7f: {  	v2 =	vpop (erf);
	[tilespmem:v56+s13+$0x0] =	vst.idx.add.f32.msk $0xffff, v1  }
0x80: {  	s19 =	simm.s32 $0x0;
	s20 =	simm.s32 $0xD180;
	[tilespmem:v59+s13+$0x0] =	vst.idx.add.f32.msk $0xffff, v2  }
.LBB2_4:
0x81: {  	v1 =	vld [tilespmem:s20+$0x70]  }
0x82: {  	s19 =	sadd.s32 $0x10, s19;
	v2 =	vld [tilespmem:s20+$0xFFFFFF90]  }
0x83: {  	p0 =	slt.u32 s19, $0x3F0;
	v3 =	vld [tilespmem:s20+$0xFFFFFFA0]  }
0x84: {  	v4 =	vld [tilespmem:s20+$0xFFFFFFB0]  }
0x85: {  	v5 =	vld [tilespmem:s20+$0xFFFFFFC0]  }
0x86: {  	v6 =	vld [tilespmem:s20+$0xFFFFFFD0];
	v7 =	vand.u32 $0x3FFF, v1  }
0x87: {  	v1 =	vshrl.u32 v1, $0xE;
	v8 =	vshrl.u32 v2, $0xE;
	v2 =	vand.u32 $0x3FFF, v2;
	v9 =	vld [tilespmem:s20+$0xFFFFFFE0]  }
0x88: {  	v10 =	vshrl.u32 v3, $0xE;
	v3 =	vand.u32 $0x3FFF, v3;
	v11 =	vld [tilespmem:s20+$0xFFFFFFF0]  }
0x89: {  	v12 =	vshrl.u32 v4, $0xE;
	v4 =	vand.u32 $0x3FFF, v4;
	v13 =	vld [tilespmem:s20+$0x0]  }
0x8a: {  	v14 =	vshrl.u32 v5, $0xE;
	v5 =	vand.u32 $0x3FFF, v5;
	v15 =	vld [tilespmem:s20+$0x10]  }
0x8b: {  	v16 =	vshrl.u32 v6, $0xE;
	v6 =	vand.u32 $0x3FFF, v6;
	v7 =	vld.idx.msk [tilespmem:v7+s2+$0x0], $0xffff  }
0x8c: {  	v17 =	vshrl.u32 v9, $0xE;
	v9 =	vand.u32 $0x3FFF, v9;
	v1 =	vld.idx.msk [tilespmem:v1+s9+$0x0], $0xffff  }
0x8d: {  	v18 =	vshrl.u32 v11, $0xE;
	v11 =	vand.u32 $0x3FFF, v11;
	v19 =	vld [tilespmem:s20+$0x20]  }
0x8e: {  	v20 =	vshrl.u32 v13, $0xE;
	v13 =	vand.u32 $0x3FFF, v13;
	v21 =	vld [tilespmem:s20+$0x30]  }
0x8f: {  	v22 =	vshrl.u32 v15, $0xE;
	v15 =	vand.u32 $0x3FFF, v15;
	v23 =	vld [tilespmem:s20+$0x40]  }
0x90: {  	v24 =	vld [tilespmem:s20+$0x50]  }
0x91: {  	v25 =	vld [tilespmem:s20+$0x60]  }
0x92: {  	v1 =	vmul.f32 v1, v7;
	v26 =	vld [tilespmem:s20+$0xFFFFFF80];
	v27 =	vshrl.u32 v19, $0xE;
	v19 =	vand.u32 $0x3FFF, v19  }
0x93: {  	v2 =	vld.idx.msk [tilespmem:v2+s2+$0x0], $0xffff;
	v7 =	vshrl.u32 v21, $0xE;
	v21 =	vand.u32 $0x3FFF, v21  }
0x94: {  	v1 =	vmul.f32 $1.442695020e+00, v1;
	v8 =	vld.idx.msk [tilespmem:v8+s9+$0x0], $0xffff;
	v28 =	vshrl.u32 v23, $0xE;
	v23 =	vand.u32 $0x3FFF, v23  }
0x95: {  	v3 =	vld.idx.msk [tilespmem:v3+s2+$0x0], $0xffff;
	v29 =	vshrl.u32 v24, $0xE;
	v24 =	vand.u32 $0x3FFF, v24  }
0x96: {  	v10 =	vld.idx.msk [tilespmem:v10+s9+$0x0], $0xffff;
	v30 =	vshrl.u32 v25, $0xE;
	v25 =	vand.u32 $0x3FFF, v25;
	(erf) = vpow2.f32 v1  }
0x97: {  	s18 =	sadd.s32 $0x100, s18;
	v1 =	vshrl.u32 v26, $0xE;
	v26 =	vand.u32 $0x3FFF, v26;
	v4 =	vld.idx.msk [tilespmem:v4+s2+$0x0], $0xffff  }
0x98: {  	v31 =	vld [tilespmem:s18+$0x70]  }
0x99: {  	v12 =	vld.idx.msk [tilespmem:v12+s9+$0x0], $0xffff  }
0x9a: {  	v2 =	vmul.f32 v8, v2;
	v5 =	vld.idx.msk [tilespmem:v5+s2+$0x0], $0xffff  }
0x9b: {  	v8 =	vld.idx.msk [tilespmem:v14+s9+$0x0], $0xffff  }
0x9c: {  	v2 =	vmul.f32 $1.442695020e+00, v2;
	v3 =	vmul.f32 v10, v3;
	v14 =	vld.idx.msk [tilespmem:v26+s2+$0x0], $0xffff  }
0x9d: {  	v1 =	vld.idx.msk [tilespmem:v1+s9+$0x0], $0xffff  }
0x9e: {  	v3 =	vmul.f32 $1.442695020e+00, v3;
	v6 =	vld.idx.msk [tilespmem:v6+s2+$0x0], $0xffff;
	(erf) = vpow2.f32 v2  }
0x9f: {  	v2 =	vmul.f32 v12, v4;
	v4 =	vld.idx.msk [tilespmem:v16+s9+$0x0], $0xffff;
	v10 =	vpop (erf)  }
0xa0: {  	[tilespmem:v31+s13+$0x0] =	vst.idx.add.f32.msk $0xffff, v10;
	(erf) = vpow2.f32 v3  }
0xa1: {  	v2 =	vmul.f32 $1.442695020e+00, v2;
	v3 =	vmul.f32 v8, v5;
	v5 =	vld.idx.msk [tilespmem:v9+s2+$0x0], $0xffff  }
0xa2: {  	v8 =	vld.idx.msk [tilespmem:v17+s9+$0x0], $0xffff  }
0xa3: {  	v1 =	vmul.f32 v1, v14;
	v3 =	vmul.f32 $1.442695020e+00, v3;
	v9 =	vld.idx.msk [tilespmem:v11+s2+$0x0], $0xffff  }
0xa4: {  	v10 =	vld.idx.msk [tilespmem:v18+s9+$0x0], $0xffff;
	(erf) = vpow2.f32 v2  }
0xa5: {  	v11 =	vmul.f32 $1.442695020e+00, v1;
	v2 =	vmul.f32 v4, v6;
	v4 =	vld.idx.msk [tilespmem:v13+s2+$0x0], $0xffff  }
0xa6: {  	v6 =	vld.idx.msk [tilespmem:v20+s9+$0x0], $0xffff;
	(erf) = vpow2.f32 v3  }
0xa7: {  	v2 =	vmul.f32 $1.442695020e+00, v2;
	v3 =	vld.idx.msk [tilespmem:v15+s2+$0x0], $0xffff;
	(erf) = vpow2.f32 v11;
	v1 =	vpop (erf)  }
0xa8: {  	v5 =	vmul.f32 v8, v5;
	v8 =	vld.idx.msk [tilespmem:v22+s9+$0x0], $0xffff  }
0xa9: {  	v11 =	vld.idx.msk [tilespmem:v19+s2+$0x0], $0xffff;
	v12 =	vpop (erf);
	(erf) = vpow2.f32 v2  }
0xaa: {  	v2 =	vmul.f32 $1.442695020e+00, v5;
	v5 =	vmul.f32 v10, v9;
	v9 =	vld.idx.msk [tilespmem:v27+s9+$0x0], $0xffff  }
0xab: {  	v10 =	vld.idx.msk [tilespmem:v21+s2+$0x0], $0xffff  }
0xac: {  	v5 =	vmul.f32 $1.442695020e+00, v5;
	v4 =	vmul.f32 v6, v4;
	v6 =	vld.idx.msk [tilespmem:v7+s9+$0x0], $0xffff  }
0xad: {  	v7 =	vld.idx.msk [tilespmem:v23+s2+$0x0], $0xffff;
	v13 =	vpop (erf);
	(erf) = vpow2.f32 v2  }
0xae: {  	v2 =	vmul.f32 $1.442695020e+00, v4;
	v3 =	vmul.f32 v8, v3;
	v4 =	vld.idx.msk [tilespmem:v28+s9+$0x0], $0xffff  }
0xaf: {  	v8 =	vld.idx.msk [tilespmem:v24+s2+$0x0], $0xffff;
	v14 =	vpop (erf);
	(erf) = vpow2.f32 v5  }
0xb0: {  	v3 =	vmul.f32 $1.442695020e+00, v3;
	v5 =	vmul.f32 v9, v11;
	v9 =	vld.idx.msk [tilespmem:v29+s9+$0x0], $0xffff;
	v11 =	vpop (erf)  }
0xb1: {  	v15 =	vld.idx.msk [tilespmem:v25+s2+$0x0], $0xffff;
	(erf) = vpow2.f32 v2  }
0xb2: {  	v2 =	vmul.f32 $1.442695020e+00, v5;
	v5 =	vmul.f32 v6, v10;
	v6 =	vld.idx.msk [tilespmem:v30+s9+$0x0], $0xffff;
	v10 =	vpop (erf)  }
0xb3: {  	v16 =	vld [tilespmem:s18+$0xFFFFFF80];
	(erf) = vpow2.f32 v3  }
0xb4: {  	v5 =	vmul.f32 $1.442695020e+00, v5;
	v4 =	vmul.f32 v4, v7;
	v3 =	vld [tilespmem:s18+$0xFFFFFF90]  }
0xb5: {  	v7 =	vld [tilespmem:s18+$0xFFFFFFA0];
	(erf) = vpow2.f32 v2  }
0xb6: {  	v4 =	vmul.f32 $1.442695020e+00, v4;
	v8 =	vmul.f32 v9, v8;
	v2 =	vld [tilespmem:s18+$0xFFFFFFB0];
	v9 =	vpop (erf)  }
0xb7: {  	v17 =	vld [tilespmem:s18+$0xFFFFFFC0];
	(erf) = vpow2.f32 v5  }
0xb8: {  	v8 =	vmul.f32 $1.442695020e+00, v8;
	v6 =	vmul.f32 v6, v15;
	v5 =	vld [tilespmem:s18+$0xFFFFFFD0];
	v15 =	vpop (erf)  }
0xb9: {  	v18 =	vld [tilespmem:s18+$0xFFFFFFE0];
	(erf) = vpow2.f32 v4  }
0xba: {  	v6 =	vmul.f32 $1.442695020e+00, v6;
	v4 =	vld [tilespmem:s18+$0xFFFFFFF0];
	v19 =	vpop (erf);
	(erf) = vpow2.f32 v8  }
0xbb: {  	v8 =	vld [tilespmem:s18+$0x0]  }
0xbc: {  	v20 =	vld [tilespmem:s18+$0x10];
	v21 =	vpop (erf);
	(erf) = vpow2.f32 v6  }
0xbd: {  	v6 =	vld [tilespmem:s18+$0x20]  }
0xbe: {  	v22 =	vld [tilespmem:s18+$0x30];
	v23 =	vpop (erf)  }
0xbf: {  	v24 =	vld [tilespmem:s18+$0x40]  }
0xc0: {  	v25 =	vld [tilespmem:s18+$0x50];
	v26 =	vpop (erf)  }
0xc1: {  	v27 =	vld [tilespmem:s18+$0x60]  }
0xc2: {  	[tilespmem:v16+s13+$0x0] =	vst.idx.add.f32.msk $0xffff, v11;
	v11 =	vpop (erf)  }
0xc3: {  	[tilespmem:v3+s13+$0x0] =	vst.idx.add.f32.msk $0xffff, v1;
	v1 =	vpop (erf)  }
0xc4: {  	[tilespmem:v7+s13+$0x0] =	vst.idx.add.f32.msk $0xffff, v12  }
0xc5: {  	[tilespmem:v2+s13+$0x0] =	vst.idx.add.f32.msk $0xffff, v13;
	v2 =	vpop (erf)  }
0xc6: {  	[tilespmem:v17+s13+$0x0] =	vst.idx.add.f32.msk $0xffff, v14  }
0xc7: {  	[tilespmem:v5+s13+$0x0] =	vst.idx.add.f32.msk $0xffff, v10  }
0xc8: {  	[tilespmem:v18+s13+$0x0] =	vst.idx.add.f32.msk $0xffff, v9  }
0xc9: {  	[tilespmem:v4+s13+$0x0] =	vst.idx.add.f32.msk $0xffff, v15  }
0xca: {  	[tilespmem:v8+s13+$0x0] =	vst.idx.add.f32.msk $0xffff, v19  }
0xcb: {  	[tilespmem:v20+s13+$0x0] =	vst.idx.add.f32.msk $0xffff, v21  }
.Ltmp1:
0xcc: {  	[tilespmem:v6+s13+$0x0] =	vst.idx.add.f32.msk $0xffff, v23;
	(pc) =	sbr.rel @p0 .LBB2_4-.Ltmp1, $4  }
0xcd: {  	[tilespmem:v22+s13+$0x0] =	vst.idx.add.f32.msk $0xffff, v26  }
0xce: {  	[tilespmem:v24+s13+$0x0] =	vst.idx.add.f32.msk $0xffff, v11  }
0xcf: {  	[tilespmem:v25+s13+$0x0] =	vst.idx.add.f32.msk $0xffff, v1  }
0xd0: {  	s20 =	sadd.s32 $0x100, s20;
	[tilespmem:v27+s13+$0x0] =	vst.idx.add.f32.msk $0xffff, v2  }
0xd1: {  	s17 =	sadd.s32 $0x1, s17  }
0xd2: {  	p0 =	sne.s32 s17, s8  }
.Ltmp2:
0xd3: {  	_ = 	snop;
	(pc) =	sbr.rel @p0 .LBB2_1-.Ltmp2, $4  }
0xd4: {  	[hbm4b:s7+s14] =	stream.strided.scatter [tilespmem:s13], [sflag:$0x2], $0x8000, s15, s14, $0x38;
	[tilespmem:$0x15000] =	vst v63  }
0xd5: {  	_ =	swait.ge [sflag:s16], $0x8000  }
0xd6: {  	[sflag:s16] =	ssyncset.done $0x0  }
0xd7: {  	[sflag:s16] =	ssyncadd.s32 $0xFFFF8000  }
0xd8: {  	_ =	sfence.sel $0x180000  }
0xd9: {  	[bflag:$0x0] =	sbarrier.arrive $0xFFFF  }
0xda: {  	p0 =	sne.s32 s1, $0x0;
	_ =	strace $0x90000056  }
0xdb: {  	s0 =	sadd.s32 @!p0 $0x100000, s0;
	[bflag:$0x2] =	sbarrier.arrive $0xFFFF  }
0xdc: {  	[sflag:s0] =	ssyncadd.tile.s32 @!p0 $0x1;
	_ =	shalt  }
.Lfunc_end2:
_tile_overlayer_lowered:
.L_overlay_start_2:
0xdd: {  	(tag) =	ssettag $0x2  }
0xde: {  	s0 =	rddreg [dreg:$0x0];
	s2 =	stileid.u32  }
0xdf: {  	s1 =	rddreg [dreg:$0x1];
	p0 =	sne.s32 s2, $0x0  }
0xe0: {  	s3 =	rddreg [dreg:$0x2];
	[bflag:$0x3] =	sbarrier.arrive $0xFFFF;
	s2 =	simm.s32 @!p0 $0x1C02  }
0xe1: {  	[timem:s3], [sflag:s2] =	dma.local @!p0 [hbm:s0], s1  }
0xe2: {  	s0 =	simm.s32 @!p0 $0x2  }
0xe3: {  	_ =	swait.ge @!p0 [sflag:s0], s1  }
0xe4: {  	s1 =	ssub.s32 @!p0 $0x0, s1;
	[sflag:s0] =	ssyncset.done @!p0 $0x0  }
0xe5: {  	[sflag:s0] =	ssyncadd.s32 @!p0 s1  }
0xe6: {  	[bflag:$0x3] =	sbarrier.arrive $0xFFFF  }
0xe7: {  	_ =	shalt  }

// kernel: kernel.41.cloned.1.call-start
scs
__scs_entry_jumppad:
0x0: {  	(pc) =	sbr.rel $0x88, $3  }
0x1: {  	(tag) =	ssettag $0x0;
	lr =	simm.s32 $0x1  }
0x2: {  	[smem:$0x3F9D] =	sst lr;
	_ =	strace $0xD0000000  }
0x3: {  	_ = 	snop  }
0x4: {  	_ = 	snop  }
0x5: {  	_ = 	snop  }
0x6: {  	_ = 	snop  }
0x7: {  	_ = 	snop  }
__scs_overlays_trampoline_lowered:
0x8: {  	[smem:$0x3FAC] =	sst s0  }
0x9: {  	[smem:$0x3FAD] =	sst s1  }
0xa: {  	[smem:$0x3FAE] =	sst s2  }
0xb: {  	[smem:$0x3FAF] =	sst s3  }
0xc: {  	[smem:$0x3FB0] =	sst s4  }
0xd: {  	[smem:$0x3FB1] =	sst s5  }
0xe: {  	[smem:$0x3FB2] =	sst s6  }
0xf: {  	[smem:$0x3FB3] =	sst s7  }
0x10: {  	[smem:$0x3FB4] =	sst s8  }
0x11: {  	[smem:$0x3FB5] =	sst s9;
	s0 =	simm.s32 @!p0 $0x0  }
0x12: {  	s1 =	sld [smem:$0x3F9B];
	s0 =	simm.s32 @p0 $0x1  }
0x13: {  	[smem:$0x3FB6] =	sst s0;
	s0 =	simm.s32 @!p1 $0x0  }
0x14: {  	s2 =	sld [smem:$0x3F9A];
	s0 =	simm.s32 @p1 $0x1  }
0x15: {  	[smem:$0x3FB7] =	sst s0;
	s0 =	simm.s32 @!p2 $0x0  }
0x16: {  	s3 =	sld [smem:$0x3FDB];
	s0 =	simm.s32 @p2 $0x1  }
0x17: {  	s4 =	simm.s32 $0x1BF5;
	[smem:$0x3FB9] =	sst s0  }
0x18: {  	s0 =	sld [smem:$0x3F9C];
	_ =	swait.ge [sflag:s4], $0x0  }
0x19: {  	s7 =	sld [smem:$0x3F9D]  }
0x1a: {  	s8 =	sadd.s32 $0xFFFFE003, lr  }
0x1b: {  	s9 =	sadd.s32 $0xFFFFFEF7, lr;
	s5 =	simm.s32 $0xFFFFFFFF;
	p2 =	slt.u32 s8, $0xFFFFF086  }
0x1c: {  	p1 =	slt.u32 s9, $0xF7A;
	s5 =	simm.s32 @!p2 $0x0  }
0x1d: {  	s5 =	simm.s32 @p1 $0x1;
	p0 =	seq.s32 s7, s2  }
0x1e: {  	s7 =	smul.u32 @!p0 $0xF7A, s2;
	p2 =	seq.s32 @!p0 s5, $0x0  }
0x1f: {  	s9 =	smul.u32 $0xF7A, s1;
	s8 =	simm.s32 @!p0 $0x1BF5;
	p2 =	por !p2, p0  }
0x20: {  	[sflag:s8] =	ssyncset.s32 @!p0 $0xFFFFF086;
	s6 =	sadd.s32 @!p0 s3, s7;
	s7 =	simm.s32 @!p0 $0x108  }
0x21: {  	s3 =	sadd.s32 s3, s9;
	s6 =	sadd.s32 @!p0 $0x88, s6;
	s7 =	simm.s32 @p2 $0x1082  }
0x22: {  	[simem:s7], [sflag:s8] =	dma.local @!p0 [hbm:s6], $0xF7A  }
0x23: {  	s9 =	sor.u32 $0xD0000000, s2;
	s6 =	simm.s32 $0x108;
	_ =	swait.ge @!p0 [sflag:s8], $0x0  }
0x24: {  	s3 =	sadd.s32 $0x88, s3;
	s6 =	simm.s32 @!p1 $0x1082;
	[sflag:s4] =	ssyncset.s32 $0xFFFFF086  }
0x25: {  	[simem:s6], [sflag:s4] =	dma.local [hbm:s3], $0xF7A  }
0x26: {  	[smem:$0x3F9D] =	sst s1;
	(tag) =	ssettag s2;
	_ =	strace s9  }
0x27: {  	s1 =	sld [smem:$0x3FAD]  }
0x28: {  	s2 =	sld [smem:$0x3FAE]  }
0x29: {  	s4 =	sld [smem:$0x3FB0]  }
0x2a: {  	p0 =	seq.s32 s5, $0x0;
	s5 =	sld [smem:$0x3FB1]  }
0x2b: {  	s6 =	sld [smem:$0x3FB2]  }
0x2c: {  	s7 =	sld [smem:$0x3FB3]  }
0x2d: {  	s3 =	simm.s32 $0x108;
	s8 =	sld [smem:$0x3FB4]  }
0x2e: {  	s3 =	simm.s32 @!p0 $0x1082;
	s9 =	sld [smem:$0x3FB5]  }
0x2f: {  	lr =	sadd.s32 s0, s3;
	s0 =	sld [smem:$0x3FAC]  }
0x30: {  	s3 =	sld [smem:$0x3FAF]  }
0x31: {  	[smem:$0x3FB8] =	sst s10  }
0x32: {  	s10 =	sld [smem:$0x3FB6];
	_ =	sdelay $0x3  }
0x33: {  	p0 =	seq.s32 s10, $0x1;
	s10 =	sld [smem:$0x3FB8];
	_ =	sdelay $0x3  }
0x34: {  	[smem:$0x3FB8] =	sst s10  }
0x35: {  	s10 =	sld [smem:$0x3FB7];
	_ =	sdelay $0x3  }
0x36: {  	p1 =	seq.s32 s10, $0x1;
	s10 =	sld [smem:$0x3FB8];
	_ =	sdelay $0x3  }
0x37: {  	[smem:$0x3FB8] =	sst s10  }
0x38: {  	s10 =	sld [smem:$0x3FB9]  }
0x39: {  	_ = 	snop;
	(pc) =	sbr.ind lr, $3  }
0x3a: {  	_ = 	snop  }
0x3b: {  	_ = 	snop  }
0x3c: {  	p2 =	seq.s32 s10, $0x1;
	s10 =	sld [smem:$0x3FB8]  }
0x3d: {  	_ =	shalt  }
0x3e: {  	_ =	shalt  }
0x3f: {  	_ =	shalt  }
0x40: {  	_ =	shalt  }
0x41: {  	_ =	shalt  }
0x42: {  	_ =	shalt  }
0x43: {  	_ =	shalt  }
0x44: {  	_ =	shalt  }
0x45: {  	_ =	shalt  }
0x46: {  	_ =	shalt  }
0x47: {  	_ =	shalt  }
0x48: {  	_ =	shalt  }
0x49: {  	_ =	shalt  }
0x4a: {  	_ =	shalt  }
0x4b: {  	_ =	shalt  }
0x4c: {  	_ =	shalt  }
0x4d: {  	_ =	shalt  }
0x4e: {  	_ =	shalt  }
0x4f: {  	_ =	shalt  }
0x50: {  	_ =	shalt  }
0x51: {  	_ =	shalt  }
0x52: {  	_ =	shalt  }
0x53: {  	_ =	shalt  }
0x54: {  	_ =	shalt  }
0x55: {  	_ =	shalt  }
0x56: {  	_ =	shalt  }
0x57: {  	_ =	shalt  }
0x58: {  	_ =	shalt  }
0x59: {  	_ =	shalt  }
0x5a: {  	_ =	shalt  }
0x5b: {  	_ =	shalt  }
0x5c: {  	_ =	shalt  }
0x5d: {  	_ =	shalt  }
0x5e: {  	_ =	shalt  }
0x5f: {  	_ =	shalt  }
0x60: {  	_ =	shalt  }
0x61: {  	_ =	shalt  }
0x62: {  	_ =	shalt  }
0x63: {  	_ =	shalt  }
0x64: {  	_ =	shalt  }
0x65: {  	_ =	shalt  }
0x66: {  	_ =	shalt  }
0x67: {  	_ =	shalt  }
0x68: {  	_ =	shalt  }
0x69: {  	_ =	shalt  }
0x6a: {  	_ =	shalt  }
0x6b: {  	_ =	shalt  }
0x6c: {  	_ =	shalt  }
0x6d: {  	_ =	shalt  }
0x6e: {  	_ =	shalt  }
0x6f: {  	_ =	shalt  }
0x70: {  	_ =	shalt  }
0x71: {  	_ =	shalt  }
0x72: {  	_ =	shalt  }
0x73: {  	_ =	shalt  }
0x74: {  	_ =	shalt  }
0x75: {  	_ =	shalt  }
0x76: {  	_ =	shalt  }
0x77: {  	_ =	shalt  }
0x78: {  	_ =	shalt  }
0x79: {  	_ =	shalt  }
0x7a: {  	_ =	shalt  }
0x7b: {  	_ =	shalt  }
0x7c: {  	_ =	shalt  }
0x7d: {  	_ =	shalt  }
0x7e: {  	_ =	shalt  }
0x7f: {  	_ =	shalt  }
0x80: {  	_ =	shalt  }
0x81: {  	_ =	shalt  }
0x82: {  	_ =	shalt  }
0x83: {  	_ =	shalt  }
0x84: {  	_ =	shalt  }
0x85: {  	_ =	shalt  }
0x86: {  	_ =	shalt  }
0x87: {  	_ =	shalt  }
.Lfunc_end0:
.L_simem_size_0:
called_computation.6_lowered:
.L_overlay_start_0:
0x88: {  	s2 =	sld [smem:$0x3FD9]  }
0x89: {  	s3 =	sld [smem:$0x3FFE];
	_ =	sdelay $0x1  }
0x8a: {  	s1 =	srdreg.scid  }
0x8b: {  	s0 =	sand.u32 $0x1, s1  }
0x8c: {  	s17 =	sshll.u32 s0, $0xA;
	s2 =	sadd.s32 s3, s2  }
0x8d: {  	s2 =	sadd.s32 s2, s17  }
0x8e: {  	[smem:$0x3FC4] =	sst s2  }
0x8f: {  	_ = 	snop  }
0x90: {  	s2 =	sld [smem:$0x3FD0];
	(tm) =	ssettm $0x1  }
0x91: {  	s18 =	sld [smem:$0x3FFB];
	_ =	sdelay $0x3  }
0x92: {  	_ =	strace s18  }
0x93: {  	s3 =	sld [smem:$0x3FFC];
	_ =	sdelay $0x3  }
0x94: {  	_ =	strace s3  }
0x95: {  	s3 =	sld [smem:$0x3FFD];
	_ =	sdelay $0x3  }
0x96: {  	_ =	strace s3  }
0x97: {  	_ =	strace $0x8FFFFFFF  }
0x98: {  	s19 =	sld [smem:$0x3FDB];
	_ =	sdelay $0x1  }
0x99: {  	s4 =	simm.s32 $_scs_section_size  }
0x9a: {  	s5 =	simm.s32 $_size__tile_overlayer_lowered;
	s6 =	simm.s32 $_tile_overlayer_lowered  }
0x9b: {  	s22 =	simm.s32 $0x1BFF;
	s21 =	sshll.u32 s6, $0x1;
	s3 =	sadd.s32 s4, s19  }
0x9c: {  	s7 =	simm.s32 $0x0;
	s20 =	sshll.u32 s5, $0x1;
	s5 =	sadd.s32 s21, s3  }
0x9d: {  	[timem:s7], [sflag:s22] =	dma.local [hbm:s5], s20  }
0x9e: {  	_ =	swait.ge [sflag:s22], s20  }
0x9f: {  	s4 =	ssub.s32 $0x0, s20;
	[sflag:s22] =	ssyncset.done $0x0  }
0xa0: {  	[sflag:s22] =	ssyncadd.s32 s4;
	_ =	sdelay $0x1  }
0xa1: {  	s23 =	simm.s32 $0x1B8B  }
0xa2: {  	_ =	swait.ge [sflag:s23], $0x1  }
0xa3: {  	[sflag:s23] =	ssyncset.done $0x0  }
0xa4: {  	s25 =	simm.s32 $0x1B8E;
	s24 =	sld [smem:$0x3FFE];
	[sflag:s23] =	ssyncadd.s32 $0xFFFFFFFF  }
0xa5: {  	s26 =	simm.s32 $execute0_lowered;
	[smem:$0x3FD2] =	sst s25  }
0xa6: {  	s5 =	sshll.u32 s26, $0x1;
	_ =	strace $0x80000058;
	[dreg:$0x1] =	wrdreg $0xFFFFFFFF  }
0xa7: {  	s28 =	simm.s32 $_size_execute0_lowered;
	s3 =	sadd.s32 s3, s5;
	[dreg:$0x0] =	wrdreg $0x0  }
0xa8: {  	s5 =	sshll.u32 s28, $0x1;
	[dreg:$0x2] =	wrdreg s3  }
0xa9: {  	[dreg:$0x3] =	wrdreg s5  }
0xaa: {  	[dreg:$0x4] =	wrdreg $0xC0  }
0xab: {  	_ =	task [dreg:s7], $0x5FFFF  }
0xac: {  	[dreg:$0x1] =	wrdreg $0xFFFFFFFF  }
0xad: {  	[dreg:$0x0] =	wrdreg $0x60  }
0xae: {  	[dreg:$0x2] =	wrdreg s2  }
0xaf: {  	[dreg:$0x3] =	wrdreg s24  }
0xb0: {  	[dreg:$0x4] =	wrdreg $0x9  }
0xb1: {  	_ =	task.clear_ibuf [dreg:s7], $0x5FFFF;
	_ =	strace $0x90000058  }
0xb2: {  	s29 =	simm.s32 $0x9;
	_ =	strace $0x8000005A  }
0xb3: {  	_ =	swait.ge [sflag:s29], $0x1  }
0xb4: {  	[sflag:s29] =	ssyncadd.s32 $0xFFFFFFFF  }
0xb5: {  	_ =	strace $0x9000005A  }
0xb6: {  	_ =	sfence  }
0xb7: {  	s30 =	sld [smem:$0x0];
	_ =	sdelay $0x2  }
0xb8: {  	s31 =	sshll.u32 s1, $0xD;
	s1 =	sshrl.u32 s1, $0x2  }
0xb9: {  	s3 =	sand.u32 $0x4000, s31;
	s1 =	sadd.s32 s1, s30  }
0xba: {  	s0 =	sor.u32 s3, s0;
	s1 =	sshll.u32 s1, $0x11  }
0xbb: {  	s0 =	sor.u32 s1, s0  }
0xbc: {  	s0 =	sadd.s32 $0x8F2B, s0  }
0xbd: {  	[sflag:s0] =	ssyncadd.remote.s32 $0x1  }
0xbe: {  	_ =	sfence.sel $0xFFFF  }
0xbf: {  	[dreg:$0x0] =	wrdreg $0xFFFFFFFF;
	(pc) =	sbr.abs _section_cstart, $3  }
0xc0: {  	[dreg:$0x1] =	wrdreg $0xFFFFFFFF  }
0xc1: {  	_ =	task.clear_ibuf [dreg:s7], $0x2FFFF;
	_ =	strace $0x9FFFFFFF  }
0xc2: {  	(tm) =	ssettm $0x7FFFFFFF  }
0xc3: {  	_ =	shalt  }
tec
execute0_lowered:
.L_overlay_start_1:
0x0: {  	(tag) =	ssettag $0x1  }
0x1: {  	s2 =	rddreg [dreg:$0x0];
	s1 =	srdreg.scid  }
0x2: {  	s0 =	stileid.u32;
	s4 =	rddreg [dreg:$0x1];
	s3 =	simm.s32 $0x0  }
0x3: {  	s10 =	simm.s32 $0x80;
	s11 =	simm.s32 $0x400;
	s12 =	simm.s32 $0x2  }
0x4: {  	s13 =	simm.s32 $0x0;
	s5 =	sand.u32 $0x1, s1;
	s1 =	rddreg [dreg:$0x2]  }
0x5: {  	s6 =	sshll.u32 s0, $0x1;
	[smem:$0x7FF] =	sst s3;
	s8 =	sshll.u32 s0, $0xC  }
0x6: {  	s6 =	sor.u32 s5, s6;
	_ =	strace $0x80000059;
	s8 =	sand.u32 $0xC000, s8  }
0x7: {  	s5 =	ssub.s32 $0x2, s5;
	s7 =	sshll.u32 s6, $0xB;
	s6 =	sshll.u32 s6, $0x4  }
0x8: {  	s8 =	sadd.s32 s8, s4;
	s30 =	sshrl.u32 s5, $0x1;
	s7 =	sadd.s32 s7, s4  }
0x9: {  	s6 =	sand.u32 $0x70, s6;
	s9 =	ssub.s32 s5, s30;
	s4 =	sadd.s32 $0x16800, s7  }
0xa: {  	s31 =	sadd.s32 s6, s8;
	s6 =	smax.u32 s9, $0x1;
	s7 =	simm.s32 $0xC000  }
0xb: {  	v0 =	vimm.f32 $0.0e+00;
	s8 =	simm.s32 $0x1;
	s9 =	simm.s32 $0x8000;
	s5 =	sadd.s32 $0x26A00, s31  }
.LBB2_1:
0xc: {  	[tilespmem:s3], [sflag:$0x1] =	stream.linear.gather [hbm4b:s2+s3], $0x8000, $0x38;
	[tilespmem:$0x10000] =	vst v63  }
0xd: {  	s14 =	simm.s32 $0x8040  }
0xe: {  	[tilespmem:s7], [sflag:$0x1] =	stream.linear.gather [hbm4b:s4+s3], $0x4000, $0x38;
	[tilespmem:$0x10000] =	vst v63  }
0xf: {  	[tilespmem:s14+$0xFFFFFFC0] =	vst v0  }
0x10: {  	[tilespmem:s14+$0x30] =	vst v0  }
0x11: {  	[tilespmem:s14+$0x20] =	vst v0  }
0x12: {  	[tilespmem:s14+$0x10] =	vst v0  }
0x13: {  	[tilespmem:s14+$0x0] =	vst v0  }
0x14: {  	[tilespmem:s14+$0xFFFFFFF0] =	vst v0  }
0x15: {  	s15 =	simm.s32 $0x0;
	[tilespmem:s14+$0xFFFFFFE0] =	vst v0  }
.LBB2_2:
0x16: {  	s15 =	sadd.s32 $0x8, s15;
	[tilespmem:s14+$0xFFFFFFD0] =	vst v0;
	s14 =	sadd.s32 $0x80, s14  }
0x17: {  	[tilespmem:s14+$0xFFFFFFC0] =	vst v0;
	p0 =	slt.u32 s15, $0x3F8  }
0x18: {  	[tilespmem:s14+$0x30] =	vst v0  }
.Ltmp0:
0x19: {  	[tilespmem:s14+$0x20] =	vst v0;
	(pc) =	sbr.rel @p0 .LBB2_2-.Ltmp0, $4  }
0x1a: {  	[tilespmem:s14+$0x10] =	vst v0  }
0x1b: {  	[tilespmem:s14+$0x0] =	vst v0  }
0x1c: {  	[tilespmem:s14+$0xFFFFFFF0] =	vst v0  }
0x1d: {  	[tilespmem:s14+$0xFFFFFFE0] =	vst v0  }
0x1e: {  	[tilespmem:s14+$0xFFFFFFD0] =	vst v0  }
0x1f: {  	_ =	swait.ge [sflag:s8], $0x8000  }
0x20: {  	[sflag:s8] =	ssyncset.done $0x0  }
0x21: {  	[sflag:s8] =	ssyncadd.s32 $0xFFFF8000  }
0x22: {  	_ =	swait.ge [sflag:s8], $0x4000  }
0x23: {  	[sflag:s8] =	ssyncset.done $0x0  }
0x24: {  	s14 =	simm.s32 $0xC080;
	[sflag:s8] =	ssyncadd.s32 $0xFFFFC000  }
0x25: {  	v12 =	vld [tilespmem:s14+$0xFFFFFF90]  }
0x26: {  	v4 =	vld [tilespmem:s14+$0xFFFFFFC0]  }
0x27: {  	v3 =	vld [tilespmem:s14+$0xFFFFFFD0]  }
0x28: {  	v2 =	vld [tilespmem:s14+$0xFFFFFFE0]  }
0x29: {  	v14 =	vld [tilespmem:s14+$0xFFFFFFF0]  }
0x2a: {  	v5 =	vld [tilespmem:s14+$0xFFFFFF80]  }
0x2b: {  	v6 =	vld [tilespmem:s14+$0x70]  }
0x2c: {  	v7 =	vld [tilespmem:s14+$0x60]  }
0x2d: {  	v8 =	vld [tilespmem:s14+$0x50]  }
0x2e: {  	v1 =	vld [tilespmem:s14+$0xFFFFFFA0]  }
0x2f: {  	v10 =	vld [tilespmem:s14+$0x40]  }
0x30: {  	v11 =	vld [tilespmem:s14+$0x30];
	v9 =	vand.u32 $0x7FFF, v5  }
0x31: {  	v15 =	vld [tilespmem:s14+$0x20];
	v13 =	vand.u32 $0x7FFF, v6  }
0x32: {  	v17 =	vld [tilespmem:s14+$0x10];
	v16 =	vand.u32 $0x7FFF, v7  }
0x33: {  	v19 =	vld [tilespmem:s14+$0x0];
	v18 =	vand.u32 $0x7FFF, v8  }
0x34: {  	v22 =	vld [tilespmem:s14+$0xFFFFFFB0];
	v20 =	vand.u32 $0x7FFF, v10  }
0x35: {  	v5 =	vshrl.u32 v5, $0xF;
	v9 =	vld.idx.msk [tilespmem:v9+s3+$0x0], $0xffff  }
0x36: {  	v21 =	vand.u32 $0x7FFF, v15;
	v13 =	vld.idx.msk [tilespmem:v13+s3+$0x0], $0xffff  }
0x37: {  	v6 =	vshrl.u32 v6, $0xF;
	v16 =	vld.idx.msk [tilespmem:v16+s3+$0x0], $0xffff  }
0x38: {  	v7 =	vshrl.u32 v7, $0xF;
	v18 =	vld.idx.msk [tilespmem:v18+s3+$0x0], $0xffff  }
0x39: {  	v23 =	vand.u32 $0x7FFF, v11;
	v20 =	vld.idx.msk [tilespmem:v20+s3+$0x0], $0xffff  }
0x3a: {  	v8 =	vshrl.u32 v8, $0xF;
	[tilespmem:v5+s9+$0x0] =	vst.idx.add.f32.msk $0xffff, v9  }
0x3b: {  	v5 =	vand.u32 $0x7FFF, v19;
	v9 =	vld.idx.msk [tilespmem:v21+s3+$0x0], $0xffff  }
0x3c: {  	v62 =	vand.u32 $0x7FFF, v14;
	[tilespmem:v6+s9+$0x0] =	vst.idx.add.f32.msk $0xffff, v13  }
0x3d: {  	v10 =	vshrl.u32 v10, $0xF;
	[tilespmem:v7+s9+$0x0] =	vst.idx.add.f32.msk $0xffff, v16  }
0x3e: {  	v6 =	vand.u32 $0x7FFF, v17;
	v16 =	vld.idx.msk [tilespmem:v23+s3+$0x0], $0xffff  }
0x3f: {  	v63 =	vand.u32 $0x7FFF, v3;
	[tilespmem:v8+s9+$0x0] =	vst.idx.add.f32.msk $0xffff, v18  }
0x40: {  	v7 =	vld.idx.msk [tilespmem:v5+s3+$0x0], $0xffff;
	v5 =	vshrl.u32 v15, $0xF;
	v15 =	vshrl.u32 v11, $0xF  }
0x41: {  	v8 =	vand.u32 $0x7FFF, v4;
	v13 =	vld.idx.msk [tilespmem:v62+s3+$0x0], $0xffff  }
0x42: {  	[tilespmem:v10+s9+$0x0] =	vst.idx.add.f32.msk $0xffff, v20  }
0x43: {  	v18 =	vand.u32 $0x7FFF, v2;
	v11 =	vld.idx.msk [tilespmem:v6+s3+$0x0], $0xffff  }
0x44: {  	v20 =	vand.u32 $0x7FFF, v22;
	v6 =	vld.idx.msk [tilespmem:v63+s3+$0x0], $0xffff  }
0x45: {  	[tilespmem:v15+s9+$0x0] =	vst.idx.add.f32.msk $0xffff, v16;
	v15 =	vshrl.u32 v14, $0xF  }
0x46: {  	v8 =	vld.idx.msk [tilespmem:v8+s3+$0x0], $0xffff;
	v16 =	vshrl.u32 v19, $0xF  }
0x47: {  	v3 =	vshrl.u32 v3, $0xF;
	v17 =	vshrl.u32 v17, $0xF;
	[tilespmem:v5+s9+$0x0] =	vst.idx.add.f32.msk $0xffff, v9  }
0x48: {  	v2 =	vshrl.u32 v2, $0xF;
	v4 =	vshrl.u32 v4, $0xF;
	v9 =	vand.u32 $0x7FFF, v1;
	v14 =	vld.idx.msk [tilespmem:v18+s3+$0x0], $0xffff  }
0x49: {  	s15 =	simm.s32 $0x0;
	v10 =	vand.u32 $0x7FFF, v12;
	v12 =	vshrl.u32 v12, $0xF;
	v5 =	vshrl.u32 v22, $0xF;
	v18 =	vld.idx.msk [tilespmem:v20+s3+$0x0], $0xffff  }
.LBB2_4:
0x4a: {  	s15 =	sadd.s32 $0x10, s15;
	[tilespmem:v15+s9+$0x0] =	vst.idx.add.f32.msk $0xffff, v13;
	s14 =	sadd.s32 $0x100, s14  }
0x4b: {  	p0 =	slt.u32 s15, $0x3F0;
	[tilespmem:v16+s9+$0x0] =	vst.idx.add.f32.msk $0xffff, v7  }
0x4c: {  	[tilespmem:v17+s9+$0x0] =	vst.idx.add.f32.msk $0xffff, v11  }
0x4d: {  	v7 =	vld.idx.msk [tilespmem:v9+s3+$0x0], $0xffff  }
0x4e: {  	v1 =	vshrl.u32 v1, $0xF;
	v9 =	vld.idx.msk [tilespmem:v10+s3+$0x0], $0xffff  }
0x4f: {  	[tilespmem:v5+s9+$0x0] =	vst.idx.add.f32.msk $0xffff, v18  }
0x50: {  	[tilespmem:v2+s9+$0x0] =	vst.idx.add.f32.msk $0xffff, v14  }
0x51: {  	[tilespmem:v3+s9+$0x0] =	vst.idx.add.f32.msk $0xffff, v6  }
0x52: {  	[tilespmem:v4+s9+$0x0] =	vst.idx.add.f32.msk $0xffff, v8  }
0x53: {  	[tilespmem:v1+s9+$0x0] =	vst.idx.add.f32.msk $0xffff, v7  }
0x54: {  	[tilespmem:v12+s9+$0x0] =	vst.idx.add.f32.msk $0xffff, v9  }
0x55: {  	v8 =	vld [tilespmem:s14+$0xFFFFFF90]  }
0x56: {  	v5 =	vld [tilespmem:s14+$0xFFFFFFC0]  }
0x57: {  	v4 =	vld [tilespmem:s14+$0xFFFFFFD0]  }
0x58: {  	v3 =	vld [tilespmem:s14+$0xFFFFFFE0]  }
0x59: {  	v6 =	vld [tilespmem:s14+$0xFFFFFFF0]  }
0x5a: {  	v2 =	vld [tilespmem:s14+$0xFFFFFF80]  }
0x5b: {  	v7 =	vld [tilespmem:s14+$0x70]  }
0x5c: {  	v9 =	vld [tilespmem:s14+$0x60]  }
0x5d: {  	v10 =	vld [tilespmem:s14+$0x50]  }
0x5e: {  	v1 =	vld [tilespmem:s14+$0xFFFFFFA0]  }
0x5f: {  	v11 =	vand.u32 $0x7FFF, v2;
	v12 =	vld [tilespmem:s14+$0x40]  }
0x60: {  	v13 =	vld [tilespmem:s14+$0x30];
	v14 =	vand.u32 $0x7FFF, v7  }
0x61: {  	v15 =	vld [tilespmem:s14+$0x20];
	v16 =	vand.u32 $0x7FFF, v9  }
0x62: {  	v17 =	vld [tilespmem:s14+$0x10];
	v18 =	vand.u32 $0x7FFF, v10  }
0x63: {  	v19 =	vld [tilespmem:s14+$0x0]  }
0x64: {  	v11 =	vld.idx.msk [tilespmem:v11+s3+$0x0], $0xffff;
	v20 =	vand.u32 $0x7FFF, v12  }
0x65: {  	v2 =	vshrl.u32 v2, $0xF;
	v14 =	vld.idx.msk [tilespmem:v14+s3+$0x0], $0xffff  }
0x66: {  	v7 =	vshrl.u32 v7, $0xF;
	v21 =	vand.u32 $0x7FFF, v15;
	v16 =	vld.idx.msk [tilespmem:v16+s3+$0x0], $0xffff  }
0x67: {  	v9 =	vshrl.u32 v9, $0xF;
	v23 =	vand.u32 $0x7FFF, v13;
	v22 =	vand.u32 $0x7FFF, v17;
	v18 =	vld.idx.msk [tilespmem:v18+s3+$0x0], $0xffff  }
0x68: {  	v26 =	vshrl.u32 v10, $0xF;
	v24 =	vld [tilespmem:s14+$0xFFFFFFB0];
	v25 =	vand.u32 $0x7FFF, v19  }
0x69: {  	v27 =	vand.u32 $0x7FFF, v6;
	v20 =	vld.idx.msk [tilespmem:v20+s3+$0x0], $0xffff  }
0x6a: {  	v28 =	vand.u32 $0x7FFF, v3;
	[tilespmem:v2+s9+$0x0] =	vst.idx.add.f32.msk $0xffff, v11;
	v2 =	vshrl.u32 v3, $0xF  }
0x6b: {  	v29 =	vand.u32 $0x7FFF, v4;
	v12 =	vshrl.u32 v12, $0xF;
	v3 =	vshrl.u32 v4, $0xF;
	v21 =	vld.idx.msk [tilespmem:v21+s3+$0x0], $0xffff  }
0x6c: {  	v30 =	vand.u32 $0x7FFF, v5;
	v4 =	vshrl.u32 v5, $0xF;
	[tilespmem:v7+s9+$0x0] =	vst.idx.add.f32.msk $0xffff, v14  }
0x6d: {  	v14 =	vshrl.u32 v15, $0xF;
	v5 =	vshrl.u32 v24, $0xF;
	v24 =	vand.u32 $0x7FFF, v24;
	[tilespmem:v9+s9+$0x0] =	vst.idx.add.f32.msk $0xffff, v16  }
0x6e: {  	v9 =	vand.u32 $0x7FFF, v1;
	v23 =	vld.idx.msk [tilespmem:v23+s3+$0x0], $0xffff  }
0x6f: {  	v10 =	vand.u32 $0x7FFF, v8;
	v31 =	vshrl.u32 v13, $0xF;
	[tilespmem:v26+s9+$0x0] =	vst.idx.add.f32.msk $0xffff, v18  }
0x70: {  	v7 =	vld.idx.msk [tilespmem:v25+s3+$0x0], $0xffff  }
0x71: {  	v13 =	vld.idx.msk [tilespmem:v27+s3+$0x0], $0xffff  }
0x72: {  	v15 =	vshrl.u32 v6, $0xF;
	v11 =	vld.idx.msk [tilespmem:v22+s3+$0x0], $0xffff  }
0x73: {  	v16 =	vshrl.u32 v19, $0xF;
	[tilespmem:v12+s9+$0x0] =	vst.idx.add.f32.msk $0xffff, v20  }
0x74: {  	v17 =	vshrl.u32 v17, $0xF;
	v6 =	vld.idx.msk [tilespmem:v29+s3+$0x0], $0xffff  }
.Ltmp1:
0x75: {  	v12 =	vshrl.u32 v8, $0xF;
	v8 =	vld.idx.msk [tilespmem:v30+s3+$0x0], $0xffff;
	(pc) =	sbr.rel @p0 .LBB2_4-.Ltmp1, $4  }
0x76: {  	[tilespmem:v14+s9+$0x0] =	vst.idx.add.f32.msk $0xffff, v21  }
0x77: {  	[tilespmem:v31+s9+$0x0] =	vst.idx.add.f32.msk $0xffff, v23  }
0x78: {  	v14 =	vld.idx.msk [tilespmem:v28+s3+$0x0], $0xffff  }
0x79: {  	v18 =	vld.idx.msk [tilespmem:v24+s3+$0x0], $0xffff  }
0x7a: {  	_ =	sdelay $0x3  }
0x7b: {  	[tilespmem:v15+s9+$0x0] =	vst.idx.add.f32.msk $0xffff, v13  }
0x7c: {  	[tilespmem:v16+s9+$0x0] =	vst.idx.add.f32.msk $0xffff, v7  }
0x7d: {  	[tilespmem:v17+s9+$0x0] =	vst.idx.add.f32.msk $0xffff, v11  }
0x7e: {  	v62 =	vld.idx.msk [tilespmem:v9+s3+$0x0], $0xffff  }
0x7f: {  	v63 =	vld.idx.msk [tilespmem:v10+s3+$0x0], $0xffff;
	v1 =	vshrl.u32 v1, $0xF  }
0x80: {  	[tilespmem:v3+s9+$0x0] =	vst.idx.add.f32.msk $0xffff, v6  }
0x81: {  	[tilespmem:v4+s9+$0x0] =	vst.idx.add.f32.msk $0xffff, v8  }
0x82: {  	[tilespmem:v2+s9+$0x0] =	vst.idx.add.f32.msk $0xffff, v14  }
0x83: {  	s13 =	sadd.s32 $0x1, s13;
	[tilespmem:v5+s9+$0x0] =	vst.idx.add.f32.msk $0xffff, v18  }
0x84: {  	p0 =	sne.s32 s13, s6;
	[tilespmem:v1+s9+$0x0] =	vst.idx.add.f32.msk $0xffff, v62  }
.Ltmp2:
0x85: {  	[tilespmem:v12+s9+$0x0] =	vst.idx.add.f32.msk $0xffff, v63;
	(pc) =	sbr.rel @p0 .LBB2_1-.Ltmp2, $4  }
0x86: {  	[hbm4b:s5+s10] =	stream.strided.scatter [tilespmem:s9], [sflag:$0x2], $0x4000, s11, s10, $0x38;
	[tilespmem:$0x10000] =	vst v63  }
0x87: {  	_ =	swait.ge [sflag:s12], $0x4000  }
0x88: {  	[sflag:s12] =	ssyncset.done $0x0  }
0x89: {  	[sflag:s12] =	ssyncadd.s32 $0xFFFFC000  }
0x8a: {  	_ =	sfence.sel $0x180000  }
0x8b: {  	[bflag:$0x0] =	sbarrier.arrive $0xFFFF  }
0x8c: {  	p0 =	sne.s32 s0, $0x0;
	_ =	strace $0x90000059  }
0x8d: {  	s0 =	sadd.s32 @!p0 $0x100000, s1;
	[bflag:$0x2] =	sbarrier.arrive $0xFFFF  }
0x8e: {  	[sflag:s0] =	ssyncadd.tile.s32 @!p0 $0x1;
	_ =	shalt  }
.Lfunc_end2:
_tile_overlayer_lowered:
.L_overlay_start_2:
0x8f: {  	(tag) =	ssettag $0x2  }
0x90: {  	s0 =	rddreg [dreg:$0x0];
	s2 =	stileid.u32  }
0x91: {  	s1 =	rddreg [dreg:$0x1];
	p0 =	sne.s32 s2, $0x0  }
0x92: {  	s3 =	rddreg [dreg:$0x2];
	[bflag:$0x3] =	sbarrier.arrive $0xFFFF;
	s2 =	simm.s32 @!p0 $0x1C02  }
0x93: {  	[timem:s3], [sflag:s2] =	dma.local @!p0 [hbm:s0], s1  }
0x94: {  	s0 =	simm.s32 @!p0 $0x2  }
0x95: {  	_ =	swait.ge @!p0 [sflag:s0], s1  }
0x96: {  	s1 =	ssub.s32 @!p0 $0x0, s1;
	[sflag:s0] =	ssyncset.done @!p0 $0x0  }
0x97: {  	[sflag:s0] =	ssyncadd.s32 @!p0 s1  }
0x98: {  	[bflag:$0x3] =	sbarrier.arrive $0xFFFF  }
0x99: {  	_ =	shalt  }

// kernel: kernel.44.cloned.1.call-start
scs
__scs_entry_jumppad:
0x0: {  	(pc) =	sbr.rel $0x88, $3  }
0x1: {  	(tag) =	ssettag $0x0;
	lr =	simm.s32 $0x1  }
0x2: {  	[smem:$0x3F9D] =	sst lr;
	_ =	strace $0xD0000000  }
0x3: {  	_ = 	snop  }
0x4: {  	_ = 	snop  }
0x5: {  	_ = 	snop  }
0x6: {  	_ = 	snop  }
0x7: {  	_ = 	snop  }
__scs_overlays_trampoline_lowered:
0x8: {  	[smem:$0x3FAC] =	sst s0  }
0x9: {  	[smem:$0x3FAD] =	sst s1  }
0xa: {  	[smem:$0x3FAE] =	sst s2  }
0xb: {  	[smem:$0x3FAF] =	sst s3  }
0xc: {  	[smem:$0x3FB0] =	sst s4  }
0xd: {  	[smem:$0x3FB1] =	sst s5  }
0xe: {  	[smem:$0x3FB2] =	sst s6  }
0xf: {  	[smem:$0x3FB3] =	sst s7  }
0x10: {  	[smem:$0x3FB4] =	sst s8  }
0x11: {  	[smem:$0x3FB5] =	sst s9;
	s0 =	simm.s32 @!p0 $0x0  }
0x12: {  	s1 =	sld [smem:$0x3F9B];
	s0 =	simm.s32 @p0 $0x1  }
0x13: {  	[smem:$0x3FB6] =	sst s0;
	s0 =	simm.s32 @!p1 $0x0  }
0x14: {  	s2 =	sld [smem:$0x3F9A];
	s0 =	simm.s32 @p1 $0x1  }
0x15: {  	[smem:$0x3FB7] =	sst s0;
	s0 =	simm.s32 @!p2 $0x0  }
0x16: {  	s3 =	sld [smem:$0x3FDB];
	s0 =	simm.s32 @p2 $0x1  }
0x17: {  	s4 =	simm.s32 $0x1BF5;
	[smem:$0x3FB9] =	sst s0  }
0x18: {  	s0 =	sld [smem:$0x3F9C];
	_ =	swait.ge [sflag:s4], $0x0  }
0x19: {  	s7 =	sld [smem:$0x3F9D]  }
0x1a: {  	s8 =	sadd.s32 $0xFFFFE003, lr  }
0x1b: {  	s9 =	sadd.s32 $0xFFFFFEF7, lr;
	s5 =	simm.s32 $0xFFFFFFFF;
	p2 =	slt.u32 s8, $0xFFFFF086  }
0x1c: {  	p1 =	slt.u32 s9, $0xF7A;
	s5 =	simm.s32 @!p2 $0x0  }
0x1d: {  	s5 =	simm.s32 @p1 $0x1;
	p0 =	seq.s32 s7, s2  }
0x1e: {  	s7 =	smul.u32 @!p0 $0xF7A, s2;
	p2 =	seq.s32 @!p0 s5, $0x0  }
0x1f: {  	s9 =	smul.u32 $0xF7A, s1;
	s8 =	simm.s32 @!p0 $0x1BF5;
	p2 =	por !p2, p0  }
0x20: {  	[sflag:s8] =	ssyncset.s32 @!p0 $0xFFFFF086;
	s6 =	sadd.s32 @!p0 s3, s7;
	s7 =	simm.s32 @!p0 $0x108  }
0x21: {  	s3 =	sadd.s32 s3, s9;
	s6 =	sadd.s32 @!p0 $0x88, s6;
	s7 =	simm.s32 @p2 $0x1082  }
0x22: {  	[simem:s7], [sflag:s8] =	dma.local @!p0 [hbm:s6], $0xF7A  }
0x23: {  	s9 =	sor.u32 $0xD0000000, s2;
	s6 =	simm.s32 $0x108;
	_ =	swait.ge @!p0 [sflag:s8], $0x0  }
0x24: {  	s3 =	sadd.s32 $0x88, s3;
	s6 =	simm.s32 @!p1 $0x1082;
	[sflag:s4] =	ssyncset.s32 $0xFFFFF086  }
0x25: {  	[simem:s6], [sflag:s4] =	dma.local [hbm:s3], $0xF7A  }
0x26: {  	[smem:$0x3F9D] =	sst s1;
	(tag) =	ssettag s2;
	_ =	strace s9  }
0x27: {  	s1 =	sld [smem:$0x3FAD]  }
0x28: {  	s2 =	sld [smem:$0x3FAE]  }
0x29: {  	s4 =	sld [smem:$0x3FB0]  }
0x2a: {  	p0 =	seq.s32 s5, $0x0;
	s5 =	sld [smem:$0x3FB1]  }
0x2b: {  	s6 =	sld [smem:$0x3FB2]  }
0x2c: {  	s7 =	sld [smem:$0x3FB3]  }
0x2d: {  	s3 =	simm.s32 $0x108;
	s8 =	sld [smem:$0x3FB4]  }
0x2e: {  	s3 =	simm.s32 @!p0 $0x1082;
	s9 =	sld [smem:$0x3FB5]  }
0x2f: {  	lr =	sadd.s32 s0, s3;
	s0 =	sld [smem:$0x3FAC]  }
0x30: {  	s3 =	sld [smem:$0x3FAF]  }
0x31: {  	[smem:$0x3FB8] =	sst s10  }
0x32: {  	s10 =	sld [smem:$0x3FB6];
	_ =	sdelay $0x3  }
0x33: {  	p0 =	seq.s32 s10, $0x1;
	s10 =	sld [smem:$0x3FB8];
	_ =	sdelay $0x3  }
0x34: {  	[smem:$0x3FB8] =	sst s10  }
0x35: {  	s10 =	sld [smem:$0x3FB7];
	_ =	sdelay $0x3  }
0x36: {  	p1 =	seq.s32 s10, $0x1;
	s10 =	sld [smem:$0x3FB8];
	_ =	sdelay $0x3  }
0x37: {  	[smem:$0x3FB8] =	sst s10  }
0x38: {  	s10 =	sld [smem:$0x3FB9]  }
0x39: {  	_ = 	snop;
	(pc) =	sbr.ind lr, $3  }
0x3a: {  	_ = 	snop  }
0x3b: {  	_ = 	snop  }
0x3c: {  	p2 =	seq.s32 s10, $0x1;
	s10 =	sld [smem:$0x3FB8]  }
0x3d: {  	_ =	shalt  }
0x3e: {  	_ =	shalt  }
0x3f: {  	_ =	shalt  }
0x40: {  	_ =	shalt  }
0x41: {  	_ =	shalt  }
0x42: {  	_ =	shalt  }
0x43: {  	_ =	shalt  }
0x44: {  	_ =	shalt  }
0x45: {  	_ =	shalt  }
0x46: {  	_ =	shalt  }
0x47: {  	_ =	shalt  }
0x48: {  	_ =	shalt  }
0x49: {  	_ =	shalt  }
0x4a: {  	_ =	shalt  }
0x4b: {  	_ =	shalt  }
0x4c: {  	_ =	shalt  }
0x4d: {  	_ =	shalt  }
0x4e: {  	_ =	shalt  }
0x4f: {  	_ =	shalt  }
0x50: {  	_ =	shalt  }
0x51: {  	_ =	shalt  }
0x52: {  	_ =	shalt  }
0x53: {  	_ =	shalt  }
0x54: {  	_ =	shalt  }
0x55: {  	_ =	shalt  }
0x56: {  	_ =	shalt  }
0x57: {  	_ =	shalt  }
0x58: {  	_ =	shalt  }
0x59: {  	_ =	shalt  }
0x5a: {  	_ =	shalt  }
0x5b: {  	_ =	shalt  }
0x5c: {  	_ =	shalt  }
0x5d: {  	_ =	shalt  }
0x5e: {  	_ =	shalt  }
0x5f: {  	_ =	shalt  }
0x60: {  	_ =	shalt  }
0x61: {  	_ =	shalt  }
0x62: {  	_ =	shalt  }
0x63: {  	_ =	shalt  }
0x64: {  	_ =	shalt  }
0x65: {  	_ =	shalt  }
0x66: {  	_ =	shalt  }
0x67: {  	_ =	shalt  }
0x68: {  	_ =	shalt  }
0x69: {  	_ =	shalt  }
0x6a: {  	_ =	shalt  }
0x6b: {  	_ =	shalt  }
0x6c: {  	_ =	shalt  }
0x6d: {  	_ =	shalt  }
0x6e: {  	_ =	shalt  }
0x6f: {  	_ =	shalt  }
0x70: {  	_ =	shalt  }
0x71: {  	_ =	shalt  }
0x72: {  	_ =	shalt  }
0x73: {  	_ =	shalt  }
0x74: {  	_ =	shalt  }
0x75: {  	_ =	shalt  }
0x76: {  	_ =	shalt  }
0x77: {  	_ =	shalt  }
0x78: {  	_ =	shalt  }
0x79: {  	_ =	shalt  }
0x7a: {  	_ =	shalt  }
0x7b: {  	_ =	shalt  }
0x7c: {  	_ =	shalt  }
0x7d: {  	_ =	shalt  }
0x7e: {  	_ =	shalt  }
0x7f: {  	_ =	shalt  }
0x80: {  	_ =	shalt  }
0x81: {  	_ =	shalt  }
0x82: {  	_ =	shalt  }
0x83: {  	_ =	shalt  }
0x84: {  	_ =	shalt  }
0x85: {  	_ =	shalt  }
0x86: {  	_ =	shalt  }
0x87: {  	_ =	shalt  }
.Lfunc_end0:
.L_simem_size_0:
called_computation.7_lowered:
.L_overlay_start_0:
0x88: {  	s2 =	sld [smem:$0x3FD9]  }
0x89: {  	s3 =	sld [smem:$0x3FFE];
	_ =	sdelay $0x1  }
0x8a: {  	s1 =	srdreg.scid  }
0x8b: {  	s0 =	sand.u32 $0x1, s1  }
0x8c: {  	s16 =	sshll.u32 s0, $0xA;
	s2 =	sadd.s32 s3, s2  }
0x8d: {  	s2 =	sadd.s32 s2, s16  }
0x8e: {  	[smem:$0x3FC4] =	sst s2  }
0x8f: {  	_ = 	snop  }
0x90: {  	(tm) =	ssettm $0x1  }
0x91: {  	s17 =	sld [smem:$0x3FFB];
	_ =	sdelay $0x3  }
0x92: {  	_ =	strace s17  }
0x93: {  	s2 =	sld [smem:$0x3FFC];
	_ =	sdelay $0x3  }
0x94: {  	_ =	strace s2  }
0x95: {  	s2 =	sld [smem:$0x3FFD];
	_ =	sdelay $0x3  }
0x96: {  	_ =	strace s2  }
0x97: {  	_ =	strace $0x8FFFFFFF  }
0x98: {  	s18 =	sld [smem:$0x3FDB];
	_ =	sdelay $0x1  }
0x99: {  	s19 =	simm.s32 $_scs_section_size  }
0x9a: {  	s4 =	simm.s32 $_size__tile_overlayer_lowered;
	s5 =	simm.s32 $_tile_overlayer_lowered  }
0x9b: {  	s22 =	simm.s32 $0x1BFF;
	s21 =	sshll.u32 s5, $0x1;
	s2 =	sadd.s32 s19, s18  }
0x9c: {  	s6 =	simm.s32 $0x0;
	s20 =	sshll.u32 s4, $0x1;
	s4 =	sadd.s32 s21, s2  }
0x9d: {  	[timem:s6], [sflag:s22] =	dma.local [hbm:s4], s20  }
0x9e: {  	_ =	swait.ge [sflag:s22], s20  }
0x9f: {  	s3 =	ssub.s32 $0x0, s20;
	[sflag:s22] =	ssyncset.done $0x0  }
0xa0: {  	[sflag:s22] =	ssyncadd.s32 s3;
	_ =	sdelay $0x1  }
0xa1: {  	s23 =	simm.s32 $0x1B8B  }
0xa2: {  	_ =	swait.ge [sflag:s23], $0x1  }
0xa3: {  	[sflag:s23] =	ssyncset.done $0x0  }
0xa4: {  	s25 =	simm.s32 $0x1B8E;
	s24 =	sld [smem:$0x3FFE];
	[sflag:s23] =	ssyncadd.s32 $0xFFFFFFFF  }
0xa5: {  	s26 =	simm.s32 $execute0_lowered;
	[smem:$0x3FD2] =	sst s25  }
0xa6: {  	s4 =	sshll.u32 s26, $0x1;
	_ =	strace $0x8000005B;
	[dreg:$0x1] =	wrdreg $0xFFFFFFFF  }
0xa7: {  	s28 =	simm.s32 $_size_execute0_lowered;
	s2 =	sadd.s32 s2, s4;
	[dreg:$0x0] =	wrdreg $0x0  }
0xa8: {  	s4 =	sshll.u32 s28, $0x1;
	[dreg:$0x2] =	wrdreg s2  }
0xa9: {  	[dreg:$0x3] =	wrdreg s4  }
0xaa: {  	[dreg:$0x4] =	wrdreg $0xC0  }
0xab: {  	_ =	task [dreg:s6], $0x5FFFF  }
0xac: {  	[dreg:$0x1] =	wrdreg $0xFFFFFFFF  }
0xad: {  	[dreg:$0x0] =	wrdreg $0x60  }
0xae: {  	[dreg:$0x2] =	wrdreg s24  }
0xaf: {  	[dreg:$0x3] =	wrdreg $0x9  }
0xb0: {  	_ =	task.clear_ibuf [dreg:s6], $0x4FFFF;
	_ =	strace $0x9000005B  }
0xb1: {  	s29 =	simm.s32 $0x9;
	_ =	strace $0x8000005D  }
0xb2: {  	_ =	swait.ge [sflag:s29], $0x1  }
0xb3: {  	[sflag:s29] =	ssyncadd.s32 $0xFFFFFFFF  }
0xb4: {  	_ =	strace $0x9000005D  }
0xb5: {  	_ =	sfence  }
0xb6: {  	s30 =	sld [smem:$0x0];
	_ =	sdelay $0x2  }
0xb7: {  	s31 =	sshll.u32 s1, $0xD;
	s1 =	sshrl.u32 s1, $0x2  }
0xb8: {  	s3 =	sand.u32 $0x4000, s31;
	s1 =	sadd.s32 s1, s30  }
0xb9: {  	s0 =	sor.u32 s3, s0;
	s1 =	sshll.u32 s1, $0x11  }
0xba: {  	s0 =	sor.u32 s1, s0  }
0xbb: {  	s0 =	sadd.s32 $0x8F2B, s0  }
0xbc: {  	[sflag:s0] =	ssyncadd.remote.s32 $0x1  }
0xbd: {  	_ =	sfence.sel $0xFFFF  }
0xbe: {  	[dreg:$0x0] =	wrdreg $0xFFFFFFFF;
	(pc) =	sbr.abs _section_cstart, $3  }
0xbf: {  	[dreg:$0x1] =	wrdreg $0xFFFFFFFF  }
0xc0: {  	_ =	task.clear_ibuf [dreg:s6], $0x2FFFF;
	_ =	strace $0x9FFFFFFF  }
0xc1: {  	(tm) =	ssettm $0x7FFFFFFF  }
tec
execute0_lowered:
.L_overlay_start_1:
0x0: {  	(tag) =	ssettag $0x1  }
0x1: {  	s5 =	rddreg [dreg:$0x0]  }
0x2: {  	s0 =	rddreg [dreg:$0x1];
	s3 =	srdreg.scid  }
0x3: {  	s1 =	stileid.u32;
	s2 =	simm.s32 $0x0;
	s11 =	simm.s32 $0x11000  }
0x4: {  	s12 =	simm.s32 $0x1;
	s13 =	simm.s32 $0x5000;
	s14 =	simm.s32 $0x80  }
0x5: {  	s15 =	simm.s32 $0x400;
	s16 =	simm.s32 $0x2;
	s17 =	simm.s32 $0x0  }
0x6: {  	s6 =	sand.u32 $0x1, s3;
	s30 =	sshll.u32 s1, $0x1;
	[smem:$0x7FF] =	sst s2  }
0x7: {  	s3 =	sadd.s32 $0x6800, s5;
	s9 =	sshll.u32 s1, $0xD;
	s7 =	sor.u32 s6, s30  }
0x8: {  	_ =	strace $0x8000005C;
	s9 =	sand.u32 $0x18000, s9;
	s6 =	ssub.s32 $0x2, s6  }
0x9: {  	s4 =	sshll.u32 s7, $0xB;
	s7 =	sshll.u32 s7, $0x4;
	s9 =	sadd.s32 s9, s5  }
0xa: {  	s31 =	sshrl.u32 s6, $0x1;
	s8 =	sadd.s32 s4, s5;
	s4 =	sadd.s32 $0x26800, s5  }
0xb: {  	s7 =	sand.u32 $0x70, s7;
	s10 =	ssub.s32 s6, s31;
	s5 =	sadd.s32 $0x46A00, s8  }
0xc: {  	s7 =	sadd.s32 s7, s9;
	s6 =	sadd.s32 $0x56A00, s8;
	s8 =	smax.u32 s10, $0x1  }
0xd: {  	v0 =	vimm.f32 $0.0e+00;
	s9 =	simm.s32 $0x4000;
	s10 =	simm.s32 $0xD000;
	s7 =	sadd.s32 $0x26A00, s7  }
.LBB2_1:
0xe: {  	[tilespmem:s2], [sflag:$0x1] =	stream.linear.gather [hbm4b:s3+s2], $0x4000, $0x38;
	[tilespmem:$0x15000] =	vst v63  }
0xf: {  	_ = 	snop  }
0x10: {  	[tilespmem:s9], [sflag:$0x1] =	stream.linear.gather [hbm4b:s4+s2], $0x1000, $0x38;
	[tilespmem:$0x15000] =	vst v63  }
0x11: {  	_ = 	snop  }
0x12: {  	[tilespmem:s10], [sflag:$0x1] =	stream.linear.gather [hbm4b:s5+s2], $0x4000, $0x38;
	[tilespmem:$0x15000] =	vst v63  }
0x13: {  	s18 =	simm.s32 $0x5040  }
0x14: {  	[tilespmem:s11], [sflag:$0x1] =	stream.linear.gather [hbm4b:s6+s2], $0x4000, $0x38;
	[tilespmem:$0x15000] =	vst v63  }
0x15: {  	[tilespmem:s18+$0xFFFFFFC0] =	vst v0  }
0x16: {  	[tilespmem:s18+$0x30] =	vst v0  }
0x17: {  	[tilespmem:s18+$0x20] =	vst v0  }
0x18: {  	[tilespmem:s18+$0x10] =	vst v0  }
0x19: {  	[tilespmem:s18+$0x0] =	vst v0  }
0x1a: {  	[tilespmem:s18+$0xFFFFFFF0] =	vst v0  }
0x1b: {  	s19 =	simm.s32 $0x0;
	[tilespmem:s18+$0xFFFFFFE0] =	vst v0  }
.LBB2_2:
0x1c: {  	s19 =	sadd.s32 $0x8, s19;
	[tilespmem:s18+$0xFFFFFFD0] =	vst v0;
	s18 =	sadd.s32 $0x80, s18  }
0x1d: {  	[tilespmem:s18+$0xFFFFFFC0] =	vst v0;
	p0 =	slt.u32 s19, $0x7F8  }
0x1e: {  	[tilespmem:s18+$0x30] =	vst v0  }
.Ltmp0:
0x1f: {  	[tilespmem:s18+$0x20] =	vst v0;
	(pc) =	sbr.rel @p0 .LBB2_2-.Ltmp0, $4  }
0x20: {  	[tilespmem:s18+$0x10] =	vst v0  }
0x21: {  	[tilespmem:s18+$0x0] =	vst v0  }
0x22: {  	[tilespmem:s18+$0xFFFFFFF0] =	vst v0  }
0x23: {  	[tilespmem:s18+$0xFFFFFFE0] =	vst v0  }
0x24: {  	[tilespmem:s18+$0xFFFFFFD0] =	vst v0  }
0x25: {  	_ =	swait.ge [sflag:s12], $0x4000  }
0x26: {  	[sflag:s12] =	ssyncset.done $0x0  }
0x27: {  	[sflag:s12] =	ssyncadd.s32 $0xFFFFC000  }
0x28: {  	_ =	swait.ge [sflag:s12], $0x1000  }
0x29: {  	[sflag:s12] =	ssyncset.done $0x0  }
0x2a: {  	[sflag:s12] =	ssyncadd.s32 $0xFFFFF000  }
0x2b: {  	_ =	swait.ge [sflag:s12], $0x4000  }
0x2c: {  	[sflag:s12] =	ssyncset.done $0x0  }
0x2d: {  	[sflag:s12] =	ssyncadd.s32 $0xFFFFC000  }
0x2e: {  	_ =	swait.ge [sflag:s12], $0x4000  }
0x2f: {  	[sflag:s12] =	ssyncset.done $0x0  }
0x30: {  	s31 =	simm.s32 $0xD080;
	[sflag:s12] =	ssyncadd.s32 $0xFFFFC000  }
0x31: {  	v1 =	vld [tilespmem:s31+$0x70]  }
0x32: {  	v2 =	vld [tilespmem:s31+$0xFFFFFF90]  }
0x33: {  	v3 =	vld [tilespmem:s31+$0xFFFFFFA0]  }
0x34: {  	v4 =	vld [tilespmem:s31+$0xFFFFFFB0]  }
0x35: {  	v5 =	vld [tilespmem:s31+$0xFFFFFFC0]  }
0x36: {  	v6 =	vld [tilespmem:s31+$0xFFFFFFD0]  }
0x37: {  	v8 =	vld [tilespmem:s31+$0xFFFFFFE0]  }
0x38: {  	v9 =	vld [tilespmem:s31+$0xFFFFFFF0]  }
0x39: {  	v10 =	vld [tilespmem:s31+$0x0]  }
0x3a: {  	v11 =	vld [tilespmem:s31+$0x10]  }
0x3b: {  	v12 =	vld [tilespmem:s31+$0x20]  }
0x3c: {  	v14 =	vld [tilespmem:s31+$0x30]  }
0x3d: {  	v15 =	vld [tilespmem:s31+$0x40]  }
0x3e: {  	v17 =	vld [tilespmem:s31+$0x50]  }
0x3f: {  	v18 =	vld [tilespmem:s31+$0x60]  }
0x40: {  	s18 =	simm.s32 $0x11080;
	v20 =	vld [tilespmem:s31+$0xFFFFFF80]  }
0x41: {  	v21 =	vld [tilespmem:s18+$0x70]  }
0x42: {  	v41 =	vld [tilespmem:s18+$0xFFFFFF80]  }
0x43: {  	v42 =	vld [tilespmem:s18+$0xFFFFFF90]  }
0x44: {  	v43 =	vld [tilespmem:s18+$0xFFFFFFA0]  }
0x45: {  	v44 =	vld [tilespmem:s18+$0xFFFFFFC0]  }
0x46: {  	v45 =	vld [tilespmem:s18+$0xFFFFFFD0];
	v7 =	vand.u32 $0x3FFF, v1  }
0x47: {  	v46 =	vld [tilespmem:s18+$0xFFFFFFE0];
	v1 =	vshrl.u32 v1, $0xE  }
0x48: {  	v47 =	vld [tilespmem:s18+$0xFFFFFFF0];
	v13 =	vand.u32 $0x3FFF, v2  }
0x49: {  	v48 =	vld [tilespmem:s18+$0x0];
	v2 =	vshrl.u32 v2, $0xE  }
0x4a: {  	v50 =	vld [tilespmem:s18+$0x20];
	v16 =	vand.u32 $0x3FFF, v3  }
0x4b: {  	v3 =	vshrl.u32 v3, $0xE;
	v7 =	vld.idx.msk [tilespmem:v7+s2+$0x0], $0xffff  }
0x4c: {  	v19 =	vand.u32 $0x3FFF, v4;
	v1 =	vld.idx.msk [tilespmem:v1+s9+$0x0], $0xffff  }
0x4d: {  	v4 =	vshrl.u32 v4, $0xE;
	v63 =	vld.idx.msk [tilespmem:v13+s2+$0x0], $0xffff  }
0x4e: {  	v32 =	vand.u32 $0x3FFF, v5;
	v2 =	vld.idx.msk [tilespmem:v2+s9+$0x0], $0xffff  }
0x4f: {  	v5 =	vshrl.u32 v5, $0xE;
	v16 =	vld.idx.msk [tilespmem:v16+s2+$0x0], $0xffff  }
0x50: {  	v22 =	vand.u32 $0x3FFF, v6;
	v3 =	vld.idx.msk [tilespmem:v3+s9+$0x0], $0xffff  }
0x51: {  	v6 =	vshrl.u32 v6, $0xE;
	v19 =	vld.idx.msk [tilespmem:v19+s2+$0x0], $0xffff  }
0x52: {  	v23 =	vand.u32 $0x3FFF, v8;
	v4 =	vld.idx.msk [tilespmem:v4+s9+$0x0], $0xffff  }
0x53: {  	v8 =	vshrl.u32 v8, $0xE;
	v13 =	vld.idx.msk [tilespmem:v32+s2+$0x0], $0xffff  }
0x54: {  	v26 =	vand.u32 $0x3FFF, v10;
	v5 =	vld.idx.msk [tilespmem:v5+s9+$0x0], $0xffff  }
0x55: {  	v10 =	vshrl.u32 v10, $0xE;
	v22 =	vld.idx.msk [tilespmem:v22+s2+$0x0], $0xffff  }
0x56: {  	v27 =	vand.u32 $0x3FFF, v14;
	v6 =	vld.idx.msk [tilespmem:v6+s9+$0x0], $0xffff  }
0x57: {  	v14 =	vshrl.u32 v14, $0xE;
	v33 =	vld.idx.msk [tilespmem:v23+s2+$0x0], $0xffff;
	v1 =	vmul.f32 v1, v7  }
0x58: {  	v28 =	vand.u32 $0x3FFF, v15;
	v8 =	vld.idx.msk [tilespmem:v8+s9+$0x0], $0xffff  }
0x59: {  	v15 =	vshrl.u32 v15, $0xE;
	v26 =	vld.idx.msk [tilespmem:v26+s2+$0x0], $0xffff;
	v1 =	vmul.f32 $1.442695020e+00, v1  }
0x5a: {  	v24 =	vand.u32 $0x3FFF, v9;
	v10 =	vld.idx.msk [tilespmem:v10+s9+$0x0], $0xffff  }
0x5b: {  	v27 =	vld.idx.msk [tilespmem:v27+s2+$0x0], $0xffff;
	(erf) = vpow2.f32 v1;
	v1 =	vand.u32 $0x3FFF, v20  }
0x5c: {  	v14 =	vld.idx.msk [tilespmem:v14+s9+$0x0], $0xffff;
	v20 =	vshrl.u32 v20, $0xE  }
0x5d: {  	v29 =	vand.u32 $0x3FFF, v17;
	v28 =	vld.idx.msk [tilespmem:v28+s2+$0x0], $0xffff  }
0x5e: {  	v17 =	vshrl.u32 v17, $0xE;
	v36 =	vld.idx.msk [tilespmem:v15+s9+$0x0], $0xffff  }
0x5f: {  	v9 =	vshrl.u32 v9, $0xE;
	v34 =	vand.u32 $0x3FFF, v11;
	v24 =	vld.idx.msk [tilespmem:v24+s2+$0x0], $0xffff;
	v2 =	vmul.f32 v2, v63  }
0x60: {  	v11 =	vshrl.u32 v11, $0xE;
	v3 =	vmul.f32 v3, v16;
	v4 =	vmul.f32 v4, v19;
	v1 =	vld.idx.msk [tilespmem:v1+s2+$0x0], $0xffff  }
0x61: {  	v35 =	vand.u32 $0x3FFF, v12;
	v8 =	vmul.f32 v8, v33;
	v10 =	vmul.f32 v10, v26;
	v20 =	vld.idx.msk [tilespmem:v20+s9+$0x0], $0xffff  }
0x62: {  	v12 =	vshrl.u32 v12, $0xE;
	v37 =	vld.idx.msk [tilespmem:v29+s2+$0x0], $0xffff;
	v52 =	vmul.f32 v14, v27;
	v2 =	vmul.f32 $1.442695020e+00, v2  }
0x63: {  	v38 =	vld.idx.msk [tilespmem:v17+s9+$0x0], $0xffff;
	v7 =	vmul.f32 v36, v28;
	v3 =	vmul.f32 $1.442695020e+00, v3  }
0x64: {  	v9 =	vld.idx.msk [tilespmem:v9+s9+$0x0], $0xffff;
	(erf) = vpow2.f32 v2;
	v2 =	vmul.f32 v5, v13  }
0x65: {  	v23 =	vld.idx.msk [tilespmem:v34+s2+$0x0], $0xffff;
	(erf) = vpow2.f32 v3;
	v3 =	vmul.f32 $1.442695020e+00, v4  }
0x66: {  	v11 =	vld.idx.msk [tilespmem:v11+s9+$0x0], $0xffff;
	v2 =	vmul.f32 $1.442695020e+00, v2;
	v1 =	vmul.f32 v20, v1  }
0x67: {  	v30 =	vand.u32 $0x3FFF, v18;
	v12 =	vld.idx.msk [tilespmem:v12+s9+$0x0], $0xffff;
	(erf) = vpow2.f32 v3;
	v3 =	vmul.f32 v6, v22;
	v25 =	vpop (erf)  }
0x68: {  	v18 =	vshrl.u32 v18, $0xE;
	v58 =	vmul.f32 v38, v37;
	[tilespmem:v21+s13+$0x0] =	vst.idx.add.f32.msk $0xffff, v25;
	v1 =	vmul.f32 $1.442695020e+00, v1  }
0x69: {  	(erf) = vpow2.f32 v2;
	v3 =	vmul.f32 $1.442695020e+00, v3;
	v25 =	vld.idx.msk [tilespmem:v35+s2+$0x0], $0xffff  }
0x6a: {  	v2 =	vld [tilespmem:s18+$0xFFFFFFB0];
	(erf) = vpow2.f32 v1;
	v1 =	vmul.f32 v9, v24  }
0x6b: {  	v53 =	vld [tilespmem:s18+$0x30];
	(erf) = vpow2.f32 v3;
	v3 =	vmul.f32 $1.442695020e+00, v8  }
0x6c: {  	v39 =	vld.idx.msk [tilespmem:v30+s2+$0x0], $0xffff;
	v10 =	vmul.f32 $1.442695020e+00, v10;
	v1 =	vmul.f32 $1.442695020e+00, v1  }
0x6d: {  	v40 =	vld.idx.msk [tilespmem:v18+s9+$0x0], $0xffff;
	(erf) = vpow2.f32 v3;
	v3 =	vmul.f32 v11, v23  }
0x6e: {  	v56 =	vld [tilespmem:s18+$0x50];
	v7 =	vmul.f32 $1.442695020e+00, v7;
	v12 =	vmul.f32 v12, v25  }
0x6f: {  	v59 =	vld [tilespmem:s18+$0x60];
	v49 =	vpop (erf);
	(erf) = vpow2.f32 v1;
	v3 =	vmul.f32 $1.442695020e+00, v3  }
0x70: {  	v51 =	vpop (erf);
	[tilespmem:v42+s13+$0x0] =	vst.idx.add.f32.msk $0xffff, v49;
	v12 =	vmul.f32 $1.442695020e+00, v12;
	(erf) = vpow2.f32 v10  }
0x71: {  	[tilespmem:v43+s13+$0x0] =	vst.idx.add.f32.msk $0xffff, v51;
	v54 =	vpop (erf);
	v10 =	vmul.f32 $1.442695020e+00, v52;
	(erf) = vpow2.f32 v3  }
0x72: {  	v5 =	vmul.f32 v40, v39;
	[tilespmem:v2+s13+$0x0] =	vst.idx.add.f32.msk $0xffff, v54;
	(erf) = vpow2.f32 v12  }
0x73: {  	v60 =	vmul.f32 $1.442695020e+00, v58;
	v55 =	vpop (erf);
	v1 =	vld [tilespmem:s18+$0x10];
	(erf) = vpow2.f32 v10  }
0x74: {  	v5 =	vmul.f32 $1.442695020e+00, v5;
	[tilespmem:v44+s13+$0x0] =	vst.idx.add.f32.msk $0xffff, v55;
	v57 =	vpop (erf);
	(erf) = vpow2.f32 v7  }
0x75: {  	v3 =	vld [tilespmem:s18+$0x40];
	(erf) = vpow2.f32 v60  }
0x76: {  	[tilespmem:v41+s13+$0x0] =	vst.idx.add.f32.msk $0xffff, v57;
	v2 =	vpop (erf);
	(erf) = vpow2.f32 v5  }
0x77: {  	[tilespmem:v45+s13+$0x0] =	vst.idx.add.f32.msk $0xffff, v2;
	v61 =	vpop (erf)  }
0x78: {  	v2 =	vpop (erf);
	[tilespmem:v46+s13+$0x0] =	vst.idx.add.f32.msk $0xffff, v61  }
0x79: {  	v62 =	vpop (erf);
	[tilespmem:v47+s13+$0x0] =	vst.idx.add.f32.msk $0xffff, v2  }
0x7a: {  	[tilespmem:v48+s13+$0x0] =	vst.idx.add.f32.msk $0xffff, v62;
	v2 =	vpop (erf)  }
0x7b: {  	v63 =	vpop (erf);
	[tilespmem:v1+s13+$0x0] =	vst.idx.add.f32.msk $0xffff, v2  }
0x7c: {  	v1 =	vpop (erf);
	[tilespmem:v50+s13+$0x0] =	vst.idx.add.f32.msk $0xffff, v63  }
0x7d: {  	v2 =	vpop (erf);
	[tilespmem:v53+s13+$0x0] =	vst.idx.add.f32.msk $0xffff, v1  }
0x7e: {  	v1 =	vpop (erf);
	[tilespmem:v3+s13+$0x0] =	vst.idx.add.f32.msk $0xffff, v2  }
0x7f: {  	v2 =	vpop (erf);
	[tilespmem:v56+s13+$0x0] =	vst.idx.add.f32.msk $0xffff, v1  }
0x80: {  	s19 =	simm.s32 $0x0;
	s20 =	simm.s32 $0xD180;
	[tilespmem:v59+s13+$0x0] =	vst.idx.add.f32.msk $0xffff, v2  }
.LBB2_4:
0x81: {  	v1 =	vld [tilespmem:s20+$0x70]  }
0x82: {  	s19 =	sadd.s32 $0x10, s19;
	v2 =	vld [tilespmem:s20+$0xFFFFFF90]  }
0x83: {  	p0 =	slt.u32 s19, $0x3F0;
	v3 =	vld [tilespmem:s20+$0xFFFFFFA0]  }
0x84: {  	v4 =	vld [tilespmem:s20+$0xFFFFFFB0]  }
0x85: {  	v5 =	vld [tilespmem:s20+$0xFFFFFFC0]  }
0x86: {  	v6 =	vld [tilespmem:s20+$0xFFFFFFD0];
	v7 =	vand.u32 $0x3FFF, v1  }
0x87: {  	v1 =	vshrl.u32 v1, $0xE;
	v8 =	vshrl.u32 v2, $0xE;
	v2 =	vand.u32 $0x3FFF, v2;
	v9 =	vld [tilespmem:s20+$0xFFFFFFE0]  }
0x88: {  	v10 =	vshrl.u32 v3, $0xE;
	v3 =	vand.u32 $0x3FFF, v3;
	v11 =	vld [tilespmem:s20+$0xFFFFFFF0]  }
0x89: {  	v12 =	vshrl.u32 v4, $0xE;
	v4 =	vand.u32 $0x3FFF, v4;
	v13 =	vld [tilespmem:s20+$0x0]  }
0x8a: {  	v14 =	vshrl.u32 v5, $0xE;
	v5 =	vand.u32 $0x3FFF, v5;
	v15 =	vld [tilespmem:s20+$0x10]  }
0x8b: {  	v16 =	vshrl.u32 v6, $0xE;
	v6 =	vand.u32 $0x3FFF, v6;
	v7 =	vld.idx.msk [tilespmem:v7+s2+$0x0], $0xffff  }
0x8c: {  	v17 =	vshrl.u32 v9, $0xE;
	v9 =	vand.u32 $0x3FFF, v9;
	v1 =	vld.idx.msk [tilespmem:v1+s9+$0x0], $0xffff  }
0x8d: {  	v18 =	vshrl.u32 v11, $0xE;
	v11 =	vand.u32 $0x3FFF, v11;
	v19 =	vld [tilespmem:s20+$0x20]  }
0x8e: {  	v20 =	vshrl.u32 v13, $0xE;
	v13 =	vand.u32 $0x3FFF, v13;
	v21 =	vld [tilespmem:s20+$0x30]  }
0x8f: {  	v22 =	vshrl.u32 v15, $0xE;
	v15 =	vand.u32 $0x3FFF, v15;
	v23 =	vld [tilespmem:s20+$0x40]  }
0x90: {  	v24 =	vld [tilespmem:s20+$0x50]  }
0x91: {  	v25 =	vld [tilespmem:s20+$0x60]  }
0x92: {  	v1 =	vmul.f32 v1, v7;
	v26 =	vld [tilespmem:s20+$0xFFFFFF80];
	v27 =	vshrl.u32 v19, $0xE;
	v19 =	vand.u32 $0x3FFF, v19  }
0x93: {  	v2 =	vld.idx.msk [tilespmem:v2+s2+$0x0], $0xffff;
	v7 =	vshrl.u32 v21, $0xE;
	v21 =	vand.u32 $0x3FFF, v21  }
0x94: {  	v1 =	vmul.f32 $1.442695020e+00, v1;
	v8 =	vld.idx.msk [tilespmem:v8+s9+$0x0], $0xffff;
	v28 =	vshrl.u32 v23, $0xE;
	v23 =	vand.u32 $0x3FFF, v23  }
0x95: {  	v3 =	vld.idx.msk [tilespmem:v3+s2+$0x0], $0xffff;
	v29 =	vshrl.u32 v24, $0xE;
	v24 =	vand.u32 $0x3FFF, v24  }
0x96: {  	v10 =	vld.idx.msk [tilespmem:v10+s9+$0x0], $0xffff;
	v30 =	vshrl.u32 v25, $0xE;
	v25 =	vand.u32 $0x3FFF, v25;
	(erf) = vpow2.f32 v1  }
0x97: {  	s18 =	sadd.s32 $0x100, s18;
	v1 =	vshrl.u32 v26, $0xE;
	v26 =	vand.u32 $0x3FFF, v26;
	v4 =	vld.idx.msk [tilespmem:v4+s2+$0x0], $0xffff  }
0x98: {  	v31 =	vld [tilespmem:s18+$0x70]  }
0x99: {  	v12 =	vld.idx.msk [tilespmem:v12+s9+$0x0], $0xffff  }
0x9a: {  	v2 =	vmul.f32 v8, v2;
	v5 =	vld.idx.msk [tilespmem:v5+s2+$0x0], $0xffff  }
0x9b: {  	v8 =	vld.idx.msk [tilespmem:v14+s9+$0x0], $0xffff  }
0x9c: {  	v2 =	vmul.f32 $1.442695020e+00, v2;
	v3 =	vmul.f32 v10, v3;
	v14 =	vld.idx.msk [tilespmem:v26+s2+$0x0], $0xffff  }
0x9d: {  	v1 =	vld.idx.msk [tilespmem:v1+s9+$0x0], $0xffff  }
0x9e: {  	v3 =	vmul.f32 $1.442695020e+00, v3;
	v6 =	vld.idx.msk [tilespmem:v6+s2+$0x0], $0xffff;
	(erf) = vpow2.f32 v2  }
0x9f: {  	v2 =	vmul.f32 v12, v4;
	v4 =	vld.idx.msk [tilespmem:v16+s9+$0x0], $0xffff;
	v10 =	vpop (erf)  }
0xa0: {  	[tilespmem:v31+s13+$0x0] =	vst.idx.add.f32.msk $0xffff, v10;
	(erf) = vpow2.f32 v3  }
0xa1: {  	v2 =	vmul.f32 $1.442695020e+00, v2;
	v3 =	vmul.f32 v8, v5;
	v5 =	vld.idx.msk [tilespmem:v9+s2+$0x0], $0xffff  }
0xa2: {  	v8 =	vld.idx.msk [tilespmem:v17+s9+$0x0], $0xffff  }
0xa3: {  	v1 =	vmul.f32 v1, v14;
	v3 =	vmul.f32 $1.442695020e+00, v3;
	v9 =	vld.idx.msk [tilespmem:v11+s2+$0x0], $0xffff  }
0xa4: {  	v10 =	vld.idx.msk [tilespmem:v18+s9+$0x0], $0xffff;
	(erf) = vpow2.f32 v2  }
0xa5: {  	v11 =	vmul.f32 $1.442695020e+00, v1;
	v2 =	vmul.f32 v4, v6;
	v4 =	vld.idx.msk [tilespmem:v13+s2+$0x0], $0xffff  }
0xa6: {  	v6 =	vld.idx.msk [tilespmem:v20+s9+$0x0], $0xffff;
	(erf) = vpow2.f32 v3  }
0xa7: {  	v2 =	vmul.f32 $1.442695020e+00, v2;
	v3 =	vld.idx.msk [tilespmem:v15+s2+$0x0], $0xffff;
	(erf) = vpow2.f32 v11;
	v1 =	vpop (erf)  }
0xa8: {  	v5 =	vmul.f32 v8, v5;
	v8 =	vld.idx.msk [tilespmem:v22+s9+$0x0], $0xffff  }
0xa9: {  	v11 =	vld.idx.msk [tilespmem:v19+s2+$0x0], $0xffff;
	v12 =	vpop (erf);
	(erf) = vpow2.f32 v2  }
0xaa: {  	v2 =	vmul.f32 $1.442695020e+00, v5;
	v5 =	vmul.f32 v10, v9;
	v9 =	vld.idx.msk [tilespmem:v27+s9+$0x0], $0xffff  }
0xab: {  	v10 =	vld.idx.msk [tilespmem:v21+s2+$0x0], $0xffff  }
0xac: {  	v5 =	vmul.f32 $1.442695020e+00, v5;
	v4 =	vmul.f32 v6, v4;
	v6 =	vld.idx.msk [tilespmem:v7+s9+$0x0], $0xffff  }
0xad: {  	v7 =	vld.idx.msk [tilespmem:v23+s2+$0x0], $0xffff;
	v13 =	vpop (erf);
	(erf) = vpow2.f32 v2  }
0xae: {  	v2 =	vmul.f32 $1.442695020e+00, v4;
	v3 =	vmul.f32 v8, v3;
	v4 =	vld.idx.msk [tilespmem:v28+s9+$0x0], $0xffff  }
0xaf: {  	v8 =	vld.idx.msk [tilespmem:v24+s2+$0x0], $0xffff;
	v14 =	vpop (erf);
	(erf) = vpow2.f32 v5  }
0xb0: {  	v3 =	vmul.f32 $1.442695020e+00, v3;
	v5 =	vmul.f32 v9, v11;
	v9 =	vld.idx.msk [tilespmem:v29+s9+$0x0], $0xffff;
	v11 =	vpop (erf)  }
0xb1: {  	v15 =	vld.idx.msk [tilespmem:v25+s2+$0x0], $0xffff;
	(erf) = vpow2.f32 v2  }
0xb2: {  	v2 =	vmul.f32 $1.442695020e+00, v5;
	v5 =	vmul.f32 v6, v10;
	v6 =	vld.idx.msk [tilespmem:v30+s9+$0x0], $0xffff;
	v10 =	vpop (erf)  }
0xb3: {  	v16 =	vld [tilespmem:s18+$0xFFFFFF80];
	(erf) = vpow2.f32 v3  }
0xb4: {  	v5 =	vmul.f32 $1.442695020e+00, v5;
	v4 =	vmul.f32 v4, v7;
	v3 =	vld [tilespmem:s18+$0xFFFFFF90]  }
0xb5: {  	v7 =	vld [tilespmem:s18+$0xFFFFFFA0];
	(erf) = vpow2.f32 v2  }
0xb6: {  	v4 =	vmul.f32 $1.442695020e+00, v4;
	v8 =	vmul.f32 v9, v8;
	v2 =	vld [tilespmem:s18+$0xFFFFFFB0];
	v9 =	vpop (erf)  }
0xb7: {  	v17 =	vld [tilespmem:s18+$0xFFFFFFC0];
	(erf) = vpow2.f32 v5  }
0xb8: {  	v8 =	vmul.f32 $1.442695020e+00, v8;
	v6 =	vmul.f32 v6, v15;
	v5 =	vld [tilespmem:s18+$0xFFFFFFD0];
	v15 =	vpop (erf)  }
0xb9: {  	v18 =	vld [tilespmem:s18+$0xFFFFFFE0];
	(erf) = vpow2.f32 v4  }
0xba: {  	v6 =	vmul.f32 $1.442695020e+00, v6;
	v4 =	vld [tilespmem:s18+$0xFFFFFFF0];
	v19 =	vpop (erf);
	(erf) = vpow2.f32 v8  }
0xbb: {  	v8 =	vld [tilespmem:s18+$0x0]  }
0xbc: {  	v20 =	vld [tilespmem:s18+$0x10];
	v21 =	vpop (erf);
	(erf) = vpow2.f32 v6  }
0xbd: {  	v6 =	vld [tilespmem:s18+$0x20]  }
0xbe: {  	v22 =	vld [tilespmem:s18+$0x30];
	v23 =	vpop (erf)  }
0xbf: {  	v24 =	vld [tilespmem:s18+$0x40]  }
0xc0: {  	v25 =	vld [tilespmem:s18+$0x50];
	v26 =	vpop (erf)  }
0xc1: {  	v27 =	vld [tilespmem:s18+$0x60]  }
0xc2: {  	[tilespmem:v16+s13+$0x0] =	vst.idx.add.f32.msk $0xffff, v11;
	v11 =	vpop (erf)  }
0xc3: {  	[tilespmem:v3+s13+$0x0] =	vst.idx.add.f32.msk $0xffff, v1;
	v1 =	vpop (erf)  }
0xc4: {  	[tilespmem:v7+s13+$0x0] =	vst.idx.add.f32.msk $0xffff, v12  }
0xc5: {  	[tilespmem:v2+s13+$0x0] =	vst.idx.add.f32.msk $0xffff, v13;
	v2 =	vpop (erf)  }
0xc6: {  	[tilespmem:v17+s13+$0x0] =	vst.idx.add.f32.msk $0xffff, v14  }
0xc7: {  	[tilespmem:v5+s13+$0x0] =	vst.idx.add.f32.msk $0xffff, v10  }
0xc8: {  	[tilespmem:v18+s13+$0x0] =	vst.idx.add.f32.msk $0xffff, v9  }
0xc9: {  	[tilespmem:v4+s13+$0x0] =	vst.idx.add.f32.msk $0xffff, v15  }
0xca: {  	[tilespmem:v8+s13+$0x0] =	vst.idx.add.f32.msk $0xffff, v19  }
0xcb: {  	[tilespmem:v20+s13+$0x0] =	vst.idx.add.f32.msk $0xffff, v21  }
.Ltmp1:
0xcc: {  	[tilespmem:v6+s13+$0x0] =	vst.idx.add.f32.msk $0xffff, v23;
	(pc) =	sbr.rel @p0 .LBB2_4-.Ltmp1, $4  }
0xcd: {  	[tilespmem:v22+s13+$0x0] =	vst.idx.add.f32.msk $0xffff, v26  }
0xce: {  	[tilespmem:v24+s13+$0x0] =	vst.idx.add.f32.msk $0xffff, v11  }
0xcf: {  	[tilespmem:v25+s13+$0x0] =	vst.idx.add.f32.msk $0xffff, v1  }
0xd0: {  	s20 =	sadd.s32 $0x100, s20;
	[tilespmem:v27+s13+$0x0] =	vst.idx.add.f32.msk $0xffff, v2  }
0xd1: {  	s17 =	sadd.s32 $0x1, s17  }
0xd2: {  	p0 =	sne.s32 s17, s8  }
.Ltmp2:
0xd3: {  	_ = 	snop;
	(pc) =	sbr.rel @p0 .LBB2_1-.Ltmp2, $4  }
0xd4: {  	[hbm4b:s7+s14] =	stream.strided.scatter [tilespmem:s13], [sflag:$0x2], $0x8000, s15, s14, $0x38;
	[tilespmem:$0x15000] =	vst v63  }
0xd5: {  	_ =	swait.ge [sflag:s16], $0x8000  }
0xd6: {  	[sflag:s16] =	ssyncset.done $0x0  }
0xd7: {  	[sflag:s16] =	ssyncadd.s32 $0xFFFF8000  }
0xd8: {  	_ =	sfence.sel $0x180000  }
0xd9: {  	[bflag:$0x0] =	sbarrier.arrive $0xFFFF  }
0xda: {  	p0 =	sne.s32 s1, $0x0;
	_ =	strace $0x9000005C  }
0xdb: {  	s0 =	sadd.s32 @!p0 $0x100000, s0;
	[bflag:$0x2] =	sbarrier.arrive $0xFFFF  }
0xdc: {  	[sflag:s0] =	ssyncadd.tile.s32 @!p0 $0x1;
	_ =	shalt  }
.Lfunc_end2:
_tile_overlayer_lowered:
.L_overlay_start_2:
0xdd: {  	(tag) =	ssettag $0x2  }
0xde: {  	s0 =	rddreg [dreg:$0x0];
	s2 =	stileid.u32  }
0xdf: {  	s1 =	rddreg [dreg:$0x1];
	p0 =	sne.s32 s2, $0x0  }
0xe0: {  	s3 =	rddreg [dreg:$0x2];
	[bflag:$0x3] =	sbarrier.arrive $0xFFFF;
	s2 =	simm.s32 @!p0 $0x1C02  }
0xe1: {  	[timem:s3], [sflag:s2] =	dma.local @!p0 [hbm:s0], s1  }
0xe2: {  	s0 =	simm.s32 @!p0 $0x2  }
0xe3: {  	_ =	swait.ge @!p0 [sflag:s0], s1  }
0xe4: {  	s1 =	ssub.s32 @!p0 $0x0, s1;
	[sflag:s0] =	ssyncset.done @!p0 $0x0  }
0xe5: {  	[sflag:s0] =	ssyncadd.s32 @!p0 s1  }
0xe6: {  	[bflag:$0x3] =	sbarrier.arrive $0xFFFF  }
0xe7: {  	_ =	shalt  }

// kernel: kernel.47.cloned.1.call-start
scs
__scs_entry_jumppad:
0x0: {  	(pc) =	sbr.rel $0x88, $3  }
0x1: {  	(tag) =	ssettag $0x0;
	lr =	simm.s32 $0x1  }
0x2: {  	[smem:$0x3F9D] =	sst lr;
	_ =	strace $0xD0000000  }
0x3: {  	_ = 	snop  }
0x4: {  	_ = 	snop  }
0x5: {  	_ = 	snop  }
0x6: {  	_ = 	snop  }
0x7: {  	_ = 	snop  }
__scs_overlays_trampoline_lowered:
0x8: {  	[smem:$0x3FAC] =	sst s0  }
0x9: {  	[smem:$0x3FAD] =	sst s1  }
0xa: {  	[smem:$0x3FAE] =	sst s2  }
0xb: {  	[smem:$0x3FAF] =	sst s3  }
0xc: {  	[smem:$0x3FB0] =	sst s4  }
0xd: {  	[smem:$0x3FB1] =	sst s5  }
0xe: {  	[smem:$0x3FB2] =	sst s6  }
0xf: {  	[smem:$0x3FB3] =	sst s7  }
0x10: {  	[smem:$0x3FB4] =	sst s8  }
0x11: {  	[smem:$0x3FB5] =	sst s9;
	s0 =	simm.s32 @!p0 $0x0  }
0x12: {  	s1 =	sld [smem:$0x3F9B];
	s0 =	simm.s32 @p0 $0x1  }
0x13: {  	[smem:$0x3FB6] =	sst s0;
	s0 =	simm.s32 @!p1 $0x0  }
0x14: {  	s2 =	sld [smem:$0x3F9A];
	s0 =	simm.s32 @p1 $0x1  }
0x15: {  	[smem:$0x3FB7] =	sst s0;
	s0 =	simm.s32 @!p2 $0x0  }
0x16: {  	s3 =	sld [smem:$0x3FDB];
	s0 =	simm.s32 @p2 $0x1  }
0x17: {  	s4 =	simm.s32 $0x1BF5;
	[smem:$0x3FB9] =	sst s0  }
0x18: {  	s0 =	sld [smem:$0x3F9C];
	_ =	swait.ge [sflag:s4], $0x0  }
0x19: {  	s7 =	sld [smem:$0x3F9D]  }
0x1a: {  	s8 =	sadd.s32 $0xFFFFE003, lr  }
0x1b: {  	s9 =	sadd.s32 $0xFFFFFEF7, lr;
	s5 =	simm.s32 $0xFFFFFFFF;
	p2 =	slt.u32 s8, $0xFFFFF086  }
0x1c: {  	p1 =	slt.u32 s9, $0xF7A;
	s5 =	simm.s32 @!p2 $0x0  }
0x1d: {  	s5 =	simm.s32 @p1 $0x1;
	p0 =	seq.s32 s7, s2  }
0x1e: {  	s7 =	smul.u32 @!p0 $0xF7A, s2;
	p2 =	seq.s32 @!p0 s5, $0x0  }
0x1f: {  	s9 =	smul.u32 $0xF7A, s1;
	s8 =	simm.s32 @!p0 $0x1BF5;
	p2 =	por !p2, p0  }
0x20: {  	[sflag:s8] =	ssyncset.s32 @!p0 $0xFFFFF086;
	s6 =	sadd.s32 @!p0 s3, s7;
	s7 =	simm.s32 @!p0 $0x108  }
0x21: {  	s3 =	sadd.s32 s3, s9;
	s6 =	sadd.s32 @!p0 $0x88, s6;
	s7 =	simm.s32 @p2 $0x1082  }
0x22: {  	[simem:s7], [sflag:s8] =	dma.local @!p0 [hbm:s6], $0xF7A  }
0x23: {  	s9 =	sor.u32 $0xD0000000, s2;
	s6 =	simm.s32 $0x108;
	_ =	swait.ge @!p0 [sflag:s8], $0x0  }
0x24: {  	s3 =	sadd.s32 $0x88, s3;
	s6 =	simm.s32 @!p1 $0x1082;
	[sflag:s4] =	ssyncset.s32 $0xFFFFF086  }
0x25: {  	[simem:s6], [sflag:s4] =	dma.local [hbm:s3], $0xF7A  }
0x26: {  	[smem:$0x3F9D] =	sst s1;
	(tag) =	ssettag s2;
	_ =	strace s9  }
0x27: {  	s1 =	sld [smem:$0x3FAD]  }
0x28: {  	s2 =	sld [smem:$0x3FAE]  }
0x29: {  	s4 =	sld [smem:$0x3FB0]  }
0x2a: {  	p0 =	seq.s32 s5, $0x0;
	s5 =	sld [smem:$0x3FB1]  }
0x2b: {  	s6 =	sld [smem:$0x3FB2]  }
0x2c: {  	s7 =	sld [smem:$0x3FB3]  }
0x2d: {  	s3 =	simm.s32 $0x108;
	s8 =	sld [smem:$0x3FB4]  }
0x2e: {  	s3 =	simm.s32 @!p0 $0x1082;
	s9 =	sld [smem:$0x3FB5]  }
0x2f: {  	lr =	sadd.s32 s0, s3;
	s0 =	sld [smem:$0x3FAC]  }
0x30: {  	s3 =	sld [smem:$0x3FAF]  }
0x31: {  	[smem:$0x3FB8] =	sst s10  }
0x32: {  	s10 =	sld [smem:$0x3FB6];
	_ =	sdelay $0x3  }
0x33: {  	p0 =	seq.s32 s10, $0x1;
	s10 =	sld [smem:$0x3FB8];
	_ =	sdelay $0x3  }
0x34: {  	[smem:$0x3FB8] =	sst s10  }
0x35: {  	s10 =	sld [smem:$0x3FB7];
	_ =	sdelay $0x3  }
0x36: {  	p1 =	seq.s32 s10, $0x1;
	s10 =	sld [smem:$0x3FB8];
	_ =	sdelay $0x3  }
0x37: {  	[smem:$0x3FB8] =	sst s10  }
0x38: {  	s10 =	sld [smem:$0x3FB9]  }
0x39: {  	_ = 	snop;
	(pc) =	sbr.ind lr, $3  }
0x3a: {  	_ = 	snop  }
0x3b: {  	_ = 	snop  }
0x3c: {  	p2 =	seq.s32 s10, $0x1;
	s10 =	sld [smem:$0x3FB8]  }
0x3d: {  	_ =	shalt  }
0x3e: {  	_ =	shalt  }
0x3f: {  	_ =	shalt  }
0x40: {  	_ =	shalt  }
0x41: {  	_ =	shalt  }
0x42: {  	_ =	shalt  }
0x43: {  	_ =	shalt  }
0x44: {  	_ =	shalt  }
0x45: {  	_ =	shalt  }
0x46: {  	_ =	shalt  }
0x47: {  	_ =	shalt  }
0x48: {  	_ =	shalt  }
0x49: {  	_ =	shalt  }
0x4a: {  	_ =	shalt  }
0x4b: {  	_ =	shalt  }
0x4c: {  	_ =	shalt  }
0x4d: {  	_ =	shalt  }
0x4e: {  	_ =	shalt  }
0x4f: {  	_ =	shalt  }
0x50: {  	_ =	shalt  }
0x51: {  	_ =	shalt  }
0x52: {  	_ =	shalt  }
0x53: {  	_ =	shalt  }
0x54: {  	_ =	shalt  }
0x55: {  	_ =	shalt  }
0x56: {  	_ =	shalt  }
0x57: {  	_ =	shalt  }
0x58: {  	_ =	shalt  }
0x59: {  	_ =	shalt  }
0x5a: {  	_ =	shalt  }
0x5b: {  	_ =	shalt  }
0x5c: {  	_ =	shalt  }
0x5d: {  	_ =	shalt  }
0x5e: {  	_ =	shalt  }
0x5f: {  	_ =	shalt  }
0x60: {  	_ =	shalt  }
0x61: {  	_ =	shalt  }
0x62: {  	_ =	shalt  }
0x63: {  	_ =	shalt  }
0x64: {  	_ =	shalt  }
0x65: {  	_ =	shalt  }
0x66: {  	_ =	shalt  }
0x67: {  	_ =	shalt  }
0x68: {  	_ =	shalt  }
0x69: {  	_ =	shalt  }
0x6a: {  	_ =	shalt  }
0x6b: {  	_ =	shalt  }
0x6c: {  	_ =	shalt  }
0x6d: {  	_ =	shalt  }
0x6e: {  	_ =	shalt  }
0x6f: {  	_ =	shalt  }
0x70: {  	_ =	shalt  }
0x71: {  	_ =	shalt  }
0x72: {  	_ =	shalt  }
0x73: {  	_ =	shalt  }
0x74: {  	_ =	shalt  }
0x75: {  	_ =	shalt  }
0x76: {  	_ =	shalt  }
0x77: {  	_ =	shalt  }
0x78: {  	_ =	shalt  }
0x79: {  	_ =	shalt  }
0x7a: {  	_ =	shalt  }
0x7b: {  	_ =	shalt  }
0x7c: {  	_ =	shalt  }
0x7d: {  	_ =	shalt  }
0x7e: {  	_ =	shalt  }
0x7f: {  	_ =	shalt  }
0x80: {  	_ =	shalt  }
0x81: {  	_ =	shalt  }
0x82: {  	_ =	shalt  }
0x83: {  	_ =	shalt  }
0x84: {  	_ =	shalt  }
0x85: {  	_ =	shalt  }
0x86: {  	_ =	shalt  }
0x87: {  	_ =	shalt  }
.Lfunc_end0:
.L_simem_size_0:
called_computation.8_lowered:
.L_overlay_start_0:
0x88: {  	s2 =	sld [smem:$0x3FD9]  }
0x89: {  	s3 =	sld [smem:$0x3FFE];
	_ =	sdelay $0x1  }
0x8a: {  	s1 =	srdreg.scid  }
0x8b: {  	s0 =	sand.u32 $0x1, s1  }
0x8c: {  	s17 =	sshll.u32 s0, $0xA;
	s2 =	sadd.s32 s3, s2  }
0x8d: {  	s2 =	sadd.s32 s2, s17  }
0x8e: {  	[smem:$0x3FC4] =	sst s2  }
0x8f: {  	_ = 	snop  }
0x90: {  	s2 =	sld [smem:$0x3FD0];
	(tm) =	ssettm $0x1  }
0x91: {  	s18 =	sld [smem:$0x3FFB];
	_ =	sdelay $0x3  }
0x92: {  	_ =	strace s18  }
0x93: {  	s3 =	sld [smem:$0x3FFC];
	_ =	sdelay $0x3  }
0x94: {  	_ =	strace s3  }
0x95: {  	s3 =	sld [smem:$0x3FFD];
	_ =	sdelay $0x3  }
0x96: {  	_ =	strace s3  }
0x97: {  	_ =	strace $0x8FFFFFFF  }
0x98: {  	s19 =	sld [smem:$0x3FDB];
	_ =	sdelay $0x1  }
0x99: {  	s4 =	simm.s32 $_scs_section_size  }
0x9a: {  	s5 =	simm.s32 $_size__tile_overlayer_lowered;
	s6 =	simm.s32 $_tile_overlayer_lowered  }
0x9b: {  	s22 =	simm.s32 $0x1BFF;
	s21 =	sshll.u32 s6, $0x1;
	s3 =	sadd.s32 s4, s19  }
0x9c: {  	s7 =	simm.s32 $0x0;
	s20 =	sshll.u32 s5, $0x1;
	s5 =	sadd.s32 s21, s3  }
0x9d: {  	[timem:s7], [sflag:s22] =	dma.local [hbm:s5], s20  }
0x9e: {  	_ =	swait.ge [sflag:s22], s20  }
0x9f: {  	s4 =	ssub.s32 $0x0, s20;
	[sflag:s22] =	ssyncset.done $0x0  }
0xa0: {  	[sflag:s22] =	ssyncadd.s32 s4;
	_ =	sdelay $0x1  }
0xa1: {  	s23 =	simm.s32 $0x1B8B  }
0xa2: {  	_ =	swait.ge [sflag:s23], $0x1  }
0xa3: {  	[sflag:s23] =	ssyncset.done $0x0  }
0xa4: {  	s25 =	simm.s32 $0x1B8E;
	s24 =	sld [smem:$0x3FFE];
	[sflag:s23] =	ssyncadd.s32 $0xFFFFFFFF  }
0xa5: {  	s26 =	simm.s32 $execute0_lowered;
	[smem:$0x3FD2] =	sst s25  }
0xa6: {  	s5 =	sshll.u32 s26, $0x1;
	_ =	strace $0x8000005E;
	[dreg:$0x1] =	wrdreg $0xFFFFFFFF  }
0xa7: {  	s28 =	simm.s32 $_size_execute0_lowered;
	s3 =	sadd.s32 s3, s5;
	[dreg:$0x0] =	wrdreg $0x0  }
0xa8: {  	s5 =	sshll.u32 s28, $0x1;
	[dreg:$0x2] =	wrdreg s3  }
0xa9: {  	[dreg:$0x3] =	wrdreg s5  }
0xaa: {  	[dreg:$0x4] =	wrdreg $0xC0  }
0xab: {  	_ =	task [dreg:s7], $0x5FFFF  }
0xac: {  	[dreg:$0x1] =	wrdreg $0xFFFFFFFF  }
0xad: {  	[dreg:$0x0] =	wrdreg $0x60  }
0xae: {  	[dreg:$0x2] =	wrdreg s2  }
0xaf: {  	[dreg:$0x3] =	wrdreg s24  }
0xb0: {  	[dreg:$0x4] =	wrdreg $0x9  }
0xb1: {  	_ =	task.clear_ibuf [dreg:s7], $0x5FFFF;
	_ =	strace $0x9000005E  }
0xb2: {  	s29 =	simm.s32 $0x9;
	_ =	strace $0x80000060  }
0xb3: {  	_ =	swait.ge [sflag:s29], $0x1  }
0xb4: {  	[sflag:s29] =	ssyncadd.s32 $0xFFFFFFFF  }
0xb5: {  	_ =	strace $0x90000060  }
0xb6: {  	_ =	sfence  }
0xb7: {  	s30 =	sld [smem:$0x0];
	_ =	sdelay $0x2  }
0xb8: {  	s31 =	sshll.u32 s1, $0xD;
	s1 =	sshrl.u32 s1, $0x2  }
0xb9: {  	s3 =	sand.u32 $0x4000, s31;
	s1 =	sadd.s32 s1, s30  }
0xba: {  	s0 =	sor.u32 s3, s0;
	s1 =	sshll.u32 s1, $0x11  }
0xbb: {  	s0 =	sor.u32 s1, s0  }
0xbc: {  	s0 =	sadd.s32 $0x8F2B, s0  }
0xbd: {  	[sflag:s0] =	ssyncadd.remote.s32 $0x1  }
0xbe: {  	_ =	sfence.sel $0xFFFF  }
0xbf: {  	[dreg:$0x0] =	wrdreg $0xFFFFFFFF;
	(pc) =	sbr.abs _section_cstart, $3  }
0xc0: {  	[dreg:$0x1] =	wrdreg $0xFFFFFFFF  }
0xc1: {  	_ =	task.clear_ibuf [dreg:s7], $0x2FFFF;
	_ =	strace $0x9FFFFFFF  }
0xc2: {  	(tm) =	ssettm $0x7FFFFFFF  }
0xc3: {  	_ =	shalt  }
tec
execute0_lowered:
.L_overlay_start_1:
0x0: {  	(tag) =	ssettag $0x1  }
0x1: {  	s2 =	rddreg [dreg:$0x0];
	s1 =	srdreg.scid  }
0x2: {  	s0 =	stileid.u32;
	s4 =	rddreg [dreg:$0x1];
	s3 =	simm.s32 $0x0  }
0x3: {  	s10 =	simm.s32 $0x80;
	s11 =	simm.s32 $0x400;
	s12 =	simm.s32 $0x2  }
0x4: {  	s13 =	simm.s32 $0x0;
	s5 =	sand.u32 $0x1, s1;
	s1 =	rddreg [dreg:$0x2]  }
0x5: {  	s6 =	sshll.u32 s0, $0x1;
	[smem:$0x7FF] =	sst s3;
	s8 =	sshll.u32 s0, $0xC  }
0x6: {  	s6 =	sor.u32 s5, s6;
	_ =	strace $0x8000005F;
	s8 =	sand.u32 $0xC000, s8  }
0x7: {  	s5 =	ssub.s32 $0x2, s5;
	s7 =	sshll.u32 s6, $0xB;
	s6 =	sshll.u32 s6, $0x4  }
0x8: {  	s8 =	sadd.s32 s8, s4;
	s30 =	sshrl.u32 s5, $0x1;
	s7 =	sadd.s32 s7, s4  }
0x9: {  	s6 =	sand.u32 $0x70, s6;
	s9 =	ssub.s32 s5, s30;
	s4 =	sadd.s32 $0x16800, s7  }
0xa: {  	s31 =	sadd.s32 s6, s8;
	s6 =	smax.u32 s9, $0x1;
	s7 =	simm.s32 $0xC000  }
0xb: {  	v0 =	vimm.f32 $0.0e+00;
	s8 =	simm.s32 $0x1;
	s9 =	simm.s32 $0x8000;
	s5 =	sadd.s32 $0x26A00, s31  }
.LBB2_1:
0xc: {  	[tilespmem:s3], [sflag:$0x1] =	stream.linear.gather [hbm4b:s2+s3], $0x8000, $0x38;
	[tilespmem:$0x10000] =	vst v63  }
0xd: {  	s14 =	simm.s32 $0x8040  }
0xe: {  	[tilespmem:s7], [sflag:$0x1] =	stream.linear.gather [hbm4b:s4+s3], $0x4000, $0x38;
	[tilespmem:$0x10000] =	vst v63  }
0xf: {  	[tilespmem:s14+$0xFFFFFFC0] =	vst v0  }
0x10: {  	[tilespmem:s14+$0x30] =	vst v0  }
0x11: {  	[tilespmem:s14+$0x20] =	vst v0  }
0x12: {  	[tilespmem:s14+$0x10] =	vst v0  }
0x13: {  	[tilespmem:s14+$0x0] =	vst v0  }
0x14: {  	[tilespmem:s14+$0xFFFFFFF0] =	vst v0  }
0x15: {  	s15 =	simm.s32 $0x0;
	[tilespmem:s14+$0xFFFFFFE0] =	vst v0  }
.LBB2_2:
0x16: {  	s15 =	sadd.s32 $0x8, s15;
	[tilespmem:s14+$0xFFFFFFD0] =	vst v0;
	s14 =	sadd.s32 $0x80, s14  }
0x17: {  	[tilespmem:s14+$0xFFFFFFC0] =	vst v0;
	p0 =	slt.u32 s15, $0x3F8  }
0x18: {  	[tilespmem:s14+$0x30] =	vst v0  }
.Ltmp0:
0x19: {  	[tilespmem:s14+$0x20] =	vst v0;
	(pc) =	sbr.rel @p0 .LBB2_2-.Ltmp0, $4  }
0x1a: {  	[tilespmem:s14+$0x10] =	vst v0  }
0x1b: {  	[tilespmem:s14+$0x0] =	vst v0  }
0x1c: {  	[tilespmem:s14+$0xFFFFFFF0] =	vst v0  }
0x1d: {  	[tilespmem:s14+$0xFFFFFFE0] =	vst v0  }
0x1e: {  	[tilespmem:s14+$0xFFFFFFD0] =	vst v0  }
0x1f: {  	_ =	swait.ge [sflag:s8], $0x8000  }
0x20: {  	[sflag:s8] =	ssyncset.done $0x0  }
0x21: {  	[sflag:s8] =	ssyncadd.s32 $0xFFFF8000  }
0x22: {  	_ =	swait.ge [sflag:s8], $0x4000  }
0x23: {  	[sflag:s8] =	ssyncset.done $0x0  }
0x24: {  	s14 =	simm.s32 $0xC080;
	[sflag:s8] =	ssyncadd.s32 $0xFFFFC000  }
0x25: {  	v12 =	vld [tilespmem:s14+$0xFFFFFF90]  }
0x26: {  	v4 =	vld [tilespmem:s14+$0xFFFFFFC0]  }
0x27: {  	v3 =	vld [tilespmem:s14+$0xFFFFFFD0]  }
0x28: {  	v2 =	vld [tilespmem:s14+$0xFFFFFFE0]  }
0x29: {  	v14 =	vld [tilespmem:s14+$0xFFFFFFF0]  }
0x2a: {  	v5 =	vld [tilespmem:s14+$0xFFFFFF80]  }
0x2b: {  	v6 =	vld [tilespmem:s14+$0x70]  }
0x2c: {  	v7 =	vld [tilespmem:s14+$0x60]  }
0x2d: {  	v8 =	vld [tilespmem:s14+$0x50]  }
0x2e: {  	v1 =	vld [tilespmem:s14+$0xFFFFFFA0]  }
0x2f: {  	v10 =	vld [tilespmem:s14+$0x40]  }
0x30: {  	v11 =	vld [tilespmem:s14+$0x30];
	v9 =	vand.u32 $0x7FFF, v5  }
0x31: {  	v15 =	vld [tilespmem:s14+$0x20];
	v13 =	vand.u32 $0x7FFF, v6  }
0x32: {  	v17 =	vld [tilespmem:s14+$0x10];
	v16 =	vand.u32 $0x7FFF, v7  }
0x33: {  	v19 =	vld [tilespmem:s14+$0x0];
	v18 =	vand.u32 $0x7FFF, v8  }
0x34: {  	v22 =	vld [tilespmem:s14+$0xFFFFFFB0];
	v20 =	vand.u32 $0x7FFF, v10  }
0x35: {  	v5 =	vshrl.u32 v5, $0xF;
	v9 =	vld.idx.msk [tilespmem:v9+s3+$0x0], $0xffff  }
0x36: {  	v21 =	vand.u32 $0x7FFF, v15;
	v13 =	vld.idx.msk [tilespmem:v13+s3+$0x0], $0xffff  }
0x37: {  	v6 =	vshrl.u32 v6, $0xF;
	v16 =	vld.idx.msk [tilespmem:v16+s3+$0x0], $0xffff  }
0x38: {  	v7 =	vshrl.u32 v7, $0xF;
	v18 =	vld.idx.msk [tilespmem:v18+s3+$0x0], $0xffff  }
0x39: {  	v23 =	vand.u32 $0x7FFF, v11;
	v20 =	vld.idx.msk [tilespmem:v20+s3+$0x0], $0xffff  }
0x3a: {  	v8 =	vshrl.u32 v8, $0xF;
	[tilespmem:v5+s9+$0x0] =	vst.idx.add.f32.msk $0xffff, v9  }
0x3b: {  	v5 =	vand.u32 $0x7FFF, v19;
	v9 =	vld.idx.msk [tilespmem:v21+s3+$0x0], $0xffff  }
0x3c: {  	v62 =	vand.u32 $0x7FFF, v14;
	[tilespmem:v6+s9+$0x0] =	vst.idx.add.f32.msk $0xffff, v13  }
0x3d: {  	v10 =	vshrl.u32 v10, $0xF;
	[tilespmem:v7+s9+$0x0] =	vst.idx.add.f32.msk $0xffff, v16  }
0x3e: {  	v6 =	vand.u32 $0x7FFF, v17;
	v16 =	vld.idx.msk [tilespmem:v23+s3+$0x0], $0xffff  }
0x3f: {  	v63 =	vand.u32 $0x7FFF, v3;
	[tilespmem:v8+s9+$0x0] =	vst.idx.add.f32.msk $0xffff, v18  }
0x40: {  	v7 =	vld.idx.msk [tilespmem:v5+s3+$0x0], $0xffff;
	v5 =	vshrl.u32 v15, $0xF;
	v15 =	vshrl.u32 v11, $0xF  }
0x41: {  	v8 =	vand.u32 $0x7FFF, v4;
	v13 =	vld.idx.msk [tilespmem:v62+s3+$0x0], $0xffff  }
0x42: {  	[tilespmem:v10+s9+$0x0] =	vst.idx.add.f32.msk $0xffff, v20  }
0x43: {  	v18 =	vand.u32 $0x7FFF, v2;
	v11 =	vld.idx.msk [tilespmem:v6+s3+$0x0], $0xffff  }
0x44: {  	v20 =	vand.u32 $0x7FFF, v22;
	v6 =	vld.idx.msk [tilespmem:v63+s3+$0x0], $0xffff  }
0x45: {  	[tilespmem:v15+s9+$0x0] =	vst.idx.add.f32.msk $0xffff, v16;
	v15 =	vshrl.u32 v14, $0xF  }
0x46: {  	v8 =	vld.idx.msk [tilespmem:v8+s3+$0x0], $0xffff;
	v16 =	vshrl.u32 v19, $0xF  }
0x47: {  	v3 =	vshrl.u32 v3, $0xF;
	v17 =	vshrl.u32 v17, $0xF;
	[tilespmem:v5+s9+$0x0] =	vst.idx.add.f32.msk $0xffff, v9  }
0x48: {  	v2 =	vshrl.u32 v2, $0xF;
	v4 =	vshrl.u32 v4, $0xF;
	v9 =	vand.u32 $0x7FFF, v1;
	v14 =	vld.idx.msk [tilespmem:v18+s3+$0x0], $0xffff  }
0x49: {  	s15 =	simm.s32 $0x0;
	v10 =	vand.u32 $0x7FFF, v12;
	v12 =	vshrl.u32 v12, $0xF;
	v5 =	vshrl.u32 v22, $0xF;
	v18 =	vld.idx.msk [tilespmem:v20+s3+$0x0], $0xffff  }
.LBB2_4:
0x4a: {  	s15 =	sadd.s32 $0x10, s15;
	[tilespmem:v15+s9+$0x0] =	vst.idx.add.f32.msk $0xffff, v13;
	s14 =	sadd.s32 $0x100, s14  }
0x4b: {  	p0 =	slt.u32 s15, $0x3F0;
	[tilespmem:v16+s9+$0x0] =	vst.idx.add.f32.msk $0xffff, v7  }
0x4c: {  	[tilespmem:v17+s9+$0x0] =	vst.idx.add.f32.msk $0xffff, v11  }
0x4d: {  	v7 =	vld.idx.msk [tilespmem:v9+s3+$0x0], $0xffff  }
0x4e: {  	v1 =	vshrl.u32 v1, $0xF;
	v9 =	vld.idx.msk [tilespmem:v10+s3+$0x0], $0xffff  }
0x4f: {  	[tilespmem:v5+s9+$0x0] =	vst.idx.add.f32.msk $0xffff, v18  }
0x50: {  	[tilespmem:v2+s9+$0x0] =	vst.idx.add.f32.msk $0xffff, v14  }
0x51: {  	[tilespmem:v3+s9+$0x0] =	vst.idx.add.f32.msk $0xffff, v6  }
0x52: {  	[tilespmem:v4+s9+$0x0] =	vst.idx.add.f32.msk $0xffff, v8  }
0x53: {  	[tilespmem:v1+s9+$0x0] =	vst.idx.add.f32.msk $0xffff, v7  }
0x54: {  	[tilespmem:v12+s9+$0x0] =	vst.idx.add.f32.msk $0xffff, v9  }
0x55: {  	v8 =	vld [tilespmem:s14+$0xFFFFFF90]  }
0x56: {  	v5 =	vld [tilespmem:s14+$0xFFFFFFC0]  }
0x57: {  	v4 =	vld [tilespmem:s14+$0xFFFFFFD0]  }
0x58: {  	v3 =	vld [tilespmem:s14+$0xFFFFFFE0]  }
0x59: {  	v6 =	vld [tilespmem:s14+$0xFFFFFFF0]  }
0x5a: {  	v2 =	vld [tilespmem:s14+$0xFFFFFF80]  }
0x5b: {  	v7 =	vld [tilespmem:s14+$0x70]  }
0x5c: {  	v9 =	vld [tilespmem:s14+$0x60]  }
0x5d: {  	v10 =	vld [tilespmem:s14+$0x50]  }
0x5e: {  	v1 =	vld [tilespmem:s14+$0xFFFFFFA0]  }
0x5f: {  	v11 =	vand.u32 $0x7FFF, v2;
	v12 =	vld [tilespmem:s14+$0x40]  }
0x60: {  	v13 =	vld [tilespmem:s14+$0x30];
	v14 =	vand.u32 $0x7FFF, v7  }
0x61: {  	v15 =	vld [tilespmem:s14+$0x20];
	v16 =	vand.u32 $0x7FFF, v9  }
0x62: {  	v17 =	vld [tilespmem:s14+$0x10];
	v18 =	vand.u32 $0x7FFF, v10  }
0x63: {  	v19 =	vld [tilespmem:s14+$0x0]  }
0x64: {  	v11 =	vld.idx.msk [tilespmem:v11+s3+$0x0], $0xffff;
	v20 =	vand.u32 $0x7FFF, v12  }
0x65: {  	v2 =	vshrl.u32 v2, $0xF;
	v14 =	vld.idx.msk [tilespmem:v14+s3+$0x0], $0xffff  }
0x66: {  	v7 =	vshrl.u32 v7, $0xF;
	v21 =	vand.u32 $0x7FFF, v15;
	v16 =	vld.idx.msk [tilespmem:v16+s3+$0x0], $0xffff  }
0x67: {  	v9 =	vshrl.u32 v9, $0xF;
	v23 =	vand.u32 $0x7FFF, v13;
	v22 =	vand.u32 $0x7FFF, v17;
	v18 =	vld.idx.msk [tilespmem:v18+s3+$0x0], $0xffff  }
0x68: {  	v26 =	vshrl.u32 v10, $0xF;
	v24 =	vld [tilespmem:s14+$0xFFFFFFB0];
	v25 =	vand.u32 $0x7FFF, v19  }
0x69: {  	v27 =	vand.u32 $0x7FFF, v6;
	v20 =	vld.idx.msk [tilespmem:v20+s3+$0x0], $0xffff  }
0x6a: {  	v28 =	vand.u32 $0x7FFF, v3;
	[tilespmem:v2+s9+$0x0] =	vst.idx.add.f32.msk $0xffff, v11;
	v2 =	vshrl.u32 v3, $0xF  }
0x6b: {  	v29 =	vand.u32 $0x7FFF, v4;
	v12 =	vshrl.u32 v12, $0xF;
	v3 =	vshrl.u32 v4, $0xF;
	v21 =	vld.idx.msk [tilespmem:v21+s3+$0x0], $0xffff  }
0x6c: {  	v30 =	vand.u32 $0x7FFF, v5;
	v4 =	vshrl.u32 v5, $0xF;
	[tilespmem:v7+s9+$0x0] =	vst.idx.add.f32.msk $0xffff, v14  }
0x6d: {  	v14 =	vshrl.u32 v15, $0xF;
	v5 =	vshrl.u32 v24, $0xF;
	v24 =	vand.u32 $0x7FFF, v24;
	[tilespmem:v9+s9+$0x0] =	vst.idx.add.f32.msk $0xffff, v16  }
0x6e: {  	v9 =	vand.u32 $0x7FFF, v1;
	v23 =	vld.idx.msk [tilespmem:v23+s3+$0x0], $0xffff  }
0x6f: {  	v10 =	vand.u32 $0x7FFF, v8;
	v31 =	vshrl.u32 v13, $0xF;
	[tilespmem:v26+s9+$0x0] =	vst.idx.add.f32.msk $0xffff, v18  }
0x70: {  	v7 =	vld.idx.msk [tilespmem:v25+s3+$0x0], $0xffff  }
0x71: {  	v13 =	vld.idx.msk [tilespmem:v27+s3+$0x0], $0xffff  }
0x72: {  	v15 =	vshrl.u32 v6, $0xF;
	v11 =	vld.idx.msk [tilespmem:v22+s3+$0x0], $0xffff  }
0x73: {  	v16 =	vshrl.u32 v19, $0xF;
	[tilespmem:v12+s9+$0x0] =	vst.idx.add.f32.msk $0xffff, v20  }
0x74: {  	v17 =	vshrl.u32 v17, $0xF;
	v6 =	vld.idx.msk [tilespmem:v29+s3+$0x0], $0xffff  }
.Ltmp1:
0x75: {  	v12 =	vshrl.u32 v8, $0xF;
	v8 =	vld.idx.msk [tilespmem:v30+s3+$0x0], $0xffff;
	(pc) =	sbr.rel @p0 .LBB2_4-.Ltmp1, $4  }
0x76: {  	[tilespmem:v14+s9+$0x0] =	vst.idx.add.f32.msk $0xffff, v21  }
0x77: {  	[tilespmem:v31+s9+$0x0] =	vst.idx.add.f32.msk $0xffff, v23  }
0x78: {  	v14 =	vld.idx.msk [tilespmem:v28+s3+$0x0], $0xffff  }
0x79: {  	v18 =	vld.idx.msk [tilespmem:v24+s3+$0x0], $0xffff  }
0x7a: {  	_ =	sdelay $0x3  }
0x7b: {  	[tilespmem:v15+s9+$0x0] =	vst.idx.add.f32.msk $0xffff, v13  }
0x7c: {  	[tilespmem:v16+s9+$0x0] =	vst.idx.add.f32.msk $0xffff, v7  }
0x7d: {  	[tilespmem:v17+s9+$0x0] =	vst.idx.add.f32.msk $0xffff, v11  }
0x7e: {  	v62 =	vld.idx.msk [tilespmem:v9+s3+$0x0], $0xffff  }
0x7f: {  	v63 =	vld.idx.msk [tilespmem:v10+s3+$0x0], $0xffff;
	v1 =	vshrl.u32 v1, $0xF  }
0x80: {  	[tilespmem:v3+s9+$0x0] =	vst.idx.add.f32.msk $0xffff, v6  }
0x81: {  	[tilespmem:v4+s9+$0x0] =	vst.idx.add.f32.msk $0xffff, v8  }
0x82: {  	[tilespmem:v2+s9+$0x0] =	vst.idx.add.f32.msk $0xffff, v14  }
0x83: {  	s13 =	sadd.s32 $0x1, s13;
	[tilespmem:v5+s9+$0x0] =	vst.idx.add.f32.msk $0xffff, v18  }
0x84: {  	p0 =	sne.s32 s13, s6;
	[tilespmem:v1+s9+$0x0] =	vst.idx.add.f32.msk $0xffff, v62  }
.Ltmp2:
0x85: {  	[tilespmem:v12+s9+$0x0] =	vst.idx.add.f32.msk $0xffff, v63;
	(pc) =	sbr.rel @p0 .LBB2_1-.Ltmp2, $4  }
0x86: {  	[hbm4b:s5+s10] =	stream.strided.scatter [tilespmem:s9], [sflag:$0x2], $0x4000, s11, s10, $0x38;
	[tilespmem:$0x10000] =	vst v63  }
0x87: {  	_ =	swait.ge [sflag:s12], $0x4000  }
0x88: {  	[sflag:s12] =	ssyncset.done $0x0  }
0x89: {  	[sflag:s12] =	ssyncadd.s32 $0xFFFFC000  }
0x8a: {  	_ =	sfence.sel $0x180000  }
0x8b: {  	[bflag:$0x0] =	sbarrier.arrive $0xFFFF  }
0x8c: {  	p0 =	sne.s32 s0, $0x0;
	_ =	strace $0x9000005F  }
0x8d: {  	s0 =	sadd.s32 @!p0 $0x100000, s1;
	[bflag:$0x2] =	sbarrier.arrive $0xFFFF  }
0x8e: {  	[sflag:s0] =	ssyncadd.tile.s32 @!p0 $0x1;
	_ =	shalt  }
.Lfunc_end2:
_tile_overlayer_lowered:
.L_overlay_start_2:
0x8f: {  	(tag) =	ssettag $0x2  }
0x90: {  	s0 =	rddreg [dreg:$0x0];
	s2 =	stileid.u32  }
0x91: {  	s1 =	rddreg [dreg:$0x1];
	p0 =	sne.s32 s2, $0x0  }
0x92: {  	s3 =	rddreg [dreg:$0x2];
	[bflag:$0x3] =	sbarrier.arrive $0xFFFF;
	s2 =	simm.s32 @!p0 $0x1C02  }
0x93: {  	[timem:s3], [sflag:s2] =	dma.local @!p0 [hbm:s0], s1  }
0x94: {  	s0 =	simm.s32 @!p0 $0x2  }
0x95: {  	_ =	swait.ge @!p0 [sflag:s0], s1  }
0x96: {  	s1 =	ssub.s32 @!p0 $0x0, s1;
	[sflag:s0] =	ssyncset.done @!p0 $0x0  }
0x97: {  	[sflag:s0] =	ssyncadd.s32 @!p0 s1  }
0x98: {  	[bflag:$0x3] =	sbarrier.arrive $0xFFFF  }
0x99: {  	_ =	shalt  }

// kernel: kernel.50.cloned.1.call-start
scs
__scs_entry_jumppad:
0x0: {  	(pc) =	sbr.rel $0x88, $3  }
0x1: {  	(tag) =	ssettag $0x0;
	lr =	simm.s32 $0x1  }
0x2: {  	[smem:$0x3F9D] =	sst lr;
	_ =	strace $0xD0000000  }
0x3: {  	_ = 	snop  }
0x4: {  	_ = 	snop  }
0x5: {  	_ = 	snop  }
0x6: {  	_ = 	snop  }
0x7: {  	_ = 	snop  }
__scs_overlays_trampoline_lowered:
0x8: {  	[smem:$0x3FAC] =	sst s0  }
0x9: {  	[smem:$0x3FAD] =	sst s1  }
0xa: {  	[smem:$0x3FAE] =	sst s2  }
0xb: {  	[smem:$0x3FAF] =	sst s3  }
0xc: {  	[smem:$0x3FB0] =	sst s4  }
0xd: {  	[smem:$0x3FB1] =	sst s5  }
0xe: {  	[smem:$0x3FB2] =	sst s6  }
0xf: {  	[smem:$0x3FB3] =	sst s7  }
0x10: {  	[smem:$0x3FB4] =	sst s8  }
0x11: {  	[smem:$0x3FB5] =	sst s9;
	s0 =	simm.s32 @!p0 $0x0  }
0x12: {  	s1 =	sld [smem:$0x3F9B];
	s0 =	simm.s32 @p0 $0x1  }
0x13: {  	[smem:$0x3FB6] =	sst s0;
	s0 =	simm.s32 @!p1 $0x0  }
0x14: {  	s2 =	sld [smem:$0x3F9A];
	s0 =	simm.s32 @p1 $0x1  }
0x15: {  	[smem:$0x3FB7] =	sst s0;
	s0 =	simm.s32 @!p2 $0x0  }
0x16: {  	s3 =	sld [smem:$0x3FDB];
	s0 =	simm.s32 @p2 $0x1  }
0x17: {  	s4 =	simm.s32 $0x1BF5;
	[smem:$0x3FB9] =	sst s0  }
0x18: {  	s0 =	sld [smem:$0x3F9C];
	_ =	swait.ge [sflag:s4], $0x0  }
0x19: {  	s7 =	sld [smem:$0x3F9D]  }
0x1a: {  	s8 =	sadd.s32 $0xFFFFE003, lr  }
0x1b: {  	s9 =	sadd.s32 $0xFFFFFEF7, lr;
	s5 =	simm.s32 $0xFFFFFFFF;
	p2 =	slt.u32 s8, $0xFFFFF086  }
0x1c: {  	p1 =	slt.u32 s9, $0xF7A;
	s5 =	simm.s32 @!p2 $0x0  }
0x1d: {  	s5 =	simm.s32 @p1 $0x1;
	p0 =	seq.s32 s7, s2  }
0x1e: {  	s7 =	smul.u32 @!p0 $0xF7A, s2;
	p2 =	seq.s32 @!p0 s5, $0x0  }
0x1f: {  	s9 =	smul.u32 $0xF7A, s1;
	s8 =	simm.s32 @!p0 $0x1BF5;
	p2 =	por !p2, p0  }
0x20: {  	[sflag:s8] =	ssyncset.s32 @!p0 $0xFFFFF086;
	s6 =	sadd.s32 @!p0 s3, s7;
	s7 =	simm.s32 @!p0 $0x108  }
0x21: {  	s3 =	sadd.s32 s3, s9;
	s6 =	sadd.s32 @!p0 $0x88, s6;
	s7 =	simm.s32 @p2 $0x1082  }
0x22: {  	[simem:s7], [sflag:s8] =	dma.local @!p0 [hbm:s6], $0xF7A  }
0x23: {  	s9 =	sor.u32 $0xD0000000, s2;
	s6 =	simm.s32 $0x108;
	_ =	swait.ge @!p0 [sflag:s8], $0x0  }
0x24: {  	s3 =	sadd.s32 $0x88, s3;
	s6 =	simm.s32 @!p1 $0x1082;
	[sflag:s4] =	ssyncset.s32 $0xFFFFF086  }
0x25: {  	[simem:s6], [sflag:s4] =	dma.local [hbm:s3], $0xF7A  }
0x26: {  	[smem:$0x3F9D] =	sst s1;
	(tag) =	ssettag s2;
	_ =	strace s9  }
0x27: {  	s1 =	sld [smem:$0x3FAD]  }
0x28: {  	s2 =	sld [smem:$0x3FAE]  }
0x29: {  	s4 =	sld [smem:$0x3FB0]  }
0x2a: {  	p0 =	seq.s32 s5, $0x0;
	s5 =	sld [smem:$0x3FB1]  }
0x2b: {  	s6 =	sld [smem:$0x3FB2]  }
0x2c: {  	s7 =	sld [smem:$0x3FB3]  }
0x2d: {  	s3 =	simm.s32 $0x108;
	s8 =	sld [smem:$0x3FB4]  }
0x2e: {  	s3 =	simm.s32 @!p0 $0x1082;
	s9 =	sld [smem:$0x3FB5]  }
0x2f: {  	lr =	sadd.s32 s0, s3;
	s0 =	sld [smem:$0x3FAC]  }
0x30: {  	s3 =	sld [smem:$0x3FAF]  }
0x31: {  	[smem:$0x3FB8] =	sst s10  }
0x32: {  	s10 =	sld [smem:$0x3FB6];
	_ =	sdelay $0x3  }
0x33: {  	p0 =	seq.s32 s10, $0x1;
	s10 =	sld [smem:$0x3FB8];
	_ =	sdelay $0x3  }
0x34: {  	[smem:$0x3FB8] =	sst s10  }
0x35: {  	s10 =	sld [smem:$0x3FB7];
	_ =	sdelay $0x3  }
0x36: {  	p1 =	seq.s32 s10, $0x1;
	s10 =	sld [smem:$0x3FB8];
	_ =	sdelay $0x3  }
0x37: {  	[smem:$0x3FB8] =	sst s10  }
0x38: {  	s10 =	sld [smem:$0x3FB9]  }
0x39: {  	_ = 	snop;
	(pc) =	sbr.ind lr, $3  }
0x3a: {  	_ = 	snop  }
0x3b: {  	_ = 	snop  }
0x3c: {  	p2 =	seq.s32 s10, $0x1;
	s10 =	sld [smem:$0x3FB8]  }
0x3d: {  	_ =	shalt  }
0x3e: {  	_ =	shalt  }
0x3f: {  	_ =	shalt  }
0x40: {  	_ =	shalt  }
0x41: {  	_ =	shalt  }
0x42: {  	_ =	shalt  }
0x43: {  	_ =	shalt  }
0x44: {  	_ =	shalt  }
0x45: {  	_ =	shalt  }
0x46: {  	_ =	shalt  }
0x47: {  	_ =	shalt  }
0x48: {  	_ =	shalt  }
0x49: {  	_ =	shalt  }
0x4a: {  	_ =	shalt  }
0x4b: {  	_ =	shalt  }
0x4c: {  	_ =	shalt  }
0x4d: {  	_ =	shalt  }
0x4e: {  	_ =	shalt  }
0x4f: {  	_ =	shalt  }
0x50: {  	_ =	shalt  }
0x51: {  	_ =	shalt  }
0x52: {  	_ =	shalt  }
0x53: {  	_ =	shalt  }
0x54: {  	_ =	shalt  }
0x55: {  	_ =	shalt  }
0x56: {  	_ =	shalt  }
0x57: {  	_ =	shalt  }
0x58: {  	_ =	shalt  }
0x59: {  	_ =	shalt  }
0x5a: {  	_ =	shalt  }
0x5b: {  	_ =	shalt  }
0x5c: {  	_ =	shalt  }
0x5d: {  	_ =	shalt  }
0x5e: {  	_ =	shalt  }
0x5f: {  	_ =	shalt  }
0x60: {  	_ =	shalt  }
0x61: {  	_ =	shalt  }
0x62: {  	_ =	shalt  }
0x63: {  	_ =	shalt  }
0x64: {  	_ =	shalt  }
0x65: {  	_ =	shalt  }
0x66: {  	_ =	shalt  }
0x67: {  	_ =	shalt  }
0x68: {  	_ =	shalt  }
0x69: {  	_ =	shalt  }
0x6a: {  	_ =	shalt  }
0x6b: {  	_ =	shalt  }
0x6c: {  	_ =	shalt  }
0x6d: {  	_ =	shalt  }
0x6e: {  	_ =	shalt  }
0x6f: {  	_ =	shalt  }
0x70: {  	_ =	shalt  }
0x71: {  	_ =	shalt  }
0x72: {  	_ =	shalt  }
0x73: {  	_ =	shalt  }
0x74: {  	_ =	shalt  }
0x75: {  	_ =	shalt  }
0x76: {  	_ =	shalt  }
0x77: {  	_ =	shalt  }
0x78: {  	_ =	shalt  }
0x79: {  	_ =	shalt  }
0x7a: {  	_ =	shalt  }
0x7b: {  	_ =	shalt  }
0x7c: {  	_ =	shalt  }
0x7d: {  	_ =	shalt  }
0x7e: {  	_ =	shalt  }
0x7f: {  	_ =	shalt  }
0x80: {  	_ =	shalt  }
0x81: {  	_ =	shalt  }
0x82: {  	_ =	shalt  }
0x83: {  	_ =	shalt  }
0x84: {  	_ =	shalt  }
0x85: {  	_ =	shalt  }
0x86: {  	_ =	shalt  }
0x87: {  	_ =	shalt  }
.Lfunc_end0:
.L_simem_size_0:
called_computation.9_lowered:
.L_overlay_start_0:
0x88: {  	s2 =	sld [smem:$0x3FD9]  }
0x89: {  	s3 =	sld [smem:$0x3FFE];
	_ =	sdelay $0x1  }
0x8a: {  	s1 =	srdreg.scid  }
0x8b: {  	s0 =	sand.u32 $0x1, s1  }
0x8c: {  	s17 =	sshll.u32 s0, $0xA;
	s2 =	sadd.s32 s3, s2  }
0x8d: {  	s2 =	sadd.s32 s2, s17  }
0x8e: {  	[smem:$0x3FC4] =	sst s2  }
0x8f: {  	_ = 	snop  }
0x90: {  	s2 =	sld [smem:$0x3FD0];
	(tm) =	ssettm $0x1  }
0x91: {  	s18 =	sld [smem:$0x3FFB];
	_ =	sdelay $0x3  }
0x92: {  	_ =	strace s18  }
0x93: {  	s3 =	sld [smem:$0x3FFC];
	_ =	sdelay $0x3  }
0x94: {  	_ =	strace s3  }
0x95: {  	s3 =	sld [smem:$0x3FFD];
	_ =	sdelay $0x3  }
0x96: {  	_ =	strace s3  }
0x97: {  	_ =	strace $0x8FFFFFFF  }
0x98: {  	s19 =	sld [smem:$0x3FDB];
	_ =	sdelay $0x1  }
0x99: {  	s4 =	simm.s32 $_scs_section_size  }
0x9a: {  	s5 =	simm.s32 $_size__tile_overlayer_lowered;
	s6 =	simm.s32 $_tile_overlayer_lowered  }
0x9b: {  	s22 =	simm.s32 $0x1BFF;
	s21 =	sshll.u32 s6, $0x1;
	s3 =	sadd.s32 s4, s19  }
0x9c: {  	s7 =	simm.s32 $0x0;
	s20 =	sshll.u32 s5, $0x1;
	s5 =	sadd.s32 s21, s3  }
0x9d: {  	[timem:s7], [sflag:s22] =	dma.local [hbm:s5], s20  }
0x9e: {  	_ =	swait.ge [sflag:s22], s20  }
0x9f: {  	s4 =	ssub.s32 $0x0, s20;
	[sflag:s22] =	ssyncset.done $0x0  }
0xa0: {  	[sflag:s22] =	ssyncadd.s32 s4;
	_ =	sdelay $0x1  }
0xa1: {  	s23 =	simm.s32 $0x1B8B  }
0xa2: {  	_ =	swait.ge [sflag:s23], $0x1  }
0xa3: {  	[sflag:s23] =	ssyncset.done $0x0  }
0xa4: {  	s25 =	simm.s32 $0x1B8E;
	s24 =	sld [smem:$0x3FFE];
	[sflag:s23] =	ssyncadd.s32 $0xFFFFFFFF  }
0xa5: {  	s26 =	simm.s32 $execute0_lowered;
	[smem:$0x3FD2] =	sst s25  }
0xa6: {  	s5 =	sshll.u32 s26, $0x1;
	_ =	strace $0x80000061;
	[dreg:$0x1] =	wrdreg $0xFFFFFFFF  }
0xa7: {  	s28 =	simm.s32 $_size_execute0_lowered;
	s3 =	sadd.s32 s3, s5;
	[dreg:$0x0] =	wrdreg $0x0  }
0xa8: {  	s5 =	sshll.u32 s28, $0x1;
	[dreg:$0x2] =	wrdreg s3  }
0xa9: {  	[dreg:$0x3] =	wrdreg s5  }
0xaa: {  	[dreg:$0x4] =	wrdreg $0xC0  }
0xab: {  	_ =	task [dreg:s7], $0x5FFFF  }
0xac: {  	[dreg:$0x1] =	wrdreg $0xFFFFFFFF  }
0xad: {  	[dreg:$0x0] =	wrdreg $0x60  }
0xae: {  	[dreg:$0x2] =	wrdreg s2  }
0xaf: {  	[dreg:$0x3] =	wrdreg s24  }
0xb0: {  	[dreg:$0x4] =	wrdreg $0x9  }
0xb1: {  	_ =	task.clear_ibuf [dreg:s7], $0x5FFFF;
	_ =	strace $0x90000061  }
0xb2: {  	s29 =	simm.s32 $0x9;
	_ =	strace $0x80000063  }
0xb3: {  	_ =	swait.ge [sflag:s29], $0x1  }
0xb4: {  	[sflag:s29] =	ssyncadd.s32 $0xFFFFFFFF  }
0xb5: {  	_ =	strace $0x90000063  }
0xb6: {  	_ =	sfence  }
0xb7: {  	s30 =	sld [smem:$0x0];
	_ =	sdelay $0x2  }
0xb8: {  	s31 =	sshll.u32 s1, $0xD;
	s1 =	sshrl.u32 s1, $0x2  }
0xb9: {  	s3 =	sand.u32 $0x4000, s31;
	s1 =	sadd.s32 s1, s30  }
0xba: {  	s0 =	sor.u32 s3, s0;
	s1 =	sshll.u32 s1, $0x11  }
0xbb: {  	s0 =	sor.u32 s1, s0  }
0xbc: {  	s0 =	sadd.s32 $0x8F2B, s0  }
0xbd: {  	[sflag:s0] =	ssyncadd.remote.s32 $0x1  }
0xbe: {  	_ =	sfence.sel $0xFFFF  }
0xbf: {  	[dreg:$0x0] =	wrdreg $0xFFFFFFFF;
	(pc) =	sbr.abs _section_cstart, $3  }
0xc0: {  	[dreg:$0x1] =	wrdreg $0xFFFFFFFF  }
0xc1: {  	_ =	task.clear_ibuf [dreg:s7], $0x2FFFF;
	_ =	strace $0x9FFFFFFF  }
0xc2: {  	(tm) =	ssettm $0x7FFFFFFF  }
0xc3: {  	_ =	shalt  }
tec
execute0_lowered:
.L_overlay_start_1:
0x0: {  	(tag) =	ssettag $0x1  }
0x1: {  	s2 =	rddreg [dreg:$0x0]  }
0x2: {  	s5 =	rddreg [dreg:$0x1]  }
0x3: {  	s0 =	rddreg [dreg:$0x2]  }
0x4: {  	s4 =	srdreg.scid;
	s1 =	stileid.u32;
	s3 =	simm.s32 $0x0  }
0x5: {  	s11 =	simm.s32 $0x11000;
	s12 =	simm.s32 $0x1;
	s13 =	simm.s32 $0x5000  }
0x6: {  	s14 =	simm.s32 $0x80;
	s15 =	simm.s32 $0x400;
	s16 =	simm.s32 $0x2  }
0x7: {  	s17 =	simm.s32 $0x0;
	s6 =	sand.u32 $0x1, s4;
	s30 =	sshll.u32 s1, $0x1  }
0x8: {  	[smem:$0x7FF] =	sst s3;
	s9 =	sshll.u32 s1, $0xD;
	s7 =	sor.u32 s6, s30  }
0x9: {  	_ =	strace $0x80000062;
	s9 =	sand.u32 $0x18000, s9;
	s6 =	ssub.s32 $0x2, s6  }
0xa: {  	s4 =	sshll.u32 s7, $0xB;
	s7 =	sshll.u32 s7, $0x4;
	s9 =	sadd.s32 s9, s5  }
0xb: {  	s31 =	sshrl.u32 s6, $0x1;
	s8 =	sadd.s32 s4, s5;
	s4 =	sadd.s32 $0x26800, s5  }
0xc: {  	s7 =	sand.u32 $0x70, s7;
	s10 =	ssub.s32 s6, s31;
	s5 =	sadd.s32 $0x46A00, s8  }
0xd: {  	s7 =	sadd.s32 s7, s9;
	s6 =	sadd.s32 $0x56A00, s8;
	s8 =	smax.u32 s10, $0x1  }
0xe: {  	v0 =	vimm.f32 $0.0e+00;
	s9 =	simm.s32 $0x4000;
	s10 =	simm.s32 $0xD000;
	s7 =	sadd.s32 $0x6800, s7  }
.LBB2_1:
0xf: {  	[tilespmem:s3], [sflag:$0x1] =	stream.linear.gather [hbm4b:s2+s3], $0x4000, $0x38;
	[tilespmem:$0x15000] =	vst v63  }
0x10: {  	_ = 	snop  }
0x11: {  	[tilespmem:s9], [sflag:$0x1] =	stream.linear.gather [hbm4b:s4+s3], $0x1000, $0x38;
	[tilespmem:$0x15000] =	vst v63  }
0x12: {  	_ = 	snop  }
0x13: {  	[tilespmem:s10], [sflag:$0x1] =	stream.linear.gather [hbm4b:s5+s3], $0x4000, $0x38;
	[tilespmem:$0x15000] =	vst v63  }
0x14: {  	s18 =	simm.s32 $0x5040  }
0x15: {  	[tilespmem:s11], [sflag:$0x1] =	stream.linear.gather [hbm4b:s6+s3], $0x4000, $0x38;
	[tilespmem:$0x15000] =	vst v63  }
0x16: {  	[tilespmem:s18+$0xFFFFFFC0] =	vst v0  }
0x17: {  	[tilespmem:s18+$0x30] =	vst v0  }
0x18: {  	[tilespmem:s18+$0x20] =	vst v0  }
0x19: {  	[tilespmem:s18+$0x10] =	vst v0  }
0x1a: {  	[tilespmem:s18+$0x0] =	vst v0  }
0x1b: {  	[tilespmem:s18+$0xFFFFFFF0] =	vst v0  }
0x1c: {  	s19 =	simm.s32 $0x0;
	[tilespmem:s18+$0xFFFFFFE0] =	vst v0  }
.LBB2_2:
0x1d: {  	s19 =	sadd.s32 $0x8, s19;
	[tilespmem:s18+$0xFFFFFFD0] =	vst v0;
	s18 =	sadd.s32 $0x80, s18  }
0x1e: {  	[tilespmem:s18+$0xFFFFFFC0] =	vst v0;
	p0 =	slt.u32 s19, $0x7F8  }
0x1f: {  	[tilespmem:s18+$0x30] =	vst v0  }
.Ltmp0:
0x20: {  	[tilespmem:s18+$0x20] =	vst v0;
	(pc) =	sbr.rel @p0 .LBB2_2-.Ltmp0, $4  }
0x21: {  	[tilespmem:s18+$0x10] =	vst v0  }
0x22: {  	[tilespmem:s18+$0x0] =	vst v0  }
0x23: {  	[tilespmem:s18+$0xFFFFFFF0] =	vst v0  }
0x24: {  	[tilespmem:s18+$0xFFFFFFE0] =	vst v0  }
0x25: {  	[tilespmem:s18+$0xFFFFFFD0] =	vst v0  }
0x26: {  	_ =	swait.ge [sflag:s12], $0x4000  }
0x27: {  	[sflag:s12] =	ssyncset.done $0x0  }
0x28: {  	[sflag:s12] =	ssyncadd.s32 $0xFFFFC000  }
0x29: {  	_ =	swait.ge [sflag:s12], $0x1000  }
0x2a: {  	[sflag:s12] =	ssyncset.done $0x0  }
0x2b: {  	[sflag:s12] =	ssyncadd.s32 $0xFFFFF000  }
0x2c: {  	_ =	swait.ge [sflag:s12], $0x4000  }
0x2d: {  	[sflag:s12] =	ssyncset.done $0x0  }
0x2e: {  	[sflag:s12] =	ssyncadd.s32 $0xFFFFC000  }
0x2f: {  	_ =	swait.ge [sflag:s12], $0x4000  }
0x30: {  	[sflag:s12] =	ssyncset.done $0x0  }
0x31: {  	s31 =	simm.s32 $0xD080;
	[sflag:s12] =	ssyncadd.s32 $0xFFFFC000  }
0x32: {  	v1 =	vld [tilespmem:s31+$0x70]  }
0x33: {  	v2 =	vld [tilespmem:s31+$0xFFFFFF90]  }
0x34: {  	v3 =	vld [tilespmem:s31+$0xFFFFFFA0]  }
0x35: {  	v4 =	vld [tilespmem:s31+$0xFFFFFFB0]  }
0x36: {  	v5 =	vld [tilespmem:s31+$0xFFFFFFC0]  }
0x37: {  	v6 =	vld [tilespmem:s31+$0xFFFFFFD0]  }
0x38: {  	v8 =	vld [tilespmem:s31+$0xFFFFFFE0]  }
0x39: {  	v9 =	vld [tilespmem:s31+$0xFFFFFFF0]  }
0x3a: {  	v10 =	vld [tilespmem:s31+$0x0]  }
0x3b: {  	v11 =	vld [tilespmem:s31+$0x10]  }
0x3c: {  	v12 =	vld [tilespmem:s31+$0x20]  }
0x3d: {  	v14 =	vld [tilespmem:s31+$0x30]  }
0x3e: {  	v15 =	vld [tilespmem:s31+$0x40]  }
0x3f: {  	v17 =	vld [tilespmem:s31+$0x50]  }
0x40: {  	v18 =	vld [tilespmem:s31+$0x60]  }
0x41: {  	s18 =	simm.s32 $0x11080;
	v20 =	vld [tilespmem:s31+$0xFFFFFF80]  }
0x42: {  	v21 =	vld [tilespmem:s18+$0x70]  }
0x43: {  	v41 =	vld [tilespmem:s18+$0xFFFFFF80]  }
0x44: {  	v42 =	vld [tilespmem:s18+$0xFFFFFF90]  }
0x45: {  	v43 =	vld [tilespmem:s18+$0xFFFFFFA0]  }
0x46: {  	v44 =	vld [tilespmem:s18+$0xFFFFFFC0]  }
0x47: {  	v45 =	vld [tilespmem:s18+$0xFFFFFFD0];
	v7 =	vand.u32 $0x3FFF, v1  }
0x48: {  	v46 =	vld [tilespmem:s18+$0xFFFFFFE0];
	v1 =	vshrl.u32 v1, $0xE  }
0x49: {  	v47 =	vld [tilespmem:s18+$0xFFFFFFF0];
	v13 =	vand.u32 $0x3FFF, v2  }
0x4a: {  	v48 =	vld [tilespmem:s18+$0x0];
	v2 =	vshrl.u32 v2, $0xE  }
0x4b: {  	v50 =	vld [tilespmem:s18+$0x20];
	v16 =	vand.u32 $0x3FFF, v3  }
0x4c: {  	v3 =	vshrl.u32 v3, $0xE;
	v7 =	vld.idx.msk [tilespmem:v7+s3+$0x0], $0xffff  }
0x4d: {  	v19 =	vand.u32 $0x3FFF, v4;
	v1 =	vld.idx.msk [tilespmem:v1+s9+$0x0], $0xffff  }
0x4e: {  	v4 =	vshrl.u32 v4, $0xE;
	v63 =	vld.idx.msk [tilespmem:v13+s3+$0x0], $0xffff  }
0x4f: {  	v32 =	vand.u32 $0x3FFF, v5;
	v2 =	vld.idx.msk [tilespmem:v2+s9+$0x0], $0xffff  }
0x50: {  	v5 =	vshrl.u32 v5, $0xE;
	v16 =	vld.idx.msk [tilespmem:v16+s3+$0x0], $0xffff  }
0x51: {  	v22 =	vand.u32 $0x3FFF, v6;
	v3 =	vld.idx.msk [tilespmem:v3+s9+$0x0], $0xffff  }
0x52: {  	v6 =	vshrl.u32 v6, $0xE;
	v19 =	vld.idx.msk [tilespmem:v19+s3+$0x0], $0xffff  }
0x53: {  	v23 =	vand.u32 $0x3FFF, v8;
	v4 =	vld.idx.msk [tilespmem:v4+s9+$0x0], $0xffff  }
0x54: {  	v8 =	vshrl.u32 v8, $0xE;
	v13 =	vld.idx.msk [tilespmem:v32+s3+$0x0], $0xffff  }
0x55: {  	v26 =	vand.u32 $0x3FFF, v10;
	v5 =	vld.idx.msk [tilespmem:v5+s9+$0x0], $0xffff  }
0x56: {  	v10 =	vshrl.u32 v10, $0xE;
	v22 =	vld.idx.msk [tilespmem:v22+s3+$0x0], $0xffff  }
0x57: {  	v27 =	vand.u32 $0x3FFF, v14;
	v6 =	vld.idx.msk [tilespmem:v6+s9+$0x0], $0xffff  }
0x58: {  	v14 =	vshrl.u32 v14, $0xE;
	v33 =	vld.idx.msk [tilespmem:v23+s3+$0x0], $0xffff;
	v1 =	vmul.f32 v1, v7  }
0x59: {  	v28 =	vand.u32 $0x3FFF, v15;
	v8 =	vld.idx.msk [tilespmem:v8+s9+$0x0], $0xffff  }
0x5a: {  	v15 =	vshrl.u32 v15, $0xE;
	v26 =	vld.idx.msk [tilespmem:v26+s3+$0x0], $0xffff;
	v1 =	vmul.f32 $1.442695020e+00, v1  }
0x5b: {  	v24 =	vand.u32 $0x3FFF, v9;
	v10 =	vld.idx.msk [tilespmem:v10+s9+$0x0], $0xffff  }
0x5c: {  	v27 =	vld.idx.msk [tilespmem:v27+s3+$0x0], $0xffff;
	(erf) = vpow2.f32 v1;
	v1 =	vand.u32 $0x3FFF, v20  }
0x5d: {  	v14 =	vld.idx.msk [tilespmem:v14+s9+$0x0], $0xffff;
	v20 =	vshrl.u32 v20, $0xE  }
0x5e: {  	v29 =	vand.u32 $0x3FFF, v17;
	v28 =	vld.idx.msk [tilespmem:v28+s3+$0x0], $0xffff  }
0x5f: {  	v17 =	vshrl.u32 v17, $0xE;
	v36 =	vld.idx.msk [tilespmem:v15+s9+$0x0], $0xffff  }
0x60: {  	v9 =	vshrl.u32 v9, $0xE;
	v34 =	vand.u32 $0x3FFF, v11;
	v24 =	vld.idx.msk [tilespmem:v24+s3+$0x0], $0xffff;
	v2 =	vmul.f32 v2, v63  }
0x61: {  	v11 =	vshrl.u32 v11, $0xE;
	v3 =	vmul.f32 v3, v16;
	v4 =	vmul.f32 v4, v19;
	v1 =	vld.idx.msk [tilespmem:v1+s3+$0x0], $0xffff  }
0x62: {  	v35 =	vand.u32 $0x3FFF, v12;
	v8 =	vmul.f32 v8, v33;
	v10 =	vmul.f32 v10, v26;
	v20 =	vld.idx.msk [tilespmem:v20+s9+$0x0], $0xffff  }
0x63: {  	v12 =	vshrl.u32 v12, $0xE;
	v37 =	vld.idx.msk [tilespmem:v29+s3+$0x0], $0xffff;
	v52 =	vmul.f32 v14, v27;
	v2 =	vmul.f32 $1.442695020e+00, v2  }
0x64: {  	v38 =	vld.idx.msk [tilespmem:v17+s9+$0x0], $0xffff;
	v7 =	vmul.f32 v36, v28;
	v3 =	vmul.f32 $1.442695020e+00, v3  }
0x65: {  	v9 =	vld.idx.msk [tilespmem:v9+s9+$0x0], $0xffff;
	(erf) = vpow2.f32 v2;
	v2 =	vmul.f32 v5, v13  }
0x66: {  	v23 =	vld.idx.msk [tilespmem:v34+s3+$0x0], $0xffff;
	(erf) = vpow2.f32 v3;
	v3 =	vmul.f32 $1.442695020e+00, v4  }
0x67: {  	v11 =	vld.idx.msk [tilespmem:v11+s9+$0x0], $0xffff;
	v2 =	vmul.f32 $1.442695020e+00, v2;
	v1 =	vmul.f32 v20, v1  }
0x68: {  	v30 =	vand.u32 $0x3FFF, v18;
	v12 =	vld.idx.msk [tilespmem:v12+s9+$0x0], $0xffff;
	(erf) = vpow2.f32 v3;
	v3 =	vmul.f32 v6, v22;
	v25 =	vpop (erf)  }
0x69: {  	v18 =	vshrl.u32 v18, $0xE;
	v58 =	vmul.f32 v38, v37;
	[tilespmem:v21+s13+$0x0] =	vst.idx.add.f32.msk $0xffff, v25;
	v1 =	vmul.f32 $1.442695020e+00, v1  }
0x6a: {  	(erf) = vpow2.f32 v2;
	v3 =	vmul.f32 $1.442695020e+00, v3;
	v25 =	vld.idx.msk [tilespmem:v35+s3+$0x0], $0xffff  }
0x6b: {  	v2 =	vld [tilespmem:s18+$0xFFFFFFB0];
	(erf) = vpow2.f32 v1;
	v1 =	vmul.f32 v9, v24  }
0x6c: {  	v53 =	vld [tilespmem:s18+$0x30];
	(erf) = vpow2.f32 v3;
	v3 =	vmul.f32 $1.442695020e+00, v8  }
0x6d: {  	v39 =	vld.idx.msk [tilespmem:v30+s3+$0x0], $0xffff;
	v10 =	vmul.f32 $1.442695020e+00, v10;
	v1 =	vmul.f32 $1.442695020e+00, v1  }
0x6e: {  	v40 =	vld.idx.msk [tilespmem:v18+s9+$0x0], $0xffff;
	(erf) = vpow2.f32 v3;
	v3 =	vmul.f32 v11, v23  }
0x6f: {  	v56 =	vld [tilespmem:s18+$0x50];
	v7 =	vmul.f32 $1.442695020e+00, v7;
	v12 =	vmul.f32 v12, v25  }
0x70: {  	v59 =	vld [tilespmem:s18+$0x60];
	v49 =	vpop (erf);
	(erf) = vpow2.f32 v1;
	v3 =	vmul.f32 $1.442695020e+00, v3  }
0x71: {  	v51 =	vpop (erf);
	[tilespmem:v42+s13+$0x0] =	vst.idx.add.f32.msk $0xffff, v49;
	v12 =	vmul.f32 $1.442695020e+00, v12;
	(erf) = vpow2.f32 v10  }
0x72: {  	[tilespmem:v43+s13+$0x0] =	vst.idx.add.f32.msk $0xffff, v51;
	v54 =	vpop (erf);
	v10 =	vmul.f32 $1.442695020e+00, v52;
	(erf) = vpow2.f32 v3  }
0x73: {  	v5 =	vmul.f32 v40, v39;
	[tilespmem:v2+s13+$0x0] =	vst.idx.add.f32.msk $0xffff, v54;
	(erf) = vpow2.f32 v12  }
0x74: {  	v60 =	vmul.f32 $1.442695020e+00, v58;
	v55 =	vpop (erf);
	v1 =	vld [tilespmem:s18+$0x10];
	(erf) = vpow2.f32 v10  }
0x75: {  	v5 =	vmul.f32 $1.442695020e+00, v5;
	[tilespmem:v44+s13+$0x0] =	vst.idx.add.f32.msk $0xffff, v55;
	v57 =	vpop (erf);
	(erf) = vpow2.f32 v7  }
0x76: {  	v3 =	vld [tilespmem:s18+$0x40];
	(erf) = vpow2.f32 v60  }
0x77: {  	[tilespmem:v41+s13+$0x0] =	vst.idx.add.f32.msk $0xffff, v57;
	v2 =	vpop (erf);
	(erf) = vpow2.f32 v5  }
0x78: {  	[tilespmem:v45+s13+$0x0] =	vst.idx.add.f32.msk $0xffff, v2;
	v61 =	vpop (erf)  }
0x79: {  	v2 =	vpop (erf);
	[tilespmem:v46+s13+$0x0] =	vst.idx.add.f32.msk $0xffff, v61  }
0x7a: {  	v62 =	vpop (erf);
	[tilespmem:v47+s13+$0x0] =	vst.idx.add.f32.msk $0xffff, v2  }
0x7b: {  	[tilespmem:v48+s13+$0x0] =	vst.idx.add.f32.msk $0xffff, v62;
	v2 =	vpop (erf)  }
0x7c: {  	v63 =	vpop (erf);
	[tilespmem:v1+s13+$0x0] =	vst.idx.add.f32.msk $0xffff, v2  }
0x7d: {  	v1 =	vpop (erf);
	[tilespmem:v50+s13+$0x0] =	vst.idx.add.f32.msk $0xffff, v63  }
0x7e: {  	v2 =	vpop (erf);
	[tilespmem:v53+s13+$0x0] =	vst.idx.add.f32.msk $0xffff, v1  }
0x7f: {  	v1 =	vpop (erf);
	[tilespmem:v3+s13+$0x0] =	vst.idx.add.f32.msk $0xffff, v2  }
0x80: {  	v2 =	vpop (erf);
	[tilespmem:v56+s13+$0x0] =	vst.idx.add.f32.msk $0xffff, v1  }
0x81: {  	s19 =	simm.s32 $0x0;
	s20 =	simm.s32 $0xD180;
	[tilespmem:v59+s13+$0x0] =	vst.idx.add.f32.msk $0xffff, v2  }
.LBB2_4:
0x82: {  	v1 =	vld [tilespmem:s20+$0x70]  }
0x83: {  	s19 =	sadd.s32 $0x10, s19;
	v2 =	vld [tilespmem:s20+$0xFFFFFF90]  }
0x84: {  	p0 =	slt.u32 s19, $0x3F0;
	v3 =	vld [tilespmem:s20+$0xFFFFFFA0]  }
0x85: {  	v4 =	vld [tilespmem:s20+$0xFFFFFFB0]  }
0x86: {  	v5 =	vld [tilespmem:s20+$0xFFFFFFC0]  }
0x87: {  	v6 =	vld [tilespmem:s20+$0xFFFFFFD0];
	v7 =	vand.u32 $0x3FFF, v1  }
0x88: {  	v1 =	vshrl.u32 v1, $0xE;
	v8 =	vshrl.u32 v2, $0xE;
	v2 =	vand.u32 $0x3FFF, v2;
	v9 =	vld [tilespmem:s20+$0xFFFFFFE0]  }
0x89: {  	v10 =	vshrl.u32 v3, $0xE;
	v3 =	vand.u32 $0x3FFF, v3;
	v11 =	vld [tilespmem:s20+$0xFFFFFFF0]  }
0x8a: {  	v12 =	vshrl.u32 v4, $0xE;
	v4 =	vand.u32 $0x3FFF, v4;
	v13 =	vld [tilespmem:s20+$0x0]  }
0x8b: {  	v14 =	vshrl.u32 v5, $0xE;
	v5 =	vand.u32 $0x3FFF, v5;
	v15 =	vld [tilespmem:s20+$0x10]  }
0x8c: {  	v16 =	vshrl.u32 v6, $0xE;
	v6 =	vand.u32 $0x3FFF, v6;
	v7 =	vld.idx.msk [tilespmem:v7+s3+$0x0], $0xffff  }
0x8d: {  	v17 =	vshrl.u32 v9, $0xE;
	v9 =	vand.u32 $0x3FFF, v9;
	v1 =	vld.idx.msk [tilespmem:v1+s9+$0x0], $0xffff  }
0x8e: {  	v18 =	vshrl.u32 v11, $0xE;
	v11 =	vand.u32 $0x3FFF, v11;
	v19 =	vld [tilespmem:s20+$0x20]  }
0x8f: {  	v20 =	vshrl.u32 v13, $0xE;
	v13 =	vand.u32 $0x3FFF, v13;
	v21 =	vld [tilespmem:s20+$0x30]  }
0x90: {  	v22 =	vshrl.u32 v15, $0xE;
	v15 =	vand.u32 $0x3FFF, v15;
	v23 =	vld [tilespmem:s20+$0x40]  }
0x91: {  	v24 =	vld [tilespmem:s20+$0x50]  }
0x92: {  	v25 =	vld [tilespmem:s20+$0x60]  }
0x93: {  	v1 =	vmul.f32 v1, v7;
	v26 =	vld [tilespmem:s20+$0xFFFFFF80];
	v27 =	vshrl.u32 v19, $0xE;
	v19 =	vand.u32 $0x3FFF, v19  }
0x94: {  	v2 =	vld.idx.msk [tilespmem:v2+s3+$0x0], $0xffff;
	v7 =	vshrl.u32 v21, $0xE;
	v21 =	vand.u32 $0x3FFF, v21  }
0x95: {  	v1 =	vmul.f32 $1.442695020e+00, v1;
	v8 =	vld.idx.msk [tilespmem:v8+s9+$0x0], $0xffff;
	v28 =	vshrl.u32 v23, $0xE;
	v23 =	vand.u32 $0x3FFF, v23  }
0x96: {  	v3 =	vld.idx.msk [tilespmem:v3+s3+$0x0], $0xffff;
	v29 =	vshrl.u32 v24, $0xE;
	v24 =	vand.u32 $0x3FFF, v24  }
0x97: {  	v10 =	vld.idx.msk [tilespmem:v10+s9+$0x0], $0xffff;
	v30 =	vshrl.u32 v25, $0xE;
	v25 =	vand.u32 $0x3FFF, v25;
	(erf) = vpow2.f32 v1  }
0x98: {  	s18 =	sadd.s32 $0x100, s18;
	v1 =	vshrl.u32 v26, $0xE;
	v26 =	vand.u32 $0x3FFF, v26;
	v4 =	vld.idx.msk [tilespmem:v4+s3+$0x0], $0xffff  }
0x99: {  	v31 =	vld [tilespmem:s18+$0x70]  }
0x9a: {  	v12 =	vld.idx.msk [tilespmem:v12+s9+$0x0], $0xffff  }
0x9b: {  	v2 =	vmul.f32 v8, v2;
	v5 =	vld.idx.msk [tilespmem:v5+s3+$0x0], $0xffff  }
0x9c: {  	v8 =	vld.idx.msk [tilespmem:v14+s9+$0x0], $0xffff  }
0x9d: {  	v2 =	vmul.f32 $1.442695020e+00, v2;
	v3 =	vmul.f32 v10, v3;
	v14 =	vld.idx.msk [tilespmem:v26+s3+$0x0], $0xffff  }
0x9e: {  	v1 =	vld.idx.msk [tilespmem:v1+s9+$0x0], $0xffff  }
0x9f: {  	v3 =	vmul.f32 $1.442695020e+00, v3;
	v6 =	vld.idx.msk [tilespmem:v6+s3+$0x0], $0xffff;
	(erf) = vpow2.f32 v2  }
0xa0: {  	v2 =	vmul.f32 v12, v4;
	v4 =	vld.idx.msk [tilespmem:v16+s9+$0x0], $0xffff;
	v10 =	vpop (erf)  }
0xa1: {  	[tilespmem:v31+s13+$0x0] =	vst.idx.add.f32.msk $0xffff, v10;
	(erf) = vpow2.f32 v3  }
0xa2: {  	v2 =	vmul.f32 $1.442695020e+00, v2;
	v3 =	vmul.f32 v8, v5;
	v5 =	vld.idx.msk [tilespmem:v9+s3+$0x0], $0xffff  }
0xa3: {  	v8 =	vld.idx.msk [tilespmem:v17+s9+$0x0], $0xffff  }
0xa4: {  	v1 =	vmul.f32 v1, v14;
	v3 =	vmul.f32 $1.442695020e+00, v3;
	v9 =	vld.idx.msk [tilespmem:v11+s3+$0x0], $0xffff  }
0xa5: {  	v10 =	vld.idx.msk [tilespmem:v18+s9+$0x0], $0xffff;
	(erf) = vpow2.f32 v2  }
0xa6: {  	v11 =	vmul.f32 $1.442695020e+00, v1;
	v2 =	vmul.f32 v4, v6;
	v4 =	vld.idx.msk [tilespmem:v13+s3+$0x0], $0xffff  }
0xa7: {  	v6 =	vld.idx.msk [tilespmem:v20+s9+$0x0], $0xffff;
	(erf) = vpow2.f32 v3  }
0xa8: {  	v2 =	vmul.f32 $1.442695020e+00, v2;
	v3 =	vld.idx.msk [tilespmem:v15+s3+$0x0], $0xffff;
	(erf) = vpow2.f32 v11;
	v1 =	vpop (erf)  }
0xa9: {  	v5 =	vmul.f32 v8, v5;
	v8 =	vld.idx.msk [tilespmem:v22+s9+$0x0], $0xffff  }
0xaa: {  	v11 =	vld.idx.msk [tilespmem:v19+s3+$0x0], $0xffff;
	v12 =	vpop (erf);
	(erf) = vpow2.f32 v2  }
0xab: {  	v2 =	vmul.f32 $1.442695020e+00, v5;
	v5 =	vmul.f32 v10, v9;
	v9 =	vld.idx.msk [tilespmem:v27+s9+$0x0], $0xffff  }
0xac: {  	v10 =	vld.idx.msk [tilespmem:v21+s3+$0x0], $0xffff  }
0xad: {  	v5 =	vmul.f32 $1.442695020e+00, v5;
	v4 =	vmul.f32 v6, v4;
	v6 =	vld.idx.msk [tilespmem:v7+s9+$0x0], $0xffff  }
0xae: {  	v7 =	vld.idx.msk [tilespmem:v23+s3+$0x0], $0xffff;
	v13 =	vpop (erf);
	(erf) = vpow2.f32 v2  }
0xaf: {  	v2 =	vmul.f32 $1.442695020e+00, v4;
	v3 =	vmul.f32 v8, v3;
	v4 =	vld.idx.msk [tilespmem:v28+s9+$0x0], $0xffff  }
0xb0: {  	v8 =	vld.idx.msk [tilespmem:v24+s3+$0x0], $0xffff;
	v14 =	vpop (erf);
	(erf) = vpow2.f32 v5  }
0xb1: {  	v3 =	vmul.f32 $1.442695020e+00, v3;
	v5 =	vmul.f32 v9, v11;
	v9 =	vld.idx.msk [tilespmem:v29+s9+$0x0], $0xffff;
	v11 =	vpop (erf)  }
0xb2: {  	v15 =	vld.idx.msk [tilespmem:v25+s3+$0x0], $0xffff;
	(erf) = vpow2.f32 v2  }
0xb3: {  	v2 =	vmul.f32 $1.442695020e+00, v5;
	v5 =	vmul.f32 v6, v10;
	v6 =	vld.idx.msk [tilespmem:v30+s9+$0x0], $0xffff;
	v10 =	vpop (erf)  }
0xb4: {  	v16 =	vld [tilespmem:s18+$0xFFFFFF80];
	(erf) = vpow2.f32 v3  }
0xb5: {  	v5 =	vmul.f32 $1.442695020e+00, v5;
	v4 =	vmul.f32 v4, v7;
	v3 =	vld [tilespmem:s18+$0xFFFFFF90]  }
0xb6: {  	v7 =	vld [tilespmem:s18+$0xFFFFFFA0];
	(erf) = vpow2.f32 v2  }
0xb7: {  	v4 =	vmul.f32 $1.442695020e+00, v4;
	v8 =	vmul.f32 v9, v8;
	v2 =	vld [tilespmem:s18+$0xFFFFFFB0];
	v9 =	vpop (erf)  }
0xb8: {  	v17 =	vld [tilespmem:s18+$0xFFFFFFC0];
	(erf) = vpow2.f32 v5  }
0xb9: {  	v8 =	vmul.f32 $1.442695020e+00, v8;
	v6 =	vmul.f32 v6, v15;
	v5 =	vld [tilespmem:s18+$0xFFFFFFD0];
	v15 =	vpop (erf)  }
0xba: {  	v18 =	vld [tilespmem:s18+$0xFFFFFFE0];
	(erf) = vpow2.f32 v4  }
0xbb: {  	v6 =	vmul.f32 $1.442695020e+00, v6;
	v4 =	vld [tilespmem:s18+$0xFFFFFFF0];
	v19 =	vpop (erf);
	(erf) = vpow2.f32 v8  }
0xbc: {  	v8 =	vld [tilespmem:s18+$0x0]  }
0xbd: {  	v20 =	vld [tilespmem:s18+$0x10];
	v21 =	vpop (erf);
	(erf) = vpow2.f32 v6  }
0xbe: {  	v6 =	vld [tilespmem:s18+$0x20]  }
0xbf: {  	v22 =	vld [tilespmem:s18+$0x30];
	v23 =	vpop (erf)  }
0xc0: {  	v24 =	vld [tilespmem:s18+$0x40]  }
0xc1: {  	v25 =	vld [tilespmem:s18+$0x50];
	v26 =	vpop (erf)  }
0xc2: {  	v27 =	vld [tilespmem:s18+$0x60]  }
0xc3: {  	[tilespmem:v16+s13+$0x0] =	vst.idx.add.f32.msk $0xffff, v11;
	v11 =	vpop (erf)  }
0xc4: {  	[tilespmem:v3+s13+$0x0] =	vst.idx.add.f32.msk $0xffff, v1;
	v1 =	vpop (erf)  }
0xc5: {  	[tilespmem:v7+s13+$0x0] =	vst.idx.add.f32.msk $0xffff, v12  }
0xc6: {  	[tilespmem:v2+s13+$0x0] =	vst.idx.add.f32.msk $0xffff, v13;
	v2 =	vpop (erf)  }
0xc7: {  	[tilespmem:v17+s13+$0x0] =	vst.idx.add.f32.msk $0xffff, v14  }
0xc8: {  	[tilespmem:v5+s13+$0x0] =	vst.idx.add.f32.msk $0xffff, v10  }
0xc9: {  	[tilespmem:v18+s13+$0x0] =	vst.idx.add.f32.msk $0xffff, v9  }
0xca: {  	[tilespmem:v4+s13+$0x0] =	vst.idx.add.f32.msk $0xffff, v15  }
0xcb: {  	[tilespmem:v8+s13+$0x0] =	vst.idx.add.f32.msk $0xffff, v19  }
0xcc: {  	[tilespmem:v20+s13+$0x0] =	vst.idx.add.f32.msk $0xffff, v21  }
.Ltmp1:
0xcd: {  	[tilespmem:v6+s13+$0x0] =	vst.idx.add.f32.msk $0xffff, v23;
	(pc) =	sbr.rel @p0 .LBB2_4-.Ltmp1, $4  }
0xce: {  	[tilespmem:v22+s13+$0x0] =	vst.idx.add.f32.msk $0xffff, v26  }
0xcf: {  	[tilespmem:v24+s13+$0x0] =	vst.idx.add.f32.msk $0xffff, v11  }
0xd0: {  	[tilespmem:v25+s13+$0x0] =	vst.idx.add.f32.msk $0xffff, v1  }
0xd1: {  	s20 =	sadd.s32 $0x100, s20;
	[tilespmem:v27+s13+$0x0] =	vst.idx.add.f32.msk $0xffff, v2  }
0xd2: {  	s17 =	sadd.s32 $0x1, s17  }
0xd3: {  	p0 =	sne.s32 s17, s8  }
.Ltmp2:
0xd4: {  	_ = 	snop;
	(pc) =	sbr.rel @p0 .LBB2_1-.Ltmp2, $4  }
0xd5: {  	[hbm4b:s7+s14] =	stream.strided.scatter [tilespmem:s13], [sflag:$0x2], $0x8000, s15, s14, $0x38;
	[tilespmem:$0x15000] =	vst v63  }
0xd6: {  	_ =	swait.ge [sflag:s16], $0x8000  }
0xd7: {  	[sflag:s16] =	ssyncset.done $0x0  }
0xd8: {  	[sflag:s16] =	ssyncadd.s32 $0xFFFF8000  }
0xd9: {  	_ =	sfence.sel $0x180000  }
0xda: {  	[bflag:$0x0] =	sbarrier.arrive $0xFFFF  }
0xdb: {  	p0 =	sne.s32 s1, $0x0;
	_ =	strace $0x90000062  }
0xdc: {  	s0 =	sadd.s32 @!p0 $0x100000, s0;
	[bflag:$0x2] =	sbarrier.arrive $0xFFFF  }
0xdd: {  	[sflag:s0] =	ssyncadd.tile.s32 @!p0 $0x1;
	_ =	shalt  }
.Lfunc_end2:
_tile_overlayer_lowered:
.L_overlay_start_2:
0xde: {  	(tag) =	ssettag $0x2  }
0xdf: {  	s0 =	rddreg [dreg:$0x0];
	s2 =	stileid.u32  }
0xe0: {  	s1 =	rddreg [dreg:$0x1];
	p0 =	sne.s32 s2, $0x0  }
0xe1: {  	s3 =	rddreg [dreg:$0x2];
	[bflag:$0x3] =	sbarrier.arrive $0xFFFF;
	s2 =	simm.s32 @!p0 $0x1C02  }
0xe2: {  	[timem:s3], [sflag:s2] =	dma.local @!p0 [hbm:s0], s1  }
0xe3: {  	s0 =	simm.s32 @!p0 $0x2  }
0xe4: {  	_ =	swait.ge @!p0 [sflag:s0], s1  }
0xe5: {  	s1 =	ssub.s32 @!p0 $0x0, s1;
	[sflag:s0] =	ssyncset.done @!p0 $0x0  }
0xe6: {  	[sflag:s0] =	ssyncadd.s32 @!p0 s1  }
0xe7: {  	[bflag:$0x3] =	sbarrier.arrive $0xFFFF  }
0xe8: {  	_ =	shalt  }

</sc_bundles>
